<compile_context>
chip_gen: v7x
topology: tpu7x:2x2x1
jax: 0.10.2.dev20260603
libtpu: 0.0.44.dev20260713+nightly
codegen_flags: <defaults>
</compile_context>

<pallas_src>
import jax
import jax.numpy as jnp
from jax import lax
from jax.experimental import pallas as pl
from jax.experimental.pallas import tpu as pltpu
from jax.experimental.pallas import tpu_sc as plsc

N_NODES = 10000
N_EDGES = 320000
D_FEAT = 128
D_EDGE = 16
D_OUT = 128

NC = 2
NS = 16
EPAD = 327680
EPT = EPAD // NS
K = 128
KH = K // 2
XW = 64
NCH = EPT // K
G = 8
NGRP = NCH // G
GK = G * K
RPT = 640
NROW = NS * RPT
DA = D_FEAT
TRASH = N_NODES + 16

BM = 1000


def _zero_fill(ref, rows):
    z = jnp.zeros((16,), jnp.float32)

    def body(i, carry):
        for j in range(DA // 16):
            ref[i, pl.ds(j * 16, 16)] = z
        return carry

    lax.fori_loop(0, rows, body, 0)


def _sc_segsum(src_h, dst2_h, xp_h, efp_h, outa_h, outb_h,
               acc, sidxg, didxg, gbuf, fbuf, packed, sg0, sg1, ss0, ss1):
    cid = lax.axis_index("c")
    sid = lax.axis_index("s")
    sem_g = (sg0, sg1)
    sem_s = (ss0, ss1)

    _zero_fill(fbuf.at[0], K)
    for t in range(RPT // K):
        pltpu.sync_copy(fbuf.at[0], acc.at[pl.ds(sid * RPT + t * K, K)])

    @pl.when(cid == 1)
    def _preset():
        one0 = jnp.where(jnp.arange(16, dtype=jnp.int32) == 0,
                         jnp.float32(1.0), jnp.float32(0.0))
        _zero_fill(fbuf.at[1], K)

        def body(i, carry):
            fbuf[0, i, pl.ds(D_EDGE, 16)] = one0
            fbuf[1, i, pl.ds(D_EDGE, 16)] = one0
            return carry

        lax.fori_loop(0, K, body, 0)

    plsc.subcore_barrier()

    @pl.when(cid == 0)
    def _edges_a():
        def unpack_half(h, fb, base):
            gb = gbuf.at[h]

            def body(i, c):
                for j in range(XW // 16):
                    w = gb[i, pl.ds(j * 16, 16)]
                    v = plsc.bitcast(w, jnp.bfloat16)
                    lo, hi = plsc.unpack(
                        v, format=plsc.PackFormat.INTERLEAVED,
                        preferred_element_type=jnp.float32)
                    fb[base + i, pl.ds(j * 32, 16)] = lo
                    fb[base + i, pl.ds(j * 32 + 16, 16)] = hi
                return c

            lax.fori_loop(0, KH, body, 0)

        def glaunch(b, h):
            return pltpu.async_copy(
                xp_h.at[sidxg.at[pl.ds(b * K + h * KH, KH)]],
                gbuf.at[h], sem_g[h])

        def group(gg, carry):
            geb = pl.multiple_of(sid * EPT + gg * GK, GK)
            grow = pl.multiple_of(sid * NCH + gg * G, 8)
            pltpu.sync_copy(src_h.at[pl.ds(geb, GK)], sidxg)
            pltpu.sync_copy(dst2_h.at[pl.ds(grow, G)], didxg)
            cp_g = [glaunch(0, 0), glaunch(0, 1)]
            cp_s = [None, None]
            for b in range(G):
                cur = b % 2
                if b >= 2:
                    cp_s[cur].wait()
                fb = fbuf.at[cur]
                cp_g[0].wait()
                unpack_half(0, fb, 0)
                if b + 1 < G:
                    cp_g[0] = glaunch(b + 1, 0)
                cp_g[1].wait()
                unpack_half(1, fb, KH)
                if b + 1 < G:
                    cp_g[1] = glaunch(b + 1, 1)
                cp_s[cur] = pltpu.async_copy(
                    fb, acc.at[didxg.at[b]], sem_s[cur], add=True)
            cp_s[0].wait()
            cp_s[1].wait()
            return carry

        lax.fori_loop(0, NGRP, group, 0)

    @pl.when(cid == 1)
    def _edges_b():
        def group(gg, carry):
            grow = pl.multiple_of(sid * NCH + gg * G, 8)
            pltpu.sync_copy(dst2_h.at[pl.ds(grow, G)], didxg)
            cp_s = [None, None]
            for b in range(G):
                cur = b % 2
                prow = pl.multiple_of(
                    jnp.minimum((sid * EPT + (gg * G + b) * K) // 8,
                                N_EDGES // 8 - K // 8), K // 8)
                pltpu.sync_copy(efp_h.at[pl.ds(prow, K // 8)], packed)
                if b >= 2:
                    cp_s[cur].wait()
                buf = fbuf.at[cur]

                def repack(i, c):
                    buf[i, pl.ds(0, 16)] = packed[i // 8, pl.ds((i % 8) * 16, 16)]
                    return c

                lax.fori_loop(0, K, repack, 0)
                cp_s[cur] = pltpu.async_copy(
                    buf, acc.at[didxg.at[b]], sem_s[cur], add=True)
            cp_s[0].wait()
            cp_s[1].wait()
            return carry

        lax.fori_loop(0, NGRP, group, 0)

    plsc.subcore_barrier()

    base = sid * RPT

    @pl.when(cid == 0)
    def _drain_a():
        pltpu.sync_copy(acc.at[pl.ds(base, RPT)], outa_h.at[pl.ds(base, RPT)])

    @pl.when(cid == 1)
    def _drain_b():
        pltpu.sync_copy(acc.at[pl.ds(base, RPT)], outb_h.at[pl.ds(base, RPT)])


_sc_call = pl.kernel(
    _sc_segsum,
    out_type=(jax.ShapeDtypeStruct((NROW, DA), jnp.float32),
              jax.ShapeDtypeStruct((NROW, DA), jnp.float32)),
    mesh=plsc.VectorSubcoreMesh(core_axis_name="c", subcore_axis_name="s",
                                num_cores=NC, num_subcores=NS),
    compiler_params=pltpu.CompilerParams(use_tc_tiling_on_sc=False,
                                         needs_layout_passes=False),
    scratch_types=[
        pltpu.VMEM_SHARED((NROW, DA), jnp.float32),
        pltpu.VMEM((GK,), jnp.int32),
        pltpu.VMEM((G, K), jnp.int32),
        pltpu.VMEM((2, KH, XW), jnp.int32),
        pltpu.VMEM((2, K, DA), jnp.float32),
        pltpu.VMEM((K // 8, DA), jnp.float32),
        pltpu.SemaphoreType.DMA,
        pltpu.SemaphoreType.DMA,
        pltpu.SemaphoreType.DMA,
        pltpu.SemaphoreType.DMA,
    ],
)


def _tc_finish(a_ref, bb_ref, w_ref, bias_ref, o_ref):
    a = a_ref[...]
    bb = bb_ref[...]
    cnt = bb[:, D_EDGE:D_EDGE + 1]
    h = jnp.dot(a, w_ref[:D_FEAT, :], preferred_element_type=jnp.float32)
    h = h + jnp.dot(bb[:, :D_EDGE], w_ref[D_FEAT:, :],
                    preferred_element_type=jnp.float32)
    h = h + cnt * bias_ref[...]
    o_ref[...] = h / jnp.maximum(cnt, 1.0)


_tc_call = pl.pallas_call(
    _tc_finish,
    grid=(N_NODES // BM,),
    in_specs=[
        pl.BlockSpec((BM, DA), lambda i: (i, 0)),
        pl.BlockSpec((BM, DA), lambda i: (i, 0)),
        pl.BlockSpec((D_FEAT + D_EDGE, D_OUT), lambda i: (0, 0)),
        pl.BlockSpec((1, D_OUT), lambda i: (0, 0)),
    ],
    out_specs=pl.BlockSpec((BM, D_OUT), lambda i: (i, 0)),
    out_shape=jax.ShapeDtypeStruct((N_NODES, D_OUT), jnp.float32),
)


def kernel(x, edge_index, edge_features, W, b):
    npad = EPAD - N_EDGES
    src = jnp.concatenate([edge_index[0].astype(jnp.int32),
                           jnp.zeros((npad,), jnp.int32)])
    dst = jnp.concatenate([edge_index[1].astype(jnp.int32),
                           jnp.full((npad,), TRASH, jnp.int32)])
    dst2 = dst.reshape(EPAD // K, K)
    xb = x.astype(jnp.bfloat16).reshape(N_NODES, 4, 2, 16)
    xp = jax.lax.bitcast_convert_type(xb.transpose(0, 1, 3, 2),
                                      jnp.int32).reshape(N_NODES, XW)
    efp = edge_features.astype(jnp.float32).reshape(N_EDGES // 8, 128)
    pa, pb = _sc_call(src, dst2, xp, efp)
    return _tc_call(pa, pb, W, b.reshape(1, D_OUT))

# --- scband reference (transcript-rebuilt; emitter-appended) ---
"""Pipeline reference for scband-tegconv-7249904795738 (READ-ONLY COPY).

The authoritative reference and input builder live on the scoring server;
editing this copy changes nothing except your own understanding.
"""

import jax, jax.numpy as jnp
import numpy as np

N_NODES = 10000
N_EDGES = 320000
D_FEAT = 128
D_EDGE = 16
D_OUT = 128


def setup_inputs(seed: int = 0) -> dict:
    key = jax.random.key(seed)
    k1, k2, k3, k4 = jax.random.split(key, 4)
    x = jax.random.normal(k1, (N_NODES, D_FEAT), dtype=jnp.float32)
    edge_index = jax.random.randint(k2, (2, N_EDGES), 0, N_NODES, dtype=jnp.int64)
    edge_features = jax.random.normal(k3, (N_EDGES, D_EDGE), dtype=jnp.float32)
    # edge_mlp: Linear(input_dim=D_FEAT+D_EDGE, output_dim=D_OUT)
    W = jax.random.normal(k4, (D_FEAT + D_EDGE, D_OUT), dtype=jnp.float32) * 0.05
    b = jnp.zeros((D_OUT,), dtype=jnp.float32)
    return {"x": x, "edge_index": edge_index, "edge_features": edge_features, "W": W, "b": b}


def reference(x, edge_index, edge_features, W, b):
    source_ids = edge_index[0, :]
    dst_ids = edge_index[1, :]
    xs = jnp.take(x, source_ids, axis=0)
    x2 = jnp.concatenate([xs, edge_features], axis=1)
    h = x2 @ W + b
    sums = jax.ops.segment_sum(h, dst_ids, num_segments=N_NODES)
    counts = jax.ops.segment_sum(jnp.ones((h.shape[0],), dtype=h.dtype), dst_ids, num_segments=N_NODES)
    counts = jnp.clip(counts, 1.0, None)
    out = sums / counts[:, None]
    return out

if __name__ == "__main__":
    import jax
    _d = setup_inputs()
    print(jax.jit(kernel)(*tuple(_d.values())))

</pallas_src>

<mosaic_0001>
#map = affine_map<(d0, d1) -> (0)>
#map1 = affine_map<(d0, d1) -> (0, 0)>
module attributes {stable_mosaic.version = 14 : i64} {
  func.func @_sc_segsum(%arg0: i32, %arg1: i32, %arg2: memref<327680xi32, #tpu.memory_space<hbm>>, %arg3: memref<2560x128xi32, #tpu.memory_space<hbm>>, %arg4: memref<10000x64xi32, #tpu.memory_space<hbm>>, %arg5: memref<40000x128xf32, #tpu.memory_space<hbm>>, %arg6: memref<10240x128xf32, #tpu.memory_space<hbm>>, %arg7: memref<10240x128xf32, #tpu.memory_space<hbm>>, %arg8: memref<10240x128xf32, #tpu.memory_space<vmem_shared>>, %arg9: memref<1024xi32, #tpu.memory_space<vmem>>, %arg10: memref<8x128xi32, #tpu.memory_space<vmem>>, %arg11: memref<2x64x64xi32, #tpu.memory_space<vmem>>, %arg12: memref<2x128x128xf32, #tpu.memory_space<vmem>>, %arg13: memref<16x128xf32, #tpu.memory_space<vmem>>, %arg14: memref<!tpu.dma_semaphore, #tpu.memory_space<semaphore_mem>>, %arg15: memref<!tpu.dma_semaphore, #tpu.memory_space<semaphore_mem>>, %arg16: memref<!tpu.dma_semaphore, #tpu.memory_space<semaphore_mem>>, %arg17: memref<!tpu.dma_semaphore, #tpu.memory_space<semaphore_mem>>) attributes {dimension_semantics = [#tpu.dimension_semantics<core_parallel>, #tpu.dimension_semantics<subcore_parallel>], iteration_bounds = array<i64: 2, 16>, scalar_prefetch = 0 : i64, scratch_operands = 10 : i64, tpu.core_type = #tpu.core_type<sc_vector_subcore>, window_params = [{transform_indices = #map}, {transform_indices = #map1}, {transform_indices = #map1}, {transform_indices = #map1}, {transform_indices = #map1}, {transform_indices = #map1}]} {
    %broadcast_in_dim3A = arith.constant 0.000000e+00 : f32
    %broadcast_in_dim3A_0 = vector.broadcast %broadcast_in_dim3A : f32 to vector<16xf32>
    %scan3A = arith.constant 0 : i32
    %scan3A_1 = arith.constant 0 : i32
    %scan3A_2 = arith.constant 0 : i32
    %scan3A_3 = arith.constant 128 : i32
    %scan3A_4 = arith.addi %scan3A_2, %scan3A_3 : i32
    %scan3A_5 = arith.constant 1 : i32
    scf.for %scan3A_54 = %scan3A_2 to %scan3A_4 step %scan3A_5  : i32 {
      %swap3A = arith.constant 0 : i32
      %swap3A_55 = arith.constant 0 : i32
      %swap3A_56 = tpu.memref_slice %arg12[%scan3A_1, %swap3A, %swap3A_55] : memref<2x128x128xf32, #tpu.memory_space<vmem>> -> memref<1x128x128xf32, #tpu.memory_space<vmem>>
      %swap3A_57 = tpu.memref_squeeze %swap3A_56 : memref<1x128x128xf32, #tpu.memory_space<vmem>> -> memref<128x128xf32, #tpu.memory_space<vmem>>
      %swap3A_58 = arith.index_cast %scan3A_54 : i32 to index
      %swap3A_59 = arith.constant 0 : index
      %swap3A_60 = tpu.vector_load %swap3A_57[%swap3A_58, %swap3A_59] {strides = array<i32>} : memref<128x128xf32, #tpu.memory_space<vmem>>, vector<16xf32>,
      tpu.vector_store %swap3A_57[%swap3A_58, %swap3A_59], %broadcast_in_dim3A_0 {strides = array<i32>} : memref<128x128xf32, #tpu.memory_space<vmem>>, vector<16xf32>,
      %swap3A_61 = arith.constant 0 : i32
      %swap3A_62 = arith.constant 0 : i32
      %swap3A_63 = tpu.memref_slice %arg12[%scan3A_1, %swap3A_61, %swap3A_62] : memref<2x128x128xf32, #tpu.memory_space<vmem>> -> memref<1x128x128xf32, #tpu.memory_space<vmem>>
      %swap3A_64 = tpu.memref_squeeze %swap3A_63 : memref<1x128x128xf32, #tpu.memory_space<vmem>> -> memref<128x128xf32, #tpu.memory_space<vmem>>
      %swap3A_65 = arith.index_cast %scan3A_54 : i32 to index
      %swap3A_66 = arith.constant 16 : index
      %swap3A_67 = tpu.vector_load %swap3A_64[%swap3A_65, %swap3A_66] {strides = array<i32>} : memref<128x128xf32, #tpu.memory_space<vmem>>, vector<16xf32>,
      tpu.vector_store %swap3A_64[%swap3A_65, %swap3A_66], %broadcast_in_dim3A_0 {strides = array<i32>} : memref<128x128xf32, #tpu.memory_space<vmem>>, vector<16xf32>,
      %swap3A_68 = arith.constant 0 : i32
      %swap3A_69 = arith.constant 0 : i32
      %swap3A_70 = tpu.memref_slice %arg12[%scan3A_1, %swap3A_68, %swap3A_69] : memref<2x128x128xf32, #tpu.memory_space<vmem>> -> memref<1x128x128xf32, #tpu.memory_space<vmem>>
      %swap3A_71 = tpu.memref_squeeze %swap3A_70 : memref<1x128x128xf32, #tpu.memory_space<vmem>> -> memref<128x128xf32, #tpu.memory_space<vmem>>
      %swap3A_72 = arith.index_cast %scan3A_54 : i32 to index
      %swap3A_73 = arith.constant 32 : index
      %swap3A_74 = tpu.vector_load %swap3A_71[%swap3A_72, %swap3A_73] {strides = array<i32>} : memref<128x128xf32, #tpu.memory_space<vmem>>, vector<16xf32>,
      tpu.vector_store %swap3A_71[%swap3A_72, %swap3A_73], %broadcast_in_dim3A_0 {strides = array<i32>} : memref<128x128xf32, #tpu.memory_space<vmem>>, vector<16xf32>,
      %swap3A_75 = arith.constant 0 : i32
      %swap3A_76 = arith.constant 0 : i32
      %swap3A_77 = tpu.memref_slice %arg12[%scan3A_1, %swap3A_75, %swap3A_76] : memref<2x128x128xf32, #tpu.memory_space<vmem>> -> memref<1x128x128xf32, #tpu.memory_space<vmem>>
      %swap3A_78 = tpu.memref_squeeze %swap3A_77 : memref<1x128x128xf32, #tpu.memory_space<vmem>> -> memref<128x128xf32, #tpu.memory_space<vmem>>
      %swap3A_79 = arith.index_cast %scan3A_54 : i32 to index
      %swap3A_80 = arith.constant 48 : index
      %swap3A_81 = tpu.vector_load %swap3A_78[%swap3A_79, %swap3A_80] {strides = array<i32>} : memref<128x128xf32, #tpu.memory_space<vmem>>, vector<16xf32>,
      tpu.vector_store %swap3A_78[%swap3A_79, %swap3A_80], %broadcast_in_dim3A_0 {strides = array<i32>} : memref<128x128xf32, #tpu.memory_space<vmem>>, vector<16xf32>,
      %swap3A_82 = arith.constant 0 : i32
      %swap3A_83 = arith.constant 0 : i32
      %swap3A_84 = tpu.memref_slice %arg12[%scan3A_1, %swap3A_82, %swap3A_83] : memref<2x128x128xf32, #tpu.memory_space<vmem>> -> memref<1x128x128xf32, #tpu.memory_space<vmem>>
      %swap3A_85 = tpu.memref_squeeze %swap3A_84 : memref<1x128x128xf32, #tpu.memory_space<vmem>> -> memref<128x128xf32, #tpu.memory_space<vmem>>
      %swap3A_86 = arith.index_cast %scan3A_54 : i32 to index
      %swap3A_87 = arith.constant 64 : index
      %swap3A_88 = tpu.vector_load %swap3A_85[%swap3A_86, %swap3A_87] {strides = array<i32>} : memref<128x128xf32, #tpu.memory_space<vmem>>, vector<16xf32>,
      tpu.vector_store %swap3A_85[%swap3A_86, %swap3A_87], %broadcast_in_dim3A_0 {strides = array<i32>} : memref<128x128xf32, #tpu.memory_space<vmem>>, vector<16xf32>,
      %swap3A_89 = arith.constant 0 : i32
      %swap3A_90 = arith.constant 0 : i32
      %swap3A_91 = tpu.memref_slice %arg12[%scan3A_1, %swap3A_89, %swap3A_90] : memref<2x128x128xf32, #tpu.memory_space<vmem>> -> memref<1x128x128xf32, #tpu.memory_space<vmem>>
      %swap3A_92 = tpu.memref_squeeze %swap3A_91 : memref<1x128x128xf32, #tpu.memory_space<vmem>> -> memref<128x128xf32, #tpu.memory_space<vmem>>
      %swap3A_93 = arith.index_cast %scan3A_54 : i32 to index
      %swap3A_94 = arith.constant 80 : index
      %swap3A_95 = tpu.vector_load %swap3A_92[%swap3A_93, %swap3A_94] {strides = array<i32>} : memref<128x128xf32, #tpu.memory_space<vmem>>, vector<16xf32>,
      tpu.vector_store %swap3A_92[%swap3A_93, %swap3A_94], %broadcast_in_dim3A_0 {strides = array<i32>} : memref<128x128xf32, #tpu.memory_space<vmem>>, vector<16xf32>,
      %swap3A_96 = arith.constant 0 : i32
      %swap3A_97 = arith.constant 0 : i32
      %swap3A_98 = tpu.memref_slice %arg12[%scan3A_1, %swap3A_96, %swap3A_97] : memref<2x128x128xf32, #tpu.memory_space<vmem>> -> memref<1x128x128xf32, #tpu.memory_space<vmem>>
      %swap3A_99 = tpu.memref_squeeze %swap3A_98 : memref<1x128x128xf32, #tpu.memory_space<vmem>> -> memref<128x128xf32, #tpu.memory_space<vmem>>
      %swap3A_100 = arith.index_cast %scan3A_54 : i32 to index
      %swap3A_101 = arith.constant 96 : index
      %swap3A_102 = tpu.vector_load %swap3A_99[%swap3A_100, %swap3A_101] {strides = array<i32>} : memref<128x128xf32, #tpu.memory_space<vmem>>, vector<16xf32>,
      tpu.vector_store %swap3A_99[%swap3A_100, %swap3A_101], %broadcast_in_dim3A_0 {strides = array<i32>} : memref<128x128xf32, #tpu.memory_space<vmem>>, vector<16xf32>,
      %swap3A_103 = arith.constant 0 : i32
      %swap3A_104 = arith.constant 0 : i32
      %swap3A_105 = tpu.memref_slice %arg12[%scan3A_1, %swap3A_103, %swap3A_104] : memref<2x128x128xf32, #tpu.memory_space<vmem>> -> memref<1x128x128xf32, #tpu.memory_space<vmem>>
      %swap3A_106 = tpu.memref_squeeze %swap3A_105 : memref<1x128x128xf32, #tpu.memory_space<vmem>> -> memref<128x128xf32, #tpu.memory_space<vmem>>
      %swap3A_107 = arith.index_cast %scan3A_54 : i32 to index
      %swap3A_108 = arith.constant 112 : index
      %swap3A_109 = tpu.vector_load %swap3A_106[%swap3A_107, %swap3A_108] {strides = array<i32>} : memref<128x128xf32, #tpu.memory_space<vmem>>, vector<16xf32>,
      tpu.vector_store %swap3A_106[%swap3A_107, %swap3A_108], %broadcast_in_dim3A_0 {strides = array<i32>} : memref<128x128xf32, #tpu.memory_space<vmem>>, vector<16xf32>,
    }
    %scan3A_6 = arith.constant 128 : i32
    %mul3A = arith.constant 640 : i32
    %mul3A_7 = arith.muli %arg1, %mul3A : i32
    %add3A = arith.constant 0 : i32
    %add3A_8 = arith.addi %mul3A_7, %add3A : i32
    %run_scoped3A = arith.constant 0 : i32
    "tpu.region"() ({
      %run_scoped3A_54 = tpu.sem_alloc : memref<!tpu.dma_semaphore, #tpu.memory_space<semaphore_mem>>
      %dma_start3A = arith.constant 0 : i32
      %dma_start3A_55 = arith.constant 0 : i32
      %dma_start3A_56 = tpu.memref_slice %arg12[%run_scoped3A, %dma_start3A, %dma_start3A_55] : memref<2x128x128xf32, #tpu.memory_space<vmem>> -> memref<1x128x128xf32, #tpu.memory_space<vmem>>
      %dma_start3A_57 = tpu.memref_squeeze %dma_start3A_56 : memref<1x128x128xf32, #tpu.memory_space<vmem>> -> memref<128x128xf32, #tpu.memory_space<vmem>>
      %dma_start3A_58 = arith.constant 0 : i32
      %dma_start3A_59 = tpu.memref_slice %arg8[%add3A_8, %dma_start3A_58] : memref<10240x128xf32, #tpu.memory_space<vmem_shared>> -> memref<128x128xf32, #tpu.memory_space<vmem_shared>>
      %dma_start3A_60 = arith.constant 0 : i32
      %dma_start3A_61 = tpu.memref_slice %arg8[%add3A_8, %dma_start3A_60] : memref<10240x128xf32, #tpu.memory_space<vmem_shared>> -> memref<128x128xf32, #tpu.memory_space<vmem_shared>>
      %dma_start3A_62 = arith.constant 0 : i32
      %dma_start3A_63 = arith.constant 0 : i32
      %dma_start3A_64 = tpu.memref_slice %arg12[%run_scoped3A, %dma_start3A_62, %dma_start3A_63] : memref<2x128x128xf32, #tpu.memory_space<vmem>> -> memref<1x128x128xf32, #tpu.memory_space<vmem>>
      %dma_start3A_65 = tpu.memref_squeeze %dma_start3A_64 : memref<1x128x128xf32, #tpu.memory_space<vmem>> -> memref<128x128xf32, #tpu.memory_space<vmem>>
      tpu.enqueue_dma source(%dma_start3A_65 : memref<128x128xf32, #tpu.memory_space<vmem>>) target(%dma_start3A_61 : memref<128x128xf32, #tpu.memory_space<vmem_shared>>) target_semaphore(%run_scoped3A_54 : memref<!tpu.dma_semaphore, #tpu.memory_space<semaphore_mem>>)
      %dma_wait3A = arith.constant 0 : i32
      %dma_wait3A_66 = arith.constant 0 : i32
      %dma_wait3A_67 = tpu.memref_slice %arg12[%run_scoped3A, %dma_wait3A, %dma_wait3A_66] : memref<2x128x128xf32, #tpu.memory_space<vmem>> -> memref<1x128x128xf32, #tpu.memory_space<vmem>>
      %dma_wait3A_68 = tpu.memref_squeeze %dma_wait3A_67 : memref<1x128x128xf32, #tpu.memory_space<vmem>> -> memref<128x128xf32, #tpu.memory_space<vmem>>
      %dma_wait3A_69 = arith.constant 0 : i32
      %dma_wait3A_70 = tpu.memref_slice %arg8[%add3A_8, %dma_wait3A_69] : memref<10240x128xf32, #tpu.memory_space<vmem_shared>> -> memref<128x128xf32, #tpu.memory_space<vmem_shared>>
      %dma_wait3A_71 = arith.constant 0 : i32
      %dma_wait3A_72 = tpu.memref_slice %arg8[%add3A_8, %dma_wait3A_71] : memref<10240x128xf32, #tpu.memory_space<vmem_shared>> -> memref<128x128xf32, #tpu.memory_space<vmem_shared>>
      %dma_wait3A_73 = arith.constant 0 : i32
      %dma_wait3A_74 = arith.constant 0 : i32
      %dma_wait3A_75 = tpu.memref_slice %arg12[%run_scoped3A, %dma_wait3A_73, %dma_wait3A_74] : memref<2x128x128xf32, #tpu.memory_space<vmem>> -> memref<1x128x128xf32, #tpu.memory_space<vmem>>
      %dma_wait3A_76 = tpu.memref_squeeze %dma_wait3A_75 : memref<1x128x128xf32, #tpu.memory_space<vmem>> -> memref<128x128xf32, #tpu.memory_space<vmem>>
      tpu.wait_dma2 semaphore(%run_scoped3A_54 : memref<!tpu.dma_semaphore, #tpu.memory_space<semaphore_mem>>) src(%dma_wait3A_76 : memref<128x128xf32, #tpu.memory_space<vmem>>) dst(%dma_wait3A_72 : memref<128x128xf32, #tpu.memory_space<vmem_shared>>)
      tpu.yield
    }) : () -> ()
    %mul3A_9 = arith.constant 640 : i32
    %mul3A_10 = arith.muli %arg1, %mul3A_9 : i32
    %add3A_11 = arith.constant 128 : i32
    %add3A_12 = arith.addi %mul3A_10, %add3A_11 : i32
    %run_scoped3A_13 = arith.constant 0 : i32
    "tpu.region"() ({
      %run_scoped3A_54 = tpu.sem_alloc : memref<!tpu.dma_semaphore, #tpu.memory_space<semaphore_mem>>
      %dma_start3A = arith.constant 0 : i32
      %dma_start3A_55 = arith.constant 0 : i32
      %dma_start3A_56 = tpu.memref_slice %arg12[%run_scoped3A_13, %dma_start3A, %dma_start3A_55] : memref<2x128x128xf32, #tpu.memory_space<vmem>> -> memref<1x128x128xf32, #tpu.memory_space<vmem>>
      %dma_start3A_57 = tpu.memref_squeeze %dma_start3A_56 : memref<1x128x128xf32, #tpu.memory_space<vmem>> -> memref<128x128xf32, #tpu.memory_space<vmem>>
      %dma_start3A_58 = arith.constant 0 : i32
      %dma_start3A_59 = tpu.memref_slice %arg8[%add3A_12, %dma_start3A_58] : memref<10240x128xf32, #tpu.memory_space<vmem_shared>> -> memref<128x128xf32, #tpu.memory_space<vmem_shared>>
      %dma_start3A_60 = arith.constant 0 : i32
      %dma_start3A_61 = tpu.memref_slice %arg8[%add3A_12, %dma_start3A_60] : memref<10240x128xf32, #tpu.memory_space<vmem_shared>> -> memref<128x128xf32, #tpu.memory_space<vmem_shared>>
      %dma_start3A_62 = arith.constant 0 : i32
      %dma_start3A_63 = arith.constant 0 : i32
      %dma_start3A_64 = tpu.memref_slice %arg12[%run_scoped3A_13, %dma_start3A_62, %dma_start3A_63] : memref<2x128x128xf32, #tpu.memory_space<vmem>> -> memref<1x128x128xf32, #tpu.memory_space<vmem>>
      %dma_start3A_65 = tpu.memref_squeeze %dma_start3A_64 : memref<1x128x128xf32, #tpu.memory_space<vmem>> -> memref<128x128xf32, #tpu.memory_space<vmem>>
      tpu.enqueue_dma source(%dma_start3A_65 : memref<128x128xf32, #tpu.memory_space<vmem>>) target(%dma_start3A_61 : memref<128x128xf32, #tpu.memory_space<vmem_shared>>) target_semaphore(%run_scoped3A_54 : memref<!tpu.dma_semaphore, #tpu.memory_space<semaphore_mem>>)
      %dma_wait3A = arith.constant 0 : i32
      %dma_wait3A_66 = arith.constant 0 : i32
      %dma_wait3A_67 = tpu.memref_slice %arg12[%run_scoped3A_13, %dma_wait3A, %dma_wait3A_66] : memref<2x128x128xf32, #tpu.memory_space<vmem>> -> memref<1x128x128xf32, #tpu.memory_space<vmem>>
      %dma_wait3A_68 = tpu.memref_squeeze %dma_wait3A_67 : memref<1x128x128xf32, #tpu.memory_space<vmem>> -> memref<128x128xf32, #tpu.memory_space<vmem>>
      %dma_wait3A_69 = arith.constant 0 : i32
      %dma_wait3A_70 = tpu.memref_slice %arg8[%add3A_12, %dma_wait3A_69] : memref<10240x128xf32, #tpu.memory_space<vmem_shared>> -> memref<128x128xf32, #tpu.memory_space<vmem_shared>>
      %dma_wait3A_71 = arith.constant 0 : i32
      %dma_wait3A_72 = tpu.memref_slice %arg8[%add3A_12, %dma_wait3A_71] : memref<10240x128xf32, #tpu.memory_space<vmem_shared>> -> memref<128x128xf32, #tpu.memory_space<vmem_shared>>
      %dma_wait3A_73 = arith.constant 0 : i32
      %dma_wait3A_74 = arith.constant 0 : i32
      %dma_wait3A_75 = tpu.memref_slice %arg12[%run_scoped3A_13, %dma_wait3A_73, %dma_wait3A_74] : memref<2x128x128xf32, #tpu.memory_space<vmem>> -> memref<1x128x128xf32, #tpu.memory_space<vmem>>
      %dma_wait3A_76 = tpu.memref_squeeze %dma_wait3A_75 : memref<1x128x128xf32, #tpu.memory_space<vmem>> -> memref<128x128xf32, #tpu.memory_space<vmem>>
      tpu.wait_dma2 semaphore(%run_scoped3A_54 : memref<!tpu.dma_semaphore, #tpu.memory_space<semaphore_mem>>) src(%dma_wait3A_76 : memref<128x128xf32, #tpu.memory_space<vmem>>) dst(%dma_wait3A_72 : memref<128x128xf32, #tpu.memory_space<vmem_shared>>)
      tpu.yield
    }) : () -> ()
    %mul3A_14 = arith.constant 640 : i32
    %mul3A_15 = arith.muli %arg1, %mul3A_14 : i32
    %add3A_16 = arith.constant 256 : i32
    %add3A_17 = arith.addi %mul3A_15, %add3A_16 : i32
    %run_scoped3A_18 = arith.constant 0 : i32
    "tpu.region"() ({
      %run_scoped3A_54 = tpu.sem_alloc : memref<!tpu.dma_semaphore, #tpu.memory_space<semaphore_mem>>
      %dma_start3A = arith.constant 0 : i32
      %dma_start3A_55 = arith.constant 0 : i32
      %dma_start3A_56 = tpu.memref_slice %arg12[%run_scoped3A_18, %dma_start3A, %dma_start3A_55] : memref<2x128x128xf32, #tpu.memory_space<vmem>> -> memref<1x128x128xf32, #tpu.memory_space<vmem>>
      %dma_start3A_57 = tpu.memref_squeeze %dma_start3A_56 : memref<1x128x128xf32, #tpu.memory_space<vmem>> -> memref<128x128xf32, #tpu.memory_space<vmem>>
      %dma_start3A_58 = arith.constant 0 : i32
      %dma_start3A_59 = tpu.memref_slice %arg8[%add3A_17, %dma_start3A_58] : memref<10240x128xf32, #tpu.memory_space<vmem_shared>> -> memref<128x128xf32, #tpu.memory_space<vmem_shared>>
      %dma_start3A_60 = arith.constant 0 : i32
      %dma_start3A_61 = tpu.memref_slice %arg8[%add3A_17, %dma_start3A_60] : memref<10240x128xf32, #tpu.memory_space<vmem_shared>> -> memref<128x128xf32, #tpu.memory_space<vmem_shared>>
      %dma_start3A_62 = arith.constant 0 : i32
      %dma_start3A_63 = arith.constant 0 : i32
      %dma_start3A_64 = tpu.memref_slice %arg12[%run_scoped3A_18, %dma_start3A_62, %dma_start3A_63] : memref<2x128x128xf32, #tpu.memory_space<vmem>> -> memref<1x128x128xf32, #tpu.memory_space<vmem>>
      %dma_start3A_65 = tpu.memref_squeeze %dma_start3A_64 : memref<1x128x128xf32, #tpu.memory_space<vmem>> -> memref<128x128xf32, #tpu.memory_space<vmem>>
      tpu.enqueue_dma source(%dma_start3A_65 : memref<128x128xf32, #tpu.memory_space<vmem>>) target(%dma_start3A_61 : memref<128x128xf32, #tpu.memory_space<vmem_shared>>) target_semaphore(%run_scoped3A_54 : memref<!tpu.dma_semaphore, #tpu.memory_space<semaphore_mem>>)
      %dma_wait3A = arith.constant 0 : i32
      %dma_wait3A_66 = arith.constant 0 : i32
      %dma_wait3A_67 = tpu.memref_slice %arg12[%run_scoped3A_18, %dma_wait3A, %dma_wait3A_66] : memref<2x128x128xf32, #tpu.memory_space<vmem>> -> memref<1x128x128xf32, #tpu.memory_space<vmem>>
      %dma_wait3A_68 = tpu.memref_squeeze %dma_wait3A_67 : memref<1x128x128xf32, #tpu.memory_space<vmem>> -> memref<128x128xf32, #tpu.memory_space<vmem>>
      %dma_wait3A_69 = arith.constant 0 : i32
      %dma_wait3A_70 = tpu.memref_slice %arg8[%add3A_17, %dma_wait3A_69] : memref<10240x128xf32, #tpu.memory_space<vmem_shared>> -> memref<128x128xf32, #tpu.memory_space<vmem_shared>>
      %dma_wait3A_71 = arith.constant 0 : i32
      %dma_wait3A_72 = tpu.memref_slice %arg8[%add3A_17, %dma_wait3A_71] : memref<10240x128xf32, #tpu.memory_space<vmem_shared>> -> memref<128x128xf32, #tpu.memory_space<vmem_shared>>
      %dma_wait3A_73 = arith.constant 0 : i32
      %dma_wait3A_74 = arith.constant 0 : i32
      %dma_wait3A_75 = tpu.memref_slice %arg12[%run_scoped3A_18, %dma_wait3A_73, %dma_wait3A_74] : memref<2x128x128xf32, #tpu.memory_space<vmem>> -> memref<1x128x128xf32, #tpu.memory_space<vmem>>
      %dma_wait3A_76 = tpu.memref_squeeze %dma_wait3A_75 : memref<1x128x128xf32, #tpu.memory_space<vmem>> -> memref<128x128xf32, #tpu.memory_space<vmem>>
      tpu.wait_dma2 semaphore(%run_scoped3A_54 : memref<!tpu.dma_semaphore, #tpu.memory_space<semaphore_mem>>) src(%dma_wait3A_76 : memref<128x128xf32, #tpu.memory_space<vmem>>) dst(%dma_wait3A_72 : memref<128x128xf32, #tpu.memory_space<vmem_shared>>)
      tpu.yield
    }) : () -> ()
    %mul3A_19 = arith.constant 640 : i32
    %mul3A_20 = arith.muli %arg1, %mul3A_19 : i32
    %add3A_21 = arith.constant 384 : i32
    %add3A_22 = arith.addi %mul3A_20, %add3A_21 : i32
    %run_scoped3A_23 = arith.constant 0 : i32
    "tpu.region"() ({
      %run_scoped3A_54 = tpu.sem_alloc : memref<!tpu.dma_semaphore, #tpu.memory_space<semaphore_mem>>
      %dma_start3A = arith.constant 0 : i32
      %dma_start3A_55 = arith.constant 0 : i32
      %dma_start3A_56 = tpu.memref_slice %arg12[%run_scoped3A_23, %dma_start3A, %dma_start3A_55] : memref<2x128x128xf32, #tpu.memory_space<vmem>> -> memref<1x128x128xf32, #tpu.memory_space<vmem>>
      %dma_start3A_57 = tpu.memref_squeeze %dma_start3A_56 : memref<1x128x128xf32, #tpu.memory_space<vmem>> -> memref<128x128xf32, #tpu.memory_space<vmem>>
      %dma_start3A_58 = arith.constant 0 : i32
      %dma_start3A_59 = tpu.memref_slice %arg8[%add3A_22, %dma_start3A_58] : memref<10240x128xf32, #tpu.memory_space<vmem_shared>> -> memref<128x128xf32, #tpu.memory_space<vmem_shared>>
      %dma_start3A_60 = arith.constant 0 : i32
      %dma_start3A_61 = tpu.memref_slice %arg8[%add3A_22, %dma_start3A_60] : memref<10240x128xf32, #tpu.memory_space<vmem_shared>> -> memref<128x128xf32, #tpu.memory_space<vmem_shared>>
      %dma_start3A_62 = arith.constant 0 : i32
      %dma_start3A_63 = arith.constant 0 : i32
      %dma_start3A_64 = tpu.memref_slice %arg12[%run_scoped3A_23, %dma_start3A_62, %dma_start3A_63] : memref<2x128x128xf32, #tpu.memory_space<vmem>> -> memref<1x128x128xf32, #tpu.memory_space<vmem>>
      %dma_start3A_65 = tpu.memref_squeeze %dma_start3A_64 : memref<1x128x128xf32, #tpu.memory_space<vmem>> -> memref<128x128xf32, #tpu.memory_space<vmem>>
      tpu.enqueue_dma source(%dma_start3A_65 : memref<128x128xf32, #tpu.memory_space<vmem>>) target(%dma_start3A_61 : memref<128x128xf32, #tpu.memory_space<vmem_shared>>) target_semaphore(%run_scoped3A_54 : memref<!tpu.dma_semaphore, #tpu.memory_space<semaphore_mem>>)
      %dma_wait3A = arith.constant 0 : i32
      %dma_wait3A_66 = arith.constant 0 : i32
      %dma_wait3A_67 = tpu.memref_slice %arg12[%run_scoped3A_23, %dma_wait3A, %dma_wait3A_66] : memref<2x128x128xf32, #tpu.memory_space<vmem>> -> memref<1x128x128xf32, #tpu.memory_space<vmem>>
      %dma_wait3A_68 = tpu.memref_squeeze %dma_wait3A_67 : memref<1x128x128xf32, #tpu.memory_space<vmem>> -> memref<128x128xf32, #tpu.memory_space<vmem>>
      %dma_wait3A_69 = arith.constant 0 : i32
      %dma_wait3A_70 = tpu.memref_slice %arg8[%add3A_22, %dma_wait3A_69] : memref<10240x128xf32, #tpu.memory_space<vmem_shared>> -> memref<128x128xf32, #tpu.memory_space<vmem_shared>>
      %dma_wait3A_71 = arith.constant 0 : i32
      %dma_wait3A_72 = tpu.memref_slice %arg8[%add3A_22, %dma_wait3A_71] : memref<10240x128xf32, #tpu.memory_space<vmem_shared>> -> memref<128x128xf32, #tpu.memory_space<vmem_shared>>
      %dma_wait3A_73 = arith.constant 0 : i32
      %dma_wait3A_74 = arith.constant 0 : i32
      %dma_wait3A_75 = tpu.memref_slice %arg12[%run_scoped3A_23, %dma_wait3A_73, %dma_wait3A_74] : memref<2x128x128xf32, #tpu.memory_space<vmem>> -> memref<1x128x128xf32, #tpu.memory_space<vmem>>
      %dma_wait3A_76 = tpu.memref_squeeze %dma_wait3A_75 : memref<1x128x128xf32, #tpu.memory_space<vmem>> -> memref<128x128xf32, #tpu.memory_space<vmem>>
      tpu.wait_dma2 semaphore(%run_scoped3A_54 : memref<!tpu.dma_semaphore, #tpu.memory_space<semaphore_mem>>) src(%dma_wait3A_76 : memref<128x128xf32, #tpu.memory_space<vmem>>) dst(%dma_wait3A_72 : memref<128x128xf32, #tpu.memory_space<vmem_shared>>)
      tpu.yield
    }) : () -> ()
    %mul3A_24 = arith.constant 640 : i32
    %mul3A_25 = arith.muli %arg1, %mul3A_24 : i32
    %add3A_26 = arith.constant 512 : i32
    %add3A_27 = arith.addi %mul3A_25, %add3A_26 : i32
    %run_scoped3A_28 = arith.constant 0 : i32
    "tpu.region"() ({
      %run_scoped3A_54 = tpu.sem_alloc : memref<!tpu.dma_semaphore, #tpu.memory_space<semaphore_mem>>
      %dma_start3A = arith.constant 0 : i32
      %dma_start3A_55 = arith.constant 0 : i32
      %dma_start3A_56 = tpu.memref_slice %arg12[%run_scoped3A_28, %dma_start3A, %dma_start3A_55] : memref<2x128x128xf32, #tpu.memory_space<vmem>> -> memref<1x128x128xf32, #tpu.memory_space<vmem>>
      %dma_start3A_57 = tpu.memref_squeeze %dma_start3A_56 : memref<1x128x128xf32, #tpu.memory_space<vmem>> -> memref<128x128xf32, #tpu.memory_space<vmem>>
      %dma_start3A_58 = arith.constant 0 : i32
      %dma_start3A_59 = tpu.memref_slice %arg8[%add3A_27, %dma_start3A_58] : memref<10240x128xf32, #tpu.memory_space<vmem_shared>> -> memref<128x128xf32, #tpu.memory_space<vmem_shared>>
      %dma_start3A_60 = arith.constant 0 : i32
      %dma_start3A_61 = tpu.memref_slice %arg8[%add3A_27, %dma_start3A_60] : memref<10240x128xf32, #tpu.memory_space<vmem_shared>> -> memref<128x128xf32, #tpu.memory_space<vmem_shared>>
      %dma_start3A_62 = arith.constant 0 : i32
      %dma_start3A_63 = arith.constant 0 : i32
      %dma_start3A_64 = tpu.memref_slice %arg12[%run_scoped3A_28, %dma_start3A_62, %dma_start3A_63] : memref<2x128x128xf32, #tpu.memory_space<vmem>> -> memref<1x128x128xf32, #tpu.memory_space<vmem>>
      %dma_start3A_65 = tpu.memref_squeeze %dma_start3A_64 : memref<1x128x128xf32, #tpu.memory_space<vmem>> -> memref<128x128xf32, #tpu.memory_space<vmem>>
      tpu.enqueue_dma source(%dma_start3A_65 : memref<128x128xf32, #tpu.memory_space<vmem>>) target(%dma_start3A_61 : memref<128x128xf32, #tpu.memory_space<vmem_shared>>) target_semaphore(%run_scoped3A_54 : memref<!tpu.dma_semaphore, #tpu.memory_space<semaphore_mem>>)
      %dma_wait3A = arith.constant 0 : i32
      %dma_wait3A_66 = arith.constant 0 : i32
      %dma_wait3A_67 = tpu.memref_slice %arg12[%run_scoped3A_28, %dma_wait3A, %dma_wait3A_66] : memref<2x128x128xf32, #tpu.memory_space<vmem>> -> memref<1x128x128xf32, #tpu.memory_space<vmem>>
      %dma_wait3A_68 = tpu.memref_squeeze %dma_wait3A_67 : memref<1x128x128xf32, #tpu.memory_space<vmem>> -> memref<128x128xf32, #tpu.memory_space<vmem>>
      %dma_wait3A_69 = arith.constant 0 : i32
      %dma_wait3A_70 = tpu.memref_slice %arg8[%add3A_27, %dma_wait3A_69] : memref<10240x128xf32, #tpu.memory_space<vmem_shared>> -> memref<128x128xf32, #tpu.memory_space<vmem_shared>>
      %dma_wait3A_71 = arith.constant 0 : i32
      %dma_wait3A_72 = tpu.memref_slice %arg8[%add3A_27, %dma_wait3A_71] : memref<10240x128xf32, #tpu.memory_space<vmem_shared>> -> memref<128x128xf32, #tpu.memory_space<vmem_shared>>
      %dma_wait3A_73 = arith.constant 0 : i32
      %dma_wait3A_74 = arith.constant 0 : i32
      %dma_wait3A_75 = tpu.memref_slice %arg12[%run_scoped3A_28, %dma_wait3A_73, %dma_wait3A_74] : memref<2x128x128xf32, #tpu.memory_space<vmem>> -> memref<1x128x128xf32, #tpu.memory_space<vmem>>
      %dma_wait3A_76 = tpu.memref_squeeze %dma_wait3A_75 : memref<1x128x128xf32, #tpu.memory_space<vmem>> -> memref<128x128xf32, #tpu.memory_space<vmem>>
      tpu.wait_dma2 semaphore(%run_scoped3A_54 : memref<!tpu.dma_semaphore, #tpu.memory_space<semaphore_mem>>) src(%dma_wait3A_76 : memref<128x128xf32, #tpu.memory_space<vmem>>) dst(%dma_wait3A_72 : memref<128x128xf32, #tpu.memory_space<vmem_shared>>)
      tpu.yield
    }) : () -> ()
    %eq3A = arith.constant 1 : i32
    %eq3A_29 = arith.cmpi eq, %arg0, %eq3A : i32
    %convert_element_type3A = arith.extui %eq3A_29 : i1 to i32
    %cond3A = arith.constant 0 : i32
    %cond3A_30 = arith.cmpi ne, %convert_element_type3A, %cond3A : i32
    scf.if %cond3A_30 {
      %iota3A = tpu.iota {dimensions = array<i32: 0>} : vector<16xi32>
      %eq3A_54 = arith.constant 0 : i32
      %eq3A_55 = vector.broadcast %eq3A_54 : i32 to vector<16xi32>
      %eq3A_56 = arith.cmpi eq, %iota3A, %eq3A_55 : vector<16xi32>
      %jit3A = arith.constant 1.000000e+00 : f32
      %jit3A_57 = arith.constant 0.000000e+00 : f32
      %broadcast_in_dim3A_58 = vector.broadcast %jit3A : f32 to vector<16xf32>
      %broadcast_in_dim3A_59 = vector.broadcast %jit3A_57 : f32 to vector<16xf32>
      %select_n3A = arith.select %eq3A_56, %broadcast_in_dim3A_58, %broadcast_in_dim3A_59 : vector<16xi1>, vector<16xf32>
      %broadcast_in_dim3A_60 = arith.constant 0.000000e+00 : f32
      %broadcast_in_dim3A_61 = vector.broadcast %broadcast_in_dim3A_60 : f32 to vector<16xf32>
      %scan3A_62 = arith.constant 0 : i32
      %scan3A_63 = arith.constant 1 : i32
      %scan3A_64 = arith.constant 0 : i32
      %scan3A_65 = arith.constant 128 : i32
      %scan3A_66 = arith.addi %scan3A_64, %scan3A_65 : i32
      %scan3A_67 = arith.constant 1 : i32
      scf.for %scan3A_75 = %scan3A_64 to %scan3A_66 step %scan3A_67  : i32 {
        %swap3A = arith.constant 0 : i32
        %swap3A_76 = arith.constant 0 : i32
        %swap3A_77 = tpu.memref_slice %arg12[%scan3A_63, %swap3A, %swap3A_76] : memref<2x128x128xf32, #tpu.memory_space<vmem>> -> memref<1x128x128xf32, #tpu.memory_space<vmem>>
        %swap3A_78 = tpu.memref_squeeze %swap3A_77 : memref<1x128x128xf32, #tpu.memory_space<vmem>> -> memref<128x128xf32, #tpu.memory_space<vmem>>
        %swap3A_79 = arith.index_cast %scan3A_75 : i32 to index
        %swap3A_80 = arith.constant 0 : index
        %swap3A_81 = tpu.vector_load %swap3A_78[%swap3A_79, %swap3A_80] {strides = array<i32>} : memref<128x128xf32, #tpu.memory_space<vmem>>, vector<16xf32>,
        tpu.vector_store %swap3A_78[%swap3A_79, %swap3A_80], %broadcast_in_dim3A_61 {strides = array<i32>} : memref<128x128xf32, #tpu.memory_space<vmem>>, vector<16xf32>,
        %swap3A_82 = arith.constant 0 : i32
        %swap3A_83 = arith.constant 0 : i32
        %swap3A_84 = tpu.memref_slice %arg12[%scan3A_63, %swap3A_82, %swap3A_83] : memref<2x128x128xf32, #tpu.memory_space<vmem>> -> memref<1x128x128xf32, #tpu.memory_space<vmem>>
        %swap3A_85 = tpu.memref_squeeze %swap3A_84 : memref<1x128x128xf32, #tpu.memory_space<vmem>> -> memref<128x128xf32, #tpu.memory_space<vmem>>
        %swap3A_86 = arith.index_cast %scan3A_75 : i32 to index
        %swap3A_87 = arith.constant 16 : index
        %swap3A_88 = tpu.vector_load %swap3A_85[%swap3A_86, %swap3A_87] {strides = array<i32>} : memref<128x128xf32, #tpu.memory_space<vmem>>, vector<16xf32>,
        tpu.vector_store %swap3A_85[%swap3A_86, %swap3A_87], %broadcast_in_dim3A_61 {strides = array<i32>} : memref<128x128xf32, #tpu.memory_space<vmem>>, vector<16xf32>,
        %swap3A_89 = arith.constant 0 : i32
        %swap3A_90 = arith.constant 0 : i32
        %swap3A_91 = tpu.memref_slice %arg12[%scan3A_63, %swap3A_89, %swap3A_90] : memref<2x128x128xf32, #tpu.memory_space<vmem>> -> memref<1x128x128xf32, #tpu.memory_space<vmem>>
        %swap3A_92 = tpu.memref_squeeze %swap3A_91 : memref<1x128x128xf32, #tpu.memory_space<vmem>> -> memref<128x128xf32, #tpu.memory_space<vmem>>
        %swap3A_93 = arith.index_cast %scan3A_75 : i32 to index
        %swap3A_94 = arith.constant 32 : index
        %swap3A_95 = tpu.vector_load %swap3A_92[%swap3A_93, %swap3A_94] {strides = array<i32>} : memref<128x128xf32, #tpu.memory_space<vmem>>, vector<16xf32>,
        tpu.vector_store %swap3A_92[%swap3A_93, %swap3A_94], %broadcast_in_dim3A_61 {strides = array<i32>} : memref<128x128xf32, #tpu.memory_space<vmem>>, vector<16xf32>,
        %swap3A_96 = arith.constant 0 : i32
        %swap3A_97 = arith.constant 0 : i32
        %swap3A_98 = tpu.memref_slice %arg12[%scan3A_63, %swap3A_96, %swap3A_97] : memref<2x128x128xf32, #tpu.memory_space<vmem>> -> memref<1x128x128xf32, #tpu.memory_space<vmem>>
        %swap3A_99 = tpu.memref_squeeze %swap3A_98 : memref<1x128x128xf32, #tpu.memory_space<vmem>> -> memref<128x128xf32, #tpu.memory_space<vmem>>
        %swap3A_100 = arith.index_cast %scan3A_75 : i32 to index
        %swap3A_101 = arith.constant 48 : index
        %swap3A_102 = tpu.vector_load %swap3A_99[%swap3A_100, %swap3A_101] {strides = array<i32>} : memref<128x128xf32, #tpu.memory_space<vmem>>, vector<16xf32>,
        tpu.vector_store %swap3A_99[%swap3A_100, %swap3A_101], %broadcast_in_dim3A_61 {strides = array<i32>} : memref<128x128xf32, #tpu.memory_space<vmem>>, vector<16xf32>,
        %swap3A_103 = arith.constant 0 : i32
        %swap3A_104 = arith.constant 0 : i32
        %swap3A_105 = tpu.memref_slice %arg12[%scan3A_63, %swap3A_103, %swap3A_104] : memref<2x128x128xf32, #tpu.memory_space<vmem>> -> memref<1x128x128xf32, #tpu.memory_space<vmem>>
        %swap3A_106 = tpu.memref_squeeze %swap3A_105 : memref<1x128x128xf32, #tpu.memory_space<vmem>> -> memref<128x128xf32, #tpu.memory_space<vmem>>
        %swap3A_107 = arith.index_cast %scan3A_75 : i32 to index
        %swap3A_108 = arith.constant 64 : index
        %swap3A_109 = tpu.vector_load %swap3A_106[%swap3A_107, %swap3A_108] {strides = array<i32>} : memref<128x128xf32, #tpu.memory_space<vmem>>, vector<16xf32>,
        tpu.vector_store %swap3A_106[%swap3A_107, %swap3A_108], %broadcast_in_dim3A_61 {strides = array<i32>} : memref<128x128xf32, #tpu.memory_space<vmem>>, vector<16xf32>,
        %swap3A_110 = arith.constant 0 : i32
        %swap3A_111 = arith.constant 0 : i32
        %swap3A_112 = tpu.memref_slice %arg12[%scan3A_63, %swap3A_110, %swap3A_111] : memref<2x128x128xf32, #tpu.memory_space<vmem>> -> memref<1x128x128xf32, #tpu.memory_space<vmem>>
        %swap3A_113 = tpu.memref_squeeze %swap3A_112 : memref<1x128x128xf32, #tpu.memory_space<vmem>> -> memref<128x128xf32, #tpu.memory_space<vmem>>
        %swap3A_114 = arith.index_cast %scan3A_75 : i32 to index
        %swap3A_115 = arith.constant 80 : index
        %swap3A_116 = tpu.vector_load %swap3A_113[%swap3A_114, %swap3A_115] {strides = array<i32>} : memref<128x128xf32, #tpu.memory_space<vmem>>, vector<16xf32>,
        tpu.vector_store %swap3A_113[%swap3A_114, %swap3A_115], %broadcast_in_dim3A_61 {strides = array<i32>} : memref<128x128xf32, #tpu.memory_space<vmem>>, vector<16xf32>,
        %swap3A_117 = arith.constant 0 : i32
        %swap3A_118 = arith.constant 0 : i32
        %swap3A_119 = tpu.memref_slice %arg12[%scan3A_63, %swap3A_117, %swap3A_118] : memref<2x128x128xf32, #tpu.memory_space<vmem>> -> memref<1x128x128xf32, #tpu.memory_space<vmem>>
        %swap3A_120 = tpu.memref_squeeze %swap3A_119 : memref<1x128x128xf32, #tpu.memory_space<vmem>> -> memref<128x128xf32, #tpu.memory_space<vmem>>
        %swap3A_121 = arith.index_cast %scan3A_75 : i32 to index
        %swap3A_122 = arith.constant 96 : index
        %swap3A_123 = tpu.vector_load %swap3A_120[%swap3A_121, %swap3A_122] {strides = array<i32>} : memref<128x128xf32, #tpu.memory_space<vmem>>, vector<16xf32>,
        tpu.vector_store %swap3A_120[%swap3A_121, %swap3A_122], %broadcast_in_dim3A_61 {strides = array<i32>} : memref<128x128xf32, #tpu.memory_space<vmem>>, vector<16xf32>,
        %swap3A_124 = arith.constant 0 : i32
        %swap3A_125 = arith.constant 0 : i32
        %swap3A_126 = tpu.memref_slice %arg12[%scan3A_63, %swap3A_124, %swap3A_125] : memref<2x128x128xf32, #tpu.memory_space<vmem>> -> memref<1x128x128xf32, #tpu.memory_space<vmem>>
        %swap3A_127 = tpu.memref_squeeze %swap3A_126 : memref<1x128x128xf32, #tpu.memory_space<vmem>> -> memref<128x128xf32, #tpu.memory_space<vmem>>
        %swap3A_128 = arith.index_cast %scan3A_75 : i32 to index
        %swap3A_129 = arith.constant 112 : index
        %swap3A_130 = tpu.vector_load %swap3A_127[%swap3A_128, %swap3A_129] {strides = array<i32>} : memref<128x128xf32, #tpu.memory_space<vmem>>, vector<16xf32>,
        tpu.vector_store %swap3A_127[%swap3A_128, %swap3A_129], %broadcast_in_dim3A_61 {strides = array<i32>} : memref<128x128xf32, #tpu.memory_space<vmem>>, vector<16xf32>,
      }
      %scan3A_68 = arith.constant 128 : i32
      %scan3A_69 = arith.constant 0 : i32
      %scan3A_70 = arith.constant 0 : i32
      %scan3A_71 = arith.constant 128 : i32
      %scan3A_72 = arith.addi %scan3A_70, %scan3A_71 : i32
      %scan3A_73 = arith.constant 1 : i32
      scf.for %scan3A_75 = %scan3A_70 to %scan3A_72 step %scan3A_73  : i32 {
        %swap3A = arith.constant 0 : i32
        %swap3A_76 = arith.index_cast %swap3A : i32 to index
        %swap3A_77 = arith.index_cast %scan3A_75 : i32 to index
        %swap3A_78 = arith.constant 16 : index
        %swap3A_79 = tpu.vector_load %arg12[%swap3A_76, %swap3A_77, %swap3A_78] {strides = array<i32>} : memref<2x128x128xf32, #tpu.memory_space<vmem>>, vector<16xf32>,
        tpu.vector_store %arg12[%swap3A_76, %swap3A_77, %swap3A_78], %select_n3A {strides = array<i32>} : memref<2x128x128xf32, #tpu.memory_space<vmem>>, vector<16xf32>,
        %swap3A_80 = arith.constant 1 : i32
        %swap3A_81 = arith.index_cast %swap3A_80 : i32 to index
        %swap3A_82 = arith.index_cast %scan3A_75 : i32 to index
        %swap3A_83 = arith.constant 16 : index
        %swap3A_84 = tpu.vector_load %arg12[%swap3A_81, %swap3A_82, %swap3A_83] {strides = array<i32>} : memref<2x128x128xf32, #tpu.memory_space<vmem>>, vector<16xf32>,
        tpu.vector_store %arg12[%swap3A_81, %swap3A_82, %swap3A_83], %select_n3A {strides = array<i32>} : memref<2x128x128xf32, #tpu.memory_space<vmem>>, vector<16xf32>,
      }
      %scan3A_74 = arith.constant 128 : i32
    } else {
    }
    %barrier3A = arith.constant 0 : index
    tpu.barrier barrier_id(%barrier3A)
    %eq3A_31 = arith.constant 0 : i32
    %eq3A_32 = arith.cmpi eq, %arg0, %eq3A_31 : i32
    %convert_element_type3A_33 = arith.extui %eq3A_32 : i1 to i32
    %cond3A_34 = arith.constant 0 : i32
    %cond3A_35 = arith.cmpi ne, %convert_element_type3A_33, %cond3A_34 : i32
    scf.if %cond3A_35 {
      %scan3A_54 = arith.constant 0 : i32
      %scan3A_55 = arith.constant 0 : i32
      %scan3A_56 = arith.constant 20 : i32
      %scan3A_57 = arith.addi %scan3A_55, %scan3A_56 : i32
      %scan3A_58 = arith.constant 1 : i32
      scf.for %scan3A_60 = %scan3A_55 to %scan3A_57 step %scan3A_58  : i32 {
        %mul3A_61 = arith.constant 20480 : i32
        %mul3A_62 = arith.muli %arg1, %mul3A_61 : i32
        %mul3A_63 = arith.constant 1024 : i32
        %mul3A_64 = arith.muli %scan3A_60, %mul3A_63 : i32
        %add3A_65 = arith.addi %mul3A_62, %mul3A_64 : i32
        %multiple_of3A = tpu.assume_multiple %add3A_65, 1024 : i32
        %mul3A_66 = arith.constant 160 : i32
        %mul3A_67 = arith.muli %arg1, %mul3A_66 : i32
        %mul3A_68 = arith.constant 8 : i32
        %mul3A_69 = arith.muli %scan3A_60, %mul3A_68 : i32
        %add3A_70 = arith.addi %mul3A_67, %mul3A_69 : i32
        %multiple_of3A_71 = tpu.assume_multiple %add3A_70, 8 : i32
        "tpu.region"() ({
          %run_scoped3A_710 = tpu.sem_alloc : memref<!tpu.dma_semaphore, #tpu.memory_space<semaphore_mem>>
          %dma_start3A_711 = tpu.memref_slice %arg2[%multiple_of3A] : memref<327680xi32, #tpu.memory_space<hbm>> -> memref<1024xi32, #tpu.memory_space<hbm>>
          %dma_start3A_712 = tpu.memref_slice %arg2[%multiple_of3A] : memref<327680xi32, #tpu.memory_space<hbm>> -> memref<1024xi32, #tpu.memory_space<hbm>>
          tpu.enqueue_dma source(%dma_start3A_712 : memref<1024xi32, #tpu.memory_space<hbm>>) target(%arg9 : memref<1024xi32, #tpu.memory_space<vmem>>) target_semaphore(%run_scoped3A_710 : memref<!tpu.dma_semaphore, #tpu.memory_space<semaphore_mem>>)
          %dma_wait3A_713 = tpu.memref_slice %arg2[%multiple_of3A] : memref<327680xi32, #tpu.memory_space<hbm>> -> memref<1024xi32, #tpu.memory_space<hbm>>
          %dma_wait3A_714 = tpu.memref_slice %arg2[%multiple_of3A] : memref<327680xi32, #tpu.memory_space<hbm>> -> memref<1024xi32, #tpu.memory_space<hbm>>
          tpu.wait_dma2 semaphore(%run_scoped3A_710 : memref<!tpu.dma_semaphore, #tpu.memory_space<semaphore_mem>>) src(%dma_wait3A_714 : memref<1024xi32, #tpu.memory_space<hbm>>) dst(%arg9 : memref<1024xi32, #tpu.memory_space<vmem>>)
          tpu.yield
        }) : () -> ()
        "tpu.region"() ({
          %run_scoped3A_710 = tpu.sem_alloc : memref<!tpu.dma_semaphore, #tpu.memory_space<semaphore_mem>>
          %dma_start3A_711 = arith.constant 0 : i32
          %dma_start3A_712 = tpu.memref_slice %arg3[%multiple_of3A_71, %dma_start3A_711] : memref<2560x128xi32, #tpu.memory_space<hbm>> -> memref<8x128xi32, #tpu.memory_space<hbm>>
          %dma_start3A_713 = arith.constant 0 : i32
          %dma_start3A_714 = tpu.memref_slice %arg3[%multiple_of3A_71, %dma_start3A_713] : memref<2560x128xi32, #tpu.memory_space<hbm>> -> memref<8x128xi32, #tpu.memory_space<hbm>>
          tpu.enqueue_dma source(%dma_start3A_714 : memref<8x128xi32, #tpu.memory_space<hbm>>) target(%arg10 : memref<8x128xi32, #tpu.memory_space<vmem>>) target_semaphore(%run_scoped3A_710 : memref<!tpu.dma_semaphore, #tpu.memory_space<semaphore_mem>>)
          %dma_wait3A_715 = arith.constant 0 : i32
          %dma_wait3A_716 = tpu.memref_slice %arg3[%multiple_of3A_71, %dma_wait3A_715] : memref<2560x128xi32, #tpu.memory_space<hbm>> -> memref<8x128xi32, #tpu.memory_space<hbm>>
          %dma_wait3A_717 = arith.constant 0 : i32
          %dma_wait3A_718 = tpu.memref_slice %arg3[%multiple_of3A_71, %dma_wait3A_717] : memref<2560x128xi32, #tpu.memory_space<hbm>> -> memref<8x128xi32, #tpu.memory_space<hbm>>
          tpu.wait_dma2 semaphore(%run_scoped3A_710 : memref<!tpu.dma_semaphore, #tpu.memory_space<semaphore_mem>>) src(%dma_wait3A_718 : memref<8x128xi32, #tpu.memory_space<hbm>>) dst(%arg10 : memref<8x128xi32, #tpu.memory_space<vmem>>)
          tpu.yield
        }) : () -> ()
        %dma_start3A = arith.constant 0 : i32
        %dma_start3A_72 = arith.constant 0 : i32
        %dma_start3A_73 = arith.constant 0 : i32
        %dma_start3A_74 = tpu.memref_slice %arg11[%dma_start3A, %dma_start3A_72, %dma_start3A_73] : memref<2x64x64xi32, #tpu.memory_space<vmem>> -> memref<1x64x64xi32, #tpu.memory_space<vmem>>
        %dma_start3A_75 = tpu.memref_squeeze %dma_start3A_74 : memref<1x64x64xi32, #tpu.memory_space<vmem>> -> memref<64x64xi32, #tpu.memory_space<vmem>>
        %dma_start3A_76 = arith.constant 0 : i32
        %dma_start3A_77 = tpu.memref_slice %arg9[%dma_start3A_76] : memref<1024xi32, #tpu.memory_space<vmem>> -> memref<64xi32, #tpu.memory_space<vmem>>
        %dma_start3A_78 = arith.constant 0 : i32
        %dma_start3A_79 = arith.constant 0 : i32
        %dma_start3A_80 = tpu.memref_slice %arg4[%dma_start3A_78, %dma_start3A_79] : memref<10000x64xi32, #tpu.memory_space<hbm>> -> memref<10000x64xi32, #tpu.memory_space<hbm>>
        tpu.enqueue_indirect_dma source(%dma_start3A_80 : memref<10000x64xi32, #tpu.memory_space<hbm>>) target(%dma_start3A_75 : memref<64x64xi32, #tpu.memory_space<vmem>>) offsets(%dma_start3A_77 : memref<64xi32, #tpu.memory_space<vmem>>) semaphore(%arg14 : memref<!tpu.dma_semaphore, #tpu.memory_space<semaphore_mem>>)
        %dma_start3A_81 = arith.constant 1 : i32
        %dma_start3A_82 = arith.constant 0 : i32
        %dma_start3A_83 = arith.constant 0 : i32
        %dma_start3A_84 = tpu.memref_slice %arg11[%dma_start3A_81, %dma_start3A_82, %dma_start3A_83] : memref<2x64x64xi32, #tpu.memory_space<vmem>> -> memref<1x64x64xi32, #tpu.memory_space<vmem>>
        %dma_start3A_85 = tpu.memref_squeeze %dma_start3A_84 : memref<1x64x64xi32, #tpu.memory_space<vmem>> -> memref<64x64xi32, #tpu.memory_space<vmem>>
        %dma_start3A_86 = arith.constant 64 : i32
        %dma_start3A_87 = tpu.memref_slice %arg9[%dma_start3A_86] : memref<1024xi32, #tpu.memory_space<vmem>> -> memref<64xi32, #tpu.memory_space<vmem>>
        %dma_start3A_88 = arith.constant 0 : i32
        %dma_start3A_89 = arith.constant 0 : i32
        %dma_start3A_90 = tpu.memref_slice %arg4[%dma_start3A_88, %dma_start3A_89] : memref<10000x64xi32, #tpu.memory_space<hbm>> -> memref<10000x64xi32, #tpu.memory_space<hbm>>
        tpu.enqueue_indirect_dma source(%dma_start3A_90 : memref<10000x64xi32, #tpu.memory_space<hbm>>) target(%dma_start3A_85 : memref<64x64xi32, #tpu.memory_space<vmem>>) offsets(%dma_start3A_87 : memref<64xi32, #tpu.memory_space<vmem>>) semaphore(%arg15 : memref<!tpu.dma_semaphore, #tpu.memory_space<semaphore_mem>>)
        %dma_wait3A = arith.constant 0 : i32
        %dma_wait3A_91 = arith.constant 0 : i32
        %dma_wait3A_92 = arith.constant 0 : i32
        %dma_wait3A_93 = tpu.memref_slice %arg11[%dma_wait3A, %dma_wait3A_91, %dma_wait3A_92] : memref<2x64x64xi32, #tpu.memory_space<vmem>> -> memref<1x64x64xi32, #tpu.memory_space<vmem>>
        %dma_wait3A_94 = tpu.memref_squeeze %dma_wait3A_93 : memref<1x64x64xi32, #tpu.memory_space<vmem>> -> memref<64x64xi32, #tpu.memory_space<vmem>>
        %dma_wait3A_95 = arith.constant 0 : i32
        %dma_wait3A_96 = tpu.memref_slice %arg9[%dma_wait3A_95] : memref<1024xi32, #tpu.memory_space<vmem>> -> memref<64xi32, #tpu.memory_space<vmem>>
        %dma_wait3A_97 = arith.constant 0 : i32
        %dma_wait3A_98 = arith.constant 0 : i32
        %dma_wait3A_99 = tpu.memref_slice %arg4[%dma_wait3A_97, %dma_wait3A_98] : memref<10000x64xi32, #tpu.memory_space<hbm>> -> memref<10000x64xi32, #tpu.memory_space<hbm>>
        tpu.wait_indirect_dma semaphore(%arg14 : memref<!tpu.dma_semaphore, #tpu.memory_space<semaphore_mem>>) src(%dma_wait3A_99 : memref<10000x64xi32, #tpu.memory_space<hbm>>) dst(%dma_wait3A_94 : memref<64x64xi32, #tpu.memory_space<vmem>>)
        %scan3A_100 = arith.constant 0 : i32
        %scan3A_101 = arith.constant 0 : i32
        %scan3A_102 = arith.constant 0 : i32
        %scan3A_103 = arith.constant 0 : i32
        %scan3A_104 = arith.constant 64 : i32
        %scan3A_105 = arith.addi %scan3A_103, %scan3A_104 : i32
        %scan3A_106 = arith.constant 1 : i32
        scf.for %scan3A_710 = %scan3A_103 to %scan3A_105 step %scan3A_106  : i32 {
          %get3A = arith.constant 0 : i32
          %get3A_711 = arith.constant 0 : i32
          %get3A_712 = tpu.memref_slice %arg11[%scan3A_101, %get3A, %get3A_711] : memref<2x64x64xi32, #tpu.memory_space<vmem>> -> memref<1x64x64xi32, #tpu.memory_space<vmem>>
          %get3A_713 = tpu.memref_squeeze %get3A_712 : memref<1x64x64xi32, #tpu.memory_space<vmem>> -> memref<64x64xi32, #tpu.memory_space<vmem>>
          %get3A_714 = arith.index_cast %scan3A_710 : i32 to index
          %get3A_715 = arith.constant 0 : index
          %get3A_716 = tpu.vector_load %get3A_713[%get3A_714, %get3A_715] {strides = array<i32>} : memref<64x64xi32, #tpu.memory_space<vmem>>, vector<16xi32>,
          %bitcast3A = vector.bitcast %get3A_716 : vector<16xi32> to vector<32xbf16>
          %unpack3A = tpu.unpack_subelements %bitcast3A, 0 {pack_format = #tpu.pack_format<interleaved>} : vector<32xbf16> -> vector<16xf32>
          %unpack3A_717 = tpu.unpack_subelements %bitcast3A, 1 {pack_format = #tpu.pack_format<interleaved>} : vector<32xbf16> -> vector<16xf32>
          %add3A_718 = arith.constant 0 : i32
          %add3A_719 = arith.addi %add3A_718, %scan3A_710 : i32
          %swap3A = arith.constant 0 : i32
          %swap3A_720 = arith.constant 0 : i32
          %swap3A_721 = tpu.memref_slice %arg12[%scan3A_102, %swap3A, %swap3A_720] : memref<2x128x128xf32, #tpu.memory_space<vmem>> -> memref<1x128x128xf32, #tpu.memory_space<vmem>>
          %swap3A_722 = tpu.memref_squeeze %swap3A_721 : memref<1x128x128xf32, #tpu.memory_space<vmem>> -> memref<128x128xf32, #tpu.memory_space<vmem>>
          %swap3A_723 = arith.index_cast %add3A_719 : i32 to index
          %swap3A_724 = arith.constant 0 : index
          %swap3A_725 = tpu.vector_load %swap3A_722[%swap3A_723, %swap3A_724] {strides = array<i32>} : memref<128x128xf32, #tpu.memory_space<vmem>>, vector<16xf32>,
          tpu.vector_store %swap3A_722[%swap3A_723, %swap3A_724], %unpack3A {strides = array<i32>} : memref<128x128xf32, #tpu.memory_space<vmem>>, vector<16xf32>,
          %add3A_726 = arith.constant 0 : i32
          %add3A_727 = arith.addi %add3A_726, %scan3A_710 : i32
          %swap3A_728 = arith.constant 0 : i32
          %swap3A_729 = arith.constant 0 : i32
          %swap3A_730 = tpu.memref_slice %arg12[%scan3A_102, %swap3A_728, %swap3A_729] : memref<2x128x128xf32, #tpu.memory_space<vmem>> -> memref<1x128x128xf32, #tpu.memory_space<vmem>>
          %swap3A_731 = tpu.memref_squeeze %swap3A_730 : memref<1x128x128xf32, #tpu.memory_space<vmem>> -> memref<128x128xf32, #tpu.memory_space<vmem>>
          %swap3A_732 = arith.index_cast %add3A_727 : i32 to index
          %swap3A_733 = arith.constant 16 : index
          %swap3A_734 = tpu.vector_load %swap3A_731[%swap3A_732, %swap3A_733] {strides = array<i32>} : memref<128x128xf32, #tpu.memory_space<vmem>>, vector<16xf32>,
          tpu.vector_store %swap3A_731[%swap3A_732, %swap3A_733], %unpack3A_717 {strides = array<i32>} : memref<128x128xf32, #tpu.memory_space<vmem>>, vector<16xf32>,
          %get3A_735 = arith.constant 0 : i32
          %get3A_736 = arith.constant 0 : i32
          %get3A_737 = tpu.memref_slice %arg11[%scan3A_101, %get3A_735, %get3A_736] : memref<2x64x64xi32, #tpu.memory_space<vmem>> -> memref<1x64x64xi32, #tpu.memory_space<vmem>>
          %get3A_738 = tpu.memref_squeeze %get3A_737 : memref<1x64x64xi32, #tpu.memory_space<vmem>> -> memref<64x64xi32, #tpu.memory_space<vmem>>
          %get3A_739 = arith.index_cast %scan3A_710 : i32 to index
          %get3A_740 = arith.constant 16 : index
          %get3A_741 = tpu.vector_load %get3A_738[%get3A_739, %get3A_740] {strides = array<i32>} : memref<64x64xi32, #tpu.memory_space<vmem>>, vector<16xi32>,
          %bitcast3A_742 = vector.bitcast %get3A_741 : vector<16xi32> to vector<32xbf16>
          %unpack3A_743 = tpu.unpack_subelements %bitcast3A_742, 0 {pack_format = #tpu.pack_format<interleaved>} : vector<32xbf16> -> vector<16xf32>
          %unpack3A_744 = tpu.unpack_subelements %bitcast3A_742, 1 {pack_format = #tpu.pack_format<interleaved>} : vector<32xbf16> -> vector<16xf32>
          %add3A_745 = arith.constant 0 : i32
          %add3A_746 = arith.addi %add3A_745, %scan3A_710 : i32
          %swap3A_747 = arith.constant 0 : i32
          %swap3A_748 = arith.constant 0 : i32
          %swap3A_749 = tpu.memref_slice %arg12[%scan3A_102, %swap3A_747, %swap3A_748] : memref<2x128x128xf32, #tpu.memory_space<vmem>> -> memref<1x128x128xf32, #tpu.memory_space<vmem>>
          %swap3A_750 = tpu.memref_squeeze %swap3A_749 : memref<1x128x128xf32, #tpu.memory_space<vmem>> -> memref<128x128xf32, #tpu.memory_space<vmem>>
          %swap3A_751 = arith.index_cast %add3A_746 : i32 to index
          %swap3A_752 = arith.constant 32 : index
          %swap3A_753 = tpu.vector_load %swap3A_750[%swap3A_751, %swap3A_752] {strides = array<i32>} : memref<128x128xf32, #tpu.memory_space<vmem>>, vector<16xf32>,
          tpu.vector_store %swap3A_750[%swap3A_751, %swap3A_752], %unpack3A_743 {strides = array<i32>} : memref<128x128xf32, #tpu.memory_space<vmem>>, vector<16xf32>,
          %add3A_754 = arith.constant 0 : i32
          %add3A_755 = arith.addi %add3A_754, %scan3A_710 : i32
          %swap3A_756 = arith.constant 0 : i32
          %swap3A_757 = arith.constant 0 : i32
          %swap3A_758 = tpu.memref_slice %arg12[%scan3A_102, %swap3A_756, %swap3A_757] : memref<2x128x128xf32, #tpu.memory_space<vmem>> -> memref<1x128x128xf32, #tpu.memory_space<vmem>>
          %swap3A_759 = tpu.memref_squeeze %swap3A_758 : memref<1x128x128xf32, #tpu.memory_space<vmem>> -> memref<128x128xf32, #tpu.memory_space<vmem>>
          %swap3A_760 = arith.index_cast %add3A_755 : i32 to index
          %swap3A_761 = arith.constant 48 : index
          %swap3A_762 = tpu.vector_load %swap3A_759[%swap3A_760, %swap3A_761] {strides = array<i32>} : memref<128x128xf32, #tpu.memory_space<vmem>>, vector<16xf32>,
          tpu.vector_store %swap3A_759[%swap3A_760, %swap3A_761], %unpack3A_744 {strides = array<i32>} : memref<128x128xf32, #tpu.memory_space<vmem>>, vector<16xf32>,
          %get3A_763 = arith.constant 0 : i32
          %get3A_764 = arith.constant 0 : i32
          %get3A_765 = tpu.memref_slice %arg11[%scan3A_101, %get3A_763, %get3A_764] : memref<2x64x64xi32, #tpu.memory_space<vmem>> -> memref<1x64x64xi32, #tpu.memory_space<vmem>>
          %get3A_766 = tpu.memref_squeeze %get3A_765 : memref<1x64x64xi32, #tpu.memory_space<vmem>> -> memref<64x64xi32, #tpu.memory_space<vmem>>
          %get3A_767 = arith.index_cast %scan3A_710 : i32 to index
          %get3A_768 = arith.constant 32 : index
          %get3A_769 = tpu.vector_load %get3A_766[%get3A_767, %get3A_768] {strides = array<i32>} : memref<64x64xi32, #tpu.memory_space<vmem>>, vector<16xi32>,
          %bitcast3A_770 = vector.bitcast %get3A_769 : vector<16xi32> to vector<32xbf16>
          %unpack3A_771 = tpu.unpack_subelements %bitcast3A_770, 0 {pack_format = #tpu.pack_format<interleaved>} : vector<32xbf16> -> vector<16xf32>
          %unpack3A_772 = tpu.unpack_subelements %bitcast3A_770, 1 {pack_format = #tpu.pack_format<interleaved>} : vector<32xbf16> -> vector<16xf32>
          %add3A_773 = arith.constant 0 : i32
          %add3A_774 = arith.addi %add3A_773, %scan3A_710 : i32
          %swap3A_775 = arith.constant 0 : i32
          %swap3A_776 = arith.constant 0 : i32
          %swap3A_777 = tpu.memref_slice %arg12[%scan3A_102, %swap3A_775, %swap3A_776] : memref<2x128x128xf32, #tpu.memory_space<vmem>> -> memref<1x128x128xf32, #tpu.memory_space<vmem>>
          %swap3A_778 = tpu.memref_squeeze %swap3A_777 : memref<1x128x128xf32, #tpu.memory_space<vmem>> -> memref<128x128xf32, #tpu.memory_space<vmem>>
          %swap3A_779 = arith.index_cast %add3A_774 : i32 to index
          %swap3A_780 = arith.constant 64 : index
          %swap3A_781 = tpu.vector_load %swap3A_778[%swap3A_779, %swap3A_780] {strides = array<i32>} : memref<128x128xf32, #tpu.memory_space<vmem>>, vector<16xf32>,
          tpu.vector_store %swap3A_778[%swap3A_779, %swap3A_780], %unpack3A_771 {strides = array<i32>} : memref<128x128xf32, #tpu.memory_space<vmem>>, vector<16xf32>,
          %add3A_782 = arith.constant 0 : i32
          %add3A_783 = arith.addi %add3A_782, %scan3A_710 : i32
          %swap3A_784 = arith.constant 0 : i32
          %swap3A_785 = arith.constant 0 : i32
          %swap3A_786 = tpu.memref_slice %arg12[%scan3A_102, %swap3A_784, %swap3A_785] : memref<2x128x128xf32, #tpu.memory_space<vmem>> -> memref<1x128x128xf32, #tpu.memory_space<vmem>>
          %swap3A_787 = tpu.memref_squeeze %swap3A_786 : memref<1x128x128xf32, #tpu.memory_space<vmem>> -> memref<128x128xf32, #tpu.memory_space<vmem>>
          %swap3A_788 = arith.index_cast %add3A_783 : i32 to index
          %swap3A_789 = arith.constant 80 : index
          %swap3A_790 = tpu.vector_load %swap3A_787[%swap3A_788, %swap3A_789] {strides = array<i32>} : memref<128x128xf32, #tpu.memory_space<vmem>>, vector<16xf32>,
          tpu.vector_store %swap3A_787[%swap3A_788, %swap3A_789], %unpack3A_772 {strides = array<i32>} : memref<128x128xf32, #tpu.memory_space<vmem>>, vector<16xf32>,
          %get3A_791 = arith.constant 0 : i32
          %get3A_792 = arith.constant 0 : i32
          %get3A_793 = tpu.memref_slice %arg11[%scan3A_101, %get3A_791, %get3A_792] : memref<2x64x64xi32, #tpu.memory_space<vmem>> -> memref<1x64x64xi32, #tpu.memory_space<vmem>>
          %get3A_794 = tpu.memref_squeeze %get3A_793 : memref<1x64x64xi32, #tpu.memory_space<vmem>> -> memref<64x64xi32, #tpu.memory_space<vmem>>
          %get3A_795 = arith.index_cast %scan3A_710 : i32 to index
          %get3A_796 = arith.constant 48 : index
          %get3A_797 = tpu.vector_load %get3A_794[%get3A_795, %get3A_796] {strides = array<i32>} : memref<64x64xi32, #tpu.memory_space<vmem>>, vector<16xi32>,
          %bitcast3A_798 = vector.bitcast %get3A_797 : vector<16xi32> to vector<32xbf16>
          %unpack3A_799 = tpu.unpack_subelements %bitcast3A_798, 0 {pack_format = #tpu.pack_format<interleaved>} : vector<32xbf16> -> vector<16xf32>
          %unpack3A_800 = tpu.unpack_subelements %bitcast3A_798, 1 {pack_format = #tpu.pack_format<interleaved>} : vector<32xbf16> -> vector<16xf32>
          %add3A_801 = arith.constant 0 : i32
          %add3A_802 = arith.addi %add3A_801, %scan3A_710 : i32
          %swap3A_803 = arith.constant 0 : i32
          %swap3A_804 = arith.constant 0 : i32
          %swap3A_805 = tpu.memref_slice %arg12[%scan3A_102, %swap3A_803, %swap3A_804] : memref<2x128x128xf32, #tpu.memory_space<vmem>> -> memref<1x128x128xf32, #tpu.memory_space<vmem>>
          %swap3A_806 = tpu.memref_squeeze %swap3A_805 : memref<1x128x128xf32, #tpu.memory_space<vmem>> -> memref<128x128xf32, #tpu.memory_space<vmem>>
          %swap3A_807 = arith.index_cast %add3A_802 : i32 to index
          %swap3A_808 = arith.constant 96 : index
          %swap3A_809 = tpu.vector_load %swap3A_806[%swap3A_807, %swap3A_808] {strides = array<i32>} : memref<128x128xf32, #tpu.memory_space<vmem>>, vector<16xf32>,
          tpu.vector_store %swap3A_806[%swap3A_807, %swap3A_808], %unpack3A_799 {strides = array<i32>} : memref<128x128xf32, #tpu.memory_space<vmem>>, vector<16xf32>,
          %add3A_810 = arith.constant 0 : i32
          %add3A_811 = arith.addi %add3A_810, %scan3A_710 : i32
          %swap3A_812 = arith.constant 0 : i32
          %swap3A_813 = arith.constant 0 : i32
          %swap3A_814 = tpu.memref_slice %arg12[%scan3A_102, %swap3A_812, %swap3A_813] : memref<2x128x128xf32, #tpu.memory_space<vmem>> -> memref<1x128x128xf32, #tpu.memory_space<vmem>>
          %swap3A_815 = tpu.memref_squeeze %swap3A_814 : memref<1x128x128xf32, #tpu.memory_space<vmem>> -> memref<128x128xf32, #tpu.memory_space<vmem>>
          %swap3A_816 = arith.index_cast %add3A_811 : i32 to index
          %swap3A_817 = arith.constant 112 : index
          %swap3A_818 = tpu.vector_load %swap3A_815[%swap3A_816, %swap3A_817] {strides = array<i32>} : memref<128x128xf32, #tpu.memory_space<vmem>>, vector<16xf32>,
          tpu.vector_store %swap3A_815[%swap3A_816, %swap3A_817], %unpack3A_800 {strides = array<i32>} : memref<128x128xf32, #tpu.memory_space<vmem>>, vector<16xf32>,
        }
        %scan3A_107 = arith.constant 64 : i32
        %dma_start3A_108 = arith.constant 0 : i32
        %dma_start3A_109 = arith.constant 0 : i32
        %dma_start3A_110 = arith.constant 0 : i32
        %dma_start3A_111 = tpu.memref_slice %arg11[%dma_start3A_108, %dma_start3A_109, %dma_start3A_110] : memref<2x64x64xi32, #tpu.memory_space<vmem>> -> memref<1x64x64xi32, #tpu.memory_space<vmem>>
        %dma_start3A_112 = tpu.memref_squeeze %dma_start3A_111 : memref<1x64x64xi32, #tpu.memory_space<vmem>> -> memref<64x64xi32, #tpu.memory_space<vmem>>
        %dma_start3A_113 = arith.constant 128 : i32
        %dma_start3A_114 = tpu.memref_slice %arg9[%dma_start3A_113] : memref<1024xi32, #tpu.memory_space<vmem>> -> memref<64xi32, #tpu.memory_space<vmem>>
        %dma_start3A_115 = arith.constant 0 : i32
        %dma_start3A_116 = arith.constant 0 : i32
        %dma_start3A_117 = tpu.memref_slice %arg4[%dma_start3A_115, %dma_start3A_116] : memref<10000x64xi32, #tpu.memory_space<hbm>> -> memref<10000x64xi32, #tpu.memory_space<hbm>>
        tpu.enqueue_indirect_dma source(%dma_start3A_117 : memref<10000x64xi32, #tpu.memory_space<hbm>>) target(%dma_start3A_112 : memref<64x64xi32, #tpu.memory_space<vmem>>) offsets(%dma_start3A_114 : memref<64xi32, #tpu.memory_space<vmem>>) semaphore(%arg14 : memref<!tpu.dma_semaphore, #tpu.memory_space<semaphore_mem>>)
        %dma_wait3A_118 = arith.constant 1 : i32
        %dma_wait3A_119 = arith.constant 0 : i32
        %dma_wait3A_120 = arith.constant 0 : i32
        %dma_wait3A_121 = tpu.memref_slice %arg11[%dma_wait3A_118, %dma_wait3A_119, %dma_wait3A_120] : memref<2x64x64xi32, #tpu.memory_space<vmem>> -> memref<1x64x64xi32, #tpu.memory_space<vmem>>
        %dma_wait3A_122 = tpu.memref_squeeze %dma_wait3A_121 : memref<1x64x64xi32, #tpu.memory_space<vmem>> -> memref<64x64xi32, #tpu.memory_space<vmem>>
        %dma_wait3A_123 = arith.constant 64 : i32
        %dma_wait3A_124 = tpu.memref_slice %arg9[%dma_wait3A_123] : memref<1024xi32, #tpu.memory_space<vmem>> -> memref<64xi32, #tpu.memory_space<vmem>>
        %dma_wait3A_125 = arith.constant 0 : i32
        %dma_wait3A_126 = arith.constant 0 : i32
        %dma_wait3A_127 = tpu.memref_slice %arg4[%dma_wait3A_125, %dma_wait3A_126] : memref<10000x64xi32, #tpu.memory_space<hbm>> -> memref<10000x64xi32, #tpu.memory_space<hbm>>
        tpu.wait_indirect_dma semaphore(%arg15 : memref<!tpu.dma_semaphore, #tpu.memory_space<semaphore_mem>>) src(%dma_wait3A_127 : memref<10000x64xi32, #tpu.memory_space<hbm>>) dst(%dma_wait3A_122 : memref<64x64xi32, #tpu.memory_space<vmem>>)
        %scan3A_128 = arith.constant 0 : i32
        %scan3A_129 = arith.constant 1 : i32
        %scan3A_130 = arith.constant 0 : i32
        %scan3A_131 = arith.constant 0 : i32
        %scan3A_132 = arith.constant 64 : i32
        %scan3A_133 = arith.addi %scan3A_131, %scan3A_132 : i32
        %scan3A_134 = arith.constant 1 : i32
        scf.for %scan3A_710 = %scan3A_131 to %scan3A_133 step %scan3A_134  : i32 {
          %get3A = arith.constant 0 : i32
          %get3A_711 = arith.constant 0 : i32
          %get3A_712 = tpu.memref_slice %arg11[%scan3A_129, %get3A, %get3A_711] : memref<2x64x64xi32, #tpu.memory_space<vmem>> -> memref<1x64x64xi32, #tpu.memory_space<vmem>>
          %get3A_713 = tpu.memref_squeeze %get3A_712 : memref<1x64x64xi32, #tpu.memory_space<vmem>> -> memref<64x64xi32, #tpu.memory_space<vmem>>
          %get3A_714 = arith.index_cast %scan3A_710 : i32 to index
          %get3A_715 = arith.constant 0 : index
          %get3A_716 = tpu.vector_load %get3A_713[%get3A_714, %get3A_715] {strides = array<i32>} : memref<64x64xi32, #tpu.memory_space<vmem>>, vector<16xi32>,
          %bitcast3A = vector.bitcast %get3A_716 : vector<16xi32> to vector<32xbf16>
          %unpack3A = tpu.unpack_subelements %bitcast3A, 0 {pack_format = #tpu.pack_format<interleaved>} : vector<32xbf16> -> vector<16xf32>
          %unpack3A_717 = tpu.unpack_subelements %bitcast3A, 1 {pack_format = #tpu.pack_format<interleaved>} : vector<32xbf16> -> vector<16xf32>
          %add3A_718 = arith.constant 64 : i32
          %add3A_719 = arith.addi %add3A_718, %scan3A_710 : i32
          %swap3A = arith.constant 0 : i32
          %swap3A_720 = arith.constant 0 : i32
          %swap3A_721 = tpu.memref_slice %arg12[%scan3A_130, %swap3A, %swap3A_720] : memref<2x128x128xf32, #tpu.memory_space<vmem>> -> memref<1x128x128xf32, #tpu.memory_space<vmem>>
          %swap3A_722 = tpu.memref_squeeze %swap3A_721 : memref<1x128x128xf32, #tpu.memory_space<vmem>> -> memref<128x128xf32, #tpu.memory_space<vmem>>
          %swap3A_723 = arith.index_cast %add3A_719 : i32 to index
          %swap3A_724 = arith.constant 0 : index
          %swap3A_725 = tpu.vector_load %swap3A_722[%swap3A_723, %swap3A_724] {strides = array<i32>} : memref<128x128xf32, #tpu.memory_space<vmem>>, vector<16xf32>,
          tpu.vector_store %swap3A_722[%swap3A_723, %swap3A_724], %unpack3A {strides = array<i32>} : memref<128x128xf32, #tpu.memory_space<vmem>>, vector<16xf32>,
          %add3A_726 = arith.constant 64 : i32
          %add3A_727 = arith.addi %add3A_726, %scan3A_710 : i32
          %swap3A_728 = arith.constant 0 : i32
          %swap3A_729 = arith.constant 0 : i32
          %swap3A_730 = tpu.memref_slice %arg12[%scan3A_130, %swap3A_728, %swap3A_729] : memref<2x128x128xf32, #tpu.memory_space<vmem>> -> memref<1x128x128xf32, #tpu.memory_space<vmem>>
          %swap3A_731 = tpu.memref_squeeze %swap3A_730 : memref<1x128x128xf32, #tpu.memory_space<vmem>> -> memref<128x128xf32, #tpu.memory_space<vmem>>
          %swap3A_732 = arith.index_cast %add3A_727 : i32 to index
          %swap3A_733 = arith.constant 16 : index
          %swap3A_734 = tpu.vector_load %swap3A_731[%swap3A_732, %swap3A_733] {strides = array<i32>} : memref<128x128xf32, #tpu.memory_space<vmem>>, vector<16xf32>,
          tpu.vector_store %swap3A_731[%swap3A_732, %swap3A_733], %unpack3A_717 {strides = array<i32>} : memref<128x128xf32, #tpu.memory_space<vmem>>, vector<16xf32>,
          %get3A_735 = arith.constant 0 : i32
          %get3A_736 = arith.constant 0 : i32
          %get3A_737 = tpu.memref_slice %arg11[%scan3A_129, %get3A_735, %get3A_736] : memref<2x64x64xi32, #tpu.memory_space<vmem>> -> memref<1x64x64xi32, #tpu.memory_space<vmem>>
          %get3A_738 = tpu.memref_squeeze %get3A_737 : memref<1x64x64xi32, #tpu.memory_space<vmem>> -> memref<64x64xi32, #tpu.memory_space<vmem>>
          %get3A_739 = arith.index_cast %scan3A_710 : i32 to index
          %get3A_740 = arith.constant 16 : index
          %get3A_741 = tpu.vector_load %get3A_738[%get3A_739, %get3A_740] {strides = array<i32>} : memref<64x64xi32, #tpu.memory_space<vmem>>, vector<16xi32>,
          %bitcast3A_742 = vector.bitcast %get3A_741 : vector<16xi32> to vector<32xbf16>
          %unpack3A_743 = tpu.unpack_subelements %bitcast3A_742, 0 {pack_format = #tpu.pack_format<interleaved>} : vector<32xbf16> -> vector<16xf32>
          %unpack3A_744 = tpu.unpack_subelements %bitcast3A_742, 1 {pack_format = #tpu.pack_format<interleaved>} : vector<32xbf16> -> vector<16xf32>
          %add3A_745 = arith.constant 64 : i32
          %add3A_746 = arith.addi %add3A_745, %scan3A_710 : i32
          %swap3A_747 = arith.constant 0 : i32
          %swap3A_748 = arith.constant 0 : i32
          %swap3A_749 = tpu.memref_slice %arg12[%scan3A_130, %swap3A_747, %swap3A_748] : memref<2x128x128xf32, #tpu.memory_space<vmem>> -> memref<1x128x128xf32, #tpu.memory_space<vmem>>
          %swap3A_750 = tpu.memref_squeeze %swap3A_749 : memref<1x128x128xf32, #tpu.memory_space<vmem>> -> memref<128x128xf32, #tpu.memory_space<vmem>>
          %swap3A_751 = arith.index_cast %add3A_746 : i32 to index
          %swap3A_752 = arith.constant 32 : index
          %swap3A_753 = tpu.vector_load %swap3A_750[%swap3A_751, %swap3A_752] {strides = array<i32>} : memref<128x128xf32, #tpu.memory_space<vmem>>, vector<16xf32>,
          tpu.vector_store %swap3A_750[%swap3A_751, %swap3A_752], %unpack3A_743 {strides = array<i32>} : memref<128x128xf32, #tpu.memory_space<vmem>>, vector<16xf32>,
          %add3A_754 = arith.constant 64 : i32
          %add3A_755 = arith.addi %add3A_754, %scan3A_710 : i32
          %swap3A_756 = arith.constant 0 : i32
          %swap3A_757 = arith.constant 0 : i32
          %swap3A_758 = tpu.memref_slice %arg12[%scan3A_130, %swap3A_756, %swap3A_757] : memref<2x128x128xf32, #tpu.memory_space<vmem>> -> memref<1x128x128xf32, #tpu.memory_space<vmem>>
          %swap3A_759 = tpu.memref_squeeze %swap3A_758 : memref<1x128x128xf32, #tpu.memory_space<vmem>> -> memref<128x128xf32, #tpu.memory_space<vmem>>
          %swap3A_760 = arith.index_cast %add3A_755 : i32 to index
          %swap3A_761 = arith.constant 48 : index
          %swap3A_762 = tpu.vector_load %swap3A_759[%swap3A_760, %swap3A_761] {strides = array<i32>} : memref<128x128xf32, #tpu.memory_space<vmem>>, vector<16xf32>,
          tpu.vector_store %swap3A_759[%swap3A_760, %swap3A_761], %unpack3A_744 {strides = array<i32>} : memref<128x128xf32, #tpu.memory_space<vmem>>, vector<16xf32>,
          %get3A_763 = arith.constant 0 : i32
          %get3A_764 = arith.constant 0 : i32
          %get3A_765 = tpu.memref_slice %arg11[%scan3A_129, %get3A_763, %get3A_764] : memref<2x64x64xi32, #tpu.memory_space<vmem>> -> memref<1x64x64xi32, #tpu.memory_space<vmem>>
          %get3A_766 = tpu.memref_squeeze %get3A_765 : memref<1x64x64xi32, #tpu.memory_space<vmem>> -> memref<64x64xi32, #tpu.memory_space<vmem>>
          %get3A_767 = arith.index_cast %scan3A_710 : i32 to index
          %get3A_768 = arith.constant 32 : index
          %get3A_769 = tpu.vector_load %get3A_766[%get3A_767, %get3A_768] {strides = array<i32>} : memref<64x64xi32, #tpu.memory_space<vmem>>, vector<16xi32>,
          %bitcast3A_770 = vector.bitcast %get3A_769 : vector<16xi32> to vector<32xbf16>
          %unpack3A_771 = tpu.unpack_subelements %bitcast3A_770, 0 {pack_format = #tpu.pack_format<interleaved>} : vector<32xbf16> -> vector<16xf32>
          %unpack3A_772 = tpu.unpack_subelements %bitcast3A_770, 1 {pack_format = #tpu.pack_format<interleaved>} : vector<32xbf16> -> vector<16xf32>
          %add3A_773 = arith.constant 64 : i32
          %add3A_774 = arith.addi %add3A_773, %scan3A_710 : i32
          %swap3A_775 = arith.constant 0 : i32
          %swap3A_776 = arith.constant 0 : i32
          %swap3A_777 = tpu.memref_slice %arg12[%scan3A_130, %swap3A_775, %swap3A_776] : memref<2x128x128xf32, #tpu.memory_space<vmem>> -> memref<1x128x128xf32, #tpu.memory_space<vmem>>
          %swap3A_778 = tpu.memref_squeeze %swap3A_777 : memref<1x128x128xf32, #tpu.memory_space<vmem>> -> memref<128x128xf32, #tpu.memory_space<vmem>>
          %swap3A_779 = arith.index_cast %add3A_774 : i32 to index
          %swap3A_780 = arith.constant 64 : index
          %swap3A_781 = tpu.vector_load %swap3A_778[%swap3A_779, %swap3A_780] {strides = array<i32>} : memref<128x128xf32, #tpu.memory_space<vmem>>, vector<16xf32>,
          tpu.vector_store %swap3A_778[%swap3A_779, %swap3A_780], %unpack3A_771 {strides = array<i32>} : memref<128x128xf32, #tpu.memory_space<vmem>>, vector<16xf32>,
          %add3A_782 = arith.constant 64 : i32
          %add3A_783 = arith.addi %add3A_782, %scan3A_710 : i32
          %swap3A_784 = arith.constant 0 : i32
          %swap3A_785 = arith.constant 0 : i32
          %swap3A_786 = tpu.memref_slice %arg12[%scan3A_130, %swap3A_784, %swap3A_785] : memref<2x128x128xf32, #tpu.memory_space<vmem>> -> memref<1x128x128xf32, #tpu.memory_space<vmem>>
          %swap3A_787 = tpu.memref_squeeze %swap3A_786 : memref<1x128x128xf32, #tpu.memory_space<vmem>> -> memref<128x128xf32, #tpu.memory_space<vmem>>
          %swap3A_788 = arith.index_cast %add3A_783 : i32 to index
          %swap3A_789 = arith.constant 80 : index
          %swap3A_790 = tpu.vector_load %swap3A_787[%swap3A_788, %swap3A_789] {strides = array<i32>} : memref<128x128xf32, #tpu.memory_space<vmem>>, vector<16xf32>,
          tpu.vector_store %swap3A_787[%swap3A_788, %swap3A_789], %unpack3A_772 {strides = array<i32>} : memref<128x128xf32, #tpu.memory_space<vmem>>, vector<16xf32>,
          %get3A_791 = arith.constant 0 : i32
          %get3A_792 = arith.constant 0 : i32
          %get3A_793 = tpu.memref_slice %arg11[%scan3A_129, %get3A_791, %get3A_792] : memref<2x64x64xi32, #tpu.memory_space<vmem>> -> memref<1x64x64xi32, #tpu.memory_space<vmem>>
          %get3A_794 = tpu.memref_squeeze %get3A_793 : memref<1x64x64xi32, #tpu.memory_space<vmem>> -> memref<64x64xi32, #tpu.memory_space<vmem>>
          %get3A_795 = arith.index_cast %scan3A_710 : i32 to index
          %get3A_796 = arith.constant 48 : index
          %get3A_797 = tpu.vector_load %get3A_794[%get3A_795, %get3A_796] {strides = array<i32>} : memref<64x64xi32, #tpu.memory_space<vmem>>, vector<16xi32>,
          %bitcast3A_798 = vector.bitcast %get3A_797 : vector<16xi32> to vector<32xbf16>
          %unpack3A_799 = tpu.unpack_subelements %bitcast3A_798, 0 {pack_format = #tpu.pack_format<interleaved>} : vector<32xbf16> -> vector<16xf32>
          %unpack3A_800 = tpu.unpack_subelements %bitcast3A_798, 1 {pack_format = #tpu.pack_format<interleaved>} : vector<32xbf16> -> vector<16xf32>
          %add3A_801 = arith.constant 64 : i32
          %add3A_802 = arith.addi %add3A_801, %scan3A_710 : i32
          %swap3A_803 = arith.constant 0 : i32
          %swap3A_804 = arith.constant 0 : i32
          %swap3A_805 = tpu.memref_slice %arg12[%scan3A_130, %swap3A_803, %swap3A_804] : memref<2x128x128xf32, #tpu.memory_space<vmem>> -> memref<1x128x128xf32, #tpu.memory_space<vmem>>
          %swap3A_806 = tpu.memref_squeeze %swap3A_805 : memref<1x128x128xf32, #tpu.memory_space<vmem>> -> memref<128x128xf32, #tpu.memory_space<vmem>>
          %swap3A_807 = arith.index_cast %add3A_802 : i32 to index
          %swap3A_808 = arith.constant 96 : index
          %swap3A_809 = tpu.vector_load %swap3A_806[%swap3A_807, %swap3A_808] {strides = array<i32>} : memref<128x128xf32, #tpu.memory_space<vmem>>, vector<16xf32>,
          tpu.vector_store %swap3A_806[%swap3A_807, %swap3A_808], %unpack3A_799 {strides = array<i32>} : memref<128x128xf32, #tpu.memory_space<vmem>>, vector<16xf32>,
          %add3A_810 = arith.constant 64 : i32
          %add3A_811 = arith.addi %add3A_810, %scan3A_710 : i32
          %swap3A_812 = arith.constant 0 : i32
          %swap3A_813 = arith.constant 0 : i32
          %swap3A_814 = tpu.memref_slice %arg12[%scan3A_130, %swap3A_812, %swap3A_813] : memref<2x128x128xf32, #tpu.memory_space<vmem>> -> memref<1x128x128xf32, #tpu.memory_space<vmem>>
          %swap3A_815 = tpu.memref_squeeze %swap3A_814 : memref<1x128x128xf32, #tpu.memory_space<vmem>> -> memref<128x128xf32, #tpu.memory_space<vmem>>
          %swap3A_816 = arith.index_cast %add3A_811 : i32 to index
          %swap3A_817 = arith.constant 112 : index
          %swap3A_818 = tpu.vector_load %swap3A_815[%swap3A_816, %swap3A_817] {strides = array<i32>} : memref<128x128xf32, #tpu.memory_space<vmem>>, vector<16xf32>,
          tpu.vector_store %swap3A_815[%swap3A_816, %swap3A_817], %unpack3A_800 {strides = array<i32>} : memref<128x128xf32, #tpu.memory_space<vmem>>, vector<16xf32>,
        }
        %scan3A_135 = arith.constant 64 : i32
        %dma_start3A_136 = arith.constant 1 : i32
        %dma_start3A_137 = arith.constant 0 : i32
        %dma_start3A_138 = arith.constant 0 : i32
        %dma_start3A_139 = tpu.memref_slice %arg11[%dma_start3A_136, %dma_start3A_137, %dma_start3A_138] : memref<2x64x64xi32, #tpu.memory_space<vmem>> -> memref<1x64x64xi32, #tpu.memory_space<vmem>>
        %dma_start3A_140 = tpu.memref_squeeze %dma_start3A_139 : memref<1x64x64xi32, #tpu.memory_space<vmem>> -> memref<64x64xi32, #tpu.memory_space<vmem>>
        %dma_start3A_141 = arith.constant 192 : i32
        %dma_start3A_142 = tpu.memref_slice %arg9[%dma_start3A_141] : memref<1024xi32, #tpu.memory_space<vmem>> -> memref<64xi32, #tpu.memory_space<vmem>>
        %dma_start3A_143 = arith.constant 0 : i32
        %dma_start3A_144 = arith.constant 0 : i32
        %dma_start3A_145 = tpu.memref_slice %arg4[%dma_start3A_143, %dma_start3A_144] : memref<10000x64xi32, #tpu.memory_space<hbm>> -> memref<10000x64xi32, #tpu.memory_space<hbm>>
        tpu.enqueue_indirect_dma source(%dma_start3A_145 : memref<10000x64xi32, #tpu.memory_space<hbm>>) target(%dma_start3A_140 : memref<64x64xi32, #tpu.memory_space<vmem>>) offsets(%dma_start3A_142 : memref<64xi32, #tpu.memory_space<vmem>>) semaphore(%arg15 : memref<!tpu.dma_semaphore, #tpu.memory_space<semaphore_mem>>)
        %dma_start3A_146 = arith.constant 0 : i32
        %dma_start3A_147 = arith.constant 0 : i32
        %dma_start3A_148 = arith.constant 0 : i32
        %dma_start3A_149 = arith.constant 0 : i32
        %dma_start3A_150 = tpu.memref_slice %arg12[%dma_start3A_146, %dma_start3A_148, %dma_start3A_149] : memref<2x128x128xf32, #tpu.memory_space<vmem>> -> memref<1x128x128xf32, #tpu.memory_space<vmem>>
        %dma_start3A_151 = tpu.memref_squeeze %dma_start3A_150 : memref<1x128x128xf32, #tpu.memory_space<vmem>> -> memref<128x128xf32, #tpu.memory_space<vmem>>
        %dma_start3A_152 = arith.constant 0 : i32
        %dma_start3A_153 = tpu.memref_slice %arg10[%dma_start3A_147, %dma_start3A_152] : memref<8x128xi32, #tpu.memory_space<vmem>> -> memref<1x128xi32, #tpu.memory_space<vmem>>
        %dma_start3A_154 = tpu.memref_squeeze %dma_start3A_153 : memref<1x128xi32, #tpu.memory_space<vmem>> -> memref<128xi32, #tpu.memory_space<vmem>>
        %dma_start3A_155 = arith.constant 0 : i32
        %dma_start3A_156 = arith.constant 0 : i32
        %dma_start3A_157 = tpu.memref_slice %arg8[%dma_start3A_155, %dma_start3A_156] : memref<10240x128xf32, #tpu.memory_space<vmem_shared>> -> memref<10240x128xf32, #tpu.memory_space<vmem_shared>>
        tpu.enqueue_indirect_dma source(%dma_start3A_151 : memref<128x128xf32, #tpu.memory_space<vmem>>) target(%dma_start3A_157 : memref<10240x128xf32, #tpu.memory_space<vmem_shared>>) offsets(%dma_start3A_154 : memref<128xi32, #tpu.memory_space<vmem>>) semaphore(%arg16 : memref<!tpu.dma_semaphore, #tpu.memory_space<semaphore_mem>>) {add = true}
        %dma_wait3A_158 = arith.constant 0 : i32
        %dma_wait3A_159 = arith.constant 0 : i32
        %dma_wait3A_160 = arith.constant 0 : i32
        %dma_wait3A_161 = tpu.memref_slice %arg11[%dma_wait3A_158, %dma_wait3A_159, %dma_wait3A_160] : memref<2x64x64xi32, #tpu.memory_space<vmem>> -> memref<1x64x64xi32, #tpu.memory_space<vmem>>
        %dma_wait3A_162 = tpu.memref_squeeze %dma_wait3A_161 : memref<1x64x64xi32, #tpu.memory_space<vmem>> -> memref<64x64xi32, #tpu.memory_space<vmem>>
        %dma_wait3A_163 = arith.constant 128 : i32
        %dma_wait3A_164 = tpu.memref_slice %arg9[%dma_wait3A_163] : memref<1024xi32, #tpu.memory_space<vmem>> -> memref<64xi32, #tpu.memory_space<vmem>>
        %dma_wait3A_165 = arith.constant 0 : i32
        %dma_wait3A_166 = arith.constant 0 : i32
        %dma_wait3A_167 = tpu.memref_slice %arg4[%dma_wait3A_165, %dma_wait3A_166] : memref<10000x64xi32, #tpu.memory_space<hbm>> -> memref<10000x64xi32, #tpu.memory_space<hbm>>
        tpu.wait_indirect_dma semaphore(%arg14 : memref<!tpu.dma_semaphore, #tpu.memory_space<semaphore_mem>>) src(%dma_wait3A_167 : memref<10000x64xi32, #tpu.memory_space<hbm>>) dst(%dma_wait3A_162 : memref<64x64xi32, #tpu.memory_space<vmem>>)
        %scan3A_168 = arith.constant 0 : i32
        %scan3A_169 = arith.constant 0 : i32
        %scan3A_170 = arith.constant 1 : i32
        %scan3A_171 = arith.constant 0 : i32
        %scan3A_172 = arith.constant 64 : i32
        %scan3A_173 = arith.addi %scan3A_171, %scan3A_172 : i32
        %scan3A_174 = arith.constant 1 : i32
        scf.for %scan3A_710 = %scan3A_171 to %scan3A_173 step %scan3A_174  : i32 {
          %get3A = arith.constant 0 : i32
          %get3A_711 = arith.constant 0 : i32
          %get3A_712 = tpu.memref_slice %arg11[%scan3A_169, %get3A, %get3A_711] : memref<2x64x64xi32, #tpu.memory_space<vmem>> -> memref<1x64x64xi32, #tpu.memory_space<vmem>>
          %get3A_713 = tpu.memref_squeeze %get3A_712 : memref<1x64x64xi32, #tpu.memory_space<vmem>> -> memref<64x64xi32, #tpu.memory_space<vmem>>
          %get3A_714 = arith.index_cast %scan3A_710 : i32 to index
          %get3A_715 = arith.constant 0 : index
          %get3A_716 = tpu.vector_load %get3A_713[%get3A_714, %get3A_715] {strides = array<i32>} : memref<64x64xi32, #tpu.memory_space<vmem>>, vector<16xi32>,
          %bitcast3A = vector.bitcast %get3A_716 : vector<16xi32> to vector<32xbf16>
          %unpack3A = tpu.unpack_subelements %bitcast3A, 0 {pack_format = #tpu.pack_format<interleaved>} : vector<32xbf16> -> vector<16xf32>
          %unpack3A_717 = tpu.unpack_subelements %bitcast3A, 1 {pack_format = #tpu.pack_format<interleaved>} : vector<32xbf16> -> vector<16xf32>
          %add3A_718 = arith.constant 0 : i32
          %add3A_719 = arith.addi %add3A_718, %scan3A_710 : i32
          %swap3A = arith.constant 0 : i32
          %swap3A_720 = arith.constant 0 : i32
          %swap3A_721 = tpu.memref_slice %arg12[%scan3A_170, %swap3A, %swap3A_720] : memref<2x128x128xf32, #tpu.memory_space<vmem>> -> memref<1x128x128xf32, #tpu.memory_space<vmem>>
          %swap3A_722 = tpu.memref_squeeze %swap3A_721 : memref<1x128x128xf32, #tpu.memory_space<vmem>> -> memref<128x128xf32, #tpu.memory_space<vmem>>
          %swap3A_723 = arith.index_cast %add3A_719 : i32 to index
          %swap3A_724 = arith.constant 0 : index
          %swap3A_725 = tpu.vector_load %swap3A_722[%swap3A_723, %swap3A_724] {strides = array<i32>} : memref<128x128xf32, #tpu.memory_space<vmem>>, vector<16xf32>,
          tpu.vector_store %swap3A_722[%swap3A_723, %swap3A_724], %unpack3A {strides = array<i32>} : memref<128x128xf32, #tpu.memory_space<vmem>>, vector<16xf32>,
          %add3A_726 = arith.constant 0 : i32
          %add3A_727 = arith.addi %add3A_726, %scan3A_710 : i32
          %swap3A_728 = arith.constant 0 : i32
          %swap3A_729 = arith.constant 0 : i32
          %swap3A_730 = tpu.memref_slice %arg12[%scan3A_170, %swap3A_728, %swap3A_729] : memref<2x128x128xf32, #tpu.memory_space<vmem>> -> memref<1x128x128xf32, #tpu.memory_space<vmem>>
          %swap3A_731 = tpu.memref_squeeze %swap3A_730 : memref<1x128x128xf32, #tpu.memory_space<vmem>> -> memref<128x128xf32, #tpu.memory_space<vmem>>
          %swap3A_732 = arith.index_cast %add3A_727 : i32 to index
          %swap3A_733 = arith.constant 16 : index
          %swap3A_734 = tpu.vector_load %swap3A_731[%swap3A_732, %swap3A_733] {strides = array<i32>} : memref<128x128xf32, #tpu.memory_space<vmem>>, vector<16xf32>,
          tpu.vector_store %swap3A_731[%swap3A_732, %swap3A_733], %unpack3A_717 {strides = array<i32>} : memref<128x128xf32, #tpu.memory_space<vmem>>, vector<16xf32>,
          %get3A_735 = arith.constant 0 : i32
          %get3A_736 = arith.constant 0 : i32
          %get3A_737 = tpu.memref_slice %arg11[%scan3A_169, %get3A_735, %get3A_736] : memref<2x64x64xi32, #tpu.memory_space<vmem>> -> memref<1x64x64xi32, #tpu.memory_space<vmem>>
          %get3A_738 = tpu.memref_squeeze %get3A_737 : memref<1x64x64xi32, #tpu.memory_space<vmem>> -> memref<64x64xi32, #tpu.memory_space<vmem>>
          %get3A_739 = arith.index_cast %scan3A_710 : i32 to index
          %get3A_740 = arith.constant 16 : index
          %get3A_741 = tpu.vector_load %get3A_738[%get3A_739, %get3A_740] {strides = array<i32>} : memref<64x64xi32, #tpu.memory_space<vmem>>, vector<16xi32>,
          %bitcast3A_742 = vector.bitcast %get3A_741 : vector<16xi32> to vector<32xbf16>
          %unpack3A_743 = tpu.unpack_subelements %bitcast3A_742, 0 {pack_format = #tpu.pack_format<interleaved>} : vector<32xbf16> -> vector<16xf32>
          %unpack3A_744 = tpu.unpack_subelements %bitcast3A_742, 1 {pack_format = #tpu.pack_format<interleaved>} : vector<32xbf16> -> vector<16xf32>
          %add3A_745 = arith.constant 0 : i32
          %add3A_746 = arith.addi %add3A_745, %scan3A_710 : i32
          %swap3A_747 = arith.constant 0 : i32
          %swap3A_748 = arith.constant 0 : i32
          %swap3A_749 = tpu.memref_slice %arg12[%scan3A_170, %swap3A_747, %swap3A_748] : memref<2x128x128xf32, #tpu.memory_space<vmem>> -> memref<1x128x128xf32, #tpu.memory_space<vmem>>
          %swap3A_750 = tpu.memref_squeeze %swap3A_749 : memref<1x128x128xf32, #tpu.memory_space<vmem>> -> memref<128x128xf32, #tpu.memory_space<vmem>>
          %swap3A_751 = arith.index_cast %add3A_746 : i32 to index
          %swap3A_752 = arith.constant 32 : index
          %swap3A_753 = tpu.vector_load %swap3A_750[%swap3A_751, %swap3A_752] {strides = array<i32>} : memref<128x128xf32, #tpu.memory_space<vmem>>, vector<16xf32>,
          tpu.vector_store %swap3A_750[%swap3A_751, %swap3A_752], %unpack3A_743 {strides = array<i32>} : memref<128x128xf32, #tpu.memory_space<vmem>>, vector<16xf32>,
          %add3A_754 = arith.constant 0 : i32
          %add3A_755 = arith.addi %add3A_754, %scan3A_710 : i32
          %swap3A_756 = arith.constant 0 : i32
          %swap3A_757 = arith.constant 0 : i32
          %swap3A_758 = tpu.memref_slice %arg12[%scan3A_170, %swap3A_756, %swap3A_757] : memref<2x128x128xf32, #tpu.memory_space<vmem>> -> memref<1x128x128xf32, #tpu.memory_space<vmem>>
          %swap3A_759 = tpu.memref_squeeze %swap3A_758 : memref<1x128x128xf32, #tpu.memory_space<vmem>> -> memref<128x128xf32, #tpu.memory_space<vmem>>
          %swap3A_760 = arith.index_cast %add3A_755 : i32 to index
          %swap3A_761 = arith.constant 48 : index
          %swap3A_762 = tpu.vector_load %swap3A_759[%swap3A_760, %swap3A_761] {strides = array<i32>} : memref<128x128xf32, #tpu.memory_space<vmem>>, vector<16xf32>,
          tpu.vector_store %swap3A_759[%swap3A_760, %swap3A_761], %unpack3A_744 {strides = array<i32>} : memref<128x128xf32, #tpu.memory_space<vmem>>, vector<16xf32>,
          %get3A_763 = arith.constant 0 : i32
          %get3A_764 = arith.constant 0 : i32
          %get3A_765 = tpu.memref_slice %arg11[%scan3A_169, %get3A_763, %get3A_764] : memref<2x64x64xi32, #tpu.memory_space<vmem>> -> memref<1x64x64xi32, #tpu.memory_space<vmem>>
          %get3A_766 = tpu.memref_squeeze %get3A_765 : memref<1x64x64xi32, #tpu.memory_space<vmem>> -> memref<64x64xi32, #tpu.memory_space<vmem>>
          %get3A_767 = arith.index_cast %scan3A_710 : i32 to index
          %get3A_768 = arith.constant 32 : index
          %get3A_769 = tpu.vector_load %get3A_766[%get3A_767, %get3A_768] {strides = array<i32>} : memref<64x64xi32, #tpu.memory_space<vmem>>, vector<16xi32>,
          %bitcast3A_770 = vector.bitcast %get3A_769 : vector<16xi32> to vector<32xbf16>
          %unpack3A_771 = tpu.unpack_subelements %bitcast3A_770, 0 {pack_format = #tpu.pack_format<interleaved>} : vector<32xbf16> -> vector<16xf32>
          %unpack3A_772 = tpu.unpack_subelements %bitcast3A_770, 1 {pack_format = #tpu.pack_format<interleaved>} : vector<32xbf16> -> vector<16xf32>
          %add3A_773 = arith.constant 0 : i32
          %add3A_774 = arith.addi %add3A_773, %scan3A_710 : i32
          %swap3A_775 = arith.constant 0 : i32
          %swap3A_776 = arith.constant 0 : i32
          %swap3A_777 = tpu.memref_slice %arg12[%scan3A_170, %swap3A_775, %swap3A_776] : memref<2x128x128xf32, #tpu.memory_space<vmem>> -> memref<1x128x128xf32, #tpu.memory_space<vmem>>
          %swap3A_778 = tpu.memref_squeeze %swap3A_777 : memref<1x128x128xf32, #tpu.memory_space<vmem>> -> memref<128x128xf32, #tpu.memory_space<vmem>>
          %swap3A_779 = arith.index_cast %add3A_774 : i32 to index
          %swap3A_780 = arith.constant 64 : index
          %swap3A_781 = tpu.vector_load %swap3A_778[%swap3A_779, %swap3A_780] {strides = array<i32>} : memref<128x128xf32, #tpu.memory_space<vmem>>, vector<16xf32>,
          tpu.vector_store %swap3A_778[%swap3A_779, %swap3A_780], %unpack3A_771 {strides = array<i32>} : memref<128x128xf32, #tpu.memory_space<vmem>>, vector<16xf32>,
          %add3A_782 = arith.constant 0 : i32
          %add3A_783 = arith.addi %add3A_782, %scan3A_710 : i32
          %swap3A_784 = arith.constant 0 : i32
          %swap3A_785 = arith.constant 0 : i32
          %swap3A_786 = tpu.memref_slice %arg12[%scan3A_170, %swap3A_784, %swap3A_785] : memref<2x128x128xf32, #tpu.memory_space<vmem>> -> memref<1x128x128xf32, #tpu.memory_space<vmem>>
          %swap3A_787 = tpu.memref_squeeze %swap3A_786 : memref<1x128x128xf32, #tpu.memory_space<vmem>> -> memref<128x128xf32, #tpu.memory_space<vmem>>
          %swap3A_788 = arith.index_cast %add3A_783 : i32 to index
          %swap3A_789 = arith.constant 80 : index
          %swap3A_790 = tpu.vector_load %swap3A_787[%swap3A_788, %swap3A_789] {strides = array<i32>} : memref<128x128xf32, #tpu.memory_space<vmem>>, vector<16xf32>,
          tpu.vector_store %swap3A_787[%swap3A_788, %swap3A_789], %unpack3A_772 {strides = array<i32>} : memref<128x128xf32, #tpu.memory_space<vmem>>, vector<16xf32>,
          %get3A_791 = arith.constant 0 : i32
          %get3A_792 = arith.constant 0 : i32
          %get3A_793 = tpu.memref_slice %arg11[%scan3A_169, %get3A_791, %get3A_792] : memref<2x64x64xi32, #tpu.memory_space<vmem>> -> memref<1x64x64xi32, #tpu.memory_space<vmem>>
          %get3A_794 = tpu.memref_squeeze %get3A_793 : memref<1x64x64xi32, #tpu.memory_space<vmem>> -> memref<64x64xi32, #tpu.memory_space<vmem>>
          %get3A_795 = arith.index_cast %scan3A_710 : i32 to index
          %get3A_796 = arith.constant 48 : index
          %get3A_797 = tpu.vector_load %get3A_794[%get3A_795, %get3A_796] {strides = array<i32>} : memref<64x64xi32, #tpu.memory_space<vmem>>, vector<16xi32>,
          %bitcast3A_798 = vector.bitcast %get3A_797 : vector<16xi32> to vector<32xbf16>
          %unpack3A_799 = tpu.unpack_subelements %bitcast3A_798, 0 {pack_format = #tpu.pack_format<interleaved>} : vector<32xbf16> -> vector<16xf32>
          %unpack3A_800 = tpu.unpack_subelements %bitcast3A_798, 1 {pack_format = #tpu.pack_format<interleaved>} : vector<32xbf16> -> vector<16xf32>
          %add3A_801 = arith.constant 0 : i32
          %add3A_802 = arith.addi %add3A_801, %scan3A_710 : i32
          %swap3A_803 = arith.constant 0 : i32
          %swap3A_804 = arith.constant 0 : i32
          %swap3A_805 = tpu.memref_slice %arg12[%scan3A_170, %swap3A_803, %swap3A_804] : memref<2x128x128xf32, #tpu.memory_space<vmem>> -> memref<1x128x128xf32, #tpu.memory_space<vmem>>
          %swap3A_806 = tpu.memref_squeeze %swap3A_805 : memref<1x128x128xf32, #tpu.memory_space<vmem>> -> memref<128x128xf32, #tpu.memory_space<vmem>>
          %swap3A_807 = arith.index_cast %add3A_802 : i32 to index
          %swap3A_808 = arith.constant 96 : index
          %swap3A_809 = tpu.vector_load %swap3A_806[%swap3A_807, %swap3A_808] {strides = array<i32>} : memref<128x128xf32, #tpu.memory_space<vmem>>, vector<16xf32>,
          tpu.vector_store %swap3A_806[%swap3A_807, %swap3A_808], %unpack3A_799 {strides = array<i32>} : memref<128x128xf32, #tpu.memory_space<vmem>>, vector<16xf32>,
          %add3A_810 = arith.constant 0 : i32
          %add3A_811 = arith.addi %add3A_810, %scan3A_710 : i32
          %swap3A_812 = arith.constant 0 : i32
          %swap3A_813 = arith.constant 0 : i32
          %swap3A_814 = tpu.memref_slice %arg12[%scan3A_170, %swap3A_812, %swap3A_813] : memref<2x128x128xf32, #tpu.memory_space<vmem>> -> memref<1x128x128xf32, #tpu.memory_space<vmem>>
          %swap3A_815 = tpu.memref_squeeze %swap3A_814 : memref<1x128x128xf32, #tpu.memory_space<vmem>> -> memref<128x128xf32, #tpu.memory_space<vmem>>
          %swap3A_816 = arith.index_cast %add3A_811 : i32 to index
          %swap3A_817 = arith.constant 112 : index
          %swap3A_818 = tpu.vector_load %swap3A_815[%swap3A_816, %swap3A_817] {strides = array<i32>} : memref<128x128xf32, #tpu.memory_space<vmem>>, vector<16xf32>,
          tpu.vector_store %swap3A_815[%swap3A_816, %swap3A_817], %unpack3A_800 {strides = array<i32>} : memref<128x128xf32, #tpu.memory_space<vmem>>, vector<16xf32>,
        }
        %scan3A_175 = arith.constant 64 : i32
        %dma_start3A_176 = arith.constant 0 : i32
        %dma_start3A_177 = arith.constant 0 : i32
        %dma_start3A_178 = arith.constant 0 : i32
        %dma_start3A_179 = tpu.memref_slice %arg11[%dma_start3A_176, %dma_start3A_177, %dma_start3A_178] : memref<2x64x64xi32, #tpu.memory_space<vmem>> -> memref<1x64x64xi32, #tpu.memory_space<vmem>>
        %dma_start3A_180 = tpu.memref_squeeze %dma_start3A_179 : memref<1x64x64xi32, #tpu.memory_space<vmem>> -> memref<64x64xi32, #tpu.memory_space<vmem>>
        %dma_start3A_181 = arith.constant 256 : i32
        %dma_start3A_182 = tpu.memref_slice %arg9[%dma_start3A_181] : memref<1024xi32, #tpu.memory_space<vmem>> -> memref<64xi32, #tpu.memory_space<vmem>>
        %dma_start3A_183 = arith.constant 0 : i32
        %dma_start3A_184 = arith.constant 0 : i32
        %dma_start3A_185 = tpu.memref_slice %arg4[%dma_start3A_183, %dma_start3A_184] : memref<10000x64xi32, #tpu.memory_space<hbm>> -> memref<10000x64xi32, #tpu.memory_space<hbm>>
        tpu.enqueue_indirect_dma source(%dma_start3A_185 : memref<10000x64xi32, #tpu.memory_space<hbm>>) target(%dma_start3A_180 : memref<64x64xi32, #tpu.memory_space<vmem>>) offsets(%dma_start3A_182 : memref<64xi32, #tpu.memory_space<vmem>>) semaphore(%arg14 : memref<!tpu.dma_semaphore, #tpu.memory_space<semaphore_mem>>)
        %dma_wait3A_186 = arith.constant 1 : i32
        %dma_wait3A_187 = arith.constant 0 : i32
        %dma_wait3A_188 = arith.constant 0 : i32
        %dma_wait3A_189 = tpu.memref_slice %arg11[%dma_wait3A_186, %dma_wait3A_187, %dma_wait3A_188] : memref<2x64x64xi32, #tpu.memory_space<vmem>> -> memref<1x64x64xi32, #tpu.memory_space<vmem>>
        %dma_wait3A_190 = tpu.memref_squeeze %dma_wait3A_189 : memref<1x64x64xi32, #tpu.memory_space<vmem>> -> memref<64x64xi32, #tpu.memory_space<vmem>>
        %dma_wait3A_191 = arith.constant 192 : i32
        %dma_wait3A_192 = tpu.memref_slice %arg9[%dma_wait3A_191] : memref<1024xi32, #tpu.memory_space<vmem>> -> memref<64xi32, #tpu.memory_space<vmem>>
        %dma_wait3A_193 = arith.constant 0 : i32
        %dma_wait3A_194 = arith.constant 0 : i32
        %dma_wait3A_195 = tpu.memref_slice %arg4[%dma_wait3A_193, %dma_wait3A_194] : memref<10000x64xi32, #tpu.memory_space<hbm>> -> memref<10000x64xi32, #tpu.memory_space<hbm>>
        tpu.wait_indirect_dma semaphore(%arg15 : memref<!tpu.dma_semaphore, #tpu.memory_space<semaphore_mem>>) src(%dma_wait3A_195 : memref<10000x64xi32, #tpu.memory_space<hbm>>) dst(%dma_wait3A_190 : memref<64x64xi32, #tpu.memory_space<vmem>>)
        %scan3A_196 = arith.constant 0 : i32
        %scan3A_197 = arith.constant 1 : i32
        %scan3A_198 = arith.constant 1 : i32
        %scan3A_199 = arith.constant 0 : i32
        %scan3A_200 = arith.constant 64 : i32
        %scan3A_201 = arith.addi %scan3A_199, %scan3A_200 : i32
        %scan3A_202 = arith.constant 1 : i32
        scf.for %scan3A_710 = %scan3A_199 to %scan3A_201 step %scan3A_202  : i32 {
          %get3A = arith.constant 0 : i32
          %get3A_711 = arith.constant 0 : i32
          %get3A_712 = tpu.memref_slice %arg11[%scan3A_197, %get3A, %get3A_711] : memref<2x64x64xi32, #tpu.memory_space<vmem>> -> memref<1x64x64xi32, #tpu.memory_space<vmem>>
          %get3A_713 = tpu.memref_squeeze %get3A_712 : memref<1x64x64xi32, #tpu.memory_space<vmem>> -> memref<64x64xi32, #tpu.memory_space<vmem>>
          %get3A_714 = arith.index_cast %scan3A_710 : i32 to index
          %get3A_715 = arith.constant 0 : index
          %get3A_716 = tpu.vector_load %get3A_713[%get3A_714, %get3A_715] {strides = array<i32>} : memref<64x64xi32, #tpu.memory_space<vmem>>, vector<16xi32>,
          %bitcast3A = vector.bitcast %get3A_716 : vector<16xi32> to vector<32xbf16>
          %unpack3A = tpu.unpack_subelements %bitcast3A, 0 {pack_format = #tpu.pack_format<interleaved>} : vector<32xbf16> -> vector<16xf32>
          %unpack3A_717 = tpu.unpack_subelements %bitcast3A, 1 {pack_format = #tpu.pack_format<interleaved>} : vector<32xbf16> -> vector<16xf32>
          %add3A_718 = arith.constant 64 : i32
          %add3A_719 = arith.addi %add3A_718, %scan3A_710 : i32
          %swap3A = arith.constant 0 : i32
          %swap3A_720 = arith.constant 0 : i32
          %swap3A_721 = tpu.memref_slice %arg12[%scan3A_198, %swap3A, %swap3A_720] : memref<2x128x128xf32, #tpu.memory_space<vmem>> -> memref<1x128x128xf32, #tpu.memory_space<vmem>>
          %swap3A_722 = tpu.memref_squeeze %swap3A_721 : memref<1x128x128xf32, #tpu.memory_space<vmem>> -> memref<128x128xf32, #tpu.memory_space<vmem>>
          %swap3A_723 = arith.index_cast %add3A_719 : i32 to index
          %swap3A_724 = arith.constant 0 : index
          %swap3A_725 = tpu.vector_load %swap3A_722[%swap3A_723, %swap3A_724] {strides = array<i32>} : memref<128x128xf32, #tpu.memory_space<vmem>>, vector<16xf32>,
          tpu.vector_store %swap3A_722[%swap3A_723, %swap3A_724], %unpack3A {strides = array<i32>} : memref<128x128xf32, #tpu.memory_space<vmem>>, vector<16xf32>,
          %add3A_726 = arith.constant 64 : i32
          %add3A_727 = arith.addi %add3A_726, %scan3A_710 : i32
          %swap3A_728 = arith.constant 0 : i32
          %swap3A_729 = arith.constant 0 : i32
          %swap3A_730 = tpu.memref_slice %arg12[%scan3A_198, %swap3A_728, %swap3A_729] : memref<2x128x128xf32, #tpu.memory_space<vmem>> -> memref<1x128x128xf32, #tpu.memory_space<vmem>>
          %swap3A_731 = tpu.memref_squeeze %swap3A_730 : memref<1x128x128xf32, #tpu.memory_space<vmem>> -> memref<128x128xf32, #tpu.memory_space<vmem>>
          %swap3A_732 = arith.index_cast %add3A_727 : i32 to index
          %swap3A_733 = arith.constant 16 : index
          %swap3A_734 = tpu.vector_load %swap3A_731[%swap3A_732, %swap3A_733] {strides = array<i32>} : memref<128x128xf32, #tpu.memory_space<vmem>>, vector<16xf32>,
          tpu.vector_store %swap3A_731[%swap3A_732, %swap3A_733], %unpack3A_717 {strides = array<i32>} : memref<128x128xf32, #tpu.memory_space<vmem>>, vector<16xf32>,
          %get3A_735 = arith.constant 0 : i32
          %get3A_736 = arith.constant 0 : i32
          %get3A_737 = tpu.memref_slice %arg11[%scan3A_197, %get3A_735, %get3A_736] : memref<2x64x64xi32, #tpu.memory_space<vmem>> -> memref<1x64x64xi32, #tpu.memory_space<vmem>>
          %get3A_738 = tpu.memref_squeeze %get3A_737 : memref<1x64x64xi32, #tpu.memory_space<vmem>> -> memref<64x64xi32, #tpu.memory_space<vmem>>
          %get3A_739 = arith.index_cast %scan3A_710 : i32 to index
          %get3A_740 = arith.constant 16 : index
          %get3A_741 = tpu.vector_load %get3A_738[%get3A_739, %get3A_740] {strides = array<i32>} : memref<64x64xi32, #tpu.memory_space<vmem>>, vector<16xi32>,
          %bitcast3A_742 = vector.bitcast %get3A_741 : vector<16xi32> to vector<32xbf16>
          %unpack3A_743 = tpu.unpack_subelements %bitcast3A_742, 0 {pack_format = #tpu.pack_format<interleaved>} : vector<32xbf16> -> vector<16xf32>
          %unpack3A_744 = tpu.unpack_subelements %bitcast3A_742, 1 {pack_format = #tpu.pack_format<interleaved>} : vector<32xbf16> -> vector<16xf32>
          %add3A_745 = arith.constant 64 : i32
          %add3A_746 = arith.addi %add3A_745, %scan3A_710 : i32
          %swap3A_747 = arith.constant 0 : i32
          %swap3A_748 = arith.constant 0 : i32
          %swap3A_749 = tpu.memref_slice %arg12[%scan3A_198, %swap3A_747, %swap3A_748] : memref<2x128x128xf32, #tpu.memory_space<vmem>> -> memref<1x128x128xf32, #tpu.memory_space<vmem>>
          %swap3A_750 = tpu.memref_squeeze %swap3A_749 : memref<1x128x128xf32, #tpu.memory_space<vmem>> -> memref<128x128xf32, #tpu.memory_space<vmem>>
          %swap3A_751 = arith.index_cast %add3A_746 : i32 to index
          %swap3A_752 = arith.constant 32 : index
          %swap3A_753 = tpu.vector_load %swap3A_750[%swap3A_751, %swap3A_752] {strides = array<i32>} : memref<128x128xf32, #tpu.memory_space<vmem>>, vector<16xf32>,
          tpu.vector_store %swap3A_750[%swap3A_751, %swap3A_752], %unpack3A_743 {strides = array<i32>} : memref<128x128xf32, #tpu.memory_space<vmem>>, vector<16xf32>,
          %add3A_754 = arith.constant 64 : i32
          %add3A_755 = arith.addi %add3A_754, %scan3A_710 : i32
          %swap3A_756 = arith.constant 0 : i32
          %swap3A_757 = arith.constant 0 : i32
          %swap3A_758 = tpu.memref_slice %arg12[%scan3A_198, %swap3A_756, %swap3A_757] : memref<2x128x128xf32, #tpu.memory_space<vmem>> -> memref<1x128x128xf32, #tpu.memory_space<vmem>>
          %swap3A_759 = tpu.memref_squeeze %swap3A_758 : memref<1x128x128xf32, #tpu.memory_space<vmem>> -> memref<128x128xf32, #tpu.memory_space<vmem>>
          %swap3A_760 = arith.index_cast %add3A_755 : i32 to index
          %swap3A_761 = arith.constant 48 : index
          %swap3A_762 = tpu.vector_load %swap3A_759[%swap3A_760, %swap3A_761] {strides = array<i32>} : memref<128x128xf32, #tpu.memory_space<vmem>>, vector<16xf32>,
          tpu.vector_store %swap3A_759[%swap3A_760, %swap3A_761], %unpack3A_744 {strides = array<i32>} : memref<128x128xf32, #tpu.memory_space<vmem>>, vector<16xf32>,
          %get3A_763 = arith.constant 0 : i32
          %get3A_764 = arith.constant 0 : i32
          %get3A_765 = tpu.memref_slice %arg11[%scan3A_197, %get3A_763, %get3A_764] : memref<2x64x64xi32, #tpu.memory_space<vmem>> -> memref<1x64x64xi32, #tpu.memory_space<vmem>>
          %get3A_766 = tpu.memref_squeeze %get3A_765 : memref<1x64x64xi32, #tpu.memory_space<vmem>> -> memref<64x64xi32, #tpu.memory_space<vmem>>
          %get3A_767 = arith.index_cast %scan3A_710 : i32 to index
          %get3A_768 = arith.constant 32 : index
          %get3A_769 = tpu.vector_load %get3A_766[%get3A_767, %get3A_768] {strides = array<i32>} : memref<64x64xi32, #tpu.memory_space<vmem>>, vector<16xi32>,
          %bitcast3A_770 = vector.bitcast %get3A_769 : vector<16xi32> to vector<32xbf16>
          %unpack3A_771 = tpu.unpack_subelements %bitcast3A_770, 0 {pack_format = #tpu.pack_format<interleaved>} : vector<32xbf16> -> vector<16xf32>
          %unpack3A_772 = tpu.unpack_subelements %bitcast3A_770, 1 {pack_format = #tpu.pack_format<interleaved>} : vector<32xbf16> -> vector<16xf32>
          %add3A_773 = arith.constant 64 : i32
          %add3A_774 = arith.addi %add3A_773, %scan3A_710 : i32
          %swap3A_775 = arith.constant 0 : i32
          %swap3A_776 = arith.constant 0 : i32
          %swap3A_777 = tpu.memref_slice %arg12[%scan3A_198, %swap3A_775, %swap3A_776] : memref<2x128x128xf32, #tpu.memory_space<vmem>> -> memref<1x128x128xf32, #tpu.memory_space<vmem>>
          %swap3A_778 = tpu.memref_squeeze %swap3A_777 : memref<1x128x128xf32, #tpu.memory_space<vmem>> -> memref<128x128xf32, #tpu.memory_space<vmem>>
          %swap3A_779 = arith.index_cast %add3A_774 : i32 to index
          %swap3A_780 = arith.constant 64 : index
          %swap3A_781 = tpu.vector_load %swap3A_778[%swap3A_779, %swap3A_780] {strides = array<i32>} : memref<128x128xf32, #tpu.memory_space<vmem>>, vector<16xf32>,
          tpu.vector_store %swap3A_778[%swap3A_779, %swap3A_780], %unpack3A_771 {strides = array<i32>} : memref<128x128xf32, #tpu.memory_space<vmem>>, vector<16xf32>,
          %add3A_782 = arith.constant 64 : i32
          %add3A_783 = arith.addi %add3A_782, %scan3A_710 : i32
          %swap3A_784 = arith.constant 0 : i32
          %swap3A_785 = arith.constant 0 : i32
          %swap3A_786 = tpu.memref_slice %arg12[%scan3A_198, %swap3A_784, %swap3A_785] : memref<2x128x128xf32, #tpu.memory_space<vmem>> -> memref<1x128x128xf32, #tpu.memory_space<vmem>>
          %swap3A_787 = tpu.memref_squeeze %swap3A_786 : memref<1x128x128xf32, #tpu.memory_space<vmem>> -> memref<128x128xf32, #tpu.memory_space<vmem>>
          %swap3A_788 = arith.index_cast %add3A_783 : i32 to index
          %swap3A_789 = arith.constant 80 : index
          %swap3A_790 = tpu.vector_load %swap3A_787[%swap3A_788, %swap3A_789] {strides = array<i32>} : memref<128x128xf32, #tpu.memory_space<vmem>>, vector<16xf32>,
          tpu.vector_store %swap3A_787[%swap3A_788, %swap3A_789], %unpack3A_772 {strides = array<i32>} : memref<128x128xf32, #tpu.memory_space<vmem>>, vector<16xf32>,
          %get3A_791 = arith.constant 0 : i32
          %get3A_792 = arith.constant 0 : i32
          %get3A_793 = tpu.memref_slice %arg11[%scan3A_197, %get3A_791, %get3A_792] : memref<2x64x64xi32, #tpu.memory_space<vmem>> -> memref<1x64x64xi32, #tpu.memory_space<vmem>>
          %get3A_794 = tpu.memref_squeeze %get3A_793 : memref<1x64x64xi32, #tpu.memory_space<vmem>> -> memref<64x64xi32, #tpu.memory_space<vmem>>
          %get3A_795 = arith.index_cast %scan3A_710 : i32 to index
          %get3A_796 = arith.constant 48 : index
          %get3A_797 = tpu.vector_load %get3A_794[%get3A_795, %get3A_796] {strides = array<i32>} : memref<64x64xi32, #tpu.memory_space<vmem>>, vector<16xi32>,
          %bitcast3A_798 = vector.bitcast %get3A_797 : vector<16xi32> to vector<32xbf16>
          %unpack3A_799 = tpu.unpack_subelements %bitcast3A_798, 0 {pack_format = #tpu.pack_format<interleaved>} : vector<32xbf16> -> vector<16xf32>
          %unpack3A_800 = tpu.unpack_subelements %bitcast3A_798, 1 {pack_format = #tpu.pack_format<interleaved>} : vector<32xbf16> -> vector<16xf32>
          %add3A_801 = arith.constant 64 : i32
          %add3A_802 = arith.addi %add3A_801, %scan3A_710 : i32
          %swap3A_803 = arith.constant 0 : i32
          %swap3A_804 = arith.constant 0 : i32
          %swap3A_805 = tpu.memref_slice %arg12[%scan3A_198, %swap3A_803, %swap3A_804] : memref<2x128x128xf32, #tpu.memory_space<vmem>> -> memref<1x128x128xf32, #tpu.memory_space<vmem>>
          %swap3A_806 = tpu.memref_squeeze %swap3A_805 : memref<1x128x128xf32, #tpu.memory_space<vmem>> -> memref<128x128xf32, #tpu.memory_space<vmem>>
          %swap3A_807 = arith.index_cast %add3A_802 : i32 to index
          %swap3A_808 = arith.constant 96 : index
          %swap3A_809 = tpu.vector_load %swap3A_806[%swap3A_807, %swap3A_808] {strides = array<i32>} : memref<128x128xf32, #tpu.memory_space<vmem>>, vector<16xf32>,
          tpu.vector_store %swap3A_806[%swap3A_807, %swap3A_808], %unpack3A_799 {strides = array<i32>} : memref<128x128xf32, #tpu.memory_space<vmem>>, vector<16xf32>,
          %add3A_810 = arith.constant 64 : i32
          %add3A_811 = arith.addi %add3A_810, %scan3A_710 : i32
          %swap3A_812 = arith.constant 0 : i32
          %swap3A_813 = arith.constant 0 : i32
          %swap3A_814 = tpu.memref_slice %arg12[%scan3A_198, %swap3A_812, %swap3A_813] : memref<2x128x128xf32, #tpu.memory_space<vmem>> -> memref<1x128x128xf32, #tpu.memory_space<vmem>>
          %swap3A_815 = tpu.memref_squeeze %swap3A_814 : memref<1x128x128xf32, #tpu.memory_space<vmem>> -> memref<128x128xf32, #tpu.memory_space<vmem>>
          %swap3A_816 = arith.index_cast %add3A_811 : i32 to index
          %swap3A_817 = arith.constant 112 : index
          %swap3A_818 = tpu.vector_load %swap3A_815[%swap3A_816, %swap3A_817] {strides = array<i32>} : memref<128x128xf32, #tpu.memory_space<vmem>>, vector<16xf32>,
          tpu.vector_store %swap3A_815[%swap3A_816, %swap3A_817], %unpack3A_800 {strides = array<i32>} : memref<128x128xf32, #tpu.memory_space<vmem>>, vector<16xf32>,
        }
        %scan3A_203 = arith.constant 64 : i32
        %dma_start3A_204 = arith.constant 1 : i32
        %dma_start3A_205 = arith.constant 0 : i32
        %dma_start3A_206 = arith.constant 0 : i32
        %dma_start3A_207 = tpu.memref_slice %arg11[%dma_start3A_204, %dma_start3A_205, %dma_start3A_206] : memref<2x64x64xi32, #tpu.memory_space<vmem>> -> memref<1x64x64xi32, #tpu.memory_space<vmem>>
        %dma_start3A_208 = tpu.memref_squeeze %dma_start3A_207 : memref<1x64x64xi32, #tpu.memory_space<vmem>> -> memref<64x64xi32, #tpu.memory_space<vmem>>
        %dma_start3A_209 = arith.constant 320 : i32
        %dma_start3A_210 = tpu.memref_slice %arg9[%dma_start3A_209] : memref<1024xi32, #tpu.memory_space<vmem>> -> memref<64xi32, #tpu.memory_space<vmem>>
        %dma_start3A_211 = arith.constant 0 : i32
        %dma_start3A_212 = arith.constant 0 : i32
        %dma_start3A_213 = tpu.memref_slice %arg4[%dma_start3A_211, %dma_start3A_212] : memref<10000x64xi32, #tpu.memory_space<hbm>> -> memref<10000x64xi32, #tpu.memory_space<hbm>>
        tpu.enqueue_indirect_dma source(%dma_start3A_213 : memref<10000x64xi32, #tpu.memory_space<hbm>>) target(%dma_start3A_208 : memref<64x64xi32, #tpu.memory_space<vmem>>) offsets(%dma_start3A_210 : memref<64xi32, #tpu.memory_space<vmem>>) semaphore(%arg15 : memref<!tpu.dma_semaphore, #tpu.memory_space<semaphore_mem>>)
        %dma_start3A_214 = arith.constant 1 : i32
        %dma_start3A_215 = arith.constant 1 : i32
        %dma_start3A_216 = arith.constant 0 : i32
        %dma_start3A_217 = arith.constant 0 : i32
        %dma_start3A_218 = tpu.memref_slice %arg12[%dma_start3A_214, %dma_start3A_216, %dma_start3A_217] : memref<2x128x128xf32, #tpu.memory_space<vmem>> -> memref<1x128x128xf32, #tpu.memory_space<vmem>>
        %dma_start3A_219 = tpu.memref_squeeze %dma_start3A_218 : memref<1x128x128xf32, #tpu.memory_space<vmem>> -> memref<128x128xf32, #tpu.memory_space<vmem>>
        %dma_start3A_220 = arith.constant 0 : i32
        %dma_start3A_221 = tpu.memref_slice %arg10[%dma_start3A_215, %dma_start3A_220] : memref<8x128xi32, #tpu.memory_space<vmem>> -> memref<1x128xi32, #tpu.memory_space<vmem>>
        %dma_start3A_222 = tpu.memref_squeeze %dma_start3A_221 : memref<1x128xi32, #tpu.memory_space<vmem>> -> memref<128xi32, #tpu.memory_space<vmem>>
        %dma_start3A_223 = arith.constant 0 : i32
        %dma_start3A_224 = arith.constant 0 : i32
        %dma_start3A_225 = tpu.memref_slice %arg8[%dma_start3A_223, %dma_start3A_224] : memref<10240x128xf32, #tpu.memory_space<vmem_shared>> -> memref<10240x128xf32, #tpu.memory_space<vmem_shared>>
        tpu.enqueue_indirect_dma source(%dma_start3A_219 : memref<128x128xf32, #tpu.memory_space<vmem>>) target(%dma_start3A_225 : memref<10240x128xf32, #tpu.memory_space<vmem_shared>>) offsets(%dma_start3A_222 : memref<128xi32, #tpu.memory_space<vmem>>) semaphore(%arg17 : memref<!tpu.dma_semaphore, #tpu.memory_space<semaphore_mem>>) {add = true}
        %dma_wait3A_226 = arith.constant 0 : i32
        %dma_wait3A_227 = arith.constant 0 : i32
        %dma_wait3A_228 = arith.constant 0 : i32
        %dma_wait3A_229 = arith.constant 0 : i32
        %dma_wait3A_230 = tpu.memref_slice %arg12[%dma_wait3A_226, %dma_wait3A_228, %dma_wait3A_229] : memref<2x128x128xf32, #tpu.memory_space<vmem>> -> memref<1x128x128xf32, #tpu.memory_space<vmem>>
        %dma_wait3A_231 = tpu.memref_squeeze %dma_wait3A_230 : memref<1x128x128xf32, #tpu.memory_space<vmem>> -> memref<128x128xf32, #tpu.memory_space<vmem>>
        %dma_wait3A_232 = arith.constant 0 : i32
        %dma_wait3A_233 = tpu.memref_slice %arg10[%dma_wait3A_227, %dma_wait3A_232] : memref<8x128xi32, #tpu.memory_space<vmem>> -> memref<1x128xi32, #tpu.memory_space<vmem>>
        %dma_wait3A_234 = tpu.memref_squeeze %dma_wait3A_233 : memref<1x128xi32, #tpu.memory_space<vmem>> -> memref<128xi32, #tpu.memory_space<vmem>>
        %dma_wait3A_235 = arith.constant 0 : i32
        %dma_wait3A_236 = arith.constant 0 : i32
        %dma_wait3A_237 = tpu.memref_slice %arg8[%dma_wait3A_235, %dma_wait3A_236] : memref<10240x128xf32, #tpu.memory_space<vmem_shared>> -> memref<10240x128xf32, #tpu.memory_space<vmem_shared>>
        tpu.wait_indirect_dma semaphore(%arg16 : memref<!tpu.dma_semaphore, #tpu.memory_space<semaphore_mem>>) src(%dma_wait3A_231 : memref<128x128xf32, #tpu.memory_space<vmem>>) dst(%dma_wait3A_237 : memref<10240x128xf32, #tpu.memory_space<vmem_shared>>)
        %dma_wait3A_238 = arith.constant 0 : i32
        %dma_wait3A_239 = arith.constant 0 : i32
        %dma_wait3A_240 = arith.constant 0 : i32
        %dma_wait3A_241 = tpu.memref_slice %arg11[%dma_wait3A_238, %dma_wait3A_239, %dma_wait3A_240] : memref<2x64x64xi32, #tpu.memory_space<vmem>> -> memref<1x64x64xi32, #tpu.memory_space<vmem>>
        %dma_wait3A_242 = tpu.memref_squeeze %dma_wait3A_241 : memref<1x64x64xi32, #tpu.memory_space<vmem>> -> memref<64x64xi32, #tpu.memory_space<vmem>>
        %dma_wait3A_243 = arith.constant 256 : i32
        %dma_wait3A_244 = tpu.memref_slice %arg9[%dma_wait3A_243] : memref<1024xi32, #tpu.memory_space<vmem>> -> memref<64xi32, #tpu.memory_space<vmem>>
        %dma_wait3A_245 = arith.constant 0 : i32
        %dma_wait3A_246 = arith.constant 0 : i32
        %dma_wait3A_247 = tpu.memref_slice %arg4[%dma_wait3A_245, %dma_wait3A_246] : memref<10000x64xi32, #tpu.memory_space<hbm>> -> memref<10000x64xi32, #tpu.memory_space<hbm>>
        tpu.wait_indirect_dma semaphore(%arg14 : memref<!tpu.dma_semaphore, #tpu.memory_space<semaphore_mem>>) src(%dma_wait3A_247 : memref<10000x64xi32, #tpu.memory_space<hbm>>) dst(%dma_wait3A_242 : memref<64x64xi32, #tpu.memory_space<vmem>>)
        %scan3A_248 = arith.constant 0 : i32
        %scan3A_249 = arith.constant 0 : i32
        %scan3A_250 = arith.constant 0 : i32
        %scan3A_251 = arith.constant 0 : i32
        %scan3A_252 = arith.constant 64 : i32
        %scan3A_253 = arith.addi %scan3A_251, %scan3A_252 : i32
        %scan3A_254 = arith.constant 1 : i32
        scf.for %scan3A_710 = %scan3A_251 to %scan3A_253 step %scan3A_254  : i32 {
          %get3A = arith.constant 0 : i32
          %get3A_711 = arith.constant 0 : i32
          %get3A_712 = tpu.memref_slice %arg11[%scan3A_249, %get3A, %get3A_711] : memref<2x64x64xi32, #tpu.memory_space<vmem>> -> memref<1x64x64xi32, #tpu.memory_space<vmem>>
          %get3A_713 = tpu.memref_squeeze %get3A_712 : memref<1x64x64xi32, #tpu.memory_space<vmem>> -> memref<64x64xi32, #tpu.memory_space<vmem>>
          %get3A_714 = arith.index_cast %scan3A_710 : i32 to index
          %get3A_715 = arith.constant 0 : index
          %get3A_716 = tpu.vector_load %get3A_713[%get3A_714, %get3A_715] {strides = array<i32>} : memref<64x64xi32, #tpu.memory_space<vmem>>, vector<16xi32>,
          %bitcast3A = vector.bitcast %get3A_716 : vector<16xi32> to vector<32xbf16>
          %unpack3A = tpu.unpack_subelements %bitcast3A, 0 {pack_format = #tpu.pack_format<interleaved>} : vector<32xbf16> -> vector<16xf32>
          %unpack3A_717 = tpu.unpack_subelements %bitcast3A, 1 {pack_format = #tpu.pack_format<interleaved>} : vector<32xbf16> -> vector<16xf32>
          %add3A_718 = arith.constant 0 : i32
          %add3A_719 = arith.addi %add3A_718, %scan3A_710 : i32
          %swap3A = arith.constant 0 : i32
          %swap3A_720 = arith.constant 0 : i32
          %swap3A_721 = tpu.memref_slice %arg12[%scan3A_250, %swap3A, %swap3A_720] : memref<2x128x128xf32, #tpu.memory_space<vmem>> -> memref<1x128x128xf32, #tpu.memory_space<vmem>>
          %swap3A_722 = tpu.memref_squeeze %swap3A_721 : memref<1x128x128xf32, #tpu.memory_space<vmem>> -> memref<128x128xf32, #tpu.memory_space<vmem>>
          %swap3A_723 = arith.index_cast %add3A_719 : i32 to index
          %swap3A_724 = arith.constant 0 : index
          %swap3A_725 = tpu.vector_load %swap3A_722[%swap3A_723, %swap3A_724] {strides = array<i32>} : memref<128x128xf32, #tpu.memory_space<vmem>>, vector<16xf32>,
          tpu.vector_store %swap3A_722[%swap3A_723, %swap3A_724], %unpack3A {strides = array<i32>} : memref<128x128xf32, #tpu.memory_space<vmem>>, vector<16xf32>,
          %add3A_726 = arith.constant 0 : i32
          %add3A_727 = arith.addi %add3A_726, %scan3A_710 : i32
          %swap3A_728 = arith.constant 0 : i32
          %swap3A_729 = arith.constant 0 : i32
          %swap3A_730 = tpu.memref_slice %arg12[%scan3A_250, %swap3A_728, %swap3A_729] : memref<2x128x128xf32, #tpu.memory_space<vmem>> -> memref<1x128x128xf32, #tpu.memory_space<vmem>>
          %swap3A_731 = tpu.memref_squeeze %swap3A_730 : memref<1x128x128xf32, #tpu.memory_space<vmem>> -> memref<128x128xf32, #tpu.memory_space<vmem>>
          %swap3A_732 = arith.index_cast %add3A_727 : i32 to index
          %swap3A_733 = arith.constant 16 : index
          %swap3A_734 = tpu.vector_load %swap3A_731[%swap3A_732, %swap3A_733] {strides = array<i32>} : memref<128x128xf32, #tpu.memory_space<vmem>>, vector<16xf32>,
          tpu.vector_store %swap3A_731[%swap3A_732, %swap3A_733], %unpack3A_717 {strides = array<i32>} : memref<128x128xf32, #tpu.memory_space<vmem>>, vector<16xf32>,
          %get3A_735 = arith.constant 0 : i32
          %get3A_736 = arith.constant 0 : i32
          %get3A_737 = tpu.memref_slice %arg11[%scan3A_249, %get3A_735, %get3A_736] : memref<2x64x64xi32, #tpu.memory_space<vmem>> -> memref<1x64x64xi32, #tpu.memory_space<vmem>>
          %get3A_738 = tpu.memref_squeeze %get3A_737 : memref<1x64x64xi32, #tpu.memory_space<vmem>> -> memref<64x64xi32, #tpu.memory_space<vmem>>
          %get3A_739 = arith.index_cast %scan3A_710 : i32 to index
          %get3A_740 = arith.constant 16 : index
          %get3A_741 = tpu.vector_load %get3A_738[%get3A_739, %get3A_740] {strides = array<i32>} : memref<64x64xi32, #tpu.memory_space<vmem>>, vector<16xi32>,
          %bitcast3A_742 = vector.bitcast %get3A_741 : vector<16xi32> to vector<32xbf16>
          %unpack3A_743 = tpu.unpack_subelements %bitcast3A_742, 0 {pack_format = #tpu.pack_format<interleaved>} : vector<32xbf16> -> vector<16xf32>
          %unpack3A_744 = tpu.unpack_subelements %bitcast3A_742, 1 {pack_format = #tpu.pack_format<interleaved>} : vector<32xbf16> -> vector<16xf32>
          %add3A_745 = arith.constant 0 : i32
          %add3A_746 = arith.addi %add3A_745, %scan3A_710 : i32
          %swap3A_747 = arith.constant 0 : i32
          %swap3A_748 = arith.constant 0 : i32
          %swap3A_749 = tpu.memref_slice %arg12[%scan3A_250, %swap3A_747, %swap3A_748] : memref<2x128x128xf32, #tpu.memory_space<vmem>> -> memref<1x128x128xf32, #tpu.memory_space<vmem>>
          %swap3A_750 = tpu.memref_squeeze %swap3A_749 : memref<1x128x128xf32, #tpu.memory_space<vmem>> -> memref<128x128xf32, #tpu.memory_space<vmem>>
          %swap3A_751 = arith.index_cast %add3A_746 : i32 to index
          %swap3A_752 = arith.constant 32 : index
          %swap3A_753 = tpu.vector_load %swap3A_750[%swap3A_751, %swap3A_752] {strides = array<i32>} : memref<128x128xf32, #tpu.memory_space<vmem>>, vector<16xf32>,
          tpu.vector_store %swap3A_750[%swap3A_751, %swap3A_752], %unpack3A_743 {strides = array<i32>} : memref<128x128xf32, #tpu.memory_space<vmem>>, vector<16xf32>,
          %add3A_754 = arith.constant 0 : i32
          %add3A_755 = arith.addi %add3A_754, %scan3A_710 : i32
          %swap3A_756 = arith.constant 0 : i32
          %swap3A_757 = arith.constant 0 : i32
          %swap3A_758 = tpu.memref_slice %arg12[%scan3A_250, %swap3A_756, %swap3A_757] : memref<2x128x128xf32, #tpu.memory_space<vmem>> -> memref<1x128x128xf32, #tpu.memory_space<vmem>>
          %swap3A_759 = tpu.memref_squeeze %swap3A_758 : memref<1x128x128xf32, #tpu.memory_space<vmem>> -> memref<128x128xf32, #tpu.memory_space<vmem>>
          %swap3A_760 = arith.index_cast %add3A_755 : i32 to index
          %swap3A_761 = arith.constant 48 : index
          %swap3A_762 = tpu.vector_load %swap3A_759[%swap3A_760, %swap3A_761] {strides = array<i32>} : memref<128x128xf32, #tpu.memory_space<vmem>>, vector<16xf32>,
          tpu.vector_store %swap3A_759[%swap3A_760, %swap3A_761], %unpack3A_744 {strides = array<i32>} : memref<128x128xf32, #tpu.memory_space<vmem>>, vector<16xf32>,
          %get3A_763 = arith.constant 0 : i32
          %get3A_764 = arith.constant 0 : i32
          %get3A_765 = tpu.memref_slice %arg11[%scan3A_249, %get3A_763, %get3A_764] : memref<2x64x64xi32, #tpu.memory_space<vmem>> -> memref<1x64x64xi32, #tpu.memory_space<vmem>>
          %get3A_766 = tpu.memref_squeeze %get3A_765 : memref<1x64x64xi32, #tpu.memory_space<vmem>> -> memref<64x64xi32, #tpu.memory_space<vmem>>
          %get3A_767 = arith.index_cast %scan3A_710 : i32 to index
          %get3A_768 = arith.constant 32 : index
          %get3A_769 = tpu.vector_load %get3A_766[%get3A_767, %get3A_768] {strides = array<i32>} : memref<64x64xi32, #tpu.memory_space<vmem>>, vector<16xi32>,
          %bitcast3A_770 = vector.bitcast %get3A_769 : vector<16xi32> to vector<32xbf16>
          %unpack3A_771 = tpu.unpack_subelements %bitcast3A_770, 0 {pack_format = #tpu.pack_format<interleaved>} : vector<32xbf16> -> vector<16xf32>
          %unpack3A_772 = tpu.unpack_subelements %bitcast3A_770, 1 {pack_format = #tpu.pack_format<interleaved>} : vector<32xbf16> -> vector<16xf32>
          %add3A_773 = arith.constant 0 : i32
          %add3A_774 = arith.addi %add3A_773, %scan3A_710 : i32
          %swap3A_775 = arith.constant 0 : i32
          %swap3A_776 = arith.constant 0 : i32
          %swap3A_777 = tpu.memref_slice %arg12[%scan3A_250, %swap3A_775, %swap3A_776] : memref<2x128x128xf32, #tpu.memory_space<vmem>> -> memref<1x128x128xf32, #tpu.memory_space<vmem>>
          %swap3A_778 = tpu.memref_squeeze %swap3A_777 : memref<1x128x128xf32, #tpu.memory_space<vmem>> -> memref<128x128xf32, #tpu.memory_space<vmem>>
          %swap3A_779 = arith.index_cast %add3A_774 : i32 to index
          %swap3A_780 = arith.constant 64 : index
          %swap3A_781 = tpu.vector_load %swap3A_778[%swap3A_779, %swap3A_780] {strides = array<i32>} : memref<128x128xf32, #tpu.memory_space<vmem>>, vector<16xf32>,
          tpu.vector_store %swap3A_778[%swap3A_779, %swap3A_780], %unpack3A_771 {strides = array<i32>} : memref<128x128xf32, #tpu.memory_space<vmem>>, vector<16xf32>,
          %add3A_782 = arith.constant 0 : i32
          %add3A_783 = arith.addi %add3A_782, %scan3A_710 : i32
          %swap3A_784 = arith.constant 0 : i32
          %swap3A_785 = arith.constant 0 : i32
          %swap3A_786 = tpu.memref_slice %arg12[%scan3A_250, %swap3A_784, %swap3A_785] : memref<2x128x128xf32, #tpu.memory_space<vmem>> -> memref<1x128x128xf32, #tpu.memory_space<vmem>>
          %swap3A_787 = tpu.memref_squeeze %swap3A_786 : memref<1x128x128xf32, #tpu.memory_space<vmem>> -> memref<128x128xf32, #tpu.memory_space<vmem>>
          %swap3A_788 = arith.index_cast %add3A_783 : i32 to index
          %swap3A_789 = arith.constant 80 : index
          %swap3A_790 = tpu.vector_load %swap3A_787[%swap3A_788, %swap3A_789] {strides = array<i32>} : memref<128x128xf32, #tpu.memory_space<vmem>>, vector<16xf32>,
          tpu.vector_store %swap3A_787[%swap3A_788, %swap3A_789], %unpack3A_772 {strides = array<i32>} : memref<128x128xf32, #tpu.memory_space<vmem>>, vector<16xf32>,
          %get3A_791 = arith.constant 0 : i32
          %get3A_792 = arith.constant 0 : i32
          %get3A_793 = tpu.memref_slice %arg11[%scan3A_249, %get3A_791, %get3A_792] : memref<2x64x64xi32, #tpu.memory_space<vmem>> -> memref<1x64x64xi32, #tpu.memory_space<vmem>>
          %get3A_794 = tpu.memref_squeeze %get3A_793 : memref<1x64x64xi32, #tpu.memory_space<vmem>> -> memref<64x64xi32, #tpu.memory_space<vmem>>
          %get3A_795 = arith.index_cast %scan3A_710 : i32 to index
          %get3A_796 = arith.constant 48 : index
          %get3A_797 = tpu.vector_load %get3A_794[%get3A_795, %get3A_796] {strides = array<i32>} : memref<64x64xi32, #tpu.memory_space<vmem>>, vector<16xi32>,
          %bitcast3A_798 = vector.bitcast %get3A_797 : vector<16xi32> to vector<32xbf16>
          %unpack3A_799 = tpu.unpack_subelements %bitcast3A_798, 0 {pack_format = #tpu.pack_format<interleaved>} : vector<32xbf16> -> vector<16xf32>
          %unpack3A_800 = tpu.unpack_subelements %bitcast3A_798, 1 {pack_format = #tpu.pack_format<interleaved>} : vector<32xbf16> -> vector<16xf32>
          %add3A_801 = arith.constant 0 : i32
          %add3A_802 = arith.addi %add3A_801, %scan3A_710 : i32
          %swap3A_803 = arith.constant 0 : i32
          %swap3A_804 = arith.constant 0 : i32
          %swap3A_805 = tpu.memref_slice %arg12[%scan3A_250, %swap3A_803, %swap3A_804] : memref<2x128x128xf32, #tpu.memory_space<vmem>> -> memref<1x128x128xf32, #tpu.memory_space<vmem>>
          %swap3A_806 = tpu.memref_squeeze %swap3A_805 : memref<1x128x128xf32, #tpu.memory_space<vmem>> -> memref<128x128xf32, #tpu.memory_space<vmem>>
          %swap3A_807 = arith.index_cast %add3A_802 : i32 to index
          %swap3A_808 = arith.constant 96 : index
          %swap3A_809 = tpu.vector_load %swap3A_806[%swap3A_807, %swap3A_808] {strides = array<i32>} : memref<128x128xf32, #tpu.memory_space<vmem>>, vector<16xf32>,
          tpu.vector_store %swap3A_806[%swap3A_807, %swap3A_808], %unpack3A_799 {strides = array<i32>} : memref<128x128xf32, #tpu.memory_space<vmem>>, vector<16xf32>,
          %add3A_810 = arith.constant 0 : i32
          %add3A_811 = arith.addi %add3A_810, %scan3A_710 : i32
          %swap3A_812 = arith.constant 0 : i32
          %swap3A_813 = arith.constant 0 : i32
          %swap3A_814 = tpu.memref_slice %arg12[%scan3A_250, %swap3A_812, %swap3A_813] : memref<2x128x128xf32, #tpu.memory_space<vmem>> -> memref<1x128x128xf32, #tpu.memory_space<vmem>>
          %swap3A_815 = tpu.memref_squeeze %swap3A_814 : memref<1x128x128xf32, #tpu.memory_space<vmem>> -> memref<128x128xf32, #tpu.memory_space<vmem>>
          %swap3A_816 = arith.index_cast %add3A_811 : i32 to index
          %swap3A_817 = arith.constant 112 : index
          %swap3A_818 = tpu.vector_load %swap3A_815[%swap3A_816, %swap3A_817] {strides = array<i32>} : memref<128x128xf32, #tpu.memory_space<vmem>>, vector<16xf32>,
          tpu.vector_store %swap3A_815[%swap3A_816, %swap3A_817], %unpack3A_800 {strides = array<i32>} : memref<128x128xf32, #tpu.memory_space<vmem>>, vector<16xf32>,
        }
        %scan3A_255 = arith.constant 64 : i32
        %dma_start3A_256 = arith.constant 0 : i32
        %dma_start3A_257 = arith.constant 0 : i32
        %dma_start3A_258 = arith.constant 0 : i32
        %dma_start3A_259 = tpu.memref_slice %arg11[%dma_start3A_256, %dma_start3A_257, %dma_start3A_258] : memref<2x64x64xi32, #tpu.memory_space<vmem>> -> memref<1x64x64xi32, #tpu.memory_space<vmem>>
        %dma_start3A_260 = tpu.memref_squeeze %dma_start3A_259 : memref<1x64x64xi32, #tpu.memory_space<vmem>> -> memref<64x64xi32, #tpu.memory_space<vmem>>
        %dma_start3A_261 = arith.constant 384 : i32
        %dma_start3A_262 = tpu.memref_slice %arg9[%dma_start3A_261] : memref<1024xi32, #tpu.memory_space<vmem>> -> memref<64xi32, #tpu.memory_space<vmem>>
        %dma_start3A_263 = arith.constant 0 : i32
        %dma_start3A_264 = arith.constant 0 : i32
        %dma_start3A_265 = tpu.memref_slice %arg4[%dma_start3A_263, %dma_start3A_264] : memref<10000x64xi32, #tpu.memory_space<hbm>> -> memref<10000x64xi32, #tpu.memory_space<hbm>>
        tpu.enqueue_indirect_dma source(%dma_start3A_265 : memref<10000x64xi32, #tpu.memory_space<hbm>>) target(%dma_start3A_260 : memref<64x64xi32, #tpu.memory_space<vmem>>) offsets(%dma_start3A_262 : memref<64xi32, #tpu.memory_space<vmem>>) semaphore(%arg14 : memref<!tpu.dma_semaphore, #tpu.memory_space<semaphore_mem>>)
        %dma_wait3A_266 = arith.constant 1 : i32
        %dma_wait3A_267 = arith.constant 0 : i32
        %dma_wait3A_268 = arith.constant 0 : i32
        %dma_wait3A_269 = tpu.memref_slice %arg11[%dma_wait3A_266, %dma_wait3A_267, %dma_wait3A_268] : memref<2x64x64xi32, #tpu.memory_space<vmem>> -> memref<1x64x64xi32, #tpu.memory_space<vmem>>
        %dma_wait3A_270 = tpu.memref_squeeze %dma_wait3A_269 : memref<1x64x64xi32, #tpu.memory_space<vmem>> -> memref<64x64xi32, #tpu.memory_space<vmem>>
        %dma_wait3A_271 = arith.constant 320 : i32
        %dma_wait3A_272 = tpu.memref_slice %arg9[%dma_wait3A_271] : memref<1024xi32, #tpu.memory_space<vmem>> -> memref<64xi32, #tpu.memory_space<vmem>>
        %dma_wait3A_273 = arith.constant 0 : i32
        %dma_wait3A_274 = arith.constant 0 : i32
        %dma_wait3A_275 = tpu.memref_slice %arg4[%dma_wait3A_273, %dma_wait3A_274] : memref<10000x64xi32, #tpu.memory_space<hbm>> -> memref<10000x64xi32, #tpu.memory_space<hbm>>
        tpu.wait_indirect_dma semaphore(%arg15 : memref<!tpu.dma_semaphore, #tpu.memory_space<semaphore_mem>>) src(%dma_wait3A_275 : memref<10000x64xi32, #tpu.memory_space<hbm>>) dst(%dma_wait3A_270 : memref<64x64xi32, #tpu.memory_space<vmem>>)
        %scan3A_276 = arith.constant 0 : i32
        %scan3A_277 = arith.constant 1 : i32
        %scan3A_278 = arith.constant 0 : i32
        %scan3A_279 = arith.constant 0 : i32
        %scan3A_280 = arith.constant 64 : i32
        %scan3A_281 = arith.addi %scan3A_279, %scan3A_280 : i32
        %scan3A_282 = arith.constant 1 : i32
        scf.for %scan3A_710 = %scan3A_279 to %scan3A_281 step %scan3A_282  : i32 {
          %get3A = arith.constant 0 : i32
          %get3A_711 = arith.constant 0 : i32
          %get3A_712 = tpu.memref_slice %arg11[%scan3A_277, %get3A, %get3A_711] : memref<2x64x64xi32, #tpu.memory_space<vmem>> -> memref<1x64x64xi32, #tpu.memory_space<vmem>>
          %get3A_713 = tpu.memref_squeeze %get3A_712 : memref<1x64x64xi32, #tpu.memory_space<vmem>> -> memref<64x64xi32, #tpu.memory_space<vmem>>
          %get3A_714 = arith.index_cast %scan3A_710 : i32 to index
          %get3A_715 = arith.constant 0 : index
          %get3A_716 = tpu.vector_load %get3A_713[%get3A_714, %get3A_715] {strides = array<i32>} : memref<64x64xi32, #tpu.memory_space<vmem>>, vector<16xi32>,
          %bitcast3A = vector.bitcast %get3A_716 : vector<16xi32> to vector<32xbf16>
          %unpack3A = tpu.unpack_subelements %bitcast3A, 0 {pack_format = #tpu.pack_format<interleaved>} : vector<32xbf16> -> vector<16xf32>
          %unpack3A_717 = tpu.unpack_subelements %bitcast3A, 1 {pack_format = #tpu.pack_format<interleaved>} : vector<32xbf16> -> vector<16xf32>
          %add3A_718 = arith.constant 64 : i32
          %add3A_719 = arith.addi %add3A_718, %scan3A_710 : i32
          %swap3A = arith.constant 0 : i32
          %swap3A_720 = arith.constant 0 : i32
          %swap3A_721 = tpu.memref_slice %arg12[%scan3A_278, %swap3A, %swap3A_720] : memref<2x128x128xf32, #tpu.memory_space<vmem>> -> memref<1x128x128xf32, #tpu.memory_space<vmem>>
          %swap3A_722 = tpu.memref_squeeze %swap3A_721 : memref<1x128x128xf32, #tpu.memory_space<vmem>> -> memref<128x128xf32, #tpu.memory_space<vmem>>
          %swap3A_723 = arith.index_cast %add3A_719 : i32 to index
          %swap3A_724 = arith.constant 0 : index
          %swap3A_725 = tpu.vector_load %swap3A_722[%swap3A_723, %swap3A_724] {strides = array<i32>} : memref<128x128xf32, #tpu.memory_space<vmem>>, vector<16xf32>,
          tpu.vector_store %swap3A_722[%swap3A_723, %swap3A_724], %unpack3A {strides = array<i32>} : memref<128x128xf32, #tpu.memory_space<vmem>>, vector<16xf32>,
          %add3A_726 = arith.constant 64 : i32
          %add3A_727 = arith.addi %add3A_726, %scan3A_710 : i32
          %swap3A_728 = arith.constant 0 : i32
          %swap3A_729 = arith.constant 0 : i32
          %swap3A_730 = tpu.memref_slice %arg12[%scan3A_278, %swap3A_728, %swap3A_729] : memref<2x128x128xf32, #tpu.memory_space<vmem>> -> memref<1x128x128xf32, #tpu.memory_space<vmem>>
          %swap3A_731 = tpu.memref_squeeze %swap3A_730 : memref<1x128x128xf32, #tpu.memory_space<vmem>> -> memref<128x128xf32, #tpu.memory_space<vmem>>
          %swap3A_732 = arith.index_cast %add3A_727 : i32 to index
          %swap3A_733 = arith.constant 16 : index
          %swap3A_734 = tpu.vector_load %swap3A_731[%swap3A_732, %swap3A_733] {strides = array<i32>} : memref<128x128xf32, #tpu.memory_space<vmem>>, vector<16xf32>,
          tpu.vector_store %swap3A_731[%swap3A_732, %swap3A_733], %unpack3A_717 {strides = array<i32>} : memref<128x128xf32, #tpu.memory_space<vmem>>, vector<16xf32>,
          %get3A_735 = arith.constant 0 : i32
          %get3A_736 = arith.constant 0 : i32
          %get3A_737 = tpu.memref_slice %arg11[%scan3A_277, %get3A_735, %get3A_736] : memref<2x64x64xi32, #tpu.memory_space<vmem>> -> memref<1x64x64xi32, #tpu.memory_space<vmem>>
          %get3A_738 = tpu.memref_squeeze %get3A_737 : memref<1x64x64xi32, #tpu.memory_space<vmem>> -> memref<64x64xi32, #tpu.memory_space<vmem>>
          %get3A_739 = arith.index_cast %scan3A_710 : i32 to index
          %get3A_740 = arith.constant 16 : index
          %get3A_741 = tpu.vector_load %get3A_738[%get3A_739, %get3A_740] {strides = array<i32>} : memref<64x64xi32, #tpu.memory_space<vmem>>, vector<16xi32>,
          %bitcast3A_742 = vector.bitcast %get3A_741 : vector<16xi32> to vector<32xbf16>
          %unpack3A_743 = tpu.unpack_subelements %bitcast3A_742, 0 {pack_format = #tpu.pack_format<interleaved>} : vector<32xbf16> -> vector<16xf32>
          %unpack3A_744 = tpu.unpack_subelements %bitcast3A_742, 1 {pack_format = #tpu.pack_format<interleaved>} : vector<32xbf16> -> vector<16xf32>
          %add3A_745 = arith.constant 64 : i32
          %add3A_746 = arith.addi %add3A_745, %scan3A_710 : i32
          %swap3A_747 = arith.constant 0 : i32
          %swap3A_748 = arith.constant 0 : i32
          %swap3A_749 = tpu.memref_slice %arg12[%scan3A_278, %swap3A_747, %swap3A_748] : memref<2x128x128xf32, #tpu.memory_space<vmem>> -> memref<1x128x128xf32, #tpu.memory_space<vmem>>
          %swap3A_750 = tpu.memref_squeeze %swap3A_749 : memref<1x128x128xf32, #tpu.memory_space<vmem>> -> memref<128x128xf32, #tpu.memory_space<vmem>>
          %swap3A_751 = arith.index_cast %add3A_746 : i32 to index
          %swap3A_752 = arith.constant 32 : index
          %swap3A_753 = tpu.vector_load %swap3A_750[%swap3A_751, %swap3A_752] {strides = array<i32>} : memref<128x128xf32, #tpu.memory_space<vmem>>, vector<16xf32>,
          tpu.vector_store %swap3A_750[%swap3A_751, %swap3A_752], %unpack3A_743 {strides = array<i32>} : memref<128x128xf32, #tpu.memory_space<vmem>>, vector<16xf32>,
          %add3A_754 = arith.constant 64 : i32
          %add3A_755 = arith.addi %add3A_754, %scan3A_710 : i32
          %swap3A_756 = arith.constant 0 : i32
          %swap3A_757 = arith.constant 0 : i32
          %swap3A_758 = tpu.memref_slice %arg12[%scan3A_278, %swap3A_756, %swap3A_757] : memref<2x128x128xf32, #tpu.memory_space<vmem>> -> memref<1x128x128xf32, #tpu.memory_space<vmem>>
          %swap3A_759 = tpu.memref_squeeze %swap3A_758 : memref<1x128x128xf32, #tpu.memory_space<vmem>> -> memref<128x128xf32, #tpu.memory_space<vmem>>
          %swap3A_760 = arith.index_cast %add3A_755 : i32 to index
          %swap3A_761 = arith.constant 48 : index
          %swap3A_762 = tpu.vector_load %swap3A_759[%swap3A_760, %swap3A_761] {strides = array<i32>} : memref<128x128xf32, #tpu.memory_space<vmem>>, vector<16xf32>,
          tpu.vector_store %swap3A_759[%swap3A_760, %swap3A_761], %unpack3A_744 {strides = array<i32>} : memref<128x128xf32, #tpu.memory_space<vmem>>, vector<16xf32>,
          %get3A_763 = arith.constant 0 : i32
          %get3A_764 = arith.constant 0 : i32
          %get3A_765 = tpu.memref_slice %arg11[%scan3A_277, %get3A_763, %get3A_764] : memref<2x64x64xi32, #tpu.memory_space<vmem>> -> memref<1x64x64xi32, #tpu.memory_space<vmem>>
          %get3A_766 = tpu.memref_squeeze %get3A_765 : memref<1x64x64xi32, #tpu.memory_space<vmem>> -> memref<64x64xi32, #tpu.memory_space<vmem>>
          %get3A_767 = arith.index_cast %scan3A_710 : i32 to index
          %get3A_768 = arith.constant 32 : index
          %get3A_769 = tpu.vector_load %get3A_766[%get3A_767, %get3A_768] {strides = array<i32>} : memref<64x64xi32, #tpu.memory_space<vmem>>, vector<16xi32>,
          %bitcast3A_770 = vector.bitcast %get3A_769 : vector<16xi32> to vector<32xbf16>
          %unpack3A_771 = tpu.unpack_subelements %bitcast3A_770, 0 {pack_format = #tpu.pack_format<interleaved>} : vector<32xbf16> -> vector<16xf32>
          %unpack3A_772 = tpu.unpack_subelements %bitcast3A_770, 1 {pack_format = #tpu.pack_format<interleaved>} : vector<32xbf16> -> vector<16xf32>
          %add3A_773 = arith.constant 64 : i32
          %add3A_774 = arith.addi %add3A_773, %scan3A_710 : i32
          %swap3A_775 = arith.constant 0 : i32
          %swap3A_776 = arith.constant 0 : i32
          %swap3A_777 = tpu.memref_slice %arg12[%scan3A_278, %swap3A_775, %swap3A_776] : memref<2x128x128xf32, #tpu.memory_space<vmem>> -> memref<1x128x128xf32, #tpu.memory_space<vmem>>
          %swap3A_778 = tpu.memref_squeeze %swap3A_777 : memref<1x128x128xf32, #tpu.memory_space<vmem>> -> memref<128x128xf32, #tpu.memory_space<vmem>>
          %swap3A_779 = arith.index_cast %add3A_774 : i32 to index
          %swap3A_780 = arith.constant 64 : index
          %swap3A_781 = tpu.vector_load %swap3A_778[%swap3A_779, %swap3A_780] {strides = array<i32>} : memref<128x128xf32, #tpu.memory_space<vmem>>, vector<16xf32>,
          tpu.vector_store %swap3A_778[%swap3A_779, %swap3A_780], %unpack3A_771 {strides = array<i32>} : memref<128x128xf32, #tpu.memory_space<vmem>>, vector<16xf32>,
          %add3A_782 = arith.constant 64 : i32
          %add3A_783 = arith.addi %add3A_782, %scan3A_710 : i32
          %swap3A_784 = arith.constant 0 : i32
          %swap3A_785 = arith.constant 0 : i32
          %swap3A_786 = tpu.memref_slice %arg12[%scan3A_278, %swap3A_784, %swap3A_785] : memref<2x128x128xf32, #tpu.memory_space<vmem>> -> memref<1x128x128xf32, #tpu.memory_space<vmem>>
          %swap3A_787 = tpu.memref_squeeze %swap3A_786 : memref<1x128x128xf32, #tpu.memory_space<vmem>> -> memref<128x128xf32, #tpu.memory_space<vmem>>
          %swap3A_788 = arith.index_cast %add3A_783 : i32 to index
          %swap3A_789 = arith.constant 80 : index
          %swap3A_790 = tpu.vector_load %swap3A_787[%swap3A_788, %swap3A_789] {strides = array<i32>} : memref<128x128xf32, #tpu.memory_space<vmem>>, vector<16xf32>,
          tpu.vector_store %swap3A_787[%swap3A_788, %swap3A_789], %unpack3A_772 {strides = array<i32>} : memref<128x128xf32, #tpu.memory_space<vmem>>, vector<16xf32>,
          %get3A_791 = arith.constant 0 : i32
          %get3A_792 = arith.constant 0 : i32
          %get3A_793 = tpu.memref_slice %arg11[%scan3A_277, %get3A_791, %get3A_792] : memref<2x64x64xi32, #tpu.memory_space<vmem>> -> memref<1x64x64xi32, #tpu.memory_space<vmem>>
          %get3A_794 = tpu.memref_squeeze %get3A_793 : memref<1x64x64xi32, #tpu.memory_space<vmem>> -> memref<64x64xi32, #tpu.memory_space<vmem>>
          %get3A_795 = arith.index_cast %scan3A_710 : i32 to index
          %get3A_796 = arith.constant 48 : index
          %get3A_797 = tpu.vector_load %get3A_794[%get3A_795, %get3A_796] {strides = array<i32>} : memref<64x64xi32, #tpu.memory_space<vmem>>, vector<16xi32>,
          %bitcast3A_798 = vector.bitcast %get3A_797 : vector<16xi32> to vector<32xbf16>
          %unpack3A_799 = tpu.unpack_subelements %bitcast3A_798, 0 {pack_format = #tpu.pack_format<interleaved>} : vector<32xbf16> -> vector<16xf32>
          %unpack3A_800 = tpu.unpack_subelements %bitcast3A_798, 1 {pack_format = #tpu.pack_format<interleaved>} : vector<32xbf16> -> vector<16xf32>
          %add3A_801 = arith.constant 64 : i32
          %add3A_802 = arith.addi %add3A_801, %scan3A_710 : i32
          %swap3A_803 = arith.constant 0 : i32
          %swap3A_804 = arith.constant 0 : i32
          %swap3A_805 = tpu.memref_slice %arg12[%scan3A_278, %swap3A_803, %swap3A_804] : memref<2x128x128xf32, #tpu.memory_space<vmem>> -> memref<1x128x128xf32, #tpu.memory_space<vmem>>
          %swap3A_806 = tpu.memref_squeeze %swap3A_805 : memref<1x128x128xf32, #tpu.memory_space<vmem>> -> memref<128x128xf32, #tpu.memory_space<vmem>>
          %swap3A_807 = arith.index_cast %add3A_802 : i32 to index
          %swap3A_808 = arith.constant 96 : index
          %swap3A_809 = tpu.vector_load %swap3A_806[%swap3A_807, %swap3A_808] {strides = array<i32>} : memref<128x128xf32, #tpu.memory_space<vmem>>, vector<16xf32>,
          tpu.vector_store %swap3A_806[%swap3A_807, %swap3A_808], %unpack3A_799 {strides = array<i32>} : memref<128x128xf32, #tpu.memory_space<vmem>>, vector<16xf32>,
          %add3A_810 = arith.constant 64 : i32
          %add3A_811 = arith.addi %add3A_810, %scan3A_710 : i32
          %swap3A_812 = arith.constant 0 : i32
          %swap3A_813 = arith.constant 0 : i32
          %swap3A_814 = tpu.memref_slice %arg12[%scan3A_278, %swap3A_812, %swap3A_813] : memref<2x128x128xf32, #tpu.memory_space<vmem>> -> memref<1x128x128xf32, #tpu.memory_space<vmem>>
          %swap3A_815 = tpu.memref_squeeze %swap3A_814 : memref<1x128x128xf32, #tpu.memory_space<vmem>> -> memref<128x128xf32, #tpu.memory_space<vmem>>
          %swap3A_816 = arith.index_cast %add3A_811 : i32 to index
          %swap3A_817 = arith.constant 112 : index
          %swap3A_818 = tpu.vector_load %swap3A_815[%swap3A_816, %swap3A_817] {strides = array<i32>} : memref<128x128xf32, #tpu.memory_space<vmem>>, vector<16xf32>,
          tpu.vector_store %swap3A_815[%swap3A_816, %swap3A_817], %unpack3A_800 {strides = array<i32>} : memref<128x128xf32, #tpu.memory_space<vmem>>, vector<16xf32>,
        }
        %scan3A_283 = arith.constant 64 : i32
        %dma_start3A_284 = arith.constant 1 : i32
        %dma_start3A_285 = arith.constant 0 : i32
        %dma_start3A_286 = arith.constant 0 : i32
        %dma_start3A_287 = tpu.memref_slice %arg11[%dma_start3A_284, %dma_start3A_285, %dma_start3A_286] : memref<2x64x64xi32, #tpu.memory_space<vmem>> -> memref<1x64x64xi32, #tpu.memory_space<vmem>>
        %dma_start3A_288 = tpu.memref_squeeze %dma_start3A_287 : memref<1x64x64xi32, #tpu.memory_space<vmem>> -> memref<64x64xi32, #tpu.memory_space<vmem>>
        %dma_start3A_289 = arith.constant 448 : i32
        %dma_start3A_290 = tpu.memref_slice %arg9[%dma_start3A_289] : memref<1024xi32, #tpu.memory_space<vmem>> -> memref<64xi32, #tpu.memory_space<vmem>>
        %dma_start3A_291 = arith.constant 0 : i32
        %dma_start3A_292 = arith.constant 0 : i32
        %dma_start3A_293 = tpu.memref_slice %arg4[%dma_start3A_291, %dma_start3A_292] : memref<10000x64xi32, #tpu.memory_space<hbm>> -> memref<10000x64xi32, #tpu.memory_space<hbm>>
        tpu.enqueue_indirect_dma source(%dma_start3A_293 : memref<10000x64xi32, #tpu.memory_space<hbm>>) target(%dma_start3A_288 : memref<64x64xi32, #tpu.memory_space<vmem>>) offsets(%dma_start3A_290 : memref<64xi32, #tpu.memory_space<vmem>>) semaphore(%arg15 : memref<!tpu.dma_semaphore, #tpu.memory_space<semaphore_mem>>)
        %dma_start3A_294 = arith.constant 0 : i32
        %dma_start3A_295 = arith.constant 2 : i32
        %dma_start3A_296 = arith.constant 0 : i32
        %dma_start3A_297 = arith.constant 0 : i32
        %dma_start3A_298 = tpu.memref_slice %arg12[%dma_start3A_294, %dma_start3A_296, %dma_start3A_297] : memref<2x128x128xf32, #tpu.memory_space<vmem>> -> memref<1x128x128xf32, #tpu.memory_space<vmem>>
        %dma_start3A_299 = tpu.memref_squeeze %dma_start3A_298 : memref<1x128x128xf32, #tpu.memory_space<vmem>> -> memref<128x128xf32, #tpu.memory_space<vmem>>
        %dma_start3A_300 = arith.constant 0 : i32
        %dma_start3A_301 = tpu.memref_slice %arg10[%dma_start3A_295, %dma_start3A_300] : memref<8x128xi32, #tpu.memory_space<vmem>> -> memref<1x128xi32, #tpu.memory_space<vmem>>
        %dma_start3A_302 = tpu.memref_squeeze %dma_start3A_301 : memref<1x128xi32, #tpu.memory_space<vmem>> -> memref<128xi32, #tpu.memory_space<vmem>>
        %dma_start3A_303 = arith.constant 0 : i32
        %dma_start3A_304 = arith.constant 0 : i32
        %dma_start3A_305 = tpu.memref_slice %arg8[%dma_start3A_303, %dma_start3A_304] : memref<10240x128xf32, #tpu.memory_space<vmem_shared>> -> memref<10240x128xf32, #tpu.memory_space<vmem_shared>>
        tpu.enqueue_indirect_dma source(%dma_start3A_299 : memref<128x128xf32, #tpu.memory_space<vmem>>) target(%dma_start3A_305 : memref<10240x128xf32, #tpu.memory_space<vmem_shared>>) offsets(%dma_start3A_302 : memref<128xi32, #tpu.memory_space<vmem>>) semaphore(%arg16 : memref<!tpu.dma_semaphore, #tpu.memory_space<semaphore_mem>>) {add = true}
        %dma_wait3A_306 = arith.constant 1 : i32
        %dma_wait3A_307 = arith.constant 1 : i32
        %dma_wait3A_308 = arith.constant 0 : i32
        %dma_wait3A_309 = arith.constant 0 : i32
        %dma_wait3A_310 = tpu.memref_slice %arg12[%dma_wait3A_306, %dma_wait3A_308, %dma_wait3A_309] : memref<2x128x128xf32, #tpu.memory_space<vmem>> -> memref<1x128x128xf32, #tpu.memory_space<vmem>>
        %dma_wait3A_311 = tpu.memref_squeeze %dma_wait3A_310 : memref<1x128x128xf32, #tpu.memory_space<vmem>> -> memref<128x128xf32, #tpu.memory_space<vmem>>
        %dma_wait3A_312 = arith.constant 0 : i32
        %dma_wait3A_313 = tpu.memref_slice %arg10[%dma_wait3A_307, %dma_wait3A_312] : memref<8x128xi32, #tpu.memory_space<vmem>> -> memref<1x128xi32, #tpu.memory_space<vmem>>
        %dma_wait3A_314 = tpu.memref_squeeze %dma_wait3A_313 : memref<1x128xi32, #tpu.memory_space<vmem>> -> memref<128xi32, #tpu.memory_space<vmem>>
        %dma_wait3A_315 = arith.constant 0 : i32
        %dma_wait3A_316 = arith.constant 0 : i32
        %dma_wait3A_317 = tpu.memref_slice %arg8[%dma_wait3A_315, %dma_wait3A_316] : memref<10240x128xf32, #tpu.memory_space<vmem_shared>> -> memref<10240x128xf32, #tpu.memory_space<vmem_shared>>
        tpu.wait_indirect_dma semaphore(%arg17 : memref<!tpu.dma_semaphore, #tpu.memory_space<semaphore_mem>>) src(%dma_wait3A_311 : memref<128x128xf32, #tpu.memory_space<vmem>>) dst(%dma_wait3A_317 : memref<10240x128xf32, #tpu.memory_space<vmem_shared>>)
        %dma_wait3A_318 = arith.constant 0 : i32
        %dma_wait3A_319 = arith.constant 0 : i32
        %dma_wait3A_320 = arith.constant 0 : i32
        %dma_wait3A_321 = tpu.memref_slice %arg11[%dma_wait3A_318, %dma_wait3A_319, %dma_wait3A_320] : memref<2x64x64xi32, #tpu.memory_space<vmem>> -> memref<1x64x64xi32, #tpu.memory_space<vmem>>
        %dma_wait3A_322 = tpu.memref_squeeze %dma_wait3A_321 : memref<1x64x64xi32, #tpu.memory_space<vmem>> -> memref<64x64xi32, #tpu.memory_space<vmem>>
        %dma_wait3A_323 = arith.constant 384 : i32
        %dma_wait3A_324 = tpu.memref_slice %arg9[%dma_wait3A_323] : memref<1024xi32, #tpu.memory_space<vmem>> -> memref<64xi32, #tpu.memory_space<vmem>>
        %dma_wait3A_325 = arith.constant 0 : i32
        %dma_wait3A_326 = arith.constant 0 : i32
        %dma_wait3A_327 = tpu.memref_slice %arg4[%dma_wait3A_325, %dma_wait3A_326] : memref<10000x64xi32, #tpu.memory_space<hbm>> -> memref<10000x64xi32, #tpu.memory_space<hbm>>
        tpu.wait_indirect_dma semaphore(%arg14 : memref<!tpu.dma_semaphore, #tpu.memory_space<semaphore_mem>>) src(%dma_wait3A_327 : memref<10000x64xi32, #tpu.memory_space<hbm>>) dst(%dma_wait3A_322 : memref<64x64xi32, #tpu.memory_space<vmem>>)
        %scan3A_328 = arith.constant 0 : i32
        %scan3A_329 = arith.constant 0 : i32
        %scan3A_330 = arith.constant 1 : i32
        %scan3A_331 = arith.constant 0 : i32
        %scan3A_332 = arith.constant 64 : i32
        %scan3A_333 = arith.addi %scan3A_331, %scan3A_332 : i32
        %scan3A_334 = arith.constant 1 : i32
        scf.for %scan3A_710 = %scan3A_331 to %scan3A_333 step %scan3A_334  : i32 {
          %get3A = arith.constant 0 : i32
          %get3A_711 = arith.constant 0 : i32
          %get3A_712 = tpu.memref_slice %arg11[%scan3A_329, %get3A, %get3A_711] : memref<2x64x64xi32, #tpu.memory_space<vmem>> -> memref<1x64x64xi32, #tpu.memory_space<vmem>>
          %get3A_713 = tpu.memref_squeeze %get3A_712 : memref<1x64x64xi32, #tpu.memory_space<vmem>> -> memref<64x64xi32, #tpu.memory_space<vmem>>
          %get3A_714 = arith.index_cast %scan3A_710 : i32 to index
          %get3A_715 = arith.constant 0 : index
          %get3A_716 = tpu.vector_load %get3A_713[%get3A_714, %get3A_715] {strides = array<i32>} : memref<64x64xi32, #tpu.memory_space<vmem>>, vector<16xi32>,
          %bitcast3A = vector.bitcast %get3A_716 : vector<16xi32> to vector<32xbf16>
          %unpack3A = tpu.unpack_subelements %bitcast3A, 0 {pack_format = #tpu.pack_format<interleaved>} : vector<32xbf16> -> vector<16xf32>
          %unpack3A_717 = tpu.unpack_subelements %bitcast3A, 1 {pack_format = #tpu.pack_format<interleaved>} : vector<32xbf16> -> vector<16xf32>
          %add3A_718 = arith.constant 0 : i32
          %add3A_719 = arith.addi %add3A_718, %scan3A_710 : i32
          %swap3A = arith.constant 0 : i32
          %swap3A_720 = arith.constant 0 : i32
          %swap3A_721 = tpu.memref_slice %arg12[%scan3A_330, %swap3A, %swap3A_720] : memref<2x128x128xf32, #tpu.memory_space<vmem>> -> memref<1x128x128xf32, #tpu.memory_space<vmem>>
          %swap3A_722 = tpu.memref_squeeze %swap3A_721 : memref<1x128x128xf32, #tpu.memory_space<vmem>> -> memref<128x128xf32, #tpu.memory_space<vmem>>
          %swap3A_723 = arith.index_cast %add3A_719 : i32 to index
          %swap3A_724 = arith.constant 0 : index
          %swap3A_725 = tpu.vector_load %swap3A_722[%swap3A_723, %swap3A_724] {strides = array<i32>} : memref<128x128xf32, #tpu.memory_space<vmem>>, vector<16xf32>,
          tpu.vector_store %swap3A_722[%swap3A_723, %swap3A_724], %unpack3A {strides = array<i32>} : memref<128x128xf32, #tpu.memory_space<vmem>>, vector<16xf32>,
          %add3A_726 = arith.constant 0 : i32
          %add3A_727 = arith.addi %add3A_726, %scan3A_710 : i32
          %swap3A_728 = arith.constant 0 : i32
          %swap3A_729 = arith.constant 0 : i32
          %swap3A_730 = tpu.memref_slice %arg12[%scan3A_330, %swap3A_728, %swap3A_729] : memref<2x128x128xf32, #tpu.memory_space<vmem>> -> memref<1x128x128xf32, #tpu.memory_space<vmem>>
          %swap3A_731 = tpu.memref_squeeze %swap3A_730 : memref<1x128x128xf32, #tpu.memory_space<vmem>> -> memref<128x128xf32, #tpu.memory_space<vmem>>
          %swap3A_732 = arith.index_cast %add3A_727 : i32 to index
          %swap3A_733 = arith.constant 16 : index
          %swap3A_734 = tpu.vector_load %swap3A_731[%swap3A_732, %swap3A_733] {strides = array<i32>} : memref<128x128xf32, #tpu.memory_space<vmem>>, vector<16xf32>,
          tpu.vector_store %swap3A_731[%swap3A_732, %swap3A_733], %unpack3A_717 {strides = array<i32>} : memref<128x128xf32, #tpu.memory_space<vmem>>, vector<16xf32>,
          %get3A_735 = arith.constant 0 : i32
          %get3A_736 = arith.constant 0 : i32
          %get3A_737 = tpu.memref_slice %arg11[%scan3A_329, %get3A_735, %get3A_736] : memref<2x64x64xi32, #tpu.memory_space<vmem>> -> memref<1x64x64xi32, #tpu.memory_space<vmem>>
          %get3A_738 = tpu.memref_squeeze %get3A_737 : memref<1x64x64xi32, #tpu.memory_space<vmem>> -> memref<64x64xi32, #tpu.memory_space<vmem>>
          %get3A_739 = arith.index_cast %scan3A_710 : i32 to index
          %get3A_740 = arith.constant 16 : index
          %get3A_741 = tpu.vector_load %get3A_738[%get3A_739, %get3A_740] {strides = array<i32>} : memref<64x64xi32, #tpu.memory_space<vmem>>, vector<16xi32>,
          %bitcast3A_742 = vector.bitcast %get3A_741 : vector<16xi32> to vector<32xbf16>
          %unpack3A_743 = tpu.unpack_subelements %bitcast3A_742, 0 {pack_format = #tpu.pack_format<interleaved>} : vector<32xbf16> -> vector<16xf32>
          %unpack3A_744 = tpu.unpack_subelements %bitcast3A_742, 1 {pack_format = #tpu.pack_format<interleaved>} : vector<32xbf16> -> vector<16xf32>
          %add3A_745 = arith.constant 0 : i32
          %add3A_746 = arith.addi %add3A_745, %scan3A_710 : i32
          %swap3A_747 = arith.constant 0 : i32
          %swap3A_748 = arith.constant 0 : i32
          %swap3A_749 = tpu.memref_slice %arg12[%scan3A_330, %swap3A_747, %swap3A_748] : memref<2x128x128xf32, #tpu.memory_space<vmem>> -> memref<1x128x128xf32, #tpu.memory_space<vmem>>
          %swap3A_750 = tpu.memref_squeeze %swap3A_749 : memref<1x128x128xf32, #tpu.memory_space<vmem>> -> memref<128x128xf32, #tpu.memory_space<vmem>>
          %swap3A_751 = arith.index_cast %add3A_746 : i32 to index
          %swap3A_752 = arith.constant 32 : index
          %swap3A_753 = tpu.vector_load %swap3A_750[%swap3A_751, %swap3A_752] {strides = array<i32>} : memref<128x128xf32, #tpu.memory_space<vmem>>, vector<16xf32>,
          tpu.vector_store %swap3A_750[%swap3A_751, %swap3A_752], %unpack3A_743 {strides = array<i32>} : memref<128x128xf32, #tpu.memory_space<vmem>>, vector<16xf32>,
          %add3A_754 = arith.constant 0 : i32
          %add3A_755 = arith.addi %add3A_754, %scan3A_710 : i32
          %swap3A_756 = arith.constant 0 : i32
          %swap3A_757 = arith.constant 0 : i32
          %swap3A_758 = tpu.memref_slice %arg12[%scan3A_330, %swap3A_756, %swap3A_757] : memref<2x128x128xf32, #tpu.memory_space<vmem>> -> memref<1x128x128xf32, #tpu.memory_space<vmem>>
          %swap3A_759 = tpu.memref_squeeze %swap3A_758 : memref<1x128x128xf32, #tpu.memory_space<vmem>> -> memref<128x128xf32, #tpu.memory_space<vmem>>
          %swap3A_760 = arith.index_cast %add3A_755 : i32 to index
          %swap3A_761 = arith.constant 48 : index
          %swap3A_762 = tpu.vector_load %swap3A_759[%swap3A_760, %swap3A_761] {strides = array<i32>} : memref<128x128xf32, #tpu.memory_space<vmem>>, vector<16xf32>,
          tpu.vector_store %swap3A_759[%swap3A_760, %swap3A_761], %unpack3A_744 {strides = array<i32>} : memref<128x128xf32, #tpu.memory_space<vmem>>, vector<16xf32>,
          %get3A_763 = arith.constant 0 : i32
          %get3A_764 = arith.constant 0 : i32
          %get3A_765 = tpu.memref_slice %arg11[%scan3A_329, %get3A_763, %get3A_764] : memref<2x64x64xi32, #tpu.memory_space<vmem>> -> memref<1x64x64xi32, #tpu.memory_space<vmem>>
          %get3A_766 = tpu.memref_squeeze %get3A_765 : memref<1x64x64xi32, #tpu.memory_space<vmem>> -> memref<64x64xi32, #tpu.memory_space<vmem>>
          %get3A_767 = arith.index_cast %scan3A_710 : i32 to index
          %get3A_768 = arith.constant 32 : index
          %get3A_769 = tpu.vector_load %get3A_766[%get3A_767, %get3A_768] {strides = array<i32>} : memref<64x64xi32, #tpu.memory_space<vmem>>, vector<16xi32>,
          %bitcast3A_770 = vector.bitcast %get3A_769 : vector<16xi32> to vector<32xbf16>
          %unpack3A_771 = tpu.unpack_subelements %bitcast3A_770, 0 {pack_format = #tpu.pack_format<interleaved>} : vector<32xbf16> -> vector<16xf32>
          %unpack3A_772 = tpu.unpack_subelements %bitcast3A_770, 1 {pack_format = #tpu.pack_format<interleaved>} : vector<32xbf16> -> vector<16xf32>
          %add3A_773 = arith.constant 0 : i32
          %add3A_774 = arith.addi %add3A_773, %scan3A_710 : i32
          %swap3A_775 = arith.constant 0 : i32
          %swap3A_776 = arith.constant 0 : i32
          %swap3A_777 = tpu.memref_slice %arg12[%scan3A_330, %swap3A_775, %swap3A_776] : memref<2x128x128xf32, #tpu.memory_space<vmem>> -> memref<1x128x128xf32, #tpu.memory_space<vmem>>
          %swap3A_778 = tpu.memref_squeeze %swap3A_777 : memref<1x128x128xf32, #tpu.memory_space<vmem>> -> memref<128x128xf32, #tpu.memory_space<vmem>>
          %swap3A_779 = arith.index_cast %add3A_774 : i32 to index
          %swap3A_780 = arith.constant 64 : index
          %swap3A_781 = tpu.vector_load %swap3A_778[%swap3A_779, %swap3A_780] {strides = array<i32>} : memref<128x128xf32, #tpu.memory_space<vmem>>, vector<16xf32>,
          tpu.vector_store %swap3A_778[%swap3A_779, %swap3A_780], %unpack3A_771 {strides = array<i32>} : memref<128x128xf32, #tpu.memory_space<vmem>>, vector<16xf32>,
          %add3A_782 = arith.constant 0 : i32
          %add3A_783 = arith.addi %add3A_782, %scan3A_710 : i32
          %swap3A_784 = arith.constant 0 : i32
          %swap3A_785 = arith.constant 0 : i32
          %swap3A_786 = tpu.memref_slice %arg12[%scan3A_330, %swap3A_784, %swap3A_785] : memref<2x128x128xf32, #tpu.memory_space<vmem>> -> memref<1x128x128xf32, #tpu.memory_space<vmem>>
          %swap3A_787 = tpu.memref_squeeze %swap3A_786 : memref<1x128x128xf32, #tpu.memory_space<vmem>> -> memref<128x128xf32, #tpu.memory_space<vmem>>
          %swap3A_788 = arith.index_cast %add3A_783 : i32 to index
          %swap3A_789 = arith.constant 80 : index
          %swap3A_790 = tpu.vector_load %swap3A_787[%swap3A_788, %swap3A_789] {strides = array<i32>} : memref<128x128xf32, #tpu.memory_space<vmem>>, vector<16xf32>,
          tpu.vector_store %swap3A_787[%swap3A_788, %swap3A_789], %unpack3A_772 {strides = array<i32>} : memref<128x128xf32, #tpu.memory_space<vmem>>, vector<16xf32>,
          %get3A_791 = arith.constant 0 : i32
          %get3A_792 = arith.constant 0 : i32
          %get3A_793 = tpu.memref_slice %arg11[%scan3A_329, %get3A_791, %get3A_792] : memref<2x64x64xi32, #tpu.memory_space<vmem>> -> memref<1x64x64xi32, #tpu.memory_space<vmem>>
          %get3A_794 = tpu.memref_squeeze %get3A_793 : memref<1x64x64xi32, #tpu.memory_space<vmem>> -> memref<64x64xi32, #tpu.memory_space<vmem>>
          %get3A_795 = arith.index_cast %scan3A_710 : i32 to index
          %get3A_796 = arith.constant 48 : index
          %get3A_797 = tpu.vector_load %get3A_794[%get3A_795, %get3A_796] {strides = array<i32>} : memref<64x64xi32, #tpu.memory_space<vmem>>, vector<16xi32>,
          %bitcast3A_798 = vector.bitcast %get3A_797 : vector<16xi32> to vector<32xbf16>
          %unpack3A_799 = tpu.unpack_subelements %bitcast3A_798, 0 {pack_format = #tpu.pack_format<interleaved>} : vector<32xbf16> -> vector<16xf32>
          %unpack3A_800 = tpu.unpack_subelements %bitcast3A_798, 1 {pack_format = #tpu.pack_format<interleaved>} : vector<32xbf16> -> vector<16xf32>
          %add3A_801 = arith.constant 0 : i32
          %add3A_802 = arith.addi %add3A_801, %scan3A_710 : i32
          %swap3A_803 = arith.constant 0 : i32
          %swap3A_804 = arith.constant 0 : i32
          %swap3A_805 = tpu.memref_slice %arg12[%scan3A_330, %swap3A_803, %swap3A_804] : memref<2x128x128xf32, #tpu.memory_space<vmem>> -> memref<1x128x128xf32, #tpu.memory_space<vmem>>
          %swap3A_806 = tpu.memref_squeeze %swap3A_805 : memref<1x128x128xf32, #tpu.memory_space<vmem>> -> memref<128x128xf32, #tpu.memory_space<vmem>>
          %swap3A_807 = arith.index_cast %add3A_802 : i32 to index
          %swap3A_808 = arith.constant 96 : index
          %swap3A_809 = tpu.vector_load %swap3A_806[%swap3A_807, %swap3A_808] {strides = array<i32>} : memref<128x128xf32, #tpu.memory_space<vmem>>, vector<16xf32>,
          tpu.vector_store %swap3A_806[%swap3A_807, %swap3A_808], %unpack3A_799 {strides = array<i32>} : memref<128x128xf32, #tpu.memory_space<vmem>>, vector<16xf32>,
          %add3A_810 = arith.constant 0 : i32
          %add3A_811 = arith.addi %add3A_810, %scan3A_710 : i32
          %swap3A_812 = arith.constant 0 : i32
          %swap3A_813 = arith.constant 0 : i32
          %swap3A_814 = tpu.memref_slice %arg12[%scan3A_330, %swap3A_812, %swap3A_813] : memref<2x128x128xf32, #tpu.memory_space<vmem>> -> memref<1x128x128xf32, #tpu.memory_space<vmem>>
          %swap3A_815 = tpu.memref_squeeze %swap3A_814 : memref<1x128x128xf32, #tpu.memory_space<vmem>> -> memref<128x128xf32, #tpu.memory_space<vmem>>
          %swap3A_816 = arith.index_cast %add3A_811 : i32 to index
          %swap3A_817 = arith.constant 112 : index
          %swap3A_818 = tpu.vector_load %swap3A_815[%swap3A_816, %swap3A_817] {strides = array<i32>} : memref<128x128xf32, #tpu.memory_space<vmem>>, vector<16xf32>,
          tpu.vector_store %swap3A_815[%swap3A_816, %swap3A_817], %unpack3A_800 {strides = array<i32>} : memref<128x128xf32, #tpu.memory_space<vmem>>, vector<16xf32>,
        }
        %scan3A_335 = arith.constant 64 : i32
        %dma_start3A_336 = arith.constant 0 : i32
        %dma_start3A_337 = arith.constant 0 : i32
        %dma_start3A_338 = arith.constant 0 : i32
        %dma_start3A_339 = tpu.memref_slice %arg11[%dma_start3A_336, %dma_start3A_337, %dma_start3A_338] : memref<2x64x64xi32, #tpu.memory_space<vmem>> -> memref<1x64x64xi32, #tpu.memory_space<vmem>>
        %dma_start3A_340 = tpu.memref_squeeze %dma_start3A_339 : memref<1x64x64xi32, #tpu.memory_space<vmem>> -> memref<64x64xi32, #tpu.memory_space<vmem>>
        %dma_start3A_341 = arith.constant 512 : i32
        %dma_start3A_342 = tpu.memref_slice %arg9[%dma_start3A_341] : memref<1024xi32, #tpu.memory_space<vmem>> -> memref<64xi32, #tpu.memory_space<vmem>>
        %dma_start3A_343 = arith.constant 0 : i32
        %dma_start3A_344 = arith.constant 0 : i32
        %dma_start3A_345 = tpu.memref_slice %arg4[%dma_start3A_343, %dma_start3A_344] : memref<10000x64xi32, #tpu.memory_space<hbm>> -> memref<10000x64xi32, #tpu.memory_space<hbm>>
        tpu.enqueue_indirect_dma source(%dma_start3A_345 : memref<10000x64xi32, #tpu.memory_space<hbm>>) target(%dma_start3A_340 : memref<64x64xi32, #tpu.memory_space<vmem>>) offsets(%dma_start3A_342 : memref<64xi32, #tpu.memory_space<vmem>>) semaphore(%arg14 : memref<!tpu.dma_semaphore, #tpu.memory_space<semaphore_mem>>)
        %dma_wait3A_346 = arith.constant 1 : i32
        %dma_wait3A_347 = arith.constant 0 : i32
        %dma_wait3A_348 = arith.constant 0 : i32
        %dma_wait3A_349 = tpu.memref_slice %arg11[%dma_wait3A_346, %dma_wait3A_347, %dma_wait3A_348] : memref<2x64x64xi32, #tpu.memory_space<vmem>> -> memref<1x64x64xi32, #tpu.memory_space<vmem>>
        %dma_wait3A_350 = tpu.memref_squeeze %dma_wait3A_349 : memref<1x64x64xi32, #tpu.memory_space<vmem>> -> memref<64x64xi32, #tpu.memory_space<vmem>>
        %dma_wait3A_351 = arith.constant 448 : i32
        %dma_wait3A_352 = tpu.memref_slice %arg9[%dma_wait3A_351] : memref<1024xi32, #tpu.memory_space<vmem>> -> memref<64xi32, #tpu.memory_space<vmem>>
        %dma_wait3A_353 = arith.constant 0 : i32
        %dma_wait3A_354 = arith.constant 0 : i32
        %dma_wait3A_355 = tpu.memref_slice %arg4[%dma_wait3A_353, %dma_wait3A_354] : memref<10000x64xi32, #tpu.memory_space<hbm>> -> memref<10000x64xi32, #tpu.memory_space<hbm>>
        tpu.wait_indirect_dma semaphore(%arg15 : memref<!tpu.dma_semaphore, #tpu.memory_space<semaphore_mem>>) src(%dma_wait3A_355 : memref<10000x64xi32, #tpu.memory_space<hbm>>) dst(%dma_wait3A_350 : memref<64x64xi32, #tpu.memory_space<vmem>>)
        %scan3A_356 = arith.constant 0 : i32
        %scan3A_357 = arith.constant 1 : i32
        %scan3A_358 = arith.constant 1 : i32
        %scan3A_359 = arith.constant 0 : i32
        %scan3A_360 = arith.constant 64 : i32
        %scan3A_361 = arith.addi %scan3A_359, %scan3A_360 : i32
        %scan3A_362 = arith.constant 1 : i32
        scf.for %scan3A_710 = %scan3A_359 to %scan3A_361 step %scan3A_362  : i32 {
          %get3A = arith.constant 0 : i32
          %get3A_711 = arith.constant 0 : i32
          %get3A_712 = tpu.memref_slice %arg11[%scan3A_357, %get3A, %get3A_711] : memref<2x64x64xi32, #tpu.memory_space<vmem>> -> memref<1x64x64xi32, #tpu.memory_space<vmem>>
          %get3A_713 = tpu.memref_squeeze %get3A_712 : memref<1x64x64xi32, #tpu.memory_space<vmem>> -> memref<64x64xi32, #tpu.memory_space<vmem>>
          %get3A_714 = arith.index_cast %scan3A_710 : i32 to index
          %get3A_715 = arith.constant 0 : index
          %get3A_716 = tpu.vector_load %get3A_713[%get3A_714, %get3A_715] {strides = array<i32>} : memref<64x64xi32, #tpu.memory_space<vmem>>, vector<16xi32>,
          %bitcast3A = vector.bitcast %get3A_716 : vector<16xi32> to vector<32xbf16>
          %unpack3A = tpu.unpack_subelements %bitcast3A, 0 {pack_format = #tpu.pack_format<interleaved>} : vector<32xbf16> -> vector<16xf32>
          %unpack3A_717 = tpu.unpack_subelements %bitcast3A, 1 {pack_format = #tpu.pack_format<interleaved>} : vector<32xbf16> -> vector<16xf32>
          %add3A_718 = arith.constant 64 : i32
          %add3A_719 = arith.addi %add3A_718, %scan3A_710 : i32
          %swap3A = arith.constant 0 : i32
          %swap3A_720 = arith.constant 0 : i32
          %swap3A_721 = tpu.memref_slice %arg12[%scan3A_358, %swap3A, %swap3A_720] : memref<2x128x128xf32, #tpu.memory_space<vmem>> -> memref<1x128x128xf32, #tpu.memory_space<vmem>>
          %swap3A_722 = tpu.memref_squeeze %swap3A_721 : memref<1x128x128xf32, #tpu.memory_space<vmem>> -> memref<128x128xf32, #tpu.memory_space<vmem>>
          %swap3A_723 = arith.index_cast %add3A_719 : i32 to index
          %swap3A_724 = arith.constant 0 : index
          %swap3A_725 = tpu.vector_load %swap3A_722[%swap3A_723, %swap3A_724] {strides = array<i32>} : memref<128x128xf32, #tpu.memory_space<vmem>>, vector<16xf32>,
          tpu.vector_store %swap3A_722[%swap3A_723, %swap3A_724], %unpack3A {strides = array<i32>} : memref<128x128xf32, #tpu.memory_space<vmem>>, vector<16xf32>,
          %add3A_726 = arith.constant 64 : i32
          %add3A_727 = arith.addi %add3A_726, %scan3A_710 : i32
          %swap3A_728 = arith.constant 0 : i32
          %swap3A_729 = arith.constant 0 : i32
          %swap3A_730 = tpu.memref_slice %arg12[%scan3A_358, %swap3A_728, %swap3A_729] : memref<2x128x128xf32, #tpu.memory_space<vmem>> -> memref<1x128x128xf32, #tpu.memory_space<vmem>>
          %swap3A_731 = tpu.memref_squeeze %swap3A_730 : memref<1x128x128xf32, #tpu.memory_space<vmem>> -> memref<128x128xf32, #tpu.memory_space<vmem>>
          %swap3A_732 = arith.index_cast %add3A_727 : i32 to index
          %swap3A_733 = arith.constant 16 : index
          %swap3A_734 = tpu.vector_load %swap3A_731[%swap3A_732, %swap3A_733] {strides = array<i32>} : memref<128x128xf32, #tpu.memory_space<vmem>>, vector<16xf32>,
          tpu.vector_store %swap3A_731[%swap3A_732, %swap3A_733], %unpack3A_717 {strides = array<i32>} : memref<128x128xf32, #tpu.memory_space<vmem>>, vector<16xf32>,
          %get3A_735 = arith.constant 0 : i32
          %get3A_736 = arith.constant 0 : i32
          %get3A_737 = tpu.memref_slice %arg11[%scan3A_357, %get3A_735, %get3A_736] : memref<2x64x64xi32, #tpu.memory_space<vmem>> -> memref<1x64x64xi32, #tpu.memory_space<vmem>>
          %get3A_738 = tpu.memref_squeeze %get3A_737 : memref<1x64x64xi32, #tpu.memory_space<vmem>> -> memref<64x64xi32, #tpu.memory_space<vmem>>
          %get3A_739 = arith.index_cast %scan3A_710 : i32 to index
          %get3A_740 = arith.constant 16 : index
          %get3A_741 = tpu.vector_load %get3A_738[%get3A_739, %get3A_740] {strides = array<i32>} : memref<64x64xi32, #tpu.memory_space<vmem>>, vector<16xi32>,
          %bitcast3A_742 = vector.bitcast %get3A_741 : vector<16xi32> to vector<32xbf16>
          %unpack3A_743 = tpu.unpack_subelements %bitcast3A_742, 0 {pack_format = #tpu.pack_format<interleaved>} : vector<32xbf16> -> vector<16xf32>
          %unpack3A_744 = tpu.unpack_subelements %bitcast3A_742, 1 {pack_format = #tpu.pack_format<interleaved>} : vector<32xbf16> -> vector<16xf32>
          %add3A_745 = arith.constant 64 : i32
          %add3A_746 = arith.addi %add3A_745, %scan3A_710 : i32
          %swap3A_747 = arith.constant 0 : i32
          %swap3A_748 = arith.constant 0 : i32
          %swap3A_749 = tpu.memref_slice %arg12[%scan3A_358, %swap3A_747, %swap3A_748] : memref<2x128x128xf32, #tpu.memory_space<vmem>> -> memref<1x128x128xf32, #tpu.memory_space<vmem>>
          %swap3A_750 = tpu.memref_squeeze %swap3A_749 : memref<1x128x128xf32, #tpu.memory_space<vmem>> -> memref<128x128xf32, #tpu.memory_space<vmem>>
          %swap3A_751 = arith.index_cast %add3A_746 : i32 to index
          %swap3A_752 = arith.constant 32 : index
          %swap3A_753 = tpu.vector_load %swap3A_750[%swap3A_751, %swap3A_752] {strides = array<i32>} : memref<128x128xf32, #tpu.memory_space<vmem>>, vector<16xf32>,
          tpu.vector_store %swap3A_750[%swap3A_751, %swap3A_752], %unpack3A_743 {strides = array<i32>} : memref<128x128xf32, #tpu.memory_space<vmem>>, vector<16xf32>,
          %add3A_754 = arith.constant 64 : i32
          %add3A_755 = arith.addi %add3A_754, %scan3A_710 : i32
          %swap3A_756 = arith.constant 0 : i32
          %swap3A_757 = arith.constant 0 : i32
          %swap3A_758 = tpu.memref_slice %arg12[%scan3A_358, %swap3A_756, %swap3A_757] : memref<2x128x128xf32, #tpu.memory_space<vmem>> -> memref<1x128x128xf32, #tpu.memory_space<vmem>>
          %swap3A_759 = tpu.memref_squeeze %swap3A_758 : memref<1x128x128xf32, #tpu.memory_space<vmem>> -> memref<128x128xf32, #tpu.memory_space<vmem>>
          %swap3A_760 = arith.index_cast %add3A_755 : i32 to index
          %swap3A_761 = arith.constant 48 : index
          %swap3A_762 = tpu.vector_load %swap3A_759[%swap3A_760, %swap3A_761] {strides = array<i32>} : memref<128x128xf32, #tpu.memory_space<vmem>>, vector<16xf32>,
          tpu.vector_store %swap3A_759[%swap3A_760, %swap3A_761], %unpack3A_744 {strides = array<i32>} : memref<128x128xf32, #tpu.memory_space<vmem>>, vector<16xf32>,
          %get3A_763 = arith.constant 0 : i32
          %get3A_764 = arith.constant 0 : i32
          %get3A_765 = tpu.memref_slice %arg11[%scan3A_357, %get3A_763, %get3A_764] : memref<2x64x64xi32, #tpu.memory_space<vmem>> -> memref<1x64x64xi32, #tpu.memory_space<vmem>>
          %get3A_766 = tpu.memref_squeeze %get3A_765 : memref<1x64x64xi32, #tpu.memory_space<vmem>> -> memref<64x64xi32, #tpu.memory_space<vmem>>
          %get3A_767 = arith.index_cast %scan3A_710 : i32 to index
          %get3A_768 = arith.constant 32 : index
          %get3A_769 = tpu.vector_load %get3A_766[%get3A_767, %get3A_768] {strides = array<i32>} : memref<64x64xi32, #tpu.memory_space<vmem>>, vector<16xi32>,
          %bitcast3A_770 = vector.bitcast %get3A_769 : vector<16xi32> to vector<32xbf16>
          %unpack3A_771 = tpu.unpack_subelements %bitcast3A_770, 0 {pack_format = #tpu.pack_format<interleaved>} : vector<32xbf16> -> vector<16xf32>
          %unpack3A_772 = tpu.unpack_subelements %bitcast3A_770, 1 {pack_format = #tpu.pack_format<interleaved>} : vector<32xbf16> -> vector<16xf32>
          %add3A_773 = arith.constant 64 : i32
          %add3A_774 = arith.addi %add3A_773, %scan3A_710 : i32
          %swap3A_775 = arith.constant 0 : i32
          %swap3A_776 = arith.constant 0 : i32
          %swap3A_777 = tpu.memref_slice %arg12[%scan3A_358, %swap3A_775, %swap3A_776] : memref<2x128x128xf32, #tpu.memory_space<vmem>> -> memref<1x128x128xf32, #tpu.memory_space<vmem>>
          %swap3A_778 = tpu.memref_squeeze %swap3A_777 : memref<1x128x128xf32, #tpu.memory_space<vmem>> -> memref<128x128xf32, #tpu.memory_space<vmem>>
          %swap3A_779 = arith.index_cast %add3A_774 : i32 to index
          %swap3A_780 = arith.constant 64 : index
          %swap3A_781 = tpu.vector_load %swap3A_778[%swap3A_779, %swap3A_780] {strides = array<i32>} : memref<128x128xf32, #tpu.memory_space<vmem>>, vector<16xf32>,
          tpu.vector_store %swap3A_778[%swap3A_779, %swap3A_780], %unpack3A_771 {strides = array<i32>} : memref<128x128xf32, #tpu.memory_space<vmem>>, vector<16xf32>,
          %add3A_782 = arith.constant 64 : i32
          %add3A_783 = arith.addi %add3A_782, %scan3A_710 : i32
          %swap3A_784 = arith.constant 0 : i32
          %swap3A_785 = arith.constant 0 : i32
          %swap3A_786 = tpu.memref_slice %arg12[%scan3A_358, %swap3A_784, %swap3A_785] : memref<2x128x128xf32, #tpu.memory_space<vmem>> -> memref<1x128x128xf32, #tpu.memory_space<vmem>>
          %swap3A_787 = tpu.memref_squeeze %swap3A_786 : memref<1x128x128xf32, #tpu.memory_space<vmem>> -> memref<128x128xf32, #tpu.memory_space<vmem>>
          %swap3A_788 = arith.index_cast %add3A_783 : i32 to index
          %swap3A_789 = arith.constant 80 : index
          %swap3A_790 = tpu.vector_load %swap3A_787[%swap3A_788, %swap3A_789] {strides = array<i32>} : memref<128x128xf32, #tpu.memory_space<vmem>>, vector<16xf32>,
          tpu.vector_store %swap3A_787[%swap3A_788, %swap3A_789], %unpack3A_772 {strides = array<i32>} : memref<128x128xf32, #tpu.memory_space<vmem>>, vector<16xf32>,
          %get3A_791 = arith.constant 0 : i32
          %get3A_792 = arith.constant 0 : i32
          %get3A_793 = tpu.memref_slice %arg11[%scan3A_357, %get3A_791, %get3A_792] : memref<2x64x64xi32, #tpu.memory_space<vmem>> -> memref<1x64x64xi32, #tpu.memory_space<vmem>>
          %get3A_794 = tpu.memref_squeeze %get3A_793 : memref<1x64x64xi32, #tpu.memory_space<vmem>> -> memref<64x64xi32, #tpu.memory_space<vmem>>
          %get3A_795 = arith.index_cast %scan3A_710 : i32 to index
          %get3A_796 = arith.constant 48 : index
          %get3A_797 = tpu.vector_load %get3A_794[%get3A_795, %get3A_796] {strides = array<i32>} : memref<64x64xi32, #tpu.memory_space<vmem>>, vector<16xi32>,
          %bitcast3A_798 = vector.bitcast %get3A_797 : vector<16xi32> to vector<32xbf16>
          %unpack3A_799 = tpu.unpack_subelements %bitcast3A_798, 0 {pack_format = #tpu.pack_format<interleaved>} : vector<32xbf16> -> vector<16xf32>
          %unpack3A_800 = tpu.unpack_subelements %bitcast3A_798, 1 {pack_format = #tpu.pack_format<interleaved>} : vector<32xbf16> -> vector<16xf32>
          %add3A_801 = arith.constant 64 : i32
          %add3A_802 = arith.addi %add3A_801, %scan3A_710 : i32
          %swap3A_803 = arith.constant 0 : i32
          %swap3A_804 = arith.constant 0 : i32
          %swap3A_805 = tpu.memref_slice %arg12[%scan3A_358, %swap3A_803, %swap3A_804] : memref<2x128x128xf32, #tpu.memory_space<vmem>> -> memref<1x128x128xf32, #tpu.memory_space<vmem>>
          %swap3A_806 = tpu.memref_squeeze %swap3A_805 : memref<1x128x128xf32, #tpu.memory_space<vmem>> -> memref<128x128xf32, #tpu.memory_space<vmem>>
          %swap3A_807 = arith.index_cast %add3A_802 : i32 to index
          %swap3A_808 = arith.constant 96 : index
          %swap3A_809 = tpu.vector_load %swap3A_806[%swap3A_807, %swap3A_808] {strides = array<i32>} : memref<128x128xf32, #tpu.memory_space<vmem>>, vector<16xf32>,
          tpu.vector_store %swap3A_806[%swap3A_807, %swap3A_808], %unpack3A_799 {strides = array<i32>} : memref<128x128xf32, #tpu.memory_space<vmem>>, vector<16xf32>,
          %add3A_810 = arith.constant 64 : i32
          %add3A_811 = arith.addi %add3A_810, %scan3A_710 : i32
          %swap3A_812 = arith.constant 0 : i32
          %swap3A_813 = arith.constant 0 : i32
          %swap3A_814 = tpu.memref_slice %arg12[%scan3A_358, %swap3A_812, %swap3A_813] : memref<2x128x128xf32, #tpu.memory_space<vmem>> -> memref<1x128x128xf32, #tpu.memory_space<vmem>>
          %swap3A_815 = tpu.memref_squeeze %swap3A_814 : memref<1x128x128xf32, #tpu.memory_space<vmem>> -> memref<128x128xf32, #tpu.memory_space<vmem>>
          %swap3A_816 = arith.index_cast %add3A_811 : i32 to index
          %swap3A_817 = arith.constant 112 : index
          %swap3A_818 = tpu.vector_load %swap3A_815[%swap3A_816, %swap3A_817] {strides = array<i32>} : memref<128x128xf32, #tpu.memory_space<vmem>>, vector<16xf32>,
          tpu.vector_store %swap3A_815[%swap3A_816, %swap3A_817], %unpack3A_800 {strides = array<i32>} : memref<128x128xf32, #tpu.memory_space<vmem>>, vector<16xf32>,
        }
        %scan3A_363 = arith.constant 64 : i32
        %dma_start3A_364 = arith.constant 1 : i32
        %dma_start3A_365 = arith.constant 0 : i32
        %dma_start3A_366 = arith.constant 0 : i32
        %dma_start3A_367 = tpu.memref_slice %arg11[%dma_start3A_364, %dma_start3A_365, %dma_start3A_366] : memref<2x64x64xi32, #tpu.memory_space<vmem>> -> memref<1x64x64xi32, #tpu.memory_space<vmem>>
        %dma_start3A_368 = tpu.memref_squeeze %dma_start3A_367 : memref<1x64x64xi32, #tpu.memory_space<vmem>> -> memref<64x64xi32, #tpu.memory_space<vmem>>
        %dma_start3A_369 = arith.constant 576 : i32
        %dma_start3A_370 = tpu.memref_slice %arg9[%dma_start3A_369] : memref<1024xi32, #tpu.memory_space<vmem>> -> memref<64xi32, #tpu.memory_space<vmem>>
        %dma_start3A_371 = arith.constant 0 : i32
        %dma_start3A_372 = arith.constant 0 : i32
        %dma_start3A_373 = tpu.memref_slice %arg4[%dma_start3A_371, %dma_start3A_372] : memref<10000x64xi32, #tpu.memory_space<hbm>> -> memref<10000x64xi32, #tpu.memory_space<hbm>>
        tpu.enqueue_indirect_dma source(%dma_start3A_373 : memref<10000x64xi32, #tpu.memory_space<hbm>>) target(%dma_start3A_368 : memref<64x64xi32, #tpu.memory_space<vmem>>) offsets(%dma_start3A_370 : memref<64xi32, #tpu.memory_space<vmem>>) semaphore(%arg15 : memref<!tpu.dma_semaphore, #tpu.memory_space<semaphore_mem>>)
        %dma_start3A_374 = arith.constant 1 : i32
        %dma_start3A_375 = arith.constant 3 : i32
        %dma_start3A_376 = arith.constant 0 : i32
        %dma_start3A_377 = arith.constant 0 : i32
        %dma_start3A_378 = tpu.memref_slice %arg12[%dma_start3A_374, %dma_start3A_376, %dma_start3A_377] : memref<2x128x128xf32, #tpu.memory_space<vmem>> -> memref<1x128x128xf32, #tpu.memory_space<vmem>>
        %dma_start3A_379 = tpu.memref_squeeze %dma_start3A_378 : memref<1x128x128xf32, #tpu.memory_space<vmem>> -> memref<128x128xf32, #tpu.memory_space<vmem>>
        %dma_start3A_380 = arith.constant 0 : i32
        %dma_start3A_381 = tpu.memref_slice %arg10[%dma_start3A_375, %dma_start3A_380] : memref<8x128xi32, #tpu.memory_space<vmem>> -> memref<1x128xi32, #tpu.memory_space<vmem>>
        %dma_start3A_382 = tpu.memref_squeeze %dma_start3A_381 : memref<1x128xi32, #tpu.memory_space<vmem>> -> memref<128xi32, #tpu.memory_space<vmem>>
        %dma_start3A_383 = arith.constant 0 : i32
        %dma_start3A_384 = arith.constant 0 : i32
        %dma_start3A_385 = tpu.memref_slice %arg8[%dma_start3A_383, %dma_start3A_384] : memref<10240x128xf32, #tpu.memory_space<vmem_shared>> -> memref<10240x128xf32, #tpu.memory_space<vmem_shared>>
        tpu.enqueue_indirect_dma source(%dma_start3A_379 : memref<128x128xf32, #tpu.memory_space<vmem>>) target(%dma_start3A_385 : memref<10240x128xf32, #tpu.memory_space<vmem_shared>>) offsets(%dma_start3A_382 : memref<128xi32, #tpu.memory_space<vmem>>) semaphore(%arg17 : memref<!tpu.dma_semaphore, #tpu.memory_space<semaphore_mem>>) {add = true}
        %dma_wait3A_386 = arith.constant 0 : i32
        %dma_wait3A_387 = arith.constant 2 : i32
        %dma_wait3A_388 = arith.constant 0 : i32
        %dma_wait3A_389 = arith.constant 0 : i32
        %dma_wait3A_390 = tpu.memref_slice %arg12[%dma_wait3A_386, %dma_wait3A_388, %dma_wait3A_389] : memref<2x128x128xf32, #tpu.memory_space<vmem>> -> memref<1x128x128xf32, #tpu.memory_space<vmem>>
        %dma_wait3A_391 = tpu.memref_squeeze %dma_wait3A_390 : memref<1x128x128xf32, #tpu.memory_space<vmem>> -> memref<128x128xf32, #tpu.memory_space<vmem>>
        %dma_wait3A_392 = arith.constant 0 : i32
        %dma_wait3A_393 = tpu.memref_slice %arg10[%dma_wait3A_387, %dma_wait3A_392] : memref<8x128xi32, #tpu.memory_space<vmem>> -> memref<1x128xi32, #tpu.memory_space<vmem>>
        %dma_wait3A_394 = tpu.memref_squeeze %dma_wait3A_393 : memref<1x128xi32, #tpu.memory_space<vmem>> -> memref<128xi32, #tpu.memory_space<vmem>>
        %dma_wait3A_395 = arith.constant 0 : i32
        %dma_wait3A_396 = arith.constant 0 : i32
        %dma_wait3A_397 = tpu.memref_slice %arg8[%dma_wait3A_395, %dma_wait3A_396] : memref<10240x128xf32, #tpu.memory_space<vmem_shared>> -> memref<10240x128xf32, #tpu.memory_space<vmem_shared>>
        tpu.wait_indirect_dma semaphore(%arg16 : memref<!tpu.dma_semaphore, #tpu.memory_space<semaphore_mem>>) src(%dma_wait3A_391 : memref<128x128xf32, #tpu.memory_space<vmem>>) dst(%dma_wait3A_397 : memref<10240x128xf32, #tpu.memory_space<vmem_shared>>)
        %dma_wait3A_398 = arith.constant 0 : i32
        %dma_wait3A_399 = arith.constant 0 : i32
        %dma_wait3A_400 = arith.constant 0 : i32
        %dma_wait3A_401 = tpu.memref_slice %arg11[%dma_wait3A_398, %dma_wait3A_399, %dma_wait3A_400] : memref<2x64x64xi32, #tpu.memory_space<vmem>> -> memref<1x64x64xi32, #tpu.memory_space<vmem>>
        %dma_wait3A_402 = tpu.memref_squeeze %dma_wait3A_401 : memref<1x64x64xi32, #tpu.memory_space<vmem>> -> memref<64x64xi32, #tpu.memory_space<vmem>>
        %dma_wait3A_403 = arith.constant 512 : i32
        %dma_wait3A_404 = tpu.memref_slice %arg9[%dma_wait3A_403] : memref<1024xi32, #tpu.memory_space<vmem>> -> memref<64xi32, #tpu.memory_space<vmem>>
        %dma_wait3A_405 = arith.constant 0 : i32
        %dma_wait3A_406 = arith.constant 0 : i32
        %dma_wait3A_407 = tpu.memref_slice %arg4[%dma_wait3A_405, %dma_wait3A_406] : memref<10000x64xi32, #tpu.memory_space<hbm>> -> memref<10000x64xi32, #tpu.memory_space<hbm>>
        tpu.wait_indirect_dma semaphore(%arg14 : memref<!tpu.dma_semaphore, #tpu.memory_space<semaphore_mem>>) src(%dma_wait3A_407 : memref<10000x64xi32, #tpu.memory_space<hbm>>) dst(%dma_wait3A_402 : memref<64x64xi32, #tpu.memory_space<vmem>>)
        %scan3A_408 = arith.constant 0 : i32
        %scan3A_409 = arith.constant 0 : i32
        %scan3A_410 = arith.constant 0 : i32
        %scan3A_411 = arith.constant 0 : i32
        %scan3A_412 = arith.constant 64 : i32
        %scan3A_413 = arith.addi %scan3A_411, %scan3A_412 : i32
        %scan3A_414 = arith.constant 1 : i32
        scf.for %scan3A_710 = %scan3A_411 to %scan3A_413 step %scan3A_414  : i32 {
          %get3A = arith.constant 0 : i32
          %get3A_711 = arith.constant 0 : i32
          %get3A_712 = tpu.memref_slice %arg11[%scan3A_409, %get3A, %get3A_711] : memref<2x64x64xi32, #tpu.memory_space<vmem>> -> memref<1x64x64xi32, #tpu.memory_space<vmem>>
          %get3A_713 = tpu.memref_squeeze %get3A_712 : memref<1x64x64xi32, #tpu.memory_space<vmem>> -> memref<64x64xi32, #tpu.memory_space<vmem>>
          %get3A_714 = arith.index_cast %scan3A_710 : i32 to index
          %get3A_715 = arith.constant 0 : index
          %get3A_716 = tpu.vector_load %get3A_713[%get3A_714, %get3A_715] {strides = array<i32>} : memref<64x64xi32, #tpu.memory_space<vmem>>, vector<16xi32>,
          %bitcast3A = vector.bitcast %get3A_716 : vector<16xi32> to vector<32xbf16>
          %unpack3A = tpu.unpack_subelements %bitcast3A, 0 {pack_format = #tpu.pack_format<interleaved>} : vector<32xbf16> -> vector<16xf32>
          %unpack3A_717 = tpu.unpack_subelements %bitcast3A, 1 {pack_format = #tpu.pack_format<interleaved>} : vector<32xbf16> -> vector<16xf32>
          %add3A_718 = arith.constant 0 : i32
          %add3A_719 = arith.addi %add3A_718, %scan3A_710 : i32
          %swap3A = arith.constant 0 : i32
          %swap3A_720 = arith.constant 0 : i32
          %swap3A_721 = tpu.memref_slice %arg12[%scan3A_410, %swap3A, %swap3A_720] : memref<2x128x128xf32, #tpu.memory_space<vmem>> -> memref<1x128x128xf32, #tpu.memory_space<vmem>>
          %swap3A_722 = tpu.memref_squeeze %swap3A_721 : memref<1x128x128xf32, #tpu.memory_space<vmem>> -> memref<128x128xf32, #tpu.memory_space<vmem>>
          %swap3A_723 = arith.index_cast %add3A_719 : i32 to index
          %swap3A_724 = arith.constant 0 : index
          %swap3A_725 = tpu.vector_load %swap3A_722[%swap3A_723, %swap3A_724] {strides = array<i32>} : memref<128x128xf32, #tpu.memory_space<vmem>>, vector<16xf32>,
          tpu.vector_store %swap3A_722[%swap3A_723, %swap3A_724], %unpack3A {strides = array<i32>} : memref<128x128xf32, #tpu.memory_space<vmem>>, vector<16xf32>,
          %add3A_726 = arith.constant 0 : i32
          %add3A_727 = arith.addi %add3A_726, %scan3A_710 : i32
          %swap3A_728 = arith.constant 0 : i32
          %swap3A_729 = arith.constant 0 : i32
          %swap3A_730 = tpu.memref_slice %arg12[%scan3A_410, %swap3A_728, %swap3A_729] : memref<2x128x128xf32, #tpu.memory_space<vmem>> -> memref<1x128x128xf32, #tpu.memory_space<vmem>>
          %swap3A_731 = tpu.memref_squeeze %swap3A_730 : memref<1x128x128xf32, #tpu.memory_space<vmem>> -> memref<128x128xf32, #tpu.memory_space<vmem>>
          %swap3A_732 = arith.index_cast %add3A_727 : i32 to index
          %swap3A_733 = arith.constant 16 : index
          %swap3A_734 = tpu.vector_load %swap3A_731[%swap3A_732, %swap3A_733] {strides = array<i32>} : memref<128x128xf32, #tpu.memory_space<vmem>>, vector<16xf32>,
          tpu.vector_store %swap3A_731[%swap3A_732, %swap3A_733], %unpack3A_717 {strides = array<i32>} : memref<128x128xf32, #tpu.memory_space<vmem>>, vector<16xf32>,
          %get3A_735 = arith.constant 0 : i32
          %get3A_736 = arith.constant 0 : i32
          %get3A_737 = tpu.memref_slice %arg11[%scan3A_409, %get3A_735, %get3A_736] : memref<2x64x64xi32, #tpu.memory_space<vmem>> -> memref<1x64x64xi32, #tpu.memory_space<vmem>>
          %get3A_738 = tpu.memref_squeeze %get3A_737 : memref<1x64x64xi32, #tpu.memory_space<vmem>> -> memref<64x64xi32, #tpu.memory_space<vmem>>
          %get3A_739 = arith.index_cast %scan3A_710 : i32 to index
          %get3A_740 = arith.constant 16 : index
          %get3A_741 = tpu.vector_load %get3A_738[%get3A_739, %get3A_740] {strides = array<i32>} : memref<64x64xi32, #tpu.memory_space<vmem>>, vector<16xi32>,
          %bitcast3A_742 = vector.bitcast %get3A_741 : vector<16xi32> to vector<32xbf16>
          %unpack3A_743 = tpu.unpack_subelements %bitcast3A_742, 0 {pack_format = #tpu.pack_format<interleaved>} : vector<32xbf16> -> vector<16xf32>
          %unpack3A_744 = tpu.unpack_subelements %bitcast3A_742, 1 {pack_format = #tpu.pack_format<interleaved>} : vector<32xbf16> -> vector<16xf32>
          %add3A_745 = arith.constant 0 : i32
          %add3A_746 = arith.addi %add3A_745, %scan3A_710 : i32
          %swap3A_747 = arith.constant 0 : i32
          %swap3A_748 = arith.constant 0 : i32
          %swap3A_749 = tpu.memref_slice %arg12[%scan3A_410, %swap3A_747, %swap3A_748] : memref<2x128x128xf32, #tpu.memory_space<vmem>> -> memref<1x128x128xf32, #tpu.memory_space<vmem>>
          %swap3A_750 = tpu.memref_squeeze %swap3A_749 : memref<1x128x128xf32, #tpu.memory_space<vmem>> -> memref<128x128xf32, #tpu.memory_space<vmem>>
          %swap3A_751 = arith.index_cast %add3A_746 : i32 to index
          %swap3A_752 = arith.constant 32 : index
          %swap3A_753 = tpu.vector_load %swap3A_750[%swap3A_751, %swap3A_752] {strides = array<i32>} : memref<128x128xf32, #tpu.memory_space<vmem>>, vector<16xf32>,
          tpu.vector_store %swap3A_750[%swap3A_751, %swap3A_752], %unpack3A_743 {strides = array<i32>} : memref<128x128xf32, #tpu.memory_space<vmem>>, vector<16xf32>,
          %add3A_754 = arith.constant 0 : i32
          %add3A_755 = arith.addi %add3A_754, %scan3A_710 : i32
          %swap3A_756 = arith.constant 0 : i32
          %swap3A_757 = arith.constant 0 : i32
          %swap3A_758 = tpu.memref_slice %arg12[%scan3A_410, %swap3A_756, %swap3A_757] : memref<2x128x128xf32, #tpu.memory_space<vmem>> -> memref<1x128x128xf32, #tpu.memory_space<vmem>>
          %swap3A_759 = tpu.memref_squeeze %swap3A_758 : memref<1x128x128xf32, #tpu.memory_space<vmem>> -> memref<128x128xf32, #tpu.memory_space<vmem>>
          %swap3A_760 = arith.index_cast %add3A_755 : i32 to index
          %swap3A_761 = arith.constant 48 : index
          %swap3A_762 = tpu.vector_load %swap3A_759[%swap3A_760, %swap3A_761] {strides = array<i32>} : memref<128x128xf32, #tpu.memory_space<vmem>>, vector<16xf32>,
          tpu.vector_store %swap3A_759[%swap3A_760, %swap3A_761], %unpack3A_744 {strides = array<i32>} : memref<128x128xf32, #tpu.memory_space<vmem>>, vector<16xf32>,
          %get3A_763 = arith.constant 0 : i32
          %get3A_764 = arith.constant 0 : i32
          %get3A_765 = tpu.memref_slice %arg11[%scan3A_409, %get3A_763, %get3A_764] : memref<2x64x64xi32, #tpu.memory_space<vmem>> -> memref<1x64x64xi32, #tpu.memory_space<vmem>>
          %get3A_766 = tpu.memref_squeeze %get3A_765 : memref<1x64x64xi32, #tpu.memory_space<vmem>> -> memref<64x64xi32, #tpu.memory_space<vmem>>
          %get3A_767 = arith.index_cast %scan3A_710 : i32 to index
          %get3A_768 = arith.constant 32 : index
          %get3A_769 = tpu.vector_load %get3A_766[%get3A_767, %get3A_768] {strides = array<i32>} : memref<64x64xi32, #tpu.memory_space<vmem>>, vector<16xi32>,
          %bitcast3A_770 = vector.bitcast %get3A_769 : vector<16xi32> to vector<32xbf16>
          %unpack3A_771 = tpu.unpack_subelements %bitcast3A_770, 0 {pack_format = #tpu.pack_format<interleaved>} : vector<32xbf16> -> vector<16xf32>
          %unpack3A_772 = tpu.unpack_subelements %bitcast3A_770, 1 {pack_format = #tpu.pack_format<interleaved>} : vector<32xbf16> -> vector<16xf32>
          %add3A_773 = arith.constant 0 : i32
          %add3A_774 = arith.addi %add3A_773, %scan3A_710 : i32
          %swap3A_775 = arith.constant 0 : i32
          %swap3A_776 = arith.constant 0 : i32
          %swap3A_777 = tpu.memref_slice %arg12[%scan3A_410, %swap3A_775, %swap3A_776] : memref<2x128x128xf32, #tpu.memory_space<vmem>> -> memref<1x128x128xf32, #tpu.memory_space<vmem>>
          %swap3A_778 = tpu.memref_squeeze %swap3A_777 : memref<1x128x128xf32, #tpu.memory_space<vmem>> -> memref<128x128xf32, #tpu.memory_space<vmem>>
          %swap3A_779 = arith.index_cast %add3A_774 : i32 to index
          %swap3A_780 = arith.constant 64 : index
          %swap3A_781 = tpu.vector_load %swap3A_778[%swap3A_779, %swap3A_780] {strides = array<i32>} : memref<128x128xf32, #tpu.memory_space<vmem>>, vector<16xf32>,
          tpu.vector_store %swap3A_778[%swap3A_779, %swap3A_780], %unpack3A_771 {strides = array<i32>} : memref<128x128xf32, #tpu.memory_space<vmem>>, vector<16xf32>,
          %add3A_782 = arith.constant 0 : i32
          %add3A_783 = arith.addi %add3A_782, %scan3A_710 : i32
          %swap3A_784 = arith.constant 0 : i32
          %swap3A_785 = arith.constant 0 : i32
          %swap3A_786 = tpu.memref_slice %arg12[%scan3A_410, %swap3A_784, %swap3A_785] : memref<2x128x128xf32, #tpu.memory_space<vmem>> -> memref<1x128x128xf32, #tpu.memory_space<vmem>>
          %swap3A_787 = tpu.memref_squeeze %swap3A_786 : memref<1x128x128xf32, #tpu.memory_space<vmem>> -> memref<128x128xf32, #tpu.memory_space<vmem>>
          %swap3A_788 = arith.index_cast %add3A_783 : i32 to index
          %swap3A_789 = arith.constant 80 : index
          %swap3A_790 = tpu.vector_load %swap3A_787[%swap3A_788, %swap3A_789] {strides = array<i32>} : memref<128x128xf32, #tpu.memory_space<vmem>>, vector<16xf32>,
          tpu.vector_store %swap3A_787[%swap3A_788, %swap3A_789], %unpack3A_772 {strides = array<i32>} : memref<128x128xf32, #tpu.memory_space<vmem>>, vector<16xf32>,
          %get3A_791 = arith.constant 0 : i32
          %get3A_792 = arith.constant 0 : i32
          %get3A_793 = tpu.memref_slice %arg11[%scan3A_409, %get3A_791, %get3A_792] : memref<2x64x64xi32, #tpu.memory_space<vmem>> -> memref<1x64x64xi32, #tpu.memory_space<vmem>>
          %get3A_794 = tpu.memref_squeeze %get3A_793 : memref<1x64x64xi32, #tpu.memory_space<vmem>> -> memref<64x64xi32, #tpu.memory_space<vmem>>
          %get3A_795 = arith.index_cast %scan3A_710 : i32 to index
          %get3A_796 = arith.constant 48 : index
          %get3A_797 = tpu.vector_load %get3A_794[%get3A_795, %get3A_796] {strides = array<i32>} : memref<64x64xi32, #tpu.memory_space<vmem>>, vector<16xi32>,
          %bitcast3A_798 = vector.bitcast %get3A_797 : vector<16xi32> to vector<32xbf16>
          %unpack3A_799 = tpu.unpack_subelements %bitcast3A_798, 0 {pack_format = #tpu.pack_format<interleaved>} : vector<32xbf16> -> vector<16xf32>
          %unpack3A_800 = tpu.unpack_subelements %bitcast3A_798, 1 {pack_format = #tpu.pack_format<interleaved>} : vector<32xbf16> -> vector<16xf32>
          %add3A_801 = arith.constant 0 : i32
          %add3A_802 = arith.addi %add3A_801, %scan3A_710 : i32
          %swap3A_803 = arith.constant 0 : i32
          %swap3A_804 = arith.constant 0 : i32
          %swap3A_805 = tpu.memref_slice %arg12[%scan3A_410, %swap3A_803, %swap3A_804] : memref<2x128x128xf32, #tpu.memory_space<vmem>> -> memref<1x128x128xf32, #tpu.memory_space<vmem>>
          %swap3A_806 = tpu.memref_squeeze %swap3A_805 : memref<1x128x128xf32, #tpu.memory_space<vmem>> -> memref<128x128xf32, #tpu.memory_space<vmem>>
          %swap3A_807 = arith.index_cast %add3A_802 : i32 to index
          %swap3A_808 = arith.constant 96 : index
          %swap3A_809 = tpu.vector_load %swap3A_806[%swap3A_807, %swap3A_808] {strides = array<i32>} : memref<128x128xf32, #tpu.memory_space<vmem>>, vector<16xf32>,
          tpu.vector_store %swap3A_806[%swap3A_807, %swap3A_808], %unpack3A_799 {strides = array<i32>} : memref<128x128xf32, #tpu.memory_space<vmem>>, vector<16xf32>,
          %add3A_810 = arith.constant 0 : i32
          %add3A_811 = arith.addi %add3A_810, %scan3A_710 : i32
          %swap3A_812 = arith.constant 0 : i32
          %swap3A_813 = arith.constant 0 : i32
          %swap3A_814 = tpu.memref_slice %arg12[%scan3A_410, %swap3A_812, %swap3A_813] : memref<2x128x128xf32, #tpu.memory_space<vmem>> -> memref<1x128x128xf32, #tpu.memory_space<vmem>>
          %swap3A_815 = tpu.memref_squeeze %swap3A_814 : memref<1x128x128xf32, #tpu.memory_space<vmem>> -> memref<128x128xf32, #tpu.memory_space<vmem>>
          %swap3A_816 = arith.index_cast %add3A_811 : i32 to index
          %swap3A_817 = arith.constant 112 : index
          %swap3A_818 = tpu.vector_load %swap3A_815[%swap3A_816, %swap3A_817] {strides = array<i32>} : memref<128x128xf32, #tpu.memory_space<vmem>>, vector<16xf32>,
          tpu.vector_store %swap3A_815[%swap3A_816, %swap3A_817], %unpack3A_800 {strides = array<i32>} : memref<128x128xf32, #tpu.memory_space<vmem>>, vector<16xf32>,
        }
        %scan3A_415 = arith.constant 64 : i32
        %dma_start3A_416 = arith.constant 0 : i32
        %dma_start3A_417 = arith.constant 0 : i32
        %dma_start3A_418 = arith.constant 0 : i32
        %dma_start3A_419 = tpu.memref_slice %arg11[%dma_start3A_416, %dma_start3A_417, %dma_start3A_418] : memref<2x64x64xi32, #tpu.memory_space<vmem>> -> memref<1x64x64xi32, #tpu.memory_space<vmem>>
        %dma_start3A_420 = tpu.memref_squeeze %dma_start3A_419 : memref<1x64x64xi32, #tpu.memory_space<vmem>> -> memref<64x64xi32, #tpu.memory_space<vmem>>
        %dma_start3A_421 = arith.constant 640 : i32
        %dma_start3A_422 = tpu.memref_slice %arg9[%dma_start3A_421] : memref<1024xi32, #tpu.memory_space<vmem>> -> memref<64xi32, #tpu.memory_space<vmem>>
        %dma_start3A_423 = arith.constant 0 : i32
        %dma_start3A_424 = arith.constant 0 : i32
        %dma_start3A_425 = tpu.memref_slice %arg4[%dma_start3A_423, %dma_start3A_424] : memref<10000x64xi32, #tpu.memory_space<hbm>> -> memref<10000x64xi32, #tpu.memory_space<hbm>>
        tpu.enqueue_indirect_dma source(%dma_start3A_425 : memref<10000x64xi32, #tpu.memory_space<hbm>>) target(%dma_start3A_420 : memref<64x64xi32, #tpu.memory_space<vmem>>) offsets(%dma_start3A_422 : memref<64xi32, #tpu.memory_space<vmem>>) semaphore(%arg14 : memref<!tpu.dma_semaphore, #tpu.memory_space<semaphore_mem>>)
        %dma_wait3A_426 = arith.constant 1 : i32
        %dma_wait3A_427 = arith.constant 0 : i32
        %dma_wait3A_428 = arith.constant 0 : i32
        %dma_wait3A_429 = tpu.memref_slice %arg11[%dma_wait3A_426, %dma_wait3A_427, %dma_wait3A_428] : memref<2x64x64xi32, #tpu.memory_space<vmem>> -> memref<1x64x64xi32, #tpu.memory_space<vmem>>
        %dma_wait3A_430 = tpu.memref_squeeze %dma_wait3A_429 : memref<1x64x64xi32, #tpu.memory_space<vmem>> -> memref<64x64xi32, #tpu.memory_space<vmem>>
        %dma_wait3A_431 = arith.constant 576 : i32
        %dma_wait3A_432 = tpu.memref_slice %arg9[%dma_wait3A_431] : memref<1024xi32, #tpu.memory_space<vmem>> -> memref<64xi32, #tpu.memory_space<vmem>>
        %dma_wait3A_433 = arith.constant 0 : i32
        %dma_wait3A_434 = arith.constant 0 : i32
        %dma_wait3A_435 = tpu.memref_slice %arg4[%dma_wait3A_433, %dma_wait3A_434] : memref<10000x64xi32, #tpu.memory_space<hbm>> -> memref<10000x64xi32, #tpu.memory_space<hbm>>
        tpu.wait_indirect_dma semaphore(%arg15 : memref<!tpu.dma_semaphore, #tpu.memory_space<semaphore_mem>>) src(%dma_wait3A_435 : memref<10000x64xi32, #tpu.memory_space<hbm>>) dst(%dma_wait3A_430 : memref<64x64xi32, #tpu.memory_space<vmem>>)
        %scan3A_436 = arith.constant 0 : i32
        %scan3A_437 = arith.constant 1 : i32
        %scan3A_438 = arith.constant 0 : i32
        %scan3A_439 = arith.constant 0 : i32
        %scan3A_440 = arith.constant 64 : i32
        %scan3A_441 = arith.addi %scan3A_439, %scan3A_440 : i32
        %scan3A_442 = arith.constant 1 : i32
        scf.for %scan3A_710 = %scan3A_439 to %scan3A_441 step %scan3A_442  : i32 {
          %get3A = arith.constant 0 : i32
          %get3A_711 = arith.constant 0 : i32
          %get3A_712 = tpu.memref_slice %arg11[%scan3A_437, %get3A, %get3A_711] : memref<2x64x64xi32, #tpu.memory_space<vmem>> -> memref<1x64x64xi32, #tpu.memory_space<vmem>>
          %get3A_713 = tpu.memref_squeeze %get3A_712 : memref<1x64x64xi32, #tpu.memory_space<vmem>> -> memref<64x64xi32, #tpu.memory_space<vmem>>
          %get3A_714 = arith.index_cast %scan3A_710 : i32 to index
          %get3A_715 = arith.constant 0 : index
          %get3A_716 = tpu.vector_load %get3A_713[%get3A_714, %get3A_715] {strides = array<i32>} : memref<64x64xi32, #tpu.memory_space<vmem>>, vector<16xi32>,
          %bitcast3A = vector.bitcast %get3A_716 : vector<16xi32> to vector<32xbf16>
          %unpack3A = tpu.unpack_subelements %bitcast3A, 0 {pack_format = #tpu.pack_format<interleaved>} : vector<32xbf16> -> vector<16xf32>
          %unpack3A_717 = tpu.unpack_subelements %bitcast3A, 1 {pack_format = #tpu.pack_format<interleaved>} : vector<32xbf16> -> vector<16xf32>
          %add3A_718 = arith.constant 64 : i32
          %add3A_719 = arith.addi %add3A_718, %scan3A_710 : i32
          %swap3A = arith.constant 0 : i32
          %swap3A_720 = arith.constant 0 : i32
          %swap3A_721 = tpu.memref_slice %arg12[%scan3A_438, %swap3A, %swap3A_720] : memref<2x128x128xf32, #tpu.memory_space<vmem>> -> memref<1x128x128xf32, #tpu.memory_space<vmem>>
          %swap3A_722 = tpu.memref_squeeze %swap3A_721 : memref<1x128x128xf32, #tpu.memory_space<vmem>> -> memref<128x128xf32, #tpu.memory_space<vmem>>
          %swap3A_723 = arith.index_cast %add3A_719 : i32 to index
          %swap3A_724 = arith.constant 0 : index
          %swap3A_725 = tpu.vector_load %swap3A_722[%swap3A_723, %swap3A_724] {strides = array<i32>} : memref<128x128xf32, #tpu.memory_space<vmem>>, vector<16xf32>,
          tpu.vector_store %swap3A_722[%swap3A_723, %swap3A_724], %unpack3A {strides = array<i32>} : memref<128x128xf32, #tpu.memory_space<vmem>>, vector<16xf32>,
          %add3A_726 = arith.constant 64 : i32
          %add3A_727 = arith.addi %add3A_726, %scan3A_710 : i32
          %swap3A_728 = arith.constant 0 : i32
          %swap3A_729 = arith.constant 0 : i32
          %swap3A_730 = tpu.memref_slice %arg12[%scan3A_438, %swap3A_728, %swap3A_729] : memref<2x128x128xf32, #tpu.memory_space<vmem>> -> memref<1x128x128xf32, #tpu.memory_space<vmem>>
          %swap3A_731 = tpu.memref_squeeze %swap3A_730 : memref<1x128x128xf32, #tpu.memory_space<vmem>> -> memref<128x128xf32, #tpu.memory_space<vmem>>
          %swap3A_732 = arith.index_cast %add3A_727 : i32 to index
          %swap3A_733 = arith.constant 16 : index
          %swap3A_734 = tpu.vector_load %swap3A_731[%swap3A_732, %swap3A_733] {strides = array<i32>} : memref<128x128xf32, #tpu.memory_space<vmem>>, vector<16xf32>,
          tpu.vector_store %swap3A_731[%swap3A_732, %swap3A_733], %unpack3A_717 {strides = array<i32>} : memref<128x128xf32, #tpu.memory_space<vmem>>, vector<16xf32>,
          %get3A_735 = arith.constant 0 : i32
          %get3A_736 = arith.constant 0 : i32
          %get3A_737 = tpu.memref_slice %arg11[%scan3A_437, %get3A_735, %get3A_736] : memref<2x64x64xi32, #tpu.memory_space<vmem>> -> memref<1x64x64xi32, #tpu.memory_space<vmem>>
          %get3A_738 = tpu.memref_squeeze %get3A_737 : memref<1x64x64xi32, #tpu.memory_space<vmem>> -> memref<64x64xi32, #tpu.memory_space<vmem>>
          %get3A_739 = arith.index_cast %scan3A_710 : i32 to index
          %get3A_740 = arith.constant 16 : index
          %get3A_741 = tpu.vector_load %get3A_738[%get3A_739, %get3A_740] {strides = array<i32>} : memref<64x64xi32, #tpu.memory_space<vmem>>, vector<16xi32>,
          %bitcast3A_742 = vector.bitcast %get3A_741 : vector<16xi32> to vector<32xbf16>
          %unpack3A_743 = tpu.unpack_subelements %bitcast3A_742, 0 {pack_format = #tpu.pack_format<interleaved>} : vector<32xbf16> -> vector<16xf32>
          %unpack3A_744 = tpu.unpack_subelements %bitcast3A_742, 1 {pack_format = #tpu.pack_format<interleaved>} : vector<32xbf16> -> vector<16xf32>
          %add3A_745 = arith.constant 64 : i32
          %add3A_746 = arith.addi %add3A_745, %scan3A_710 : i32
          %swap3A_747 = arith.constant 0 : i32
          %swap3A_748 = arith.constant 0 : i32
          %swap3A_749 = tpu.memref_slice %arg12[%scan3A_438, %swap3A_747, %swap3A_748] : memref<2x128x128xf32, #tpu.memory_space<vmem>> -> memref<1x128x128xf32, #tpu.memory_space<vmem>>
          %swap3A_750 = tpu.memref_squeeze %swap3A_749 : memref<1x128x128xf32, #tpu.memory_space<vmem>> -> memref<128x128xf32, #tpu.memory_space<vmem>>
          %swap3A_751 = arith.index_cast %add3A_746 : i32 to index
          %swap3A_752 = arith.constant 32 : index
          %swap3A_753 = tpu.vector_load %swap3A_750[%swap3A_751, %swap3A_752] {strides = array<i32>} : memref<128x128xf32, #tpu.memory_space<vmem>>, vector<16xf32>,
          tpu.vector_store %swap3A_750[%swap3A_751, %swap3A_752], %unpack3A_743 {strides = array<i32>} : memref<128x128xf32, #tpu.memory_space<vmem>>, vector<16xf32>,
          %add3A_754 = arith.constant 64 : i32
          %add3A_755 = arith.addi %add3A_754, %scan3A_710 : i32
          %swap3A_756 = arith.constant 0 : i32
          %swap3A_757 = arith.constant 0 : i32
          %swap3A_758 = tpu.memref_slice %arg12[%scan3A_438, %swap3A_756, %swap3A_757] : memref<2x128x128xf32, #tpu.memory_space<vmem>> -> memref<1x128x128xf32, #tpu.memory_space<vmem>>
          %swap3A_759 = tpu.memref_squeeze %swap3A_758 : memref<1x128x128xf32, #tpu.memory_space<vmem>> -> memref<128x128xf32, #tpu.memory_space<vmem>>
          %swap3A_760 = arith.index_cast %add3A_755 : i32 to index
          %swap3A_761 = arith.constant 48 : index
          %swap3A_762 = tpu.vector_load %swap3A_759[%swap3A_760, %swap3A_761] {strides = array<i32>} : memref<128x128xf32, #tpu.memory_space<vmem>>, vector<16xf32>,
          tpu.vector_store %swap3A_759[%swap3A_760, %swap3A_761], %unpack3A_744 {strides = array<i32>} : memref<128x128xf32, #tpu.memory_space<vmem>>, vector<16xf32>,
          %get3A_763 = arith.constant 0 : i32
          %get3A_764 = arith.constant 0 : i32
          %get3A_765 = tpu.memref_slice %arg11[%scan3A_437, %get3A_763, %get3A_764] : memref<2x64x64xi32, #tpu.memory_space<vmem>> -> memref<1x64x64xi32, #tpu.memory_space<vmem>>
          %get3A_766 = tpu.memref_squeeze %get3A_765 : memref<1x64x64xi32, #tpu.memory_space<vmem>> -> memref<64x64xi32, #tpu.memory_space<vmem>>
          %get3A_767 = arith.index_cast %scan3A_710 : i32 to index
          %get3A_768 = arith.constant 32 : index
          %get3A_769 = tpu.vector_load %get3A_766[%get3A_767, %get3A_768] {strides = array<i32>} : memref<64x64xi32, #tpu.memory_space<vmem>>, vector<16xi32>,
          %bitcast3A_770 = vector.bitcast %get3A_769 : vector<16xi32> to vector<32xbf16>
          %unpack3A_771 = tpu.unpack_subelements %bitcast3A_770, 0 {pack_format = #tpu.pack_format<interleaved>} : vector<32xbf16> -> vector<16xf32>
          %unpack3A_772 = tpu.unpack_subelements %bitcast3A_770, 1 {pack_format = #tpu.pack_format<interleaved>} : vector<32xbf16> -> vector<16xf32>
          %add3A_773 = arith.constant 64 : i32
          %add3A_774 = arith.addi %add3A_773, %scan3A_710 : i32
          %swap3A_775 = arith.constant 0 : i32
          %swap3A_776 = arith.constant 0 : i32
          %swap3A_777 = tpu.memref_slice %arg12[%scan3A_438, %swap3A_775, %swap3A_776] : memref<2x128x128xf32, #tpu.memory_space<vmem>> -> memref<1x128x128xf32, #tpu.memory_space<vmem>>
          %swap3A_778 = tpu.memref_squeeze %swap3A_777 : memref<1x128x128xf32, #tpu.memory_space<vmem>> -> memref<128x128xf32, #tpu.memory_space<vmem>>
          %swap3A_779 = arith.index_cast %add3A_774 : i32 to index
          %swap3A_780 = arith.constant 64 : index
          %swap3A_781 = tpu.vector_load %swap3A_778[%swap3A_779, %swap3A_780] {strides = array<i32>} : memref<128x128xf32, #tpu.memory_space<vmem>>, vector<16xf32>,
          tpu.vector_store %swap3A_778[%swap3A_779, %swap3A_780], %unpack3A_771 {strides = array<i32>} : memref<128x128xf32, #tpu.memory_space<vmem>>, vector<16xf32>,
          %add3A_782 = arith.constant 64 : i32
          %add3A_783 = arith.addi %add3A_782, %scan3A_710 : i32
          %swap3A_784 = arith.constant 0 : i32
          %swap3A_785 = arith.constant 0 : i32
          %swap3A_786 = tpu.memref_slice %arg12[%scan3A_438, %swap3A_784, %swap3A_785] : memref<2x128x128xf32, #tpu.memory_space<vmem>> -> memref<1x128x128xf32, #tpu.memory_space<vmem>>
          %swap3A_787 = tpu.memref_squeeze %swap3A_786 : memref<1x128x128xf32, #tpu.memory_space<vmem>> -> memref<128x128xf32, #tpu.memory_space<vmem>>
          %swap3A_788 = arith.index_cast %add3A_783 : i32 to index
          %swap3A_789 = arith.constant 80 : index
          %swap3A_790 = tpu.vector_load %swap3A_787[%swap3A_788, %swap3A_789] {strides = array<i32>} : memref<128x128xf32, #tpu.memory_space<vmem>>, vector<16xf32>,
          tpu.vector_store %swap3A_787[%swap3A_788, %swap3A_789], %unpack3A_772 {strides = array<i32>} : memref<128x128xf32, #tpu.memory_space<vmem>>, vector<16xf32>,
          %get3A_791 = arith.constant 0 : i32
          %get3A_792 = arith.constant 0 : i32
          %get3A_793 = tpu.memref_slice %arg11[%scan3A_437, %get3A_791, %get3A_792] : memref<2x64x64xi32, #tpu.memory_space<vmem>> -> memref<1x64x64xi32, #tpu.memory_space<vmem>>
          %get3A_794 = tpu.memref_squeeze %get3A_793 : memref<1x64x64xi32, #tpu.memory_space<vmem>> -> memref<64x64xi32, #tpu.memory_space<vmem>>
          %get3A_795 = arith.index_cast %scan3A_710 : i32 to index
          %get3A_796 = arith.constant 48 : index
          %get3A_797 = tpu.vector_load %get3A_794[%get3A_795, %get3A_796] {strides = array<i32>} : memref<64x64xi32, #tpu.memory_space<vmem>>, vector<16xi32>,
          %bitcast3A_798 = vector.bitcast %get3A_797 : vector<16xi32> to vector<32xbf16>
          %unpack3A_799 = tpu.unpack_subelements %bitcast3A_798, 0 {pack_format = #tpu.pack_format<interleaved>} : vector<32xbf16> -> vector<16xf32>
          %unpack3A_800 = tpu.unpack_subelements %bitcast3A_798, 1 {pack_format = #tpu.pack_format<interleaved>} : vector<32xbf16> -> vector<16xf32>
          %add3A_801 = arith.constant 64 : i32
          %add3A_802 = arith.addi %add3A_801, %scan3A_710 : i32
          %swap3A_803 = arith.constant 0 : i32
          %swap3A_804 = arith.constant 0 : i32
          %swap3A_805 = tpu.memref_slice %arg12[%scan3A_438, %swap3A_803, %swap3A_804] : memref<2x128x128xf32, #tpu.memory_space<vmem>> -> memref<1x128x128xf32, #tpu.memory_space<vmem>>
          %swap3A_806 = tpu.memref_squeeze %swap3A_805 : memref<1x128x128xf32, #tpu.memory_space<vmem>> -> memref<128x128xf32, #tpu.memory_space<vmem>>
          %swap3A_807 = arith.index_cast %add3A_802 : i32 to index
          %swap3A_808 = arith.constant 96 : index
          %swap3A_809 = tpu.vector_load %swap3A_806[%swap3A_807, %swap3A_808] {strides = array<i32>} : memref<128x128xf32, #tpu.memory_space<vmem>>, vector<16xf32>,
          tpu.vector_store %swap3A_806[%swap3A_807, %swap3A_808], %unpack3A_799 {strides = array<i32>} : memref<128x128xf32, #tpu.memory_space<vmem>>, vector<16xf32>,
          %add3A_810 = arith.constant 64 : i32
          %add3A_811 = arith.addi %add3A_810, %scan3A_710 : i32
          %swap3A_812 = arith.constant 0 : i32
          %swap3A_813 = arith.constant 0 : i32
          %swap3A_814 = tpu.memref_slice %arg12[%scan3A_438, %swap3A_812, %swap3A_813] : memref<2x128x128xf32, #tpu.memory_space<vmem>> -> memref<1x128x128xf32, #tpu.memory_space<vmem>>
          %swap3A_815 = tpu.memref_squeeze %swap3A_814 : memref<1x128x128xf32, #tpu.memory_space<vmem>> -> memref<128x128xf32, #tpu.memory_space<vmem>>
          %swap3A_816 = arith.index_cast %add3A_811 : i32 to index
          %swap3A_817 = arith.constant 112 : index
          %swap3A_818 = tpu.vector_load %swap3A_815[%swap3A_816, %swap3A_817] {strides = array<i32>} : memref<128x128xf32, #tpu.memory_space<vmem>>, vector<16xf32>,
          tpu.vector_store %swap3A_815[%swap3A_816, %swap3A_817], %unpack3A_800 {strides = array<i32>} : memref<128x128xf32, #tpu.memory_space<vmem>>, vector<16xf32>,
        }
        %scan3A_443 = arith.constant 64 : i32
        %dma_start3A_444 = arith.constant 1 : i32
        %dma_start3A_445 = arith.constant 0 : i32
        %dma_start3A_446 = arith.constant 0 : i32
        %dma_start3A_447 = tpu.memref_slice %arg11[%dma_start3A_444, %dma_start3A_445, %dma_start3A_446] : memref<2x64x64xi32, #tpu.memory_space<vmem>> -> memref<1x64x64xi32, #tpu.memory_space<vmem>>
        %dma_start3A_448 = tpu.memref_squeeze %dma_start3A_447 : memref<1x64x64xi32, #tpu.memory_space<vmem>> -> memref<64x64xi32, #tpu.memory_space<vmem>>
        %dma_start3A_449 = arith.constant 704 : i32
        %dma_start3A_450 = tpu.memref_slice %arg9[%dma_start3A_449] : memref<1024xi32, #tpu.memory_space<vmem>> -> memref<64xi32, #tpu.memory_space<vmem>>
        %dma_start3A_451 = arith.constant 0 : i32
        %dma_start3A_452 = arith.constant 0 : i32
        %dma_start3A_453 = tpu.memref_slice %arg4[%dma_start3A_451, %dma_start3A_452] : memref<10000x64xi32, #tpu.memory_space<hbm>> -> memref<10000x64xi32, #tpu.memory_space<hbm>>
        tpu.enqueue_indirect_dma source(%dma_start3A_453 : memref<10000x64xi32, #tpu.memory_space<hbm>>) target(%dma_start3A_448 : memref<64x64xi32, #tpu.memory_space<vmem>>) offsets(%dma_start3A_450 : memref<64xi32, #tpu.memory_space<vmem>>) semaphore(%arg15 : memref<!tpu.dma_semaphore, #tpu.memory_space<semaphore_mem>>)
        %dma_start3A_454 = arith.constant 0 : i32
        %dma_start3A_455 = arith.constant 4 : i32
        %dma_start3A_456 = arith.constant 0 : i32
        %dma_start3A_457 = arith.constant 0 : i32
        %dma_start3A_458 = tpu.memref_slice %arg12[%dma_start3A_454, %dma_start3A_456, %dma_start3A_457] : memref<2x128x128xf32, #tpu.memory_space<vmem>> -> memref<1x128x128xf32, #tpu.memory_space<vmem>>
        %dma_start3A_459 = tpu.memref_squeeze %dma_start3A_458 : memref<1x128x128xf32, #tpu.memory_space<vmem>> -> memref<128x128xf32, #tpu.memory_space<vmem>>
        %dma_start3A_460 = arith.constant 0 : i32
        %dma_start3A_461 = tpu.memref_slice %arg10[%dma_start3A_455, %dma_start3A_460] : memref<8x128xi32, #tpu.memory_space<vmem>> -> memref<1x128xi32, #tpu.memory_space<vmem>>
        %dma_start3A_462 = tpu.memref_squeeze %dma_start3A_461 : memref<1x128xi32, #tpu.memory_space<vmem>> -> memref<128xi32, #tpu.memory_space<vmem>>
        %dma_start3A_463 = arith.constant 0 : i32
        %dma_start3A_464 = arith.constant 0 : i32
        %dma_start3A_465 = tpu.memref_slice %arg8[%dma_start3A_463, %dma_start3A_464] : memref<10240x128xf32, #tpu.memory_space<vmem_shared>> -> memref<10240x128xf32, #tpu.memory_space<vmem_shared>>
        tpu.enqueue_indirect_dma source(%dma_start3A_459 : memref<128x128xf32, #tpu.memory_space<vmem>>) target(%dma_start3A_465 : memref<10240x128xf32, #tpu.memory_space<vmem_shared>>) offsets(%dma_start3A_462 : memref<128xi32, #tpu.memory_space<vmem>>) semaphore(%arg16 : memref<!tpu.dma_semaphore, #tpu.memory_space<semaphore_mem>>) {add = true}
        %dma_wait3A_466 = arith.constant 1 : i32
        %dma_wait3A_467 = arith.constant 3 : i32
        %dma_wait3A_468 = arith.constant 0 : i32
        %dma_wait3A_469 = arith.constant 0 : i32
        %dma_wait3A_470 = tpu.memref_slice %arg12[%dma_wait3A_466, %dma_wait3A_468, %dma_wait3A_469] : memref<2x128x128xf32, #tpu.memory_space<vmem>> -> memref<1x128x128xf32, #tpu.memory_space<vmem>>
        %dma_wait3A_471 = tpu.memref_squeeze %dma_wait3A_470 : memref<1x128x128xf32, #tpu.memory_space<vmem>> -> memref<128x128xf32, #tpu.memory_space<vmem>>
        %dma_wait3A_472 = arith.constant 0 : i32
        %dma_wait3A_473 = tpu.memref_slice %arg10[%dma_wait3A_467, %dma_wait3A_472] : memref<8x128xi32, #tpu.memory_space<vmem>> -> memref<1x128xi32, #tpu.memory_space<vmem>>
        %dma_wait3A_474 = tpu.memref_squeeze %dma_wait3A_473 : memref<1x128xi32, #tpu.memory_space<vmem>> -> memref<128xi32, #tpu.memory_space<vmem>>
        %dma_wait3A_475 = arith.constant 0 : i32
        %dma_wait3A_476 = arith.constant 0 : i32
        %dma_wait3A_477 = tpu.memref_slice %arg8[%dma_wait3A_475, %dma_wait3A_476] : memref<10240x128xf32, #tpu.memory_space<vmem_shared>> -> memref<10240x128xf32, #tpu.memory_space<vmem_shared>>
        tpu.wait_indirect_dma semaphore(%arg17 : memref<!tpu.dma_semaphore, #tpu.memory_space<semaphore_mem>>) src(%dma_wait3A_471 : memref<128x128xf32, #tpu.memory_space<vmem>>) dst(%dma_wait3A_477 : memref<10240x128xf32, #tpu.memory_space<vmem_shared>>)
        %dma_wait3A_478 = arith.constant 0 : i32
        %dma_wait3A_479 = arith.constant 0 : i32
        %dma_wait3A_480 = arith.constant 0 : i32
        %dma_wait3A_481 = tpu.memref_slice %arg11[%dma_wait3A_478, %dma_wait3A_479, %dma_wait3A_480] : memref<2x64x64xi32, #tpu.memory_space<vmem>> -> memref<1x64x64xi32, #tpu.memory_space<vmem>>
        %dma_wait3A_482 = tpu.memref_squeeze %dma_wait3A_481 : memref<1x64x64xi32, #tpu.memory_space<vmem>> -> memref<64x64xi32, #tpu.memory_space<vmem>>
        %dma_wait3A_483 = arith.constant 640 : i32
        %dma_wait3A_484 = tpu.memref_slice %arg9[%dma_wait3A_483] : memref<1024xi32, #tpu.memory_space<vmem>> -> memref<64xi32, #tpu.memory_space<vmem>>
        %dma_wait3A_485 = arith.constant 0 : i32
        %dma_wait3A_486 = arith.constant 0 : i32
        %dma_wait3A_487 = tpu.memref_slice %arg4[%dma_wait3A_485, %dma_wait3A_486] : memref<10000x64xi32, #tpu.memory_space<hbm>> -> memref<10000x64xi32, #tpu.memory_space<hbm>>
        tpu.wait_indirect_dma semaphore(%arg14 : memref<!tpu.dma_semaphore, #tpu.memory_space<semaphore_mem>>) src(%dma_wait3A_487 : memref<10000x64xi32, #tpu.memory_space<hbm>>) dst(%dma_wait3A_482 : memref<64x64xi32, #tpu.memory_space<vmem>>)
        %scan3A_488 = arith.constant 0 : i32
        %scan3A_489 = arith.constant 0 : i32
        %scan3A_490 = arith.constant 1 : i32
        %scan3A_491 = arith.constant 0 : i32
        %scan3A_492 = arith.constant 64 : i32
        %scan3A_493 = arith.addi %scan3A_491, %scan3A_492 : i32
        %scan3A_494 = arith.constant 1 : i32
        scf.for %scan3A_710 = %scan3A_491 to %scan3A_493 step %scan3A_494  : i32 {
          %get3A = arith.constant 0 : i32
          %get3A_711 = arith.constant 0 : i32
          %get3A_712 = tpu.memref_slice %arg11[%scan3A_489, %get3A, %get3A_711] : memref<2x64x64xi32, #tpu.memory_space<vmem>> -> memref<1x64x64xi32, #tpu.memory_space<vmem>>
          %get3A_713 = tpu.memref_squeeze %get3A_712 : memref<1x64x64xi32, #tpu.memory_space<vmem>> -> memref<64x64xi32, #tpu.memory_space<vmem>>
          %get3A_714 = arith.index_cast %scan3A_710 : i32 to index
          %get3A_715 = arith.constant 0 : index
          %get3A_716 = tpu.vector_load %get3A_713[%get3A_714, %get3A_715] {strides = array<i32>} : memref<64x64xi32, #tpu.memory_space<vmem>>, vector<16xi32>,
          %bitcast3A = vector.bitcast %get3A_716 : vector<16xi32> to vector<32xbf16>
          %unpack3A = tpu.unpack_subelements %bitcast3A, 0 {pack_format = #tpu.pack_format<interleaved>} : vector<32xbf16> -> vector<16xf32>
          %unpack3A_717 = tpu.unpack_subelements %bitcast3A, 1 {pack_format = #tpu.pack_format<interleaved>} : vector<32xbf16> -> vector<16xf32>
          %add3A_718 = arith.constant 0 : i32
          %add3A_719 = arith.addi %add3A_718, %scan3A_710 : i32
          %swap3A = arith.constant 0 : i32
          %swap3A_720 = arith.constant 0 : i32
          %swap3A_721 = tpu.memref_slice %arg12[%scan3A_490, %swap3A, %swap3A_720] : memref<2x128x128xf32, #tpu.memory_space<vmem>> -> memref<1x128x128xf32, #tpu.memory_space<vmem>>
          %swap3A_722 = tpu.memref_squeeze %swap3A_721 : memref<1x128x128xf32, #tpu.memory_space<vmem>> -> memref<128x128xf32, #tpu.memory_space<vmem>>
          %swap3A_723 = arith.index_cast %add3A_719 : i32 to index
          %swap3A_724 = arith.constant 0 : index
          %swap3A_725 = tpu.vector_load %swap3A_722[%swap3A_723, %swap3A_724] {strides = array<i32>} : memref<128x128xf32, #tpu.memory_space<vmem>>, vector<16xf32>,
          tpu.vector_store %swap3A_722[%swap3A_723, %swap3A_724], %unpack3A {strides = array<i32>} : memref<128x128xf32, #tpu.memory_space<vmem>>, vector<16xf32>,
          %add3A_726 = arith.constant 0 : i32
          %add3A_727 = arith.addi %add3A_726, %scan3A_710 : i32
          %swap3A_728 = arith.constant 0 : i32
          %swap3A_729 = arith.constant 0 : i32
          %swap3A_730 = tpu.memref_slice %arg12[%scan3A_490, %swap3A_728, %swap3A_729] : memref<2x128x128xf32, #tpu.memory_space<vmem>> -> memref<1x128x128xf32, #tpu.memory_space<vmem>>
          %swap3A_731 = tpu.memref_squeeze %swap3A_730 : memref<1x128x128xf32, #tpu.memory_space<vmem>> -> memref<128x128xf32, #tpu.memory_space<vmem>>
          %swap3A_732 = arith.index_cast %add3A_727 : i32 to index
          %swap3A_733 = arith.constant 16 : index
          %swap3A_734 = tpu.vector_load %swap3A_731[%swap3A_732, %swap3A_733] {strides = array<i32>} : memref<128x128xf32, #tpu.memory_space<vmem>>, vector<16xf32>,
          tpu.vector_store %swap3A_731[%swap3A_732, %swap3A_733], %unpack3A_717 {strides = array<i32>} : memref<128x128xf32, #tpu.memory_space<vmem>>, vector<16xf32>,
          %get3A_735 = arith.constant 0 : i32
          %get3A_736 = arith.constant 0 : i32
          %get3A_737 = tpu.memref_slice %arg11[%scan3A_489, %get3A_735, %get3A_736] : memref<2x64x64xi32, #tpu.memory_space<vmem>> -> memref<1x64x64xi32, #tpu.memory_space<vmem>>
          %get3A_738 = tpu.memref_squeeze %get3A_737 : memref<1x64x64xi32, #tpu.memory_space<vmem>> -> memref<64x64xi32, #tpu.memory_space<vmem>>
          %get3A_739 = arith.index_cast %scan3A_710 : i32 to index
          %get3A_740 = arith.constant 16 : index
          %get3A_741 = tpu.vector_load %get3A_738[%get3A_739, %get3A_740] {strides = array<i32>} : memref<64x64xi32, #tpu.memory_space<vmem>>, vector<16xi32>,
          %bitcast3A_742 = vector.bitcast %get3A_741 : vector<16xi32> to vector<32xbf16>
          %unpack3A_743 = tpu.unpack_subelements %bitcast3A_742, 0 {pack_format = #tpu.pack_format<interleaved>} : vector<32xbf16> -> vector<16xf32>
          %unpack3A_744 = tpu.unpack_subelements %bitcast3A_742, 1 {pack_format = #tpu.pack_format<interleaved>} : vector<32xbf16> -> vector<16xf32>
          %add3A_745 = arith.constant 0 : i32
          %add3A_746 = arith.addi %add3A_745, %scan3A_710 : i32
          %swap3A_747 = arith.constant 0 : i32
          %swap3A_748 = arith.constant 0 : i32
          %swap3A_749 = tpu.memref_slice %arg12[%scan3A_490, %swap3A_747, %swap3A_748] : memref<2x128x128xf32, #tpu.memory_space<vmem>> -> memref<1x128x128xf32, #tpu.memory_space<vmem>>
          %swap3A_750 = tpu.memref_squeeze %swap3A_749 : memref<1x128x128xf32, #tpu.memory_space<vmem>> -> memref<128x128xf32, #tpu.memory_space<vmem>>
          %swap3A_751 = arith.index_cast %add3A_746 : i32 to index
          %swap3A_752 = arith.constant 32 : index
          %swap3A_753 = tpu.vector_load %swap3A_750[%swap3A_751, %swap3A_752] {strides = array<i32>} : memref<128x128xf32, #tpu.memory_space<vmem>>, vector<16xf32>,
          tpu.vector_store %swap3A_750[%swap3A_751, %swap3A_752], %unpack3A_743 {strides = array<i32>} : memref<128x128xf32, #tpu.memory_space<vmem>>, vector<16xf32>,
          %add3A_754 = arith.constant 0 : i32
          %add3A_755 = arith.addi %add3A_754, %scan3A_710 : i32
          %swap3A_756 = arith.constant 0 : i32
          %swap3A_757 = arith.constant 0 : i32
          %swap3A_758 = tpu.memref_slice %arg12[%scan3A_490, %swap3A_756, %swap3A_757] : memref<2x128x128xf32, #tpu.memory_space<vmem>> -> memref<1x128x128xf32, #tpu.memory_space<vmem>>
          %swap3A_759 = tpu.memref_squeeze %swap3A_758 : memref<1x128x128xf32, #tpu.memory_space<vmem>> -> memref<128x128xf32, #tpu.memory_space<vmem>>
          %swap3A_760 = arith.index_cast %add3A_755 : i32 to index
          %swap3A_761 = arith.constant 48 : index
          %swap3A_762 = tpu.vector_load %swap3A_759[%swap3A_760, %swap3A_761] {strides = array<i32>} : memref<128x128xf32, #tpu.memory_space<vmem>>, vector<16xf32>,
          tpu.vector_store %swap3A_759[%swap3A_760, %swap3A_761], %unpack3A_744 {strides = array<i32>} : memref<128x128xf32, #tpu.memory_space<vmem>>, vector<16xf32>,
          %get3A_763 = arith.constant 0 : i32
          %get3A_764 = arith.constant 0 : i32
          %get3A_765 = tpu.memref_slice %arg11[%scan3A_489, %get3A_763, %get3A_764] : memref<2x64x64xi32, #tpu.memory_space<vmem>> -> memref<1x64x64xi32, #tpu.memory_space<vmem>>
          %get3A_766 = tpu.memref_squeeze %get3A_765 : memref<1x64x64xi32, #tpu.memory_space<vmem>> -> memref<64x64xi32, #tpu.memory_space<vmem>>
          %get3A_767 = arith.index_cast %scan3A_710 : i32 to index
          %get3A_768 = arith.constant 32 : index
          %get3A_769 = tpu.vector_load %get3A_766[%get3A_767, %get3A_768] {strides = array<i32>} : memref<64x64xi32, #tpu.memory_space<vmem>>, vector<16xi32>,
          %bitcast3A_770 = vector.bitcast %get3A_769 : vector<16xi32> to vector<32xbf16>
          %unpack3A_771 = tpu.unpack_subelements %bitcast3A_770, 0 {pack_format = #tpu.pack_format<interleaved>} : vector<32xbf16> -> vector<16xf32>
          %unpack3A_772 = tpu.unpack_subelements %bitcast3A_770, 1 {pack_format = #tpu.pack_format<interleaved>} : vector<32xbf16> -> vector<16xf32>
          %add3A_773 = arith.constant 0 : i32
          %add3A_774 = arith.addi %add3A_773, %scan3A_710 : i32
          %swap3A_775 = arith.constant 0 : i32
          %swap3A_776 = arith.constant 0 : i32
          %swap3A_777 = tpu.memref_slice %arg12[%scan3A_490, %swap3A_775, %swap3A_776] : memref<2x128x128xf32, #tpu.memory_space<vmem>> -> memref<1x128x128xf32, #tpu.memory_space<vmem>>
          %swap3A_778 = tpu.memref_squeeze %swap3A_777 : memref<1x128x128xf32, #tpu.memory_space<vmem>> -> memref<128x128xf32, #tpu.memory_space<vmem>>
          %swap3A_779 = arith.index_cast %add3A_774 : i32 to index
          %swap3A_780 = arith.constant 64 : index
          %swap3A_781 = tpu.vector_load %swap3A_778[%swap3A_779, %swap3A_780] {strides = array<i32>} : memref<128x128xf32, #tpu.memory_space<vmem>>, vector<16xf32>,
          tpu.vector_store %swap3A_778[%swap3A_779, %swap3A_780], %unpack3A_771 {strides = array<i32>} : memref<128x128xf32, #tpu.memory_space<vmem>>, vector<16xf32>,
          %add3A_782 = arith.constant 0 : i32
          %add3A_783 = arith.addi %add3A_782, %scan3A_710 : i32
          %swap3A_784 = arith.constant 0 : i32
          %swap3A_785 = arith.constant 0 : i32
          %swap3A_786 = tpu.memref_slice %arg12[%scan3A_490, %swap3A_784, %swap3A_785] : memref<2x128x128xf32, #tpu.memory_space<vmem>> -> memref<1x128x128xf32, #tpu.memory_space<vmem>>
          %swap3A_787 = tpu.memref_squeeze %swap3A_786 : memref<1x128x128xf32, #tpu.memory_space<vmem>> -> memref<128x128xf32, #tpu.memory_space<vmem>>
          %swap3A_788 = arith.index_cast %add3A_783 : i32 to index
          %swap3A_789 = arith.constant 80 : index
          %swap3A_790 = tpu.vector_load %swap3A_787[%swap3A_788, %swap3A_789] {strides = array<i32>} : memref<128x128xf32, #tpu.memory_space<vmem>>, vector<16xf32>,
          tpu.vector_store %swap3A_787[%swap3A_788, %swap3A_789], %unpack3A_772 {strides = array<i32>} : memref<128x128xf32, #tpu.memory_space<vmem>>, vector<16xf32>,
          %get3A_791 = arith.constant 0 : i32
          %get3A_792 = arith.constant 0 : i32
          %get3A_793 = tpu.memref_slice %arg11[%scan3A_489, %get3A_791, %get3A_792] : memref<2x64x64xi32, #tpu.memory_space<vmem>> -> memref<1x64x64xi32, #tpu.memory_space<vmem>>
          %get3A_794 = tpu.memref_squeeze %get3A_793 : memref<1x64x64xi32, #tpu.memory_space<vmem>> -> memref<64x64xi32, #tpu.memory_space<vmem>>
          %get3A_795 = arith.index_cast %scan3A_710 : i32 to index
          %get3A_796 = arith.constant 48 : index
          %get3A_797 = tpu.vector_load %get3A_794[%get3A_795, %get3A_796] {strides = array<i32>} : memref<64x64xi32, #tpu.memory_space<vmem>>, vector<16xi32>,
          %bitcast3A_798 = vector.bitcast %get3A_797 : vector<16xi32> to vector<32xbf16>
          %unpack3A_799 = tpu.unpack_subelements %bitcast3A_798, 0 {pack_format = #tpu.pack_format<interleaved>} : vector<32xbf16> -> vector<16xf32>
          %unpack3A_800 = tpu.unpack_subelements %bitcast3A_798, 1 {pack_format = #tpu.pack_format<interleaved>} : vector<32xbf16> -> vector<16xf32>
          %add3A_801 = arith.constant 0 : i32
          %add3A_802 = arith.addi %add3A_801, %scan3A_710 : i32
          %swap3A_803 = arith.constant 0 : i32
          %swap3A_804 = arith.constant 0 : i32
          %swap3A_805 = tpu.memref_slice %arg12[%scan3A_490, %swap3A_803, %swap3A_804] : memref<2x128x128xf32, #tpu.memory_space<vmem>> -> memref<1x128x128xf32, #tpu.memory_space<vmem>>
          %swap3A_806 = tpu.memref_squeeze %swap3A_805 : memref<1x128x128xf32, #tpu.memory_space<vmem>> -> memref<128x128xf32, #tpu.memory_space<vmem>>
          %swap3A_807 = arith.index_cast %add3A_802 : i32 to index
          %swap3A_808 = arith.constant 96 : index
          %swap3A_809 = tpu.vector_load %swap3A_806[%swap3A_807, %swap3A_808] {strides = array<i32>} : memref<128x128xf32, #tpu.memory_space<vmem>>, vector<16xf32>,
          tpu.vector_store %swap3A_806[%swap3A_807, %swap3A_808], %unpack3A_799 {strides = array<i32>} : memref<128x128xf32, #tpu.memory_space<vmem>>, vector<16xf32>,
          %add3A_810 = arith.constant 0 : i32
          %add3A_811 = arith.addi %add3A_810, %scan3A_710 : i32
          %swap3A_812 = arith.constant 0 : i32
          %swap3A_813 = arith.constant 0 : i32
          %swap3A_814 = tpu.memref_slice %arg12[%scan3A_490, %swap3A_812, %swap3A_813] : memref<2x128x128xf32, #tpu.memory_space<vmem>> -> memref<1x128x128xf32, #tpu.memory_space<vmem>>
          %swap3A_815 = tpu.memref_squeeze %swap3A_814 : memref<1x128x128xf32, #tpu.memory_space<vmem>> -> memref<128x128xf32, #tpu.memory_space<vmem>>
          %swap3A_816 = arith.index_cast %add3A_811 : i32 to index
          %swap3A_817 = arith.constant 112 : index
          %swap3A_818 = tpu.vector_load %swap3A_815[%swap3A_816, %swap3A_817] {strides = array<i32>} : memref<128x128xf32, #tpu.memory_space<vmem>>, vector<16xf32>,
          tpu.vector_store %swap3A_815[%swap3A_816, %swap3A_817], %unpack3A_800 {strides = array<i32>} : memref<128x128xf32, #tpu.memory_space<vmem>>, vector<16xf32>,
        }
        %scan3A_495 = arith.constant 64 : i32
        %dma_start3A_496 = arith.constant 0 : i32
        %dma_start3A_497 = arith.constant 0 : i32
        %dma_start3A_498 = arith.constant 0 : i32
        %dma_start3A_499 = tpu.memref_slice %arg11[%dma_start3A_496, %dma_start3A_497, %dma_start3A_498] : memref<2x64x64xi32, #tpu.memory_space<vmem>> -> memref<1x64x64xi32, #tpu.memory_space<vmem>>
        %dma_start3A_500 = tpu.memref_squeeze %dma_start3A_499 : memref<1x64x64xi32, #tpu.memory_space<vmem>> -> memref<64x64xi32, #tpu.memory_space<vmem>>
        %dma_start3A_501 = arith.constant 768 : i32
        %dma_start3A_502 = tpu.memref_slice %arg9[%dma_start3A_501] : memref<1024xi32, #tpu.memory_space<vmem>> -> memref<64xi32, #tpu.memory_space<vmem>>
        %dma_start3A_503 = arith.constant 0 : i32
        %dma_start3A_504 = arith.constant 0 : i32
        %dma_start3A_505 = tpu.memref_slice %arg4[%dma_start3A_503, %dma_start3A_504] : memref<10000x64xi32, #tpu.memory_space<hbm>> -> memref<10000x64xi32, #tpu.memory_space<hbm>>
        tpu.enqueue_indirect_dma source(%dma_start3A_505 : memref<10000x64xi32, #tpu.memory_space<hbm>>) target(%dma_start3A_500 : memref<64x64xi32, #tpu.memory_space<vmem>>) offsets(%dma_start3A_502 : memref<64xi32, #tpu.memory_space<vmem>>) semaphore(%arg14 : memref<!tpu.dma_semaphore, #tpu.memory_space<semaphore_mem>>)
        %dma_wait3A_506 = arith.constant 1 : i32
        %dma_wait3A_507 = arith.constant 0 : i32
        %dma_wait3A_508 = arith.constant 0 : i32
        %dma_wait3A_509 = tpu.memref_slice %arg11[%dma_wait3A_506, %dma_wait3A_507, %dma_wait3A_508] : memref<2x64x64xi32, #tpu.memory_space<vmem>> -> memref<1x64x64xi32, #tpu.memory_space<vmem>>
        %dma_wait3A_510 = tpu.memref_squeeze %dma_wait3A_509 : memref<1x64x64xi32, #tpu.memory_space<vmem>> -> memref<64x64xi32, #tpu.memory_space<vmem>>
        %dma_wait3A_511 = arith.constant 704 : i32
        %dma_wait3A_512 = tpu.memref_slice %arg9[%dma_wait3A_511] : memref<1024xi32, #tpu.memory_space<vmem>> -> memref<64xi32, #tpu.memory_space<vmem>>
        %dma_wait3A_513 = arith.constant 0 : i32
        %dma_wait3A_514 = arith.constant 0 : i32
        %dma_wait3A_515 = tpu.memref_slice %arg4[%dma_wait3A_513, %dma_wait3A_514] : memref<10000x64xi32, #tpu.memory_space<hbm>> -> memref<10000x64xi32, #tpu.memory_space<hbm>>
        tpu.wait_indirect_dma semaphore(%arg15 : memref<!tpu.dma_semaphore, #tpu.memory_space<semaphore_mem>>) src(%dma_wait3A_515 : memref<10000x64xi32, #tpu.memory_space<hbm>>) dst(%dma_wait3A_510 : memref<64x64xi32, #tpu.memory_space<vmem>>)
        %scan3A_516 = arith.constant 0 : i32
        %scan3A_517 = arith.constant 1 : i32
        %scan3A_518 = arith.constant 1 : i32
        %scan3A_519 = arith.constant 0 : i32
        %scan3A_520 = arith.constant 64 : i32
        %scan3A_521 = arith.addi %scan3A_519, %scan3A_520 : i32
        %scan3A_522 = arith.constant 1 : i32
        scf.for %scan3A_710 = %scan3A_519 to %scan3A_521 step %scan3A_522  : i32 {
          %get3A = arith.constant 0 : i32
          %get3A_711 = arith.constant 0 : i32
          %get3A_712 = tpu.memref_slice %arg11[%scan3A_517, %get3A, %get3A_711] : memref<2x64x64xi32, #tpu.memory_space<vmem>> -> memref<1x64x64xi32, #tpu.memory_space<vmem>>
          %get3A_713 = tpu.memref_squeeze %get3A_712 : memref<1x64x64xi32, #tpu.memory_space<vmem>> -> memref<64x64xi32, #tpu.memory_space<vmem>>
          %get3A_714 = arith.index_cast %scan3A_710 : i32 to index
          %get3A_715 = arith.constant 0 : index
          %get3A_716 = tpu.vector_load %get3A_713[%get3A_714, %get3A_715] {strides = array<i32>} : memref<64x64xi32, #tpu.memory_space<vmem>>, vector<16xi32>,
          %bitcast3A = vector.bitcast %get3A_716 : vector<16xi32> to vector<32xbf16>
          %unpack3A = tpu.unpack_subelements %bitcast3A, 0 {pack_format = #tpu.pack_format<interleaved>} : vector<32xbf16> -> vector<16xf32>
          %unpack3A_717 = tpu.unpack_subelements %bitcast3A, 1 {pack_format = #tpu.pack_format<interleaved>} : vector<32xbf16> -> vector<16xf32>
          %add3A_718 = arith.constant 64 : i32
          %add3A_719 = arith.addi %add3A_718, %scan3A_710 : i32
          %swap3A = arith.constant 0 : i32
          %swap3A_720 = arith.constant 0 : i32
          %swap3A_721 = tpu.memref_slice %arg12[%scan3A_518, %swap3A, %swap3A_720] : memref<2x128x128xf32, #tpu.memory_space<vmem>> -> memref<1x128x128xf32, #tpu.memory_space<vmem>>
          %swap3A_722 = tpu.memref_squeeze %swap3A_721 : memref<1x128x128xf32, #tpu.memory_space<vmem>> -> memref<128x128xf32, #tpu.memory_space<vmem>>
          %swap3A_723 = arith.index_cast %add3A_719 : i32 to index
          %swap3A_724 = arith.constant 0 : index
          %swap3A_725 = tpu.vector_load %swap3A_722[%swap3A_723, %swap3A_724] {strides = array<i32>} : memref<128x128xf32, #tpu.memory_space<vmem>>, vector<16xf32>,
          tpu.vector_store %swap3A_722[%swap3A_723, %swap3A_724], %unpack3A {strides = array<i32>} : memref<128x128xf32, #tpu.memory_space<vmem>>, vector<16xf32>,
          %add3A_726 = arith.constant 64 : i32
          %add3A_727 = arith.addi %add3A_726, %scan3A_710 : i32
          %swap3A_728 = arith.constant 0 : i32
          %swap3A_729 = arith.constant 0 : i32
          %swap3A_730 = tpu.memref_slice %arg12[%scan3A_518, %swap3A_728, %swap3A_729] : memref<2x128x128xf32, #tpu.memory_space<vmem>> -> memref<1x128x128xf32, #tpu.memory_space<vmem>>
          %swap3A_731 = tpu.memref_squeeze %swap3A_730 : memref<1x128x128xf32, #tpu.memory_space<vmem>> -> memref<128x128xf32, #tpu.memory_space<vmem>>
          %swap3A_732 = arith.index_cast %add3A_727 : i32 to index
          %swap3A_733 = arith.constant 16 : index
          %swap3A_734 = tpu.vector_load %swap3A_731[%swap3A_732, %swap3A_733] {strides = array<i32>} : memref<128x128xf32, #tpu.memory_space<vmem>>, vector<16xf32>,
          tpu.vector_store %swap3A_731[%swap3A_732, %swap3A_733], %unpack3A_717 {strides = array<i32>} : memref<128x128xf32, #tpu.memory_space<vmem>>, vector<16xf32>,
          %get3A_735 = arith.constant 0 : i32
          %get3A_736 = arith.constant 0 : i32
          %get3A_737 = tpu.memref_slice %arg11[%scan3A_517, %get3A_735, %get3A_736] : memref<2x64x64xi32, #tpu.memory_space<vmem>> -> memref<1x64x64xi32, #tpu.memory_space<vmem>>
          %get3A_738 = tpu.memref_squeeze %get3A_737 : memref<1x64x64xi32, #tpu.memory_space<vmem>> -> memref<64x64xi32, #tpu.memory_space<vmem>>
          %get3A_739 = arith.index_cast %scan3A_710 : i32 to index
          %get3A_740 = arith.constant 16 : index
          %get3A_741 = tpu.vector_load %get3A_738[%get3A_739, %get3A_740] {strides = array<i32>} : memref<64x64xi32, #tpu.memory_space<vmem>>, vector<16xi32>,
          %bitcast3A_742 = vector.bitcast %get3A_741 : vector<16xi32> to vector<32xbf16>
          %unpack3A_743 = tpu.unpack_subelements %bitcast3A_742, 0 {pack_format = #tpu.pack_format<interleaved>} : vector<32xbf16> -> vector<16xf32>
          %unpack3A_744 = tpu.unpack_subelements %bitcast3A_742, 1 {pack_format = #tpu.pack_format<interleaved>} : vector<32xbf16> -> vector<16xf32>
          %add3A_745 = arith.constant 64 : i32
          %add3A_746 = arith.addi %add3A_745, %scan3A_710 : i32
          %swap3A_747 = arith.constant 0 : i32
          %swap3A_748 = arith.constant 0 : i32
          %swap3A_749 = tpu.memref_slice %arg12[%scan3A_518, %swap3A_747, %swap3A_748] : memref<2x128x128xf32, #tpu.memory_space<vmem>> -> memref<1x128x128xf32, #tpu.memory_space<vmem>>
          %swap3A_750 = tpu.memref_squeeze %swap3A_749 : memref<1x128x128xf32, #tpu.memory_space<vmem>> -> memref<128x128xf32, #tpu.memory_space<vmem>>
          %swap3A_751 = arith.index_cast %add3A_746 : i32 to index
          %swap3A_752 = arith.constant 32 : index
          %swap3A_753 = tpu.vector_load %swap3A_750[%swap3A_751, %swap3A_752] {strides = array<i32>} : memref<128x128xf32, #tpu.memory_space<vmem>>, vector<16xf32>,
          tpu.vector_store %swap3A_750[%swap3A_751, %swap3A_752], %unpack3A_743 {strides = array<i32>} : memref<128x128xf32, #tpu.memory_space<vmem>>, vector<16xf32>,
          %add3A_754 = arith.constant 64 : i32
          %add3A_755 = arith.addi %add3A_754, %scan3A_710 : i32
          %swap3A_756 = arith.constant 0 : i32
          %swap3A_757 = arith.constant 0 : i32
          %swap3A_758 = tpu.memref_slice %arg12[%scan3A_518, %swap3A_756, %swap3A_757] : memref<2x128x128xf32, #tpu.memory_space<vmem>> -> memref<1x128x128xf32, #tpu.memory_space<vmem>>
          %swap3A_759 = tpu.memref_squeeze %swap3A_758 : memref<1x128x128xf32, #tpu.memory_space<vmem>> -> memref<128x128xf32, #tpu.memory_space<vmem>>
          %swap3A_760 = arith.index_cast %add3A_755 : i32 to index
          %swap3A_761 = arith.constant 48 : index
          %swap3A_762 = tpu.vector_load %swap3A_759[%swap3A_760, %swap3A_761] {strides = array<i32>} : memref<128x128xf32, #tpu.memory_space<vmem>>, vector<16xf32>,
          tpu.vector_store %swap3A_759[%swap3A_760, %swap3A_761], %unpack3A_744 {strides = array<i32>} : memref<128x128xf32, #tpu.memory_space<vmem>>, vector<16xf32>,
          %get3A_763 = arith.constant 0 : i32
          %get3A_764 = arith.constant 0 : i32
          %get3A_765 = tpu.memref_slice %arg11[%scan3A_517, %get3A_763, %get3A_764] : memref<2x64x64xi32, #tpu.memory_space<vmem>> -> memref<1x64x64xi32, #tpu.memory_space<vmem>>
          %get3A_766 = tpu.memref_squeeze %get3A_765 : memref<1x64x64xi32, #tpu.memory_space<vmem>> -> memref<64x64xi32, #tpu.memory_space<vmem>>
          %get3A_767 = arith.index_cast %scan3A_710 : i32 to index
          %get3A_768 = arith.constant 32 : index
          %get3A_769 = tpu.vector_load %get3A_766[%get3A_767, %get3A_768] {strides = array<i32>} : memref<64x64xi32, #tpu.memory_space<vmem>>, vector<16xi32>,
          %bitcast3A_770 = vector.bitcast %get3A_769 : vector<16xi32> to vector<32xbf16>
          %unpack3A_771 = tpu.unpack_subelements %bitcast3A_770, 0 {pack_format = #tpu.pack_format<interleaved>} : vector<32xbf16> -> vector<16xf32>
          %unpack3A_772 = tpu.unpack_subelements %bitcast3A_770, 1 {pack_format = #tpu.pack_format<interleaved>} : vector<32xbf16> -> vector<16xf32>
          %add3A_773 = arith.constant 64 : i32
          %add3A_774 = arith.addi %add3A_773, %scan3A_710 : i32
          %swap3A_775 = arith.constant 0 : i32
          %swap3A_776 = arith.constant 0 : i32
          %swap3A_777 = tpu.memref_slice %arg12[%scan3A_518, %swap3A_775, %swap3A_776] : memref<2x128x128xf32, #tpu.memory_space<vmem>> -> memref<1x128x128xf32, #tpu.memory_space<vmem>>
          %swap3A_778 = tpu.memref_squeeze %swap3A_777 : memref<1x128x128xf32, #tpu.memory_space<vmem>> -> memref<128x128xf32, #tpu.memory_space<vmem>>
          %swap3A_779 = arith.index_cast %add3A_774 : i32 to index
          %swap3A_780 = arith.constant 64 : index
          %swap3A_781 = tpu.vector_load %swap3A_778[%swap3A_779, %swap3A_780] {strides = array<i32>} : memref<128x128xf32, #tpu.memory_space<vmem>>, vector<16xf32>,
          tpu.vector_store %swap3A_778[%swap3A_779, %swap3A_780], %unpack3A_771 {strides = array<i32>} : memref<128x128xf32, #tpu.memory_space<vmem>>, vector<16xf32>,
          %add3A_782 = arith.constant 64 : i32
          %add3A_783 = arith.addi %add3A_782, %scan3A_710 : i32
          %swap3A_784 = arith.constant 0 : i32
          %swap3A_785 = arith.constant 0 : i32
          %swap3A_786 = tpu.memref_slice %arg12[%scan3A_518, %swap3A_784, %swap3A_785] : memref<2x128x128xf32, #tpu.memory_space<vmem>> -> memref<1x128x128xf32, #tpu.memory_space<vmem>>
          %swap3A_787 = tpu.memref_squeeze %swap3A_786 : memref<1x128x128xf32, #tpu.memory_space<vmem>> -> memref<128x128xf32, #tpu.memory_space<vmem>>
          %swap3A_788 = arith.index_cast %add3A_783 : i32 to index
          %swap3A_789 = arith.constant 80 : index
          %swap3A_790 = tpu.vector_load %swap3A_787[%swap3A_788, %swap3A_789] {strides = array<i32>} : memref<128x128xf32, #tpu.memory_space<vmem>>, vector<16xf32>,
          tpu.vector_store %swap3A_787[%swap3A_788, %swap3A_789], %unpack3A_772 {strides = array<i32>} : memref<128x128xf32, #tpu.memory_space<vmem>>, vector<16xf32>,
          %get3A_791 = arith.constant 0 : i32
          %get3A_792 = arith.constant 0 : i32
          %get3A_793 = tpu.memref_slice %arg11[%scan3A_517, %get3A_791, %get3A_792] : memref<2x64x64xi32, #tpu.memory_space<vmem>> -> memref<1x64x64xi32, #tpu.memory_space<vmem>>
          %get3A_794 = tpu.memref_squeeze %get3A_793 : memref<1x64x64xi32, #tpu.memory_space<vmem>> -> memref<64x64xi32, #tpu.memory_space<vmem>>
          %get3A_795 = arith.index_cast %scan3A_710 : i32 to index
          %get3A_796 = arith.constant 48 : index
          %get3A_797 = tpu.vector_load %get3A_794[%get3A_795, %get3A_796] {strides = array<i32>} : memref<64x64xi32, #tpu.memory_space<vmem>>, vector<16xi32>,
          %bitcast3A_798 = vector.bitcast %get3A_797 : vector<16xi32> to vector<32xbf16>
          %unpack3A_799 = tpu.unpack_subelements %bitcast3A_798, 0 {pack_format = #tpu.pack_format<interleaved>} : vector<32xbf16> -> vector<16xf32>
          %unpack3A_800 = tpu.unpack_subelements %bitcast3A_798, 1 {pack_format = #tpu.pack_format<interleaved>} : vector<32xbf16> -> vector<16xf32>
          %add3A_801 = arith.constant 64 : i32
          %add3A_802 = arith.addi %add3A_801, %scan3A_710 : i32
          %swap3A_803 = arith.constant 0 : i32
          %swap3A_804 = arith.constant 0 : i32
          %swap3A_805 = tpu.memref_slice %arg12[%scan3A_518, %swap3A_803, %swap3A_804] : memref<2x128x128xf32, #tpu.memory_space<vmem>> -> memref<1x128x128xf32, #tpu.memory_space<vmem>>
          %swap3A_806 = tpu.memref_squeeze %swap3A_805 : memref<1x128x128xf32, #tpu.memory_space<vmem>> -> memref<128x128xf32, #tpu.memory_space<vmem>>
          %swap3A_807 = arith.index_cast %add3A_802 : i32 to index
          %swap3A_808 = arith.constant 96 : index
          %swap3A_809 = tpu.vector_load %swap3A_806[%swap3A_807, %swap3A_808] {strides = array<i32>} : memref<128x128xf32, #tpu.memory_space<vmem>>, vector<16xf32>,
          tpu.vector_store %swap3A_806[%swap3A_807, %swap3A_808], %unpack3A_799 {strides = array<i32>} : memref<128x128xf32, #tpu.memory_space<vmem>>, vector<16xf32>,
          %add3A_810 = arith.constant 64 : i32
          %add3A_811 = arith.addi %add3A_810, %scan3A_710 : i32
          %swap3A_812 = arith.constant 0 : i32
          %swap3A_813 = arith.constant 0 : i32
          %swap3A_814 = tpu.memref_slice %arg12[%scan3A_518, %swap3A_812, %swap3A_813] : memref<2x128x128xf32, #tpu.memory_space<vmem>> -> memref<1x128x128xf32, #tpu.memory_space<vmem>>
          %swap3A_815 = tpu.memref_squeeze %swap3A_814 : memref<1x128x128xf32, #tpu.memory_space<vmem>> -> memref<128x128xf32, #tpu.memory_space<vmem>>
          %swap3A_816 = arith.index_cast %add3A_811 : i32 to index
          %swap3A_817 = arith.constant 112 : index
          %swap3A_818 = tpu.vector_load %swap3A_815[%swap3A_816, %swap3A_817] {strides = array<i32>} : memref<128x128xf32, #tpu.memory_space<vmem>>, vector<16xf32>,
          tpu.vector_store %swap3A_815[%swap3A_816, %swap3A_817], %unpack3A_800 {strides = array<i32>} : memref<128x128xf32, #tpu.memory_space<vmem>>, vector<16xf32>,
        }
        %scan3A_523 = arith.constant 64 : i32
        %dma_start3A_524 = arith.constant 1 : i32
        %dma_start3A_525 = arith.constant 0 : i32
        %dma_start3A_526 = arith.constant 0 : i32
        %dma_start3A_527 = tpu.memref_slice %arg11[%dma_start3A_524, %dma_start3A_525, %dma_start3A_526] : memref<2x64x64xi32, #tpu.memory_space<vmem>> -> memref<1x64x64xi32, #tpu.memory_space<vmem>>
        %dma_start3A_528 = tpu.memref_squeeze %dma_start3A_527 : memref<1x64x64xi32, #tpu.memory_space<vmem>> -> memref<64x64xi32, #tpu.memory_space<vmem>>
        %dma_start3A_529 = arith.constant 832 : i32
        %dma_start3A_530 = tpu.memref_slice %arg9[%dma_start3A_529] : memref<1024xi32, #tpu.memory_space<vmem>> -> memref<64xi32, #tpu.memory_space<vmem>>
        %dma_start3A_531 = arith.constant 0 : i32
        %dma_start3A_532 = arith.constant 0 : i32
        %dma_start3A_533 = tpu.memref_slice %arg4[%dma_start3A_531, %dma_start3A_532] : memref<10000x64xi32, #tpu.memory_space<hbm>> -> memref<10000x64xi32, #tpu.memory_space<hbm>>
        tpu.enqueue_indirect_dma source(%dma_start3A_533 : memref<10000x64xi32, #tpu.memory_space<hbm>>) target(%dma_start3A_528 : memref<64x64xi32, #tpu.memory_space<vmem>>) offsets(%dma_start3A_530 : memref<64xi32, #tpu.memory_space<vmem>>) semaphore(%arg15 : memref<!tpu.dma_semaphore, #tpu.memory_space<semaphore_mem>>)
        %dma_start3A_534 = arith.constant 1 : i32
        %dma_start3A_535 = arith.constant 5 : i32
        %dma_start3A_536 = arith.constant 0 : i32
        %dma_start3A_537 = arith.constant 0 : i32
        %dma_start3A_538 = tpu.memref_slice %arg12[%dma_start3A_534, %dma_start3A_536, %dma_start3A_537] : memref<2x128x128xf32, #tpu.memory_space<vmem>> -> memref<1x128x128xf32, #tpu.memory_space<vmem>>
        %dma_start3A_539 = tpu.memref_squeeze %dma_start3A_538 : memref<1x128x128xf32, #tpu.memory_space<vmem>> -> memref<128x128xf32, #tpu.memory_space<vmem>>
        %dma_start3A_540 = arith.constant 0 : i32
        %dma_start3A_541 = tpu.memref_slice %arg10[%dma_start3A_535, %dma_start3A_540] : memref<8x128xi32, #tpu.memory_space<vmem>> -> memref<1x128xi32, #tpu.memory_space<vmem>>
        %dma_start3A_542 = tpu.memref_squeeze %dma_start3A_541 : memref<1x128xi32, #tpu.memory_space<vmem>> -> memref<128xi32, #tpu.memory_space<vmem>>
        %dma_start3A_543 = arith.constant 0 : i32
        %dma_start3A_544 = arith.constant 0 : i32
        %dma_start3A_545 = tpu.memref_slice %arg8[%dma_start3A_543, %dma_start3A_544] : memref<10240x128xf32, #tpu.memory_space<vmem_shared>> -> memref<10240x128xf32, #tpu.memory_space<vmem_shared>>
        tpu.enqueue_indirect_dma source(%dma_start3A_539 : memref<128x128xf32, #tpu.memory_space<vmem>>) target(%dma_start3A_545 : memref<10240x128xf32, #tpu.memory_space<vmem_shared>>) offsets(%dma_start3A_542 : memref<128xi32, #tpu.memory_space<vmem>>) semaphore(%arg17 : memref<!tpu.dma_semaphore, #tpu.memory_space<semaphore_mem>>) {add = true}
        %dma_wait3A_546 = arith.constant 0 : i32
        %dma_wait3A_547 = arith.constant 4 : i32
        %dma_wait3A_548 = arith.constant 0 : i32
        %dma_wait3A_549 = arith.constant 0 : i32
        %dma_wait3A_550 = tpu.memref_slice %arg12[%dma_wait3A_546, %dma_wait3A_548, %dma_wait3A_549] : memref<2x128x128xf32, #tpu.memory_space<vmem>> -> memref<1x128x128xf32, #tpu.memory_space<vmem>>
        %dma_wait3A_551 = tpu.memref_squeeze %dma_wait3A_550 : memref<1x128x128xf32, #tpu.memory_space<vmem>> -> memref<128x128xf32, #tpu.memory_space<vmem>>
        %dma_wait3A_552 = arith.constant 0 : i32
        %dma_wait3A_553 = tpu.memref_slice %arg10[%dma_wait3A_547, %dma_wait3A_552] : memref<8x128xi32, #tpu.memory_space<vmem>> -> memref<1x128xi32, #tpu.memory_space<vmem>>
        %dma_wait3A_554 = tpu.memref_squeeze %dma_wait3A_553 : memref<1x128xi32, #tpu.memory_space<vmem>> -> memref<128xi32, #tpu.memory_space<vmem>>
        %dma_wait3A_555 = arith.constant 0 : i32
        %dma_wait3A_556 = arith.constant 0 : i32
        %dma_wait3A_557 = tpu.memref_slice %arg8[%dma_wait3A_555, %dma_wait3A_556] : memref<10240x128xf32, #tpu.memory_space<vmem_shared>> -> memref<10240x128xf32, #tpu.memory_space<vmem_shared>>
        tpu.wait_indirect_dma semaphore(%arg16 : memref<!tpu.dma_semaphore, #tpu.memory_space<semaphore_mem>>) src(%dma_wait3A_551 : memref<128x128xf32, #tpu.memory_space<vmem>>) dst(%dma_wait3A_557 : memref<10240x128xf32, #tpu.memory_space<vmem_shared>>)
        %dma_wait3A_558 = arith.constant 0 : i32
        %dma_wait3A_559 = arith.constant 0 : i32
        %dma_wait3A_560 = arith.constant 0 : i32
        %dma_wait3A_561 = tpu.memref_slice %arg11[%dma_wait3A_558, %dma_wait3A_559, %dma_wait3A_560] : memref<2x64x64xi32, #tpu.memory_space<vmem>> -> memref<1x64x64xi32, #tpu.memory_space<vmem>>
        %dma_wait3A_562 = tpu.memref_squeeze %dma_wait3A_561 : memref<1x64x64xi32, #tpu.memory_space<vmem>> -> memref<64x64xi32, #tpu.memory_space<vmem>>
        %dma_wait3A_563 = arith.constant 768 : i32
        %dma_wait3A_564 = tpu.memref_slice %arg9[%dma_wait3A_563] : memref<1024xi32, #tpu.memory_space<vmem>> -> memref<64xi32, #tpu.memory_space<vmem>>
        %dma_wait3A_565 = arith.constant 0 : i32
        %dma_wait3A_566 = arith.constant 0 : i32
        %dma_wait3A_567 = tpu.memref_slice %arg4[%dma_wait3A_565, %dma_wait3A_566] : memref<10000x64xi32, #tpu.memory_space<hbm>> -> memref<10000x64xi32, #tpu.memory_space<hbm>>
        tpu.wait_indirect_dma semaphore(%arg14 : memref<!tpu.dma_semaphore, #tpu.memory_space<semaphore_mem>>) src(%dma_wait3A_567 : memref<10000x64xi32, #tpu.memory_space<hbm>>) dst(%dma_wait3A_562 : memref<64x64xi32, #tpu.memory_space<vmem>>)
        %scan3A_568 = arith.constant 0 : i32
        %scan3A_569 = arith.constant 0 : i32
        %scan3A_570 = arith.constant 0 : i32
        %scan3A_571 = arith.constant 0 : i32
        %scan3A_572 = arith.constant 64 : i32
        %scan3A_573 = arith.addi %scan3A_571, %scan3A_572 : i32
        %scan3A_574 = arith.constant 1 : i32
        scf.for %scan3A_710 = %scan3A_571 to %scan3A_573 step %scan3A_574  : i32 {
          %get3A = arith.constant 0 : i32
          %get3A_711 = arith.constant 0 : i32
          %get3A_712 = tpu.memref_slice %arg11[%scan3A_569, %get3A, %get3A_711] : memref<2x64x64xi32, #tpu.memory_space<vmem>> -> memref<1x64x64xi32, #tpu.memory_space<vmem>>
          %get3A_713 = tpu.memref_squeeze %get3A_712 : memref<1x64x64xi32, #tpu.memory_space<vmem>> -> memref<64x64xi32, #tpu.memory_space<vmem>>
          %get3A_714 = arith.index_cast %scan3A_710 : i32 to index
          %get3A_715 = arith.constant 0 : index
          %get3A_716 = tpu.vector_load %get3A_713[%get3A_714, %get3A_715] {strides = array<i32>} : memref<64x64xi32, #tpu.memory_space<vmem>>, vector<16xi32>,
          %bitcast3A = vector.bitcast %get3A_716 : vector<16xi32> to vector<32xbf16>
          %unpack3A = tpu.unpack_subelements %bitcast3A, 0 {pack_format = #tpu.pack_format<interleaved>} : vector<32xbf16> -> vector<16xf32>
          %unpack3A_717 = tpu.unpack_subelements %bitcast3A, 1 {pack_format = #tpu.pack_format<interleaved>} : vector<32xbf16> -> vector<16xf32>
          %add3A_718 = arith.constant 0 : i32
          %add3A_719 = arith.addi %add3A_718, %scan3A_710 : i32
          %swap3A = arith.constant 0 : i32
          %swap3A_720 = arith.constant 0 : i32
          %swap3A_721 = tpu.memref_slice %arg12[%scan3A_570, %swap3A, %swap3A_720] : memref<2x128x128xf32, #tpu.memory_space<vmem>> -> memref<1x128x128xf32, #tpu.memory_space<vmem>>
          %swap3A_722 = tpu.memref_squeeze %swap3A_721 : memref<1x128x128xf32, #tpu.memory_space<vmem>> -> memref<128x128xf32, #tpu.memory_space<vmem>>
          %swap3A_723 = arith.index_cast %add3A_719 : i32 to index
          %swap3A_724 = arith.constant 0 : index
          %swap3A_725 = tpu.vector_load %swap3A_722[%swap3A_723, %swap3A_724] {strides = array<i32>} : memref<128x128xf32, #tpu.memory_space<vmem>>, vector<16xf32>,
          tpu.vector_store %swap3A_722[%swap3A_723, %swap3A_724], %unpack3A {strides = array<i32>} : memref<128x128xf32, #tpu.memory_space<vmem>>, vector<16xf32>,
          %add3A_726 = arith.constant 0 : i32
          %add3A_727 = arith.addi %add3A_726, %scan3A_710 : i32
          %swap3A_728 = arith.constant 0 : i32
          %swap3A_729 = arith.constant 0 : i32
          %swap3A_730 = tpu.memref_slice %arg12[%scan3A_570, %swap3A_728, %swap3A_729] : memref<2x128x128xf32, #tpu.memory_space<vmem>> -> memref<1x128x128xf32, #tpu.memory_space<vmem>>
          %swap3A_731 = tpu.memref_squeeze %swap3A_730 : memref<1x128x128xf32, #tpu.memory_space<vmem>> -> memref<128x128xf32, #tpu.memory_space<vmem>>
          %swap3A_732 = arith.index_cast %add3A_727 : i32 to index
          %swap3A_733 = arith.constant 16 : index
          %swap3A_734 = tpu.vector_load %swap3A_731[%swap3A_732, %swap3A_733] {strides = array<i32>} : memref<128x128xf32, #tpu.memory_space<vmem>>, vector<16xf32>,
          tpu.vector_store %swap3A_731[%swap3A_732, %swap3A_733], %unpack3A_717 {strides = array<i32>} : memref<128x128xf32, #tpu.memory_space<vmem>>, vector<16xf32>,
          %get3A_735 = arith.constant 0 : i32
          %get3A_736 = arith.constant 0 : i32
          %get3A_737 = tpu.memref_slice %arg11[%scan3A_569, %get3A_735, %get3A_736] : memref<2x64x64xi32, #tpu.memory_space<vmem>> -> memref<1x64x64xi32, #tpu.memory_space<vmem>>
          %get3A_738 = tpu.memref_squeeze %get3A_737 : memref<1x64x64xi32, #tpu.memory_space<vmem>> -> memref<64x64xi32, #tpu.memory_space<vmem>>
          %get3A_739 = arith.index_cast %scan3A_710 : i32 to index
          %get3A_740 = arith.constant 16 : index
          %get3A_741 = tpu.vector_load %get3A_738[%get3A_739, %get3A_740] {strides = array<i32>} : memref<64x64xi32, #tpu.memory_space<vmem>>, vector<16xi32>,
          %bitcast3A_742 = vector.bitcast %get3A_741 : vector<16xi32> to vector<32xbf16>
          %unpack3A_743 = tpu.unpack_subelements %bitcast3A_742, 0 {pack_format = #tpu.pack_format<interleaved>} : vector<32xbf16> -> vector<16xf32>
          %unpack3A_744 = tpu.unpack_subelements %bitcast3A_742, 1 {pack_format = #tpu.pack_format<interleaved>} : vector<32xbf16> -> vector<16xf32>
          %add3A_745 = arith.constant 0 : i32
          %add3A_746 = arith.addi %add3A_745, %scan3A_710 : i32
          %swap3A_747 = arith.constant 0 : i32
          %swap3A_748 = arith.constant 0 : i32
          %swap3A_749 = tpu.memref_slice %arg12[%scan3A_570, %swap3A_747, %swap3A_748] : memref<2x128x128xf32, #tpu.memory_space<vmem>> -> memref<1x128x128xf32, #tpu.memory_space<vmem>>
          %swap3A_750 = tpu.memref_squeeze %swap3A_749 : memref<1x128x128xf32, #tpu.memory_space<vmem>> -> memref<128x128xf32, #tpu.memory_space<vmem>>
          %swap3A_751 = arith.index_cast %add3A_746 : i32 to index
          %swap3A_752 = arith.constant 32 : index
          %swap3A_753 = tpu.vector_load %swap3A_750[%swap3A_751, %swap3A_752] {strides = array<i32>} : memref<128x128xf32, #tpu.memory_space<vmem>>, vector<16xf32>,
          tpu.vector_store %swap3A_750[%swap3A_751, %swap3A_752], %unpack3A_743 {strides = array<i32>} : memref<128x128xf32, #tpu.memory_space<vmem>>, vector<16xf32>,
          %add3A_754 = arith.constant 0 : i32
          %add3A_755 = arith.addi %add3A_754, %scan3A_710 : i32
          %swap3A_756 = arith.constant 0 : i32
          %swap3A_757 = arith.constant 0 : i32
          %swap3A_758 = tpu.memref_slice %arg12[%scan3A_570, %swap3A_756, %swap3A_757] : memref<2x128x128xf32, #tpu.memory_space<vmem>> -> memref<1x128x128xf32, #tpu.memory_space<vmem>>
          %swap3A_759 = tpu.memref_squeeze %swap3A_758 : memref<1x128x128xf32, #tpu.memory_space<vmem>> -> memref<128x128xf32, #tpu.memory_space<vmem>>
          %swap3A_760 = arith.index_cast %add3A_755 : i32 to index
          %swap3A_761 = arith.constant 48 : index
          %swap3A_762 = tpu.vector_load %swap3A_759[%swap3A_760, %swap3A_761] {strides = array<i32>} : memref<128x128xf32, #tpu.memory_space<vmem>>, vector<16xf32>,
          tpu.vector_store %swap3A_759[%swap3A_760, %swap3A_761], %unpack3A_744 {strides = array<i32>} : memref<128x128xf32, #tpu.memory_space<vmem>>, vector<16xf32>,
          %get3A_763 = arith.constant 0 : i32
          %get3A_764 = arith.constant 0 : i32
          %get3A_765 = tpu.memref_slice %arg11[%scan3A_569, %get3A_763, %get3A_764] : memref<2x64x64xi32, #tpu.memory_space<vmem>> -> memref<1x64x64xi32, #tpu.memory_space<vmem>>
          %get3A_766 = tpu.memref_squeeze %get3A_765 : memref<1x64x64xi32, #tpu.memory_space<vmem>> -> memref<64x64xi32, #tpu.memory_space<vmem>>
          %get3A_767 = arith.index_cast %scan3A_710 : i32 to index
          %get3A_768 = arith.constant 32 : index
          %get3A_769 = tpu.vector_load %get3A_766[%get3A_767, %get3A_768] {strides = array<i32>} : memref<64x64xi32, #tpu.memory_space<vmem>>, vector<16xi32>,
          %bitcast3A_770 = vector.bitcast %get3A_769 : vector<16xi32> to vector<32xbf16>
          %unpack3A_771 = tpu.unpack_subelements %bitcast3A_770, 0 {pack_format = #tpu.pack_format<interleaved>} : vector<32xbf16> -> vector<16xf32>
          %unpack3A_772 = tpu.unpack_subelements %bitcast3A_770, 1 {pack_format = #tpu.pack_format<interleaved>} : vector<32xbf16> -> vector<16xf32>
          %add3A_773 = arith.constant 0 : i32
          %add3A_774 = arith.addi %add3A_773, %scan3A_710 : i32
          %swap3A_775 = arith.constant 0 : i32
          %swap3A_776 = arith.constant 0 : i32
          %swap3A_777 = tpu.memref_slice %arg12[%scan3A_570, %swap3A_775, %swap3A_776] : memref<2x128x128xf32, #tpu.memory_space<vmem>> -> memref<1x128x128xf32, #tpu.memory_space<vmem>>
          %swap3A_778 = tpu.memref_squeeze %swap3A_777 : memref<1x128x128xf32, #tpu.memory_space<vmem>> -> memref<128x128xf32, #tpu.memory_space<vmem>>
          %swap3A_779 = arith.index_cast %add3A_774 : i32 to index
          %swap3A_780 = arith.constant 64 : index
          %swap3A_781 = tpu.vector_load %swap3A_778[%swap3A_779, %swap3A_780] {strides = array<i32>} : memref<128x128xf32, #tpu.memory_space<vmem>>, vector<16xf32>,
          tpu.vector_store %swap3A_778[%swap3A_779, %swap3A_780], %unpack3A_771 {strides = array<i32>} : memref<128x128xf32, #tpu.memory_space<vmem>>, vector<16xf32>,
          %add3A_782 = arith.constant 0 : i32
          %add3A_783 = arith.addi %add3A_782, %scan3A_710 : i32
          %swap3A_784 = arith.constant 0 : i32
          %swap3A_785 = arith.constant 0 : i32
          %swap3A_786 = tpu.memref_slice %arg12[%scan3A_570, %swap3A_784, %swap3A_785] : memref<2x128x128xf32, #tpu.memory_space<vmem>> -> memref<1x128x128xf32, #tpu.memory_space<vmem>>
          %swap3A_787 = tpu.memref_squeeze %swap3A_786 : memref<1x128x128xf32, #tpu.memory_space<vmem>> -> memref<128x128xf32, #tpu.memory_space<vmem>>
          %swap3A_788 = arith.index_cast %add3A_783 : i32 to index
          %swap3A_789 = arith.constant 80 : index
          %swap3A_790 = tpu.vector_load %swap3A_787[%swap3A_788, %swap3A_789] {strides = array<i32>} : memref<128x128xf32, #tpu.memory_space<vmem>>, vector<16xf32>,
          tpu.vector_store %swap3A_787[%swap3A_788, %swap3A_789], %unpack3A_772 {strides = array<i32>} : memref<128x128xf32, #tpu.memory_space<vmem>>, vector<16xf32>,
          %get3A_791 = arith.constant 0 : i32
          %get3A_792 = arith.constant 0 : i32
          %get3A_793 = tpu.memref_slice %arg11[%scan3A_569, %get3A_791, %get3A_792] : memref<2x64x64xi32, #tpu.memory_space<vmem>> -> memref<1x64x64xi32, #tpu.memory_space<vmem>>
          %get3A_794 = tpu.memref_squeeze %get3A_793 : memref<1x64x64xi32, #tpu.memory_space<vmem>> -> memref<64x64xi32, #tpu.memory_space<vmem>>
          %get3A_795 = arith.index_cast %scan3A_710 : i32 to index
          %get3A_796 = arith.constant 48 : index
          %get3A_797 = tpu.vector_load %get3A_794[%get3A_795, %get3A_796] {strides = array<i32>} : memref<64x64xi32, #tpu.memory_space<vmem>>, vector<16xi32>,
          %bitcast3A_798 = vector.bitcast %get3A_797 : vector<16xi32> to vector<32xbf16>
          %unpack3A_799 = tpu.unpack_subelements %bitcast3A_798, 0 {pack_format = #tpu.pack_format<interleaved>} : vector<32xbf16> -> vector<16xf32>
          %unpack3A_800 = tpu.unpack_subelements %bitcast3A_798, 1 {pack_format = #tpu.pack_format<interleaved>} : vector<32xbf16> -> vector<16xf32>
          %add3A_801 = arith.constant 0 : i32
          %add3A_802 = arith.addi %add3A_801, %scan3A_710 : i32
          %swap3A_803 = arith.constant 0 : i32
          %swap3A_804 = arith.constant 0 : i32
          %swap3A_805 = tpu.memref_slice %arg12[%scan3A_570, %swap3A_803, %swap3A_804] : memref<2x128x128xf32, #tpu.memory_space<vmem>> -> memref<1x128x128xf32, #tpu.memory_space<vmem>>
          %swap3A_806 = tpu.memref_squeeze %swap3A_805 : memref<1x128x128xf32, #tpu.memory_space<vmem>> -> memref<128x128xf32, #tpu.memory_space<vmem>>
          %swap3A_807 = arith.index_cast %add3A_802 : i32 to index
          %swap3A_808 = arith.constant 96 : index
          %swap3A_809 = tpu.vector_load %swap3A_806[%swap3A_807, %swap3A_808] {strides = array<i32>} : memref<128x128xf32, #tpu.memory_space<vmem>>, vector<16xf32>,
          tpu.vector_store %swap3A_806[%swap3A_807, %swap3A_808], %unpack3A_799 {strides = array<i32>} : memref<128x128xf32, #tpu.memory_space<vmem>>, vector<16xf32>,
          %add3A_810 = arith.constant 0 : i32
          %add3A_811 = arith.addi %add3A_810, %scan3A_710 : i32
          %swap3A_812 = arith.constant 0 : i32
          %swap3A_813 = arith.constant 0 : i32
          %swap3A_814 = tpu.memref_slice %arg12[%scan3A_570, %swap3A_812, %swap3A_813] : memref<2x128x128xf32, #tpu.memory_space<vmem>> -> memref<1x128x128xf32, #tpu.memory_space<vmem>>
          %swap3A_815 = tpu.memref_squeeze %swap3A_814 : memref<1x128x128xf32, #tpu.memory_space<vmem>> -> memref<128x128xf32, #tpu.memory_space<vmem>>
          %swap3A_816 = arith.index_cast %add3A_811 : i32 to index
          %swap3A_817 = arith.constant 112 : index
          %swap3A_818 = tpu.vector_load %swap3A_815[%swap3A_816, %swap3A_817] {strides = array<i32>} : memref<128x128xf32, #tpu.memory_space<vmem>>, vector<16xf32>,
          tpu.vector_store %swap3A_815[%swap3A_816, %swap3A_817], %unpack3A_800 {strides = array<i32>} : memref<128x128xf32, #tpu.memory_space<vmem>>, vector<16xf32>,
        }
        %scan3A_575 = arith.constant 64 : i32
        %dma_start3A_576 = arith.constant 0 : i32
        %dma_start3A_577 = arith.constant 0 : i32
        %dma_start3A_578 = arith.constant 0 : i32
        %dma_start3A_579 = tpu.memref_slice %arg11[%dma_start3A_576, %dma_start3A_577, %dma_start3A_578] : memref<2x64x64xi32, #tpu.memory_space<vmem>> -> memref<1x64x64xi32, #tpu.memory_space<vmem>>
        %dma_start3A_580 = tpu.memref_squeeze %dma_start3A_579 : memref<1x64x64xi32, #tpu.memory_space<vmem>> -> memref<64x64xi32, #tpu.memory_space<vmem>>
        %dma_start3A_581 = arith.constant 896 : i32
        %dma_start3A_582 = tpu.memref_slice %arg9[%dma_start3A_581] : memref<1024xi32, #tpu.memory_space<vmem>> -> memref<64xi32, #tpu.memory_space<vmem>>
        %dma_start3A_583 = arith.constant 0 : i32
        %dma_start3A_584 = arith.constant 0 : i32
        %dma_start3A_585 = tpu.memref_slice %arg4[%dma_start3A_583, %dma_start3A_584] : memref<10000x64xi32, #tpu.memory_space<hbm>> -> memref<10000x64xi32, #tpu.memory_space<hbm>>
        tpu.enqueue_indirect_dma source(%dma_start3A_585 : memref<10000x64xi32, #tpu.memory_space<hbm>>) target(%dma_start3A_580 : memref<64x64xi32, #tpu.memory_space<vmem>>) offsets(%dma_start3A_582 : memref<64xi32, #tpu.memory_space<vmem>>) semaphore(%arg14 : memref<!tpu.dma_semaphore, #tpu.memory_space<semaphore_mem>>)
        %dma_wait3A_586 = arith.constant 1 : i32
        %dma_wait3A_587 = arith.constant 0 : i32
        %dma_wait3A_588 = arith.constant 0 : i32
        %dma_wait3A_589 = tpu.memref_slice %arg11[%dma_wait3A_586, %dma_wait3A_587, %dma_wait3A_588] : memref<2x64x64xi32, #tpu.memory_space<vmem>> -> memref<1x64x64xi32, #tpu.memory_space<vmem>>
        %dma_wait3A_590 = tpu.memref_squeeze %dma_wait3A_589 : memref<1x64x64xi32, #tpu.memory_space<vmem>> -> memref<64x64xi32, #tpu.memory_space<vmem>>
        %dma_wait3A_591 = arith.constant 832 : i32
        %dma_wait3A_592 = tpu.memref_slice %arg9[%dma_wait3A_591] : memref<1024xi32, #tpu.memory_space<vmem>> -> memref<64xi32, #tpu.memory_space<vmem>>
        %dma_wait3A_593 = arith.constant 0 : i32
        %dma_wait3A_594 = arith.constant 0 : i32
        %dma_wait3A_595 = tpu.memref_slice %arg4[%dma_wait3A_593, %dma_wait3A_594] : memref<10000x64xi32, #tpu.memory_space<hbm>> -> memref<10000x64xi32, #tpu.memory_space<hbm>>
        tpu.wait_indirect_dma semaphore(%arg15 : memref<!tpu.dma_semaphore, #tpu.memory_space<semaphore_mem>>) src(%dma_wait3A_595 : memref<10000x64xi32, #tpu.memory_space<hbm>>) dst(%dma_wait3A_590 : memref<64x64xi32, #tpu.memory_space<vmem>>)
        %scan3A_596 = arith.constant 0 : i32
        %scan3A_597 = arith.constant 1 : i32
        %scan3A_598 = arith.constant 0 : i32
        %scan3A_599 = arith.constant 0 : i32
        %scan3A_600 = arith.constant 64 : i32
        %scan3A_601 = arith.addi %scan3A_599, %scan3A_600 : i32
        %scan3A_602 = arith.constant 1 : i32
        scf.for %scan3A_710 = %scan3A_599 to %scan3A_601 step %scan3A_602  : i32 {
          %get3A = arith.constant 0 : i32
          %get3A_711 = arith.constant 0 : i32
          %get3A_712 = tpu.memref_slice %arg11[%scan3A_597, %get3A, %get3A_711] : memref<2x64x64xi32, #tpu.memory_space<vmem>> -> memref<1x64x64xi32, #tpu.memory_space<vmem>>
          %get3A_713 = tpu.memref_squeeze %get3A_712 : memref<1x64x64xi32, #tpu.memory_space<vmem>> -> memref<64x64xi32, #tpu.memory_space<vmem>>
          %get3A_714 = arith.index_cast %scan3A_710 : i32 to index
          %get3A_715 = arith.constant 0 : index
          %get3A_716 = tpu.vector_load %get3A_713[%get3A_714, %get3A_715] {strides = array<i32>} : memref<64x64xi32, #tpu.memory_space<vmem>>, vector<16xi32>,
          %bitcast3A = vector.bitcast %get3A_716 : vector<16xi32> to vector<32xbf16>
          %unpack3A = tpu.unpack_subelements %bitcast3A, 0 {pack_format = #tpu.pack_format<interleaved>} : vector<32xbf16> -> vector<16xf32>
          %unpack3A_717 = tpu.unpack_subelements %bitcast3A, 1 {pack_format = #tpu.pack_format<interleaved>} : vector<32xbf16> -> vector<16xf32>
          %add3A_718 = arith.constant 64 : i32
          %add3A_719 = arith.addi %add3A_718, %scan3A_710 : i32
          %swap3A = arith.constant 0 : i32
          %swap3A_720 = arith.constant 0 : i32
          %swap3A_721 = tpu.memref_slice %arg12[%scan3A_598, %swap3A, %swap3A_720] : memref<2x128x128xf32, #tpu.memory_space<vmem>> -> memref<1x128x128xf32, #tpu.memory_space<vmem>>
          %swap3A_722 = tpu.memref_squeeze %swap3A_721 : memref<1x128x128xf32, #tpu.memory_space<vmem>> -> memref<128x128xf32, #tpu.memory_space<vmem>>
          %swap3A_723 = arith.index_cast %add3A_719 : i32 to index
          %swap3A_724 = arith.constant 0 : index
          %swap3A_725 = tpu.vector_load %swap3A_722[%swap3A_723, %swap3A_724] {strides = array<i32>} : memref<128x128xf32, #tpu.memory_space<vmem>>, vector<16xf32>,
          tpu.vector_store %swap3A_722[%swap3A_723, %swap3A_724], %unpack3A {strides = array<i32>} : memref<128x128xf32, #tpu.memory_space<vmem>>, vector<16xf32>,
          %add3A_726 = arith.constant 64 : i32
          %add3A_727 = arith.addi %add3A_726, %scan3A_710 : i32
          %swap3A_728 = arith.constant 0 : i32
          %swap3A_729 = arith.constant 0 : i32
          %swap3A_730 = tpu.memref_slice %arg12[%scan3A_598, %swap3A_728, %swap3A_729] : memref<2x128x128xf32, #tpu.memory_space<vmem>> -> memref<1x128x128xf32, #tpu.memory_space<vmem>>
          %swap3A_731 = tpu.memref_squeeze %swap3A_730 : memref<1x128x128xf32, #tpu.memory_space<vmem>> -> memref<128x128xf32, #tpu.memory_space<vmem>>
          %swap3A_732 = arith.index_cast %add3A_727 : i32 to index
          %swap3A_733 = arith.constant 16 : index
          %swap3A_734 = tpu.vector_load %swap3A_731[%swap3A_732, %swap3A_733] {strides = array<i32>} : memref<128x128xf32, #tpu.memory_space<vmem>>, vector<16xf32>,
          tpu.vector_store %swap3A_731[%swap3A_732, %swap3A_733], %unpack3A_717 {strides = array<i32>} : memref<128x128xf32, #tpu.memory_space<vmem>>, vector<16xf32>,
          %get3A_735 = arith.constant 0 : i32
          %get3A_736 = arith.constant 0 : i32
          %get3A_737 = tpu.memref_slice %arg11[%scan3A_597, %get3A_735, %get3A_736] : memref<2x64x64xi32, #tpu.memory_space<vmem>> -> memref<1x64x64xi32, #tpu.memory_space<vmem>>
          %get3A_738 = tpu.memref_squeeze %get3A_737 : memref<1x64x64xi32, #tpu.memory_space<vmem>> -> memref<64x64xi32, #tpu.memory_space<vmem>>
          %get3A_739 = arith.index_cast %scan3A_710 : i32 to index
          %get3A_740 = arith.constant 16 : index
          %get3A_741 = tpu.vector_load %get3A_738[%get3A_739, %get3A_740] {strides = array<i32>} : memref<64x64xi32, #tpu.memory_space<vmem>>, vector<16xi32>,
          %bitcast3A_742 = vector.bitcast %get3A_741 : vector<16xi32> to vector<32xbf16>
          %unpack3A_743 = tpu.unpack_subelements %bitcast3A_742, 0 {pack_format = #tpu.pack_format<interleaved>} : vector<32xbf16> -> vector<16xf32>
          %unpack3A_744 = tpu.unpack_subelements %bitcast3A_742, 1 {pack_format = #tpu.pack_format<interleaved>} : vector<32xbf16> -> vector<16xf32>
          %add3A_745 = arith.constant 64 : i32
          %add3A_746 = arith.addi %add3A_745, %scan3A_710 : i32
          %swap3A_747 = arith.constant 0 : i32
          %swap3A_748 = arith.constant 0 : i32
          %swap3A_749 = tpu.memref_slice %arg12[%scan3A_598, %swap3A_747, %swap3A_748] : memref<2x128x128xf32, #tpu.memory_space<vmem>> -> memref<1x128x128xf32, #tpu.memory_space<vmem>>
          %swap3A_750 = tpu.memref_squeeze %swap3A_749 : memref<1x128x128xf32, #tpu.memory_space<vmem>> -> memref<128x128xf32, #tpu.memory_space<vmem>>
          %swap3A_751 = arith.index_cast %add3A_746 : i32 to index
          %swap3A_752 = arith.constant 32 : index
          %swap3A_753 = tpu.vector_load %swap3A_750[%swap3A_751, %swap3A_752] {strides = array<i32>} : memref<128x128xf32, #tpu.memory_space<vmem>>, vector<16xf32>,
          tpu.vector_store %swap3A_750[%swap3A_751, %swap3A_752], %unpack3A_743 {strides = array<i32>} : memref<128x128xf32, #tpu.memory_space<vmem>>, vector<16xf32>,
          %add3A_754 = arith.constant 64 : i32
          %add3A_755 = arith.addi %add3A_754, %scan3A_710 : i32
          %swap3A_756 = arith.constant 0 : i32
          %swap3A_757 = arith.constant 0 : i32
          %swap3A_758 = tpu.memref_slice %arg12[%scan3A_598, %swap3A_756, %swap3A_757] : memref<2x128x128xf32, #tpu.memory_space<vmem>> -> memref<1x128x128xf32, #tpu.memory_space<vmem>>
          %swap3A_759 = tpu.memref_squeeze %swap3A_758 : memref<1x128x128xf32, #tpu.memory_space<vmem>> -> memref<128x128xf32, #tpu.memory_space<vmem>>
          %swap3A_760 = arith.index_cast %add3A_755 : i32 to index
          %swap3A_761 = arith.constant 48 : index
          %swap3A_762 = tpu.vector_load %swap3A_759[%swap3A_760, %swap3A_761] {strides = array<i32>} : memref<128x128xf32, #tpu.memory_space<vmem>>, vector<16xf32>,
          tpu.vector_store %swap3A_759[%swap3A_760, %swap3A_761], %unpack3A_744 {strides = array<i32>} : memref<128x128xf32, #tpu.memory_space<vmem>>, vector<16xf32>,
          %get3A_763 = arith.constant 0 : i32
          %get3A_764 = arith.constant 0 : i32
          %get3A_765 = tpu.memref_slice %arg11[%scan3A_597, %get3A_763, %get3A_764] : memref<2x64x64xi32, #tpu.memory_space<vmem>> -> memref<1x64x64xi32, #tpu.memory_space<vmem>>
          %get3A_766 = tpu.memref_squeeze %get3A_765 : memref<1x64x64xi32, #tpu.memory_space<vmem>> -> memref<64x64xi32, #tpu.memory_space<vmem>>
          %get3A_767 = arith.index_cast %scan3A_710 : i32 to index
          %get3A_768 = arith.constant 32 : index
          %get3A_769 = tpu.vector_load %get3A_766[%get3A_767, %get3A_768] {strides = array<i32>} : memref<64x64xi32, #tpu.memory_space<vmem>>, vector<16xi32>,
          %bitcast3A_770 = vector.bitcast %get3A_769 : vector<16xi32> to vector<32xbf16>
          %unpack3A_771 = tpu.unpack_subelements %bitcast3A_770, 0 {pack_format = #tpu.pack_format<interleaved>} : vector<32xbf16> -> vector<16xf32>
          %unpack3A_772 = tpu.unpack_subelements %bitcast3A_770, 1 {pack_format = #tpu.pack_format<interleaved>} : vector<32xbf16> -> vector<16xf32>
          %add3A_773 = arith.constant 64 : i32
          %add3A_774 = arith.addi %add3A_773, %scan3A_710 : i32
          %swap3A_775 = arith.constant 0 : i32
          %swap3A_776 = arith.constant 0 : i32
          %swap3A_777 = tpu.memref_slice %arg12[%scan3A_598, %swap3A_775, %swap3A_776] : memref<2x128x128xf32, #tpu.memory_space<vmem>> -> memref<1x128x128xf32, #tpu.memory_space<vmem>>
          %swap3A_778 = tpu.memref_squeeze %swap3A_777 : memref<1x128x128xf32, #tpu.memory_space<vmem>> -> memref<128x128xf32, #tpu.memory_space<vmem>>
          %swap3A_779 = arith.index_cast %add3A_774 : i32 to index
          %swap3A_780 = arith.constant 64 : index
          %swap3A_781 = tpu.vector_load %swap3A_778[%swap3A_779, %swap3A_780] {strides = array<i32>} : memref<128x128xf32, #tpu.memory_space<vmem>>, vector<16xf32>,
          tpu.vector_store %swap3A_778[%swap3A_779, %swap3A_780], %unpack3A_771 {strides = array<i32>} : memref<128x128xf32, #tpu.memory_space<vmem>>, vector<16xf32>,
          %add3A_782 = arith.constant 64 : i32
          %add3A_783 = arith.addi %add3A_782, %scan3A_710 : i32
          %swap3A_784 = arith.constant 0 : i32
          %swap3A_785 = arith.constant 0 : i32
          %swap3A_786 = tpu.memref_slice %arg12[%scan3A_598, %swap3A_784, %swap3A_785] : memref<2x128x128xf32, #tpu.memory_space<vmem>> -> memref<1x128x128xf32, #tpu.memory_space<vmem>>
          %swap3A_787 = tpu.memref_squeeze %swap3A_786 : memref<1x128x128xf32, #tpu.memory_space<vmem>> -> memref<128x128xf32, #tpu.memory_space<vmem>>
          %swap3A_788 = arith.index_cast %add3A_783 : i32 to index
          %swap3A_789 = arith.constant 80 : index
          %swap3A_790 = tpu.vector_load %swap3A_787[%swap3A_788, %swap3A_789] {strides = array<i32>} : memref<128x128xf32, #tpu.memory_space<vmem>>, vector<16xf32>,
          tpu.vector_store %swap3A_787[%swap3A_788, %swap3A_789], %unpack3A_772 {strides = array<i32>} : memref<128x128xf32, #tpu.memory_space<vmem>>, vector<16xf32>,
          %get3A_791 = arith.constant 0 : i32
          %get3A_792 = arith.constant 0 : i32
          %get3A_793 = tpu.memref_slice %arg11[%scan3A_597, %get3A_791, %get3A_792] : memref<2x64x64xi32, #tpu.memory_space<vmem>> -> memref<1x64x64xi32, #tpu.memory_space<vmem>>
          %get3A_794 = tpu.memref_squeeze %get3A_793 : memref<1x64x64xi32, #tpu.memory_space<vmem>> -> memref<64x64xi32, #tpu.memory_space<vmem>>
          %get3A_795 = arith.index_cast %scan3A_710 : i32 to index
          %get3A_796 = arith.constant 48 : index
          %get3A_797 = tpu.vector_load %get3A_794[%get3A_795, %get3A_796] {strides = array<i32>} : memref<64x64xi32, #tpu.memory_space<vmem>>, vector<16xi32>,
          %bitcast3A_798 = vector.bitcast %get3A_797 : vector<16xi32> to vector<32xbf16>
          %unpack3A_799 = tpu.unpack_subelements %bitcast3A_798, 0 {pack_format = #tpu.pack_format<interleaved>} : vector<32xbf16> -> vector<16xf32>
          %unpack3A_800 = tpu.unpack_subelements %bitcast3A_798, 1 {pack_format = #tpu.pack_format<interleaved>} : vector<32xbf16> -> vector<16xf32>
          %add3A_801 = arith.constant 64 : i32
          %add3A_802 = arith.addi %add3A_801, %scan3A_710 : i32
          %swap3A_803 = arith.constant 0 : i32
          %swap3A_804 = arith.constant 0 : i32
          %swap3A_805 = tpu.memref_slice %arg12[%scan3A_598, %swap3A_803, %swap3A_804] : memref<2x128x128xf32, #tpu.memory_space<vmem>> -> memref<1x128x128xf32, #tpu.memory_space<vmem>>
          %swap3A_806 = tpu.memref_squeeze %swap3A_805 : memref<1x128x128xf32, #tpu.memory_space<vmem>> -> memref<128x128xf32, #tpu.memory_space<vmem>>
          %swap3A_807 = arith.index_cast %add3A_802 : i32 to index
          %swap3A_808 = arith.constant 96 : index
          %swap3A_809 = tpu.vector_load %swap3A_806[%swap3A_807, %swap3A_808] {strides = array<i32>} : memref<128x128xf32, #tpu.memory_space<vmem>>, vector<16xf32>,
          tpu.vector_store %swap3A_806[%swap3A_807, %swap3A_808], %unpack3A_799 {strides = array<i32>} : memref<128x128xf32, #tpu.memory_space<vmem>>, vector<16xf32>,
          %add3A_810 = arith.constant 64 : i32
          %add3A_811 = arith.addi %add3A_810, %scan3A_710 : i32
          %swap3A_812 = arith.constant 0 : i32
          %swap3A_813 = arith.constant 0 : i32
          %swap3A_814 = tpu.memref_slice %arg12[%scan3A_598, %swap3A_812, %swap3A_813] : memref<2x128x128xf32, #tpu.memory_space<vmem>> -> memref<1x128x128xf32, #tpu.memory_space<vmem>>
          %swap3A_815 = tpu.memref_squeeze %swap3A_814 : memref<1x128x128xf32, #tpu.memory_space<vmem>> -> memref<128x128xf32, #tpu.memory_space<vmem>>
          %swap3A_816 = arith.index_cast %add3A_811 : i32 to index
          %swap3A_817 = arith.constant 112 : index
          %swap3A_818 = tpu.vector_load %swap3A_815[%swap3A_816, %swap3A_817] {strides = array<i32>} : memref<128x128xf32, #tpu.memory_space<vmem>>, vector<16xf32>,
          tpu.vector_store %swap3A_815[%swap3A_816, %swap3A_817], %unpack3A_800 {strides = array<i32>} : memref<128x128xf32, #tpu.memory_space<vmem>>, vector<16xf32>,
        }
        %scan3A_603 = arith.constant 64 : i32
        %dma_start3A_604 = arith.constant 1 : i32
        %dma_start3A_605 = arith.constant 0 : i32
        %dma_start3A_606 = arith.constant 0 : i32
        %dma_start3A_607 = tpu.memref_slice %arg11[%dma_start3A_604, %dma_start3A_605, %dma_start3A_606] : memref<2x64x64xi32, #tpu.memory_space<vmem>> -> memref<1x64x64xi32, #tpu.memory_space<vmem>>
        %dma_start3A_608 = tpu.memref_squeeze %dma_start3A_607 : memref<1x64x64xi32, #tpu.memory_space<vmem>> -> memref<64x64xi32, #tpu.memory_space<vmem>>
        %dma_start3A_609 = arith.constant 960 : i32
        %dma_start3A_610 = tpu.memref_slice %arg9[%dma_start3A_609] : memref<1024xi32, #tpu.memory_space<vmem>> -> memref<64xi32, #tpu.memory_space<vmem>>
        %dma_start3A_611 = arith.constant 0 : i32
        %dma_start3A_612 = arith.constant 0 : i32
        %dma_start3A_613 = tpu.memref_slice %arg4[%dma_start3A_611, %dma_start3A_612] : memref<10000x64xi32, #tpu.memory_space<hbm>> -> memref<10000x64xi32, #tpu.memory_space<hbm>>
        tpu.enqueue_indirect_dma source(%dma_start3A_613 : memref<10000x64xi32, #tpu.memory_space<hbm>>) target(%dma_start3A_608 : memref<64x64xi32, #tpu.memory_space<vmem>>) offsets(%dma_start3A_610 : memref<64xi32, #tpu.memory_space<vmem>>) semaphore(%arg15 : memref<!tpu.dma_semaphore, #tpu.memory_space<semaphore_mem>>)
        %dma_start3A_614 = arith.constant 0 : i32
        %dma_start3A_615 = arith.constant 6 : i32
        %dma_start3A_616 = arith.constant 0 : i32
        %dma_start3A_617 = arith.constant 0 : i32
        %dma_start3A_618 = tpu.memref_slice %arg12[%dma_start3A_614, %dma_start3A_616, %dma_start3A_617] : memref<2x128x128xf32, #tpu.memory_space<vmem>> -> memref<1x128x128xf32, #tpu.memory_space<vmem>>
        %dma_start3A_619 = tpu.memref_squeeze %dma_start3A_618 : memref<1x128x128xf32, #tpu.memory_space<vmem>> -> memref<128x128xf32, #tpu.memory_space<vmem>>
        %dma_start3A_620 = arith.constant 0 : i32
        %dma_start3A_621 = tpu.memref_slice %arg10[%dma_start3A_615, %dma_start3A_620] : memref<8x128xi32, #tpu.memory_space<vmem>> -> memref<1x128xi32, #tpu.memory_space<vmem>>
        %dma_start3A_622 = tpu.memref_squeeze %dma_start3A_621 : memref<1x128xi32, #tpu.memory_space<vmem>> -> memref<128xi32, #tpu.memory_space<vmem>>
        %dma_start3A_623 = arith.constant 0 : i32
        %dma_start3A_624 = arith.constant 0 : i32
        %dma_start3A_625 = tpu.memref_slice %arg8[%dma_start3A_623, %dma_start3A_624] : memref<10240x128xf32, #tpu.memory_space<vmem_shared>> -> memref<10240x128xf32, #tpu.memory_space<vmem_shared>>
        tpu.enqueue_indirect_dma source(%dma_start3A_619 : memref<128x128xf32, #tpu.memory_space<vmem>>) target(%dma_start3A_625 : memref<10240x128xf32, #tpu.memory_space<vmem_shared>>) offsets(%dma_start3A_622 : memref<128xi32, #tpu.memory_space<vmem>>) semaphore(%arg16 : memref<!tpu.dma_semaphore, #tpu.memory_space<semaphore_mem>>) {add = true}
        %dma_wait3A_626 = arith.constant 1 : i32
        %dma_wait3A_627 = arith.constant 5 : i32
        %dma_wait3A_628 = arith.constant 0 : i32
        %dma_wait3A_629 = arith.constant 0 : i32
        %dma_wait3A_630 = tpu.memref_slice %arg12[%dma_wait3A_626, %dma_wait3A_628, %dma_wait3A_629] : memref<2x128x128xf32, #tpu.memory_space<vmem>> -> memref<1x128x128xf32, #tpu.memory_space<vmem>>
        %dma_wait3A_631 = tpu.memref_squeeze %dma_wait3A_630 : memref<1x128x128xf32, #tpu.memory_space<vmem>> -> memref<128x128xf32, #tpu.memory_space<vmem>>
        %dma_wait3A_632 = arith.constant 0 : i32
        %dma_wait3A_633 = tpu.memref_slice %arg10[%dma_wait3A_627, %dma_wait3A_632] : memref<8x128xi32, #tpu.memory_space<vmem>> -> memref<1x128xi32, #tpu.memory_space<vmem>>
        %dma_wait3A_634 = tpu.memref_squeeze %dma_wait3A_633 : memref<1x128xi32, #tpu.memory_space<vmem>> -> memref<128xi32, #tpu.memory_space<vmem>>
        %dma_wait3A_635 = arith.constant 0 : i32
        %dma_wait3A_636 = arith.constant 0 : i32
        %dma_wait3A_637 = tpu.memref_slice %arg8[%dma_wait3A_635, %dma_wait3A_636] : memref<10240x128xf32, #tpu.memory_space<vmem_shared>> -> memref<10240x128xf32, #tpu.memory_space<vmem_shared>>
        tpu.wait_indirect_dma semaphore(%arg17 : memref<!tpu.dma_semaphore, #tpu.memory_space<semaphore_mem>>) src(%dma_wait3A_631 : memref<128x128xf32, #tpu.memory_space<vmem>>) dst(%dma_wait3A_637 : memref<10240x128xf32, #tpu.memory_space<vmem_shared>>)
        %dma_wait3A_638 = arith.constant 0 : i32
        %dma_wait3A_639 = arith.constant 0 : i32
        %dma_wait3A_640 = arith.constant 0 : i32
        %dma_wait3A_641 = tpu.memref_slice %arg11[%dma_wait3A_638, %dma_wait3A_639, %dma_wait3A_640] : memref<2x64x64xi32, #tpu.memory_space<vmem>> -> memref<1x64x64xi32, #tpu.memory_space<vmem>>
        %dma_wait3A_642 = tpu.memref_squeeze %dma_wait3A_641 : memref<1x64x64xi32, #tpu.memory_space<vmem>> -> memref<64x64xi32, #tpu.memory_space<vmem>>
        %dma_wait3A_643 = arith.constant 896 : i32
        %dma_wait3A_644 = tpu.memref_slice %arg9[%dma_wait3A_643] : memref<1024xi32, #tpu.memory_space<vmem>> -> memref<64xi32, #tpu.memory_space<vmem>>
        %dma_wait3A_645 = arith.constant 0 : i32
        %dma_wait3A_646 = arith.constant 0 : i32
        %dma_wait3A_647 = tpu.memref_slice %arg4[%dma_wait3A_645, %dma_wait3A_646] : memref<10000x64xi32, #tpu.memory_space<hbm>> -> memref<10000x64xi32, #tpu.memory_space<hbm>>
        tpu.wait_indirect_dma semaphore(%arg14 : memref<!tpu.dma_semaphore, #tpu.memory_space<semaphore_mem>>) src(%dma_wait3A_647 : memref<10000x64xi32, #tpu.memory_space<hbm>>) dst(%dma_wait3A_642 : memref<64x64xi32, #tpu.memory_space<vmem>>)
        %scan3A_648 = arith.constant 0 : i32
        %scan3A_649 = arith.constant 0 : i32
        %scan3A_650 = arith.constant 1 : i32
        %scan3A_651 = arith.constant 0 : i32
        %scan3A_652 = arith.constant 64 : i32
        %scan3A_653 = arith.addi %scan3A_651, %scan3A_652 : i32
        %scan3A_654 = arith.constant 1 : i32
        scf.for %scan3A_710 = %scan3A_651 to %scan3A_653 step %scan3A_654  : i32 {
          %get3A = arith.constant 0 : i32
          %get3A_711 = arith.constant 0 : i32
          %get3A_712 = tpu.memref_slice %arg11[%scan3A_649, %get3A, %get3A_711] : memref<2x64x64xi32, #tpu.memory_space<vmem>> -> memref<1x64x64xi32, #tpu.memory_space<vmem>>
          %get3A_713 = tpu.memref_squeeze %get3A_712 : memref<1x64x64xi32, #tpu.memory_space<vmem>> -> memref<64x64xi32, #tpu.memory_space<vmem>>
          %get3A_714 = arith.index_cast %scan3A_710 : i32 to index
          %get3A_715 = arith.constant 0 : index
          %get3A_716 = tpu.vector_load %get3A_713[%get3A_714, %get3A_715] {strides = array<i32>} : memref<64x64xi32, #tpu.memory_space<vmem>>, vector<16xi32>,
          %bitcast3A = vector.bitcast %get3A_716 : vector<16xi32> to vector<32xbf16>
          %unpack3A = tpu.unpack_subelements %bitcast3A, 0 {pack_format = #tpu.pack_format<interleaved>} : vector<32xbf16> -> vector<16xf32>
          %unpack3A_717 = tpu.unpack_subelements %bitcast3A, 1 {pack_format = #tpu.pack_format<interleaved>} : vector<32xbf16> -> vector<16xf32>
          %add3A_718 = arith.constant 0 : i32
          %add3A_719 = arith.addi %add3A_718, %scan3A_710 : i32
          %swap3A = arith.constant 0 : i32
          %swap3A_720 = arith.constant 0 : i32
          %swap3A_721 = tpu.memref_slice %arg12[%scan3A_650, %swap3A, %swap3A_720] : memref<2x128x128xf32, #tpu.memory_space<vmem>> -> memref<1x128x128xf32, #tpu.memory_space<vmem>>
          %swap3A_722 = tpu.memref_squeeze %swap3A_721 : memref<1x128x128xf32, #tpu.memory_space<vmem>> -> memref<128x128xf32, #tpu.memory_space<vmem>>
          %swap3A_723 = arith.index_cast %add3A_719 : i32 to index
          %swap3A_724 = arith.constant 0 : index
          %swap3A_725 = tpu.vector_load %swap3A_722[%swap3A_723, %swap3A_724] {strides = array<i32>} : memref<128x128xf32, #tpu.memory_space<vmem>>, vector<16xf32>,
          tpu.vector_store %swap3A_722[%swap3A_723, %swap3A_724], %unpack3A {strides = array<i32>} : memref<128x128xf32, #tpu.memory_space<vmem>>, vector<16xf32>,
          %add3A_726 = arith.constant 0 : i32
          %add3A_727 = arith.addi %add3A_726, %scan3A_710 : i32
          %swap3A_728 = arith.constant 0 : i32
          %swap3A_729 = arith.constant 0 : i32
          %swap3A_730 = tpu.memref_slice %arg12[%scan3A_650, %swap3A_728, %swap3A_729] : memref<2x128x128xf32, #tpu.memory_space<vmem>> -> memref<1x128x128xf32, #tpu.memory_space<vmem>>
          %swap3A_731 = tpu.memref_squeeze %swap3A_730 : memref<1x128x128xf32, #tpu.memory_space<vmem>> -> memref<128x128xf32, #tpu.memory_space<vmem>>
          %swap3A_732 = arith.index_cast %add3A_727 : i32 to index
          %swap3A_733 = arith.constant 16 : index
          %swap3A_734 = tpu.vector_load %swap3A_731[%swap3A_732, %swap3A_733] {strides = array<i32>} : memref<128x128xf32, #tpu.memory_space<vmem>>, vector<16xf32>,
          tpu.vector_store %swap3A_731[%swap3A_732, %swap3A_733], %unpack3A_717 {strides = array<i32>} : memref<128x128xf32, #tpu.memory_space<vmem>>, vector<16xf32>,
          %get3A_735 = arith.constant 0 : i32
          %get3A_736 = arith.constant 0 : i32
          %get3A_737 = tpu.memref_slice %arg11[%scan3A_649, %get3A_735, %get3A_736] : memref<2x64x64xi32, #tpu.memory_space<vmem>> -> memref<1x64x64xi32, #tpu.memory_space<vmem>>
          %get3A_738 = tpu.memref_squeeze %get3A_737 : memref<1x64x64xi32, #tpu.memory_space<vmem>> -> memref<64x64xi32, #tpu.memory_space<vmem>>
          %get3A_739 = arith.index_cast %scan3A_710 : i32 to index
          %get3A_740 = arith.constant 16 : index
          %get3A_741 = tpu.vector_load %get3A_738[%get3A_739, %get3A_740] {strides = array<i32>} : memref<64x64xi32, #tpu.memory_space<vmem>>, vector<16xi32>,
          %bitcast3A_742 = vector.bitcast %get3A_741 : vector<16xi32> to vector<32xbf16>
          %unpack3A_743 = tpu.unpack_subelements %bitcast3A_742, 0 {pack_format = #tpu.pack_format<interleaved>} : vector<32xbf16> -> vector<16xf32>
          %unpack3A_744 = tpu.unpack_subelements %bitcast3A_742, 1 {pack_format = #tpu.pack_format<interleaved>} : vector<32xbf16> -> vector<16xf32>
          %add3A_745 = arith.constant 0 : i32
          %add3A_746 = arith.addi %add3A_745, %scan3A_710 : i32
          %swap3A_747 = arith.constant 0 : i32
          %swap3A_748 = arith.constant 0 : i32
          %swap3A_749 = tpu.memref_slice %arg12[%scan3A_650, %swap3A_747, %swap3A_748] : memref<2x128x128xf32, #tpu.memory_space<vmem>> -> memref<1x128x128xf32, #tpu.memory_space<vmem>>
          %swap3A_750 = tpu.memref_squeeze %swap3A_749 : memref<1x128x128xf32, #tpu.memory_space<vmem>> -> memref<128x128xf32, #tpu.memory_space<vmem>>
          %swap3A_751 = arith.index_cast %add3A_746 : i32 to index
          %swap3A_752 = arith.constant 32 : index
          %swap3A_753 = tpu.vector_load %swap3A_750[%swap3A_751, %swap3A_752] {strides = array<i32>} : memref<128x128xf32, #tpu.memory_space<vmem>>, vector<16xf32>,
          tpu.vector_store %swap3A_750[%swap3A_751, %swap3A_752], %unpack3A_743 {strides = array<i32>} : memref<128x128xf32, #tpu.memory_space<vmem>>, vector<16xf32>,
          %add3A_754 = arith.constant 0 : i32
          %add3A_755 = arith.addi %add3A_754, %scan3A_710 : i32
          %swap3A_756 = arith.constant 0 : i32
          %swap3A_757 = arith.constant 0 : i32
          %swap3A_758 = tpu.memref_slice %arg12[%scan3A_650, %swap3A_756, %swap3A_757] : memref<2x128x128xf32, #tpu.memory_space<vmem>> -> memref<1x128x128xf32, #tpu.memory_space<vmem>>
          %swap3A_759 = tpu.memref_squeeze %swap3A_758 : memref<1x128x128xf32, #tpu.memory_space<vmem>> -> memref<128x128xf32, #tpu.memory_space<vmem>>
          %swap3A_760 = arith.index_cast %add3A_755 : i32 to index
          %swap3A_761 = arith.constant 48 : index
          %swap3A_762 = tpu.vector_load %swap3A_759[%swap3A_760, %swap3A_761] {strides = array<i32>} : memref<128x128xf32, #tpu.memory_space<vmem>>, vector<16xf32>,
          tpu.vector_store %swap3A_759[%swap3A_760, %swap3A_761], %unpack3A_744 {strides = array<i32>} : memref<128x128xf32, #tpu.memory_space<vmem>>, vector<16xf32>,
          %get3A_763 = arith.constant 0 : i32
          %get3A_764 = arith.constant 0 : i32
          %get3A_765 = tpu.memref_slice %arg11[%scan3A_649, %get3A_763, %get3A_764] : memref<2x64x64xi32, #tpu.memory_space<vmem>> -> memref<1x64x64xi32, #tpu.memory_space<vmem>>
          %get3A_766 = tpu.memref_squeeze %get3A_765 : memref<1x64x64xi32, #tpu.memory_space<vmem>> -> memref<64x64xi32, #tpu.memory_space<vmem>>
          %get3A_767 = arith.index_cast %scan3A_710 : i32 to index
          %get3A_768 = arith.constant 32 : index
          %get3A_769 = tpu.vector_load %get3A_766[%get3A_767, %get3A_768] {strides = array<i32>} : memref<64x64xi32, #tpu.memory_space<vmem>>, vector<16xi32>,
          %bitcast3A_770 = vector.bitcast %get3A_769 : vector<16xi32> to vector<32xbf16>
          %unpack3A_771 = tpu.unpack_subelements %bitcast3A_770, 0 {pack_format = #tpu.pack_format<interleaved>} : vector<32xbf16> -> vector<16xf32>
          %unpack3A_772 = tpu.unpack_subelements %bitcast3A_770, 1 {pack_format = #tpu.pack_format<interleaved>} : vector<32xbf16> -> vector<16xf32>
          %add3A_773 = arith.constant 0 : i32
          %add3A_774 = arith.addi %add3A_773, %scan3A_710 : i32
          %swap3A_775 = arith.constant 0 : i32
          %swap3A_776 = arith.constant 0 : i32
          %swap3A_777 = tpu.memref_slice %arg12[%scan3A_650, %swap3A_775, %swap3A_776] : memref<2x128x128xf32, #tpu.memory_space<vmem>> -> memref<1x128x128xf32, #tpu.memory_space<vmem>>
          %swap3A_778 = tpu.memref_squeeze %swap3A_777 : memref<1x128x128xf32, #tpu.memory_space<vmem>> -> memref<128x128xf32, #tpu.memory_space<vmem>>
          %swap3A_779 = arith.index_cast %add3A_774 : i32 to index
          %swap3A_780 = arith.constant 64 : index
          %swap3A_781 = tpu.vector_load %swap3A_778[%swap3A_779, %swap3A_780] {strides = array<i32>} : memref<128x128xf32, #tpu.memory_space<vmem>>, vector<16xf32>,
          tpu.vector_store %swap3A_778[%swap3A_779, %swap3A_780], %unpack3A_771 {strides = array<i32>} : memref<128x128xf32, #tpu.memory_space<vmem>>, vector<16xf32>,
          %add3A_782 = arith.constant 0 : i32
          %add3A_783 = arith.addi %add3A_782, %scan3A_710 : i32
          %swap3A_784 = arith.constant 0 : i32
          %swap3A_785 = arith.constant 0 : i32
          %swap3A_786 = tpu.memref_slice %arg12[%scan3A_650, %swap3A_784, %swap3A_785] : memref<2x128x128xf32, #tpu.memory_space<vmem>> -> memref<1x128x128xf32, #tpu.memory_space<vmem>>
          %swap3A_787 = tpu.memref_squeeze %swap3A_786 : memref<1x128x128xf32, #tpu.memory_space<vmem>> -> memref<128x128xf32, #tpu.memory_space<vmem>>
          %swap3A_788 = arith.index_cast %add3A_783 : i32 to index
          %swap3A_789 = arith.constant 80 : index
          %swap3A_790 = tpu.vector_load %swap3A_787[%swap3A_788, %swap3A_789] {strides = array<i32>} : memref<128x128xf32, #tpu.memory_space<vmem>>, vector<16xf32>,
          tpu.vector_store %swap3A_787[%swap3A_788, %swap3A_789], %unpack3A_772 {strides = array<i32>} : memref<128x128xf32, #tpu.memory_space<vmem>>, vector<16xf32>,
          %get3A_791 = arith.constant 0 : i32
          %get3A_792 = arith.constant 0 : i32
          %get3A_793 = tpu.memref_slice %arg11[%scan3A_649, %get3A_791, %get3A_792] : memref<2x64x64xi32, #tpu.memory_space<vmem>> -> memref<1x64x64xi32, #tpu.memory_space<vmem>>
          %get3A_794 = tpu.memref_squeeze %get3A_793 : memref<1x64x64xi32, #tpu.memory_space<vmem>> -> memref<64x64xi32, #tpu.memory_space<vmem>>
          %get3A_795 = arith.index_cast %scan3A_710 : i32 to index
          %get3A_796 = arith.constant 48 : index
          %get3A_797 = tpu.vector_load %get3A_794[%get3A_795, %get3A_796] {strides = array<i32>} : memref<64x64xi32, #tpu.memory_space<vmem>>, vector<16xi32>,
          %bitcast3A_798 = vector.bitcast %get3A_797 : vector<16xi32> to vector<32xbf16>
          %unpack3A_799 = tpu.unpack_subelements %bitcast3A_798, 0 {pack_format = #tpu.pack_format<interleaved>} : vector<32xbf16> -> vector<16xf32>
          %unpack3A_800 = tpu.unpack_subelements %bitcast3A_798, 1 {pack_format = #tpu.pack_format<interleaved>} : vector<32xbf16> -> vector<16xf32>
          %add3A_801 = arith.constant 0 : i32
          %add3A_802 = arith.addi %add3A_801, %scan3A_710 : i32
          %swap3A_803 = arith.constant 0 : i32
          %swap3A_804 = arith.constant 0 : i32
          %swap3A_805 = tpu.memref_slice %arg12[%scan3A_650, %swap3A_803, %swap3A_804] : memref<2x128x128xf32, #tpu.memory_space<vmem>> -> memref<1x128x128xf32, #tpu.memory_space<vmem>>
          %swap3A_806 = tpu.memref_squeeze %swap3A_805 : memref<1x128x128xf32, #tpu.memory_space<vmem>> -> memref<128x128xf32, #tpu.memory_space<vmem>>
          %swap3A_807 = arith.index_cast %add3A_802 : i32 to index
          %swap3A_808 = arith.constant 96 : index
          %swap3A_809 = tpu.vector_load %swap3A_806[%swap3A_807, %swap3A_808] {strides = array<i32>} : memref<128x128xf32, #tpu.memory_space<vmem>>, vector<16xf32>,
          tpu.vector_store %swap3A_806[%swap3A_807, %swap3A_808], %unpack3A_799 {strides = array<i32>} : memref<128x128xf32, #tpu.memory_space<vmem>>, vector<16xf32>,
          %add3A_810 = arith.constant 0 : i32
          %add3A_811 = arith.addi %add3A_810, %scan3A_710 : i32
          %swap3A_812 = arith.constant 0 : i32
          %swap3A_813 = arith.constant 0 : i32
          %swap3A_814 = tpu.memref_slice %arg12[%scan3A_650, %swap3A_812, %swap3A_813] : memref<2x128x128xf32, #tpu.memory_space<vmem>> -> memref<1x128x128xf32, #tpu.memory_space<vmem>>
          %swap3A_815 = tpu.memref_squeeze %swap3A_814 : memref<1x128x128xf32, #tpu.memory_space<vmem>> -> memref<128x128xf32, #tpu.memory_space<vmem>>
          %swap3A_816 = arith.index_cast %add3A_811 : i32 to index
          %swap3A_817 = arith.constant 112 : index
          %swap3A_818 = tpu.vector_load %swap3A_815[%swap3A_816, %swap3A_817] {strides = array<i32>} : memref<128x128xf32, #tpu.memory_space<vmem>>, vector<16xf32>,
          tpu.vector_store %swap3A_815[%swap3A_816, %swap3A_817], %unpack3A_800 {strides = array<i32>} : memref<128x128xf32, #tpu.memory_space<vmem>>, vector<16xf32>,
        }
        %scan3A_655 = arith.constant 64 : i32
        %dma_wait3A_656 = arith.constant 1 : i32
        %dma_wait3A_657 = arith.constant 0 : i32
        %dma_wait3A_658 = arith.constant 0 : i32
        %dma_wait3A_659 = tpu.memref_slice %arg11[%dma_wait3A_656, %dma_wait3A_657, %dma_wait3A_658] : memref<2x64x64xi32, #tpu.memory_space<vmem>> -> memref<1x64x64xi32, #tpu.memory_space<vmem>>
        %dma_wait3A_660 = tpu.memref_squeeze %dma_wait3A_659 : memref<1x64x64xi32, #tpu.memory_space<vmem>> -> memref<64x64xi32, #tpu.memory_space<vmem>>
        %dma_wait3A_661 = arith.constant 960 : i32
        %dma_wait3A_662 = tpu.memref_slice %arg9[%dma_wait3A_661] : memref<1024xi32, #tpu.memory_space<vmem>> -> memref<64xi32, #tpu.memory_space<vmem>>
        %dma_wait3A_663 = arith.constant 0 : i32
        %dma_wait3A_664 = arith.constant 0 : i32
        %dma_wait3A_665 = tpu.memref_slice %arg4[%dma_wait3A_663, %dma_wait3A_664] : memref<10000x64xi32, #tpu.memory_space<hbm>> -> memref<10000x64xi32, #tpu.memory_space<hbm>>
        tpu.wait_indirect_dma semaphore(%arg15 : memref<!tpu.dma_semaphore, #tpu.memory_space<semaphore_mem>>) src(%dma_wait3A_665 : memref<10000x64xi32, #tpu.memory_space<hbm>>) dst(%dma_wait3A_660 : memref<64x64xi32, #tpu.memory_space<vmem>>)
        %scan3A_666 = arith.constant 0 : i32
        %scan3A_667 = arith.constant 1 : i32
        %scan3A_668 = arith.constant 1 : i32
        %scan3A_669 = arith.constant 0 : i32
        %scan3A_670 = arith.constant 64 : i32
        %scan3A_671 = arith.addi %scan3A_669, %scan3A_670 : i32
        %scan3A_672 = arith.constant 1 : i32
        scf.for %scan3A_710 = %scan3A_669 to %scan3A_671 step %scan3A_672  : i32 {
          %get3A = arith.constant 0 : i32
          %get3A_711 = arith.constant 0 : i32
          %get3A_712 = tpu.memref_slice %arg11[%scan3A_667, %get3A, %get3A_711] : memref<2x64x64xi32, #tpu.memory_space<vmem>> -> memref<1x64x64xi32, #tpu.memory_space<vmem>>
          %get3A_713 = tpu.memref_squeeze %get3A_712 : memref<1x64x64xi32, #tpu.memory_space<vmem>> -> memref<64x64xi32, #tpu.memory_space<vmem>>
          %get3A_714 = arith.index_cast %scan3A_710 : i32 to index
          %get3A_715 = arith.constant 0 : index
          %get3A_716 = tpu.vector_load %get3A_713[%get3A_714, %get3A_715] {strides = array<i32>} : memref<64x64xi32, #tpu.memory_space<vmem>>, vector<16xi32>,
          %bitcast3A = vector.bitcast %get3A_716 : vector<16xi32> to vector<32xbf16>
          %unpack3A = tpu.unpack_subelements %bitcast3A, 0 {pack_format = #tpu.pack_format<interleaved>} : vector<32xbf16> -> vector<16xf32>
          %unpack3A_717 = tpu.unpack_subelements %bitcast3A, 1 {pack_format = #tpu.pack_format<interleaved>} : vector<32xbf16> -> vector<16xf32>
          %add3A_718 = arith.constant 64 : i32
          %add3A_719 = arith.addi %add3A_718, %scan3A_710 : i32
          %swap3A = arith.constant 0 : i32
          %swap3A_720 = arith.constant 0 : i32
          %swap3A_721 = tpu.memref_slice %arg12[%scan3A_668, %swap3A, %swap3A_720] : memref<2x128x128xf32, #tpu.memory_space<vmem>> -> memref<1x128x128xf32, #tpu.memory_space<vmem>>
          %swap3A_722 = tpu.memref_squeeze %swap3A_721 : memref<1x128x128xf32, #tpu.memory_space<vmem>> -> memref<128x128xf32, #tpu.memory_space<vmem>>
          %swap3A_723 = arith.index_cast %add3A_719 : i32 to index
          %swap3A_724 = arith.constant 0 : index
          %swap3A_725 = tpu.vector_load %swap3A_722[%swap3A_723, %swap3A_724] {strides = array<i32>} : memref<128x128xf32, #tpu.memory_space<vmem>>, vector<16xf32>,
          tpu.vector_store %swap3A_722[%swap3A_723, %swap3A_724], %unpack3A {strides = array<i32>} : memref<128x128xf32, #tpu.memory_space<vmem>>, vector<16xf32>,
          %add3A_726 = arith.constant 64 : i32
          %add3A_727 = arith.addi %add3A_726, %scan3A_710 : i32
          %swap3A_728 = arith.constant 0 : i32
          %swap3A_729 = arith.constant 0 : i32
          %swap3A_730 = tpu.memref_slice %arg12[%scan3A_668, %swap3A_728, %swap3A_729] : memref<2x128x128xf32, #tpu.memory_space<vmem>> -> memref<1x128x128xf32, #tpu.memory_space<vmem>>
          %swap3A_731 = tpu.memref_squeeze %swap3A_730 : memref<1x128x128xf32, #tpu.memory_space<vmem>> -> memref<128x128xf32, #tpu.memory_space<vmem>>
          %swap3A_732 = arith.index_cast %add3A_727 : i32 to index
          %swap3A_733 = arith.constant 16 : index
          %swap3A_734 = tpu.vector_load %swap3A_731[%swap3A_732, %swap3A_733] {strides = array<i32>} : memref<128x128xf32, #tpu.memory_space<vmem>>, vector<16xf32>,
          tpu.vector_store %swap3A_731[%swap3A_732, %swap3A_733], %unpack3A_717 {strides = array<i32>} : memref<128x128xf32, #tpu.memory_space<vmem>>, vector<16xf32>,
          %get3A_735 = arith.constant 0 : i32
          %get3A_736 = arith.constant 0 : i32
          %get3A_737 = tpu.memref_slice %arg11[%scan3A_667, %get3A_735, %get3A_736] : memref<2x64x64xi32, #tpu.memory_space<vmem>> -> memref<1x64x64xi32, #tpu.memory_space<vmem>>
          %get3A_738 = tpu.memref_squeeze %get3A_737 : memref<1x64x64xi32, #tpu.memory_space<vmem>> -> memref<64x64xi32, #tpu.memory_space<vmem>>
          %get3A_739 = arith.index_cast %scan3A_710 : i32 to index
          %get3A_740 = arith.constant 16 : index
          %get3A_741 = tpu.vector_load %get3A_738[%get3A_739, %get3A_740] {strides = array<i32>} : memref<64x64xi32, #tpu.memory_space<vmem>>, vector<16xi32>,
          %bitcast3A_742 = vector.bitcast %get3A_741 : vector<16xi32> to vector<32xbf16>
          %unpack3A_743 = tpu.unpack_subelements %bitcast3A_742, 0 {pack_format = #tpu.pack_format<interleaved>} : vector<32xbf16> -> vector<16xf32>
          %unpack3A_744 = tpu.unpack_subelements %bitcast3A_742, 1 {pack_format = #tpu.pack_format<interleaved>} : vector<32xbf16> -> vector<16xf32>
          %add3A_745 = arith.constant 64 : i32
          %add3A_746 = arith.addi %add3A_745, %scan3A_710 : i32
          %swap3A_747 = arith.constant 0 : i32
          %swap3A_748 = arith.constant 0 : i32
          %swap3A_749 = tpu.memref_slice %arg12[%scan3A_668, %swap3A_747, %swap3A_748] : memref<2x128x128xf32, #tpu.memory_space<vmem>> -> memref<1x128x128xf32, #tpu.memory_space<vmem>>
          %swap3A_750 = tpu.memref_squeeze %swap3A_749 : memref<1x128x128xf32, #tpu.memory_space<vmem>> -> memref<128x128xf32, #tpu.memory_space<vmem>>
          %swap3A_751 = arith.index_cast %add3A_746 : i32 to index
          %swap3A_752 = arith.constant 32 : index
          %swap3A_753 = tpu.vector_load %swap3A_750[%swap3A_751, %swap3A_752] {strides = array<i32>} : memref<128x128xf32, #tpu.memory_space<vmem>>, vector<16xf32>,
          tpu.vector_store %swap3A_750[%swap3A_751, %swap3A_752], %unpack3A_743 {strides = array<i32>} : memref<128x128xf32, #tpu.memory_space<vmem>>, vector<16xf32>,
          %add3A_754 = arith.constant 64 : i32
          %add3A_755 = arith.addi %add3A_754, %scan3A_710 : i32
          %swap3A_756 = arith.constant 0 : i32
          %swap3A_757 = arith.constant 0 : i32
          %swap3A_758 = tpu.memref_slice %arg12[%scan3A_668, %swap3A_756, %swap3A_757] : memref<2x128x128xf32, #tpu.memory_space<vmem>> -> memref<1x128x128xf32, #tpu.memory_space<vmem>>
          %swap3A_759 = tpu.memref_squeeze %swap3A_758 : memref<1x128x128xf32, #tpu.memory_space<vmem>> -> memref<128x128xf32, #tpu.memory_space<vmem>>
          %swap3A_760 = arith.index_cast %add3A_755 : i32 to index
          %swap3A_761 = arith.constant 48 : index
          %swap3A_762 = tpu.vector_load %swap3A_759[%swap3A_760, %swap3A_761] {strides = array<i32>} : memref<128x128xf32, #tpu.memory_space<vmem>>, vector<16xf32>,
          tpu.vector_store %swap3A_759[%swap3A_760, %swap3A_761], %unpack3A_744 {strides = array<i32>} : memref<128x128xf32, #tpu.memory_space<vmem>>, vector<16xf32>,
          %get3A_763 = arith.constant 0 : i32
          %get3A_764 = arith.constant 0 : i32
          %get3A_765 = tpu.memref_slice %arg11[%scan3A_667, %get3A_763, %get3A_764] : memref<2x64x64xi32, #tpu.memory_space<vmem>> -> memref<1x64x64xi32, #tpu.memory_space<vmem>>
          %get3A_766 = tpu.memref_squeeze %get3A_765 : memref<1x64x64xi32, #tpu.memory_space<vmem>> -> memref<64x64xi32, #tpu.memory_space<vmem>>
          %get3A_767 = arith.index_cast %scan3A_710 : i32 to index
          %get3A_768 = arith.constant 32 : index
          %get3A_769 = tpu.vector_load %get3A_766[%get3A_767, %get3A_768] {strides = array<i32>} : memref<64x64xi32, #tpu.memory_space<vmem>>, vector<16xi32>,
          %bitcast3A_770 = vector.bitcast %get3A_769 : vector<16xi32> to vector<32xbf16>
          %unpack3A_771 = tpu.unpack_subelements %bitcast3A_770, 0 {pack_format = #tpu.pack_format<interleaved>} : vector<32xbf16> -> vector<16xf32>
          %unpack3A_772 = tpu.unpack_subelements %bitcast3A_770, 1 {pack_format = #tpu.pack_format<interleaved>} : vector<32xbf16> -> vector<16xf32>
          %add3A_773 = arith.constant 64 : i32
          %add3A_774 = arith.addi %add3A_773, %scan3A_710 : i32
          %swap3A_775 = arith.constant 0 : i32
          %swap3A_776 = arith.constant 0 : i32
          %swap3A_777 = tpu.memref_slice %arg12[%scan3A_668, %swap3A_775, %swap3A_776] : memref<2x128x128xf32, #tpu.memory_space<vmem>> -> memref<1x128x128xf32, #tpu.memory_space<vmem>>
          %swap3A_778 = tpu.memref_squeeze %swap3A_777 : memref<1x128x128xf32, #tpu.memory_space<vmem>> -> memref<128x128xf32, #tpu.memory_space<vmem>>
          %swap3A_779 = arith.index_cast %add3A_774 : i32 to index
          %swap3A_780 = arith.constant 64 : index
          %swap3A_781 = tpu.vector_load %swap3A_778[%swap3A_779, %swap3A_780] {strides = array<i32>} : memref<128x128xf32, #tpu.memory_space<vmem>>, vector<16xf32>,
          tpu.vector_store %swap3A_778[%swap3A_779, %swap3A_780], %unpack3A_771 {strides = array<i32>} : memref<128x128xf32, #tpu.memory_space<vmem>>, vector<16xf32>,
          %add3A_782 = arith.constant 64 : i32
          %add3A_783 = arith.addi %add3A_782, %scan3A_710 : i32
          %swap3A_784 = arith.constant 0 : i32
          %swap3A_785 = arith.constant 0 : i32
          %swap3A_786 = tpu.memref_slice %arg12[%scan3A_668, %swap3A_784, %swap3A_785] : memref<2x128x128xf32, #tpu.memory_space<vmem>> -> memref<1x128x128xf32, #tpu.memory_space<vmem>>
          %swap3A_787 = tpu.memref_squeeze %swap3A_786 : memref<1x128x128xf32, #tpu.memory_space<vmem>> -> memref<128x128xf32, #tpu.memory_space<vmem>>
          %swap3A_788 = arith.index_cast %add3A_783 : i32 to index
          %swap3A_789 = arith.constant 80 : index
          %swap3A_790 = tpu.vector_load %swap3A_787[%swap3A_788, %swap3A_789] {strides = array<i32>} : memref<128x128xf32, #tpu.memory_space<vmem>>, vector<16xf32>,
          tpu.vector_store %swap3A_787[%swap3A_788, %swap3A_789], %unpack3A_772 {strides = array<i32>} : memref<128x128xf32, #tpu.memory_space<vmem>>, vector<16xf32>,
          %get3A_791 = arith.constant 0 : i32
          %get3A_792 = arith.constant 0 : i32
          %get3A_793 = tpu.memref_slice %arg11[%scan3A_667, %get3A_791, %get3A_792] : memref<2x64x64xi32, #tpu.memory_space<vmem>> -> memref<1x64x64xi32, #tpu.memory_space<vmem>>
          %get3A_794 = tpu.memref_squeeze %get3A_793 : memref<1x64x64xi32, #tpu.memory_space<vmem>> -> memref<64x64xi32, #tpu.memory_space<vmem>>
          %get3A_795 = arith.index_cast %scan3A_710 : i32 to index
          %get3A_796 = arith.constant 48 : index
          %get3A_797 = tpu.vector_load %get3A_794[%get3A_795, %get3A_796] {strides = array<i32>} : memref<64x64xi32, #tpu.memory_space<vmem>>, vector<16xi32>,
          %bitcast3A_798 = vector.bitcast %get3A_797 : vector<16xi32> to vector<32xbf16>
          %unpack3A_799 = tpu.unpack_subelements %bitcast3A_798, 0 {pack_format = #tpu.pack_format<interleaved>} : vector<32xbf16> -> vector<16xf32>
          %unpack3A_800 = tpu.unpack_subelements %bitcast3A_798, 1 {pack_format = #tpu.pack_format<interleaved>} : vector<32xbf16> -> vector<16xf32>
          %add3A_801 = arith.constant 64 : i32
          %add3A_802 = arith.addi %add3A_801, %scan3A_710 : i32
          %swap3A_803 = arith.constant 0 : i32
          %swap3A_804 = arith.constant 0 : i32
          %swap3A_805 = tpu.memref_slice %arg12[%scan3A_668, %swap3A_803, %swap3A_804] : memref<2x128x128xf32, #tpu.memory_space<vmem>> -> memref<1x128x128xf32, #tpu.memory_space<vmem>>
          %swap3A_806 = tpu.memref_squeeze %swap3A_805 : memref<1x128x128xf32, #tpu.memory_space<vmem>> -> memref<128x128xf32, #tpu.memory_space<vmem>>
          %swap3A_807 = arith.index_cast %add3A_802 : i32 to index
          %swap3A_808 = arith.constant 96 : index
          %swap3A_809 = tpu.vector_load %swap3A_806[%swap3A_807, %swap3A_808] {strides = array<i32>} : memref<128x128xf32, #tpu.memory_space<vmem>>, vector<16xf32>,
          tpu.vector_store %swap3A_806[%swap3A_807, %swap3A_808], %unpack3A_799 {strides = array<i32>} : memref<128x128xf32, #tpu.memory_space<vmem>>, vector<16xf32>,
          %add3A_810 = arith.constant 64 : i32
          %add3A_811 = arith.addi %add3A_810, %scan3A_710 : i32
          %swap3A_812 = arith.constant 0 : i32
          %swap3A_813 = arith.constant 0 : i32
          %swap3A_814 = tpu.memref_slice %arg12[%scan3A_668, %swap3A_812, %swap3A_813] : memref<2x128x128xf32, #tpu.memory_space<vmem>> -> memref<1x128x128xf32, #tpu.memory_space<vmem>>
          %swap3A_815 = tpu.memref_squeeze %swap3A_814 : memref<1x128x128xf32, #tpu.memory_space<vmem>> -> memref<128x128xf32, #tpu.memory_space<vmem>>
          %swap3A_816 = arith.index_cast %add3A_811 : i32 to index
          %swap3A_817 = arith.constant 112 : index
          %swap3A_818 = tpu.vector_load %swap3A_815[%swap3A_816, %swap3A_817] {strides = array<i32>} : memref<128x128xf32, #tpu.memory_space<vmem>>, vector<16xf32>,
          tpu.vector_store %swap3A_815[%swap3A_816, %swap3A_817], %unpack3A_800 {strides = array<i32>} : memref<128x128xf32, #tpu.memory_space<vmem>>, vector<16xf32>,
        }
        %scan3A_673 = arith.constant 64 : i32
        %dma_start3A_674 = arith.constant 1 : i32
        %dma_start3A_675 = arith.constant 7 : i32
        %dma_start3A_676 = arith.constant 0 : i32
        %dma_start3A_677 = arith.constant 0 : i32
        %dma_start3A_678 = tpu.memref_slice %arg12[%dma_start3A_674, %dma_start3A_676, %dma_start3A_677] : memref<2x128x128xf32, #tpu.memory_space<vmem>> -> memref<1x128x128xf32, #tpu.memory_space<vmem>>
        %dma_start3A_679 = tpu.memref_squeeze %dma_start3A_678 : memref<1x128x128xf32, #tpu.memory_space<vmem>> -> memref<128x128xf32, #tpu.memory_space<vmem>>
        %dma_start3A_680 = arith.constant 0 : i32
        %dma_start3A_681 = tpu.memref_slice %arg10[%dma_start3A_675, %dma_start3A_680] : memref<8x128xi32, #tpu.memory_space<vmem>> -> memref<1x128xi32, #tpu.memory_space<vmem>>
        %dma_start3A_682 = tpu.memref_squeeze %dma_start3A_681 : memref<1x128xi32, #tpu.memory_space<vmem>> -> memref<128xi32, #tpu.memory_space<vmem>>
        %dma_start3A_683 = arith.constant 0 : i32
        %dma_start3A_684 = arith.constant 0 : i32
        %dma_start3A_685 = tpu.memref_slice %arg8[%dma_start3A_683, %dma_start3A_684] : memref<10240x128xf32, #tpu.memory_space<vmem_shared>> -> memref<10240x128xf32, #tpu.memory_space<vmem_shared>>
        tpu.enqueue_indirect_dma source(%dma_start3A_679 : memref<128x128xf32, #tpu.memory_space<vmem>>) target(%dma_start3A_685 : memref<10240x128xf32, #tpu.memory_space<vmem_shared>>) offsets(%dma_start3A_682 : memref<128xi32, #tpu.memory_space<vmem>>) semaphore(%arg17 : memref<!tpu.dma_semaphore, #tpu.memory_space<semaphore_mem>>) {add = true}
        %dma_wait3A_686 = arith.constant 0 : i32
        %dma_wait3A_687 = arith.constant 6 : i32
        %dma_wait3A_688 = arith.constant 0 : i32
        %dma_wait3A_689 = arith.constant 0 : i32
        %dma_wait3A_690 = tpu.memref_slice %arg12[%dma_wait3A_686, %dma_wait3A_688, %dma_wait3A_689] : memref<2x128x128xf32, #tpu.memory_space<vmem>> -> memref<1x128x128xf32, #tpu.memory_space<vmem>>
        %dma_wait3A_691 = tpu.memref_squeeze %dma_wait3A_690 : memref<1x128x128xf32, #tpu.memory_space<vmem>> -> memref<128x128xf32, #tpu.memory_space<vmem>>
        %dma_wait3A_692 = arith.constant 0 : i32
        %dma_wait3A_693 = tpu.memref_slice %arg10[%dma_wait3A_687, %dma_wait3A_692] : memref<8x128xi32, #tpu.memory_space<vmem>> -> memref<1x128xi32, #tpu.memory_space<vmem>>
        %dma_wait3A_694 = tpu.memref_squeeze %dma_wait3A_693 : memref<1x128xi32, #tpu.memory_space<vmem>> -> memref<128xi32, #tpu.memory_space<vmem>>
        %dma_wait3A_695 = arith.constant 0 : i32
        %dma_wait3A_696 = arith.constant 0 : i32
        %dma_wait3A_697 = tpu.memref_slice %arg8[%dma_wait3A_695, %dma_wait3A_696] : memref<10240x128xf32, #tpu.memory_space<vmem_shared>> -> memref<10240x128xf32, #tpu.memory_space<vmem_shared>>
        tpu.wait_indirect_dma semaphore(%arg16 : memref<!tpu.dma_semaphore, #tpu.memory_space<semaphore_mem>>) src(%dma_wait3A_691 : memref<128x128xf32, #tpu.memory_space<vmem>>) dst(%dma_wait3A_697 : memref<10240x128xf32, #tpu.memory_space<vmem_shared>>)
        %dma_wait3A_698 = arith.constant 1 : i32
        %dma_wait3A_699 = arith.constant 7 : i32
        %dma_wait3A_700 = arith.constant 0 : i32
        %dma_wait3A_701 = arith.constant 0 : i32
        %dma_wait3A_702 = tpu.memref_slice %arg12[%dma_wait3A_698, %dma_wait3A_700, %dma_wait3A_701] : memref<2x128x128xf32, #tpu.memory_space<vmem>> -> memref<1x128x128xf32, #tpu.memory_space<vmem>>
        %dma_wait3A_703 = tpu.memref_squeeze %dma_wait3A_702 : memref<1x128x128xf32, #tpu.memory_space<vmem>> -> memref<128x128xf32, #tpu.memory_space<vmem>>
        %dma_wait3A_704 = arith.constant 0 : i32
        %dma_wait3A_705 = tpu.memref_slice %arg10[%dma_wait3A_699, %dma_wait3A_704] : memref<8x128xi32, #tpu.memory_space<vmem>> -> memref<1x128xi32, #tpu.memory_space<vmem>>
        %dma_wait3A_706 = tpu.memref_squeeze %dma_wait3A_705 : memref<1x128xi32, #tpu.memory_space<vmem>> -> memref<128xi32, #tpu.memory_space<vmem>>
        %dma_wait3A_707 = arith.constant 0 : i32
        %dma_wait3A_708 = arith.constant 0 : i32
        %dma_wait3A_709 = tpu.memref_slice %arg8[%dma_wait3A_707, %dma_wait3A_708] : memref<10240x128xf32, #tpu.memory_space<vmem_shared>> -> memref<10240x128xf32, #tpu.memory_space<vmem_shared>>
        tpu.wait_indirect_dma semaphore(%arg17 : memref<!tpu.dma_semaphore, #tpu.memory_space<semaphore_mem>>) src(%dma_wait3A_703 : memref<128x128xf32, #tpu.memory_space<vmem>>) dst(%dma_wait3A_709 : memref<10240x128xf32, #tpu.memory_space<vmem_shared>>)
      }
      %scan3A_59 = arith.constant 20 : i32
    } else {
    }
    %eq3A_36 = arith.constant 1 : i32
    %eq3A_37 = arith.cmpi eq, %arg0, %eq3A_36 : i32
    %convert_element_type3A_38 = arith.extui %eq3A_37 : i1 to i32
    %cond3A_39 = arith.constant 0 : i32
    %cond3A_40 = arith.cmpi ne, %convert_element_type3A_38, %cond3A_39 : i32
    scf.if %cond3A_40 {
      %scan3A_54 = arith.constant 0 : i32
      %scan3A_55 = arith.constant 0 : i32
      %scan3A_56 = arith.constant 20 : i32
      %scan3A_57 = arith.addi %scan3A_55, %scan3A_56 : i32
      %scan3A_58 = arith.constant 1 : i32
      scf.for %scan3A_60 = %scan3A_55 to %scan3A_57 step %scan3A_58  : i32 {
        %mul3A_61 = arith.constant 160 : i32
        %mul3A_62 = arith.muli %arg1, %mul3A_61 : i32
        %mul3A_63 = arith.constant 8 : i32
        %mul3A_64 = arith.muli %scan3A_60, %mul3A_63 : i32
        %add3A_65 = arith.addi %mul3A_62, %mul3A_64 : i32
        %multiple_of3A = tpu.assume_multiple %add3A_65, 8 : i32
        "tpu.region"() ({
          %run_scoped3A_591 = tpu.sem_alloc : memref<!tpu.dma_semaphore, #tpu.memory_space<semaphore_mem>>
          %dma_start3A_592 = arith.constant 0 : i32
          %dma_start3A_593 = tpu.memref_slice %arg3[%multiple_of3A, %dma_start3A_592] : memref<2560x128xi32, #tpu.memory_space<hbm>> -> memref<8x128xi32, #tpu.memory_space<hbm>>
          %dma_start3A_594 = arith.constant 0 : i32
          %dma_start3A_595 = tpu.memref_slice %arg3[%multiple_of3A, %dma_start3A_594] : memref<2560x128xi32, #tpu.memory_space<hbm>> -> memref<8x128xi32, #tpu.memory_space<hbm>>
          tpu.enqueue_dma source(%dma_start3A_595 : memref<8x128xi32, #tpu.memory_space<hbm>>) target(%arg10 : memref<8x128xi32, #tpu.memory_space<vmem>>) target_semaphore(%run_scoped3A_591 : memref<!tpu.dma_semaphore, #tpu.memory_space<semaphore_mem>>)
          %dma_wait3A_596 = arith.constant 0 : i32
          %dma_wait3A_597 = tpu.memref_slice %arg3[%multiple_of3A, %dma_wait3A_596] : memref<2560x128xi32, #tpu.memory_space<hbm>> -> memref<8x128xi32, #tpu.memory_space<hbm>>
          %dma_wait3A_598 = arith.constant 0 : i32
          %dma_wait3A_599 = tpu.memref_slice %arg3[%multiple_of3A, %dma_wait3A_598] : memref<2560x128xi32, #tpu.memory_space<hbm>> -> memref<8x128xi32, #tpu.memory_space<hbm>>
          tpu.wait_dma2 semaphore(%run_scoped3A_591 : memref<!tpu.dma_semaphore, #tpu.memory_space<semaphore_mem>>) src(%dma_wait3A_599 : memref<8x128xi32, #tpu.memory_space<hbm>>) dst(%arg10 : memref<8x128xi32, #tpu.memory_space<vmem>>)
          tpu.yield
        }) : () -> ()
        %mul3A_66 = arith.constant 20480 : i32
        %mul3A_67 = arith.muli %arg1, %mul3A_66 : i32
        %mul3A_68 = arith.constant 8 : i32
        %mul3A_69 = arith.muli %scan3A_60, %mul3A_68 : i32
        %add3A_70 = arith.constant 0 : i32
        %add3A_71 = arith.addi %mul3A_69, %add3A_70 : i32
        %mul3A_72 = arith.constant 128 : i32
        %mul3A_73 = arith.muli %add3A_71, %mul3A_72 : i32
        %add3A_74 = arith.addi %mul3A_67, %mul3A_73 : i32
        %jit3A = arith.constant 8 : i32
        %div3A = arith.divsi %add3A_74, %jit3A : i32
        %sign3A = arith.constant 0 : i32
        %sign3A_75 = arith.cmpi sgt, %add3A_74, %sign3A : i32
        %sign3A_76 = arith.extui %sign3A_75 : i1 to i32
        %sign3A_77 = arith.constant 0 : i32
        %sign3A_78 = arith.cmpi slt, %add3A_74, %sign3A_77 : i32
        %sign3A_79 = arith.extui %sign3A_78 : i1 to i32
        %sign3A_80 = arith.subi %sign3A_76, %sign3A_79 : i32
        %sign3A_81 = arith.constant 0 : i32
        %sign3A_82 = arith.cmpi sgt, %jit3A, %sign3A_81 : i32
        %sign3A_83 = arith.extui %sign3A_82 : i1 to i32
        %sign3A_84 = arith.constant 0 : i32
        %sign3A_85 = arith.cmpi slt, %jit3A, %sign3A_84 : i32
        %sign3A_86 = arith.extui %sign3A_85 : i1 to i32
        %sign3A_87 = arith.subi %sign3A_83, %sign3A_86 : i32
        %ne3A = arith.cmpi ne, %sign3A_80, %sign3A_87 : i32
        %rem3A = arith.remsi %add3A_74, %jit3A : i32
        %ne3A_88 = arith.constant 0 : i32
        %ne3A_89 = arith.cmpi ne, %rem3A, %ne3A_88 : i32
        %and3A = arith.andi %ne3A, %ne3A_89 : i1
        %sub3A = arith.constant 1 : i32
        %sub3A_90 = arith.subi %div3A, %sub3A : i32
        %select_n3A = arith.select %and3A, %sub3A_90, %div3A : i32
        %min3A = arith.constant 39984 : i32
        %min3A_91 = arith.minsi %select_n3A, %min3A : i32
        %multiple_of3A_92 = tpu.assume_multiple %min3A_91, 16 : i32
        "tpu.region"() ({
          %run_scoped3A_591 = tpu.sem_alloc : memref<!tpu.dma_semaphore, #tpu.memory_space<semaphore_mem>>
          %dma_start3A_592 = arith.constant 0 : i32
          %dma_start3A_593 = tpu.memref_slice %arg5[%multiple_of3A_92, %dma_start3A_592] : memref<40000x128xf32, #tpu.memory_space<hbm>> -> memref<16x128xf32, #tpu.memory_space<hbm>>
          %dma_start3A_594 = arith.constant 0 : i32
          %dma_start3A_595 = tpu.memref_slice %arg5[%multiple_of3A_92, %dma_start3A_594] : memref<40000x128xf32, #tpu.memory_space<hbm>> -> memref<16x128xf32, #tpu.memory_space<hbm>>
          tpu.enqueue_dma source(%dma_start3A_595 : memref<16x128xf32, #tpu.memory_space<hbm>>) target(%arg13 : memref<16x128xf32, #tpu.memory_space<vmem>>) target_semaphore(%run_scoped3A_591 : memref<!tpu.dma_semaphore, #tpu.memory_space<semaphore_mem>>)
          %dma_wait3A_596 = arith.constant 0 : i32
          %dma_wait3A_597 = tpu.memref_slice %arg5[%multiple_of3A_92, %dma_wait3A_596] : memref<40000x128xf32, #tpu.memory_space<hbm>> -> memref<16x128xf32, #tpu.memory_space<hbm>>
          %dma_wait3A_598 = arith.constant 0 : i32
          %dma_wait3A_599 = tpu.memref_slice %arg5[%multiple_of3A_92, %dma_wait3A_598] : memref<40000x128xf32, #tpu.memory_space<hbm>> -> memref<16x128xf32, #tpu.memory_space<hbm>>
          tpu.wait_dma2 semaphore(%run_scoped3A_591 : memref<!tpu.dma_semaphore, #tpu.memory_space<semaphore_mem>>) src(%dma_wait3A_599 : memref<16x128xf32, #tpu.memory_space<hbm>>) dst(%arg13 : memref<16x128xf32, #tpu.memory_space<vmem>>)
          tpu.yield
        }) : () -> ()
        %scan3A_93 = arith.constant 0 : i32
        %scan3A_94 = arith.constant 0 : i32
        %scan3A_95 = arith.constant 0 : i32
        %scan3A_96 = arith.constant 128 : i32
        %scan3A_97 = arith.addi %scan3A_95, %scan3A_96 : i32
        %scan3A_98 = arith.constant 1 : i32
        scf.for %scan3A_591 = %scan3A_95 to %scan3A_97 step %scan3A_98  : i32 {
          %jit3A_592 = arith.constant 8 : i32
          %div3A_593 = arith.divsi %scan3A_591, %jit3A_592 : i32
          %sign3A_594 = arith.constant 0 : i32
          %sign3A_595 = arith.cmpi sgt, %scan3A_591, %sign3A_594 : i32
          %sign3A_596 = arith.extui %sign3A_595 : i1 to i32
          %sign3A_597 = arith.constant 0 : i32
          %sign3A_598 = arith.cmpi slt, %scan3A_591, %sign3A_597 : i32
          %sign3A_599 = arith.extui %sign3A_598 : i1 to i32
          %sign3A_600 = arith.subi %sign3A_596, %sign3A_599 : i32
          %sign3A_601 = arith.constant 0 : i32
          %sign3A_602 = arith.cmpi sgt, %jit3A_592, %sign3A_601 : i32
          %sign3A_603 = arith.extui %sign3A_602 : i1 to i32
          %sign3A_604 = arith.constant 0 : i32
          %sign3A_605 = arith.cmpi slt, %jit3A_592, %sign3A_604 : i32
          %sign3A_606 = arith.extui %sign3A_605 : i1 to i32
          %sign3A_607 = arith.subi %sign3A_603, %sign3A_606 : i32
          %ne3A_608 = arith.cmpi ne, %sign3A_600, %sign3A_607 : i32
          %rem3A_609 = arith.remsi %scan3A_591, %jit3A_592 : i32
          %ne3A_610 = arith.constant 0 : i32
          %ne3A_611 = arith.cmpi ne, %rem3A_609, %ne3A_610 : i32
          %and3A_612 = arith.andi %ne3A_608, %ne3A_611 : i1
          %sub3A_613 = arith.constant 1 : i32
          %sub3A_614 = arith.subi %div3A_593, %sub3A_613 : i32
          %select_n3A_615 = arith.select %and3A_612, %sub3A_614, %div3A_593 : i32
          %jit3A_616 = arith.constant 8 : i32
          %eq3A_617 = arith.constant 0 : i32
          %eq3A_618 = arith.cmpi eq, %jit3A_616, %eq3A_617 : i32
          %jit3A_619 = arith.constant 1 : i32
          %select_n3A_620 = arith.select %eq3A_618, %jit3A_619, %jit3A_616 : i32
          %rem3A_621 = arith.remsi %scan3A_591, %select_n3A_620 : i32
          %ne3A_622 = arith.constant 0 : i32
          %ne3A_623 = arith.cmpi ne, %rem3A_621, %ne3A_622 : i32
          %lt3A = arith.constant 0 : i32
          %lt3A_624 = arith.cmpi slt, %rem3A_621, %lt3A : i32
          %lt3A_625 = arith.constant 0 : i32
          %lt3A_626 = arith.cmpi slt, %select_n3A_620, %lt3A_625 : i32
          %ne3A_627 = arith.xori %lt3A_624, %lt3A_626 : i1
          %and3A_628 = arith.andi %ne3A_627, %ne3A_623 : i1
          %add3A_629 = arith.addi %rem3A_621, %select_n3A_620 : i32
          %select_n3A_630 = arith.select %and3A_628, %add3A_629, %rem3A_621 : i32
          %mul3A_631 = arith.constant 16 : i32
          %mul3A_632 = arith.muli %select_n3A_630, %mul3A_631 : i32
          %get3A = arith.index_cast %select_n3A_615 : i32 to index
          %get3A_633 = arith.index_cast %mul3A_632 : i32 to index
          %get3A_634 = tpu.vector_load %arg13[%get3A, %get3A_633] {strides = array<i32>} : memref<16x128xf32, #tpu.memory_space<vmem>>, vector<16xf32>,
          %swap3A = arith.constant 0 : i32
          %swap3A_635 = arith.constant 0 : i32
          %swap3A_636 = tpu.memref_slice %arg12[%scan3A_94, %swap3A, %swap3A_635] : memref<2x128x128xf32, #tpu.memory_space<vmem>> -> memref<1x128x128xf32, #tpu.memory_space<vmem>>
          %swap3A_637 = tpu.memref_squeeze %swap3A_636 : memref<1x128x128xf32, #tpu.memory_space<vmem>> -> memref<128x128xf32, #tpu.memory_space<vmem>>
          %swap3A_638 = arith.index_cast %scan3A_591 : i32 to index
          %swap3A_639 = arith.constant 0 : index
          %swap3A_640 = tpu.vector_load %swap3A_637[%swap3A_638, %swap3A_639] {strides = array<i32>} : memref<128x128xf32, #tpu.memory_space<vmem>>, vector<16xf32>,
          tpu.vector_store %swap3A_637[%swap3A_638, %swap3A_639], %get3A_634 {strides = array<i32>} : memref<128x128xf32, #tpu.memory_space<vmem>>, vector<16xf32>,
        }
        %scan3A_99 = arith.constant 128 : i32
        %dma_start3A = arith.constant 0 : i32
        %dma_start3A_100 = arith.constant 0 : i32
        %dma_start3A_101 = arith.constant 0 : i32
        %dma_start3A_102 = arith.constant 0 : i32
        %dma_start3A_103 = tpu.memref_slice %arg12[%dma_start3A, %dma_start3A_101, %dma_start3A_102] : memref<2x128x128xf32, #tpu.memory_space<vmem>> -> memref<1x128x128xf32, #tpu.memory_space<vmem>>
        %dma_start3A_104 = tpu.memref_squeeze %dma_start3A_103 : memref<1x128x128xf32, #tpu.memory_space<vmem>> -> memref<128x128xf32, #tpu.memory_space<vmem>>
        %dma_start3A_105 = arith.constant 0 : i32
        %dma_start3A_106 = tpu.memref_slice %arg10[%dma_start3A_100, %dma_start3A_105] : memref<8x128xi32, #tpu.memory_space<vmem>> -> memref<1x128xi32, #tpu.memory_space<vmem>>
        %dma_start3A_107 = tpu.memref_squeeze %dma_start3A_106 : memref<1x128xi32, #tpu.memory_space<vmem>> -> memref<128xi32, #tpu.memory_space<vmem>>
        %dma_start3A_108 = arith.constant 0 : i32
        %dma_start3A_109 = arith.constant 0 : i32
        %dma_start3A_110 = tpu.memref_slice %arg8[%dma_start3A_108, %dma_start3A_109] : memref<10240x128xf32, #tpu.memory_space<vmem_shared>> -> memref<10240x128xf32, #tpu.memory_space<vmem_shared>>
        tpu.enqueue_indirect_dma source(%dma_start3A_104 : memref<128x128xf32, #tpu.memory_space<vmem>>) target(%dma_start3A_110 : memref<10240x128xf32, #tpu.memory_space<vmem_shared>>) offsets(%dma_start3A_107 : memref<128xi32, #tpu.memory_space<vmem>>) semaphore(%arg16 : memref<!tpu.dma_semaphore, #tpu.memory_space<semaphore_mem>>) {add = true}
        %mul3A_111 = arith.constant 20480 : i32
        %mul3A_112 = arith.muli %arg1, %mul3A_111 : i32
        %mul3A_113 = arith.constant 8 : i32
        %mul3A_114 = arith.muli %scan3A_60, %mul3A_113 : i32
        %add3A_115 = arith.constant 1 : i32
        %add3A_116 = arith.addi %mul3A_114, %add3A_115 : i32
        %mul3A_117 = arith.constant 128 : i32
        %mul3A_118 = arith.muli %add3A_116, %mul3A_117 : i32
        %add3A_119 = arith.addi %mul3A_112, %mul3A_118 : i32
        %jit3A_120 = arith.constant 8 : i32
        %div3A_121 = arith.divsi %add3A_119, %jit3A_120 : i32
        %sign3A_122 = arith.constant 0 : i32
        %sign3A_123 = arith.cmpi sgt, %add3A_119, %sign3A_122 : i32
        %sign3A_124 = arith.extui %sign3A_123 : i1 to i32
        %sign3A_125 = arith.constant 0 : i32
        %sign3A_126 = arith.cmpi slt, %add3A_119, %sign3A_125 : i32
        %sign3A_127 = arith.extui %sign3A_126 : i1 to i32
        %sign3A_128 = arith.subi %sign3A_124, %sign3A_127 : i32
        %sign3A_129 = arith.constant 0 : i32
        %sign3A_130 = arith.cmpi sgt, %jit3A_120, %sign3A_129 : i32
        %sign3A_131 = arith.extui %sign3A_130 : i1 to i32
        %sign3A_132 = arith.constant 0 : i32
        %sign3A_133 = arith.cmpi slt, %jit3A_120, %sign3A_132 : i32
        %sign3A_134 = arith.extui %sign3A_133 : i1 to i32
        %sign3A_135 = arith.subi %sign3A_131, %sign3A_134 : i32
        %ne3A_136 = arith.cmpi ne, %sign3A_128, %sign3A_135 : i32
        %rem3A_137 = arith.remsi %add3A_119, %jit3A_120 : i32
        %ne3A_138 = arith.constant 0 : i32
        %ne3A_139 = arith.cmpi ne, %rem3A_137, %ne3A_138 : i32
        %and3A_140 = arith.andi %ne3A_136, %ne3A_139 : i1
        %sub3A_141 = arith.constant 1 : i32
        %sub3A_142 = arith.subi %div3A_121, %sub3A_141 : i32
        %select_n3A_143 = arith.select %and3A_140, %sub3A_142, %div3A_121 : i32
        %min3A_144 = arith.constant 39984 : i32
        %min3A_145 = arith.minsi %select_n3A_143, %min3A_144 : i32
        %multiple_of3A_146 = tpu.assume_multiple %min3A_145, 16 : i32
        "tpu.region"() ({
          %run_scoped3A_591 = tpu.sem_alloc : memref<!tpu.dma_semaphore, #tpu.memory_space<semaphore_mem>>
          %dma_start3A_592 = arith.constant 0 : i32
          %dma_start3A_593 = tpu.memref_slice %arg5[%multiple_of3A_146, %dma_start3A_592] : memref<40000x128xf32, #tpu.memory_space<hbm>> -> memref<16x128xf32, #tpu.memory_space<hbm>>
          %dma_start3A_594 = arith.constant 0 : i32
          %dma_start3A_595 = tpu.memref_slice %arg5[%multiple_of3A_146, %dma_start3A_594] : memref<40000x128xf32, #tpu.memory_space<hbm>> -> memref<16x128xf32, #tpu.memory_space<hbm>>
          tpu.enqueue_dma source(%dma_start3A_595 : memref<16x128xf32, #tpu.memory_space<hbm>>) target(%arg13 : memref<16x128xf32, #tpu.memory_space<vmem>>) target_semaphore(%run_scoped3A_591 : memref<!tpu.dma_semaphore, #tpu.memory_space<semaphore_mem>>)
          %dma_wait3A_596 = arith.constant 0 : i32
          %dma_wait3A_597 = tpu.memref_slice %arg5[%multiple_of3A_146, %dma_wait3A_596] : memref<40000x128xf32, #tpu.memory_space<hbm>> -> memref<16x128xf32, #tpu.memory_space<hbm>>
          %dma_wait3A_598 = arith.constant 0 : i32
          %dma_wait3A_599 = tpu.memref_slice %arg5[%multiple_of3A_146, %dma_wait3A_598] : memref<40000x128xf32, #tpu.memory_space<hbm>> -> memref<16x128xf32, #tpu.memory_space<hbm>>
          tpu.wait_dma2 semaphore(%run_scoped3A_591 : memref<!tpu.dma_semaphore, #tpu.memory_space<semaphore_mem>>) src(%dma_wait3A_599 : memref<16x128xf32, #tpu.memory_space<hbm>>) dst(%arg13 : memref<16x128xf32, #tpu.memory_space<vmem>>)
          tpu.yield
        }) : () -> ()
        %scan3A_147 = arith.constant 0 : i32
        %scan3A_148 = arith.constant 1 : i32
        %scan3A_149 = arith.constant 0 : i32
        %scan3A_150 = arith.constant 128 : i32
        %scan3A_151 = arith.addi %scan3A_149, %scan3A_150 : i32
        %scan3A_152 = arith.constant 1 : i32
        scf.for %scan3A_591 = %scan3A_149 to %scan3A_151 step %scan3A_152  : i32 {
          %jit3A_592 = arith.constant 8 : i32
          %div3A_593 = arith.divsi %scan3A_591, %jit3A_592 : i32
          %sign3A_594 = arith.constant 0 : i32
          %sign3A_595 = arith.cmpi sgt, %scan3A_591, %sign3A_594 : i32
          %sign3A_596 = arith.extui %sign3A_595 : i1 to i32
          %sign3A_597 = arith.constant 0 : i32
          %sign3A_598 = arith.cmpi slt, %scan3A_591, %sign3A_597 : i32
          %sign3A_599 = arith.extui %sign3A_598 : i1 to i32
          %sign3A_600 = arith.subi %sign3A_596, %sign3A_599 : i32
          %sign3A_601 = arith.constant 0 : i32
          %sign3A_602 = arith.cmpi sgt, %jit3A_592, %sign3A_601 : i32
          %sign3A_603 = arith.extui %sign3A_602 : i1 to i32
          %sign3A_604 = arith.constant 0 : i32
          %sign3A_605 = arith.cmpi slt, %jit3A_592, %sign3A_604 : i32
          %sign3A_606 = arith.extui %sign3A_605 : i1 to i32
          %sign3A_607 = arith.subi %sign3A_603, %sign3A_606 : i32
          %ne3A_608 = arith.cmpi ne, %sign3A_600, %sign3A_607 : i32
          %rem3A_609 = arith.remsi %scan3A_591, %jit3A_592 : i32
          %ne3A_610 = arith.constant 0 : i32
          %ne3A_611 = arith.cmpi ne, %rem3A_609, %ne3A_610 : i32
          %and3A_612 = arith.andi %ne3A_608, %ne3A_611 : i1
          %sub3A_613 = arith.constant 1 : i32
          %sub3A_614 = arith.subi %div3A_593, %sub3A_613 : i32
          %select_n3A_615 = arith.select %and3A_612, %sub3A_614, %div3A_593 : i32
          %jit3A_616 = arith.constant 8 : i32
          %eq3A_617 = arith.constant 0 : i32
          %eq3A_618 = arith.cmpi eq, %jit3A_616, %eq3A_617 : i32
          %jit3A_619 = arith.constant 1 : i32
          %select_n3A_620 = arith.select %eq3A_618, %jit3A_619, %jit3A_616 : i32
          %rem3A_621 = arith.remsi %scan3A_591, %select_n3A_620 : i32
          %ne3A_622 = arith.constant 0 : i32
          %ne3A_623 = arith.cmpi ne, %rem3A_621, %ne3A_622 : i32
          %lt3A = arith.constant 0 : i32
          %lt3A_624 = arith.cmpi slt, %rem3A_621, %lt3A : i32
          %lt3A_625 = arith.constant 0 : i32
          %lt3A_626 = arith.cmpi slt, %select_n3A_620, %lt3A_625 : i32
          %ne3A_627 = arith.xori %lt3A_624, %lt3A_626 : i1
          %and3A_628 = arith.andi %ne3A_627, %ne3A_623 : i1
          %add3A_629 = arith.addi %rem3A_621, %select_n3A_620 : i32
          %select_n3A_630 = arith.select %and3A_628, %add3A_629, %rem3A_621 : i32
          %mul3A_631 = arith.constant 16 : i32
          %mul3A_632 = arith.muli %select_n3A_630, %mul3A_631 : i32
          %get3A = arith.index_cast %select_n3A_615 : i32 to index
          %get3A_633 = arith.index_cast %mul3A_632 : i32 to index
          %get3A_634 = tpu.vector_load %arg13[%get3A, %get3A_633] {strides = array<i32>} : memref<16x128xf32, #tpu.memory_space<vmem>>, vector<16xf32>,
          %swap3A = arith.constant 0 : i32
          %swap3A_635 = arith.constant 0 : i32
          %swap3A_636 = tpu.memref_slice %arg12[%scan3A_148, %swap3A, %swap3A_635] : memref<2x128x128xf32, #tpu.memory_space<vmem>> -> memref<1x128x128xf32, #tpu.memory_space<vmem>>
          %swap3A_637 = tpu.memref_squeeze %swap3A_636 : memref<1x128x128xf32, #tpu.memory_space<vmem>> -> memref<128x128xf32, #tpu.memory_space<vmem>>
          %swap3A_638 = arith.index_cast %scan3A_591 : i32 to index
          %swap3A_639 = arith.constant 0 : index
          %swap3A_640 = tpu.vector_load %swap3A_637[%swap3A_638, %swap3A_639] {strides = array<i32>} : memref<128x128xf32, #tpu.memory_space<vmem>>, vector<16xf32>,
          tpu.vector_store %swap3A_637[%swap3A_638, %swap3A_639], %get3A_634 {strides = array<i32>} : memref<128x128xf32, #tpu.memory_space<vmem>>, vector<16xf32>,
        }
        %scan3A_153 = arith.constant 128 : i32
        %dma_start3A_154 = arith.constant 1 : i32
        %dma_start3A_155 = arith.constant 1 : i32
        %dma_start3A_156 = arith.constant 0 : i32
        %dma_start3A_157 = arith.constant 0 : i32
        %dma_start3A_158 = tpu.memref_slice %arg12[%dma_start3A_154, %dma_start3A_156, %dma_start3A_157] : memref<2x128x128xf32, #tpu.memory_space<vmem>> -> memref<1x128x128xf32, #tpu.memory_space<vmem>>
        %dma_start3A_159 = tpu.memref_squeeze %dma_start3A_158 : memref<1x128x128xf32, #tpu.memory_space<vmem>> -> memref<128x128xf32, #tpu.memory_space<vmem>>
        %dma_start3A_160 = arith.constant 0 : i32
        %dma_start3A_161 = tpu.memref_slice %arg10[%dma_start3A_155, %dma_start3A_160] : memref<8x128xi32, #tpu.memory_space<vmem>> -> memref<1x128xi32, #tpu.memory_space<vmem>>
        %dma_start3A_162 = tpu.memref_squeeze %dma_start3A_161 : memref<1x128xi32, #tpu.memory_space<vmem>> -> memref<128xi32, #tpu.memory_space<vmem>>
        %dma_start3A_163 = arith.constant 0 : i32
        %dma_start3A_164 = arith.constant 0 : i32
        %dma_start3A_165 = tpu.memref_slice %arg8[%dma_start3A_163, %dma_start3A_164] : memref<10240x128xf32, #tpu.memory_space<vmem_shared>> -> memref<10240x128xf32, #tpu.memory_space<vmem_shared>>
        tpu.enqueue_indirect_dma source(%dma_start3A_159 : memref<128x128xf32, #tpu.memory_space<vmem>>) target(%dma_start3A_165 : memref<10240x128xf32, #tpu.memory_space<vmem_shared>>) offsets(%dma_start3A_162 : memref<128xi32, #tpu.memory_space<vmem>>) semaphore(%arg17 : memref<!tpu.dma_semaphore, #tpu.memory_space<semaphore_mem>>) {add = true}
        %mul3A_166 = arith.constant 20480 : i32
        %mul3A_167 = arith.muli %arg1, %mul3A_166 : i32
        %mul3A_168 = arith.constant 8 : i32
        %mul3A_169 = arith.muli %scan3A_60, %mul3A_168 : i32
        %add3A_170 = arith.constant 2 : i32
        %add3A_171 = arith.addi %mul3A_169, %add3A_170 : i32
        %mul3A_172 = arith.constant 128 : i32
        %mul3A_173 = arith.muli %add3A_171, %mul3A_172 : i32
        %add3A_174 = arith.addi %mul3A_167, %mul3A_173 : i32
        %jit3A_175 = arith.constant 8 : i32
        %div3A_176 = arith.divsi %add3A_174, %jit3A_175 : i32
        %sign3A_177 = arith.constant 0 : i32
        %sign3A_178 = arith.cmpi sgt, %add3A_174, %sign3A_177 : i32
        %sign3A_179 = arith.extui %sign3A_178 : i1 to i32
        %sign3A_180 = arith.constant 0 : i32
        %sign3A_181 = arith.cmpi slt, %add3A_174, %sign3A_180 : i32
        %sign3A_182 = arith.extui %sign3A_181 : i1 to i32
        %sign3A_183 = arith.subi %sign3A_179, %sign3A_182 : i32
        %sign3A_184 = arith.constant 0 : i32
        %sign3A_185 = arith.cmpi sgt, %jit3A_175, %sign3A_184 : i32
        %sign3A_186 = arith.extui %sign3A_185 : i1 to i32
        %sign3A_187 = arith.constant 0 : i32
        %sign3A_188 = arith.cmpi slt, %jit3A_175, %sign3A_187 : i32
        %sign3A_189 = arith.extui %sign3A_188 : i1 to i32
        %sign3A_190 = arith.subi %sign3A_186, %sign3A_189 : i32
        %ne3A_191 = arith.cmpi ne, %sign3A_183, %sign3A_190 : i32
        %rem3A_192 = arith.remsi %add3A_174, %jit3A_175 : i32
        %ne3A_193 = arith.constant 0 : i32
        %ne3A_194 = arith.cmpi ne, %rem3A_192, %ne3A_193 : i32
        %and3A_195 = arith.andi %ne3A_191, %ne3A_194 : i1
        %sub3A_196 = arith.constant 1 : i32
        %sub3A_197 = arith.subi %div3A_176, %sub3A_196 : i32
        %select_n3A_198 = arith.select %and3A_195, %sub3A_197, %div3A_176 : i32
        %min3A_199 = arith.constant 39984 : i32
        %min3A_200 = arith.minsi %select_n3A_198, %min3A_199 : i32
        %multiple_of3A_201 = tpu.assume_multiple %min3A_200, 16 : i32
        "tpu.region"() ({
          %run_scoped3A_591 = tpu.sem_alloc : memref<!tpu.dma_semaphore, #tpu.memory_space<semaphore_mem>>
          %dma_start3A_592 = arith.constant 0 : i32
          %dma_start3A_593 = tpu.memref_slice %arg5[%multiple_of3A_201, %dma_start3A_592] : memref<40000x128xf32, #tpu.memory_space<hbm>> -> memref<16x128xf32, #tpu.memory_space<hbm>>
          %dma_start3A_594 = arith.constant 0 : i32
          %dma_start3A_595 = tpu.memref_slice %arg5[%multiple_of3A_201, %dma_start3A_594] : memref<40000x128xf32, #tpu.memory_space<hbm>> -> memref<16x128xf32, #tpu.memory_space<hbm>>
          tpu.enqueue_dma source(%dma_start3A_595 : memref<16x128xf32, #tpu.memory_space<hbm>>) target(%arg13 : memref<16x128xf32, #tpu.memory_space<vmem>>) target_semaphore(%run_scoped3A_591 : memref<!tpu.dma_semaphore, #tpu.memory_space<semaphore_mem>>)
          %dma_wait3A_596 = arith.constant 0 : i32
          %dma_wait3A_597 = tpu.memref_slice %arg5[%multiple_of3A_201, %dma_wait3A_596] : memref<40000x128xf32, #tpu.memory_space<hbm>> -> memref<16x128xf32, #tpu.memory_space<hbm>>
          %dma_wait3A_598 = arith.constant 0 : i32
          %dma_wait3A_599 = tpu.memref_slice %arg5[%multiple_of3A_201, %dma_wait3A_598] : memref<40000x128xf32, #tpu.memory_space<hbm>> -> memref<16x128xf32, #tpu.memory_space<hbm>>
          tpu.wait_dma2 semaphore(%run_scoped3A_591 : memref<!tpu.dma_semaphore, #tpu.memory_space<semaphore_mem>>) src(%dma_wait3A_599 : memref<16x128xf32, #tpu.memory_space<hbm>>) dst(%arg13 : memref<16x128xf32, #tpu.memory_space<vmem>>)
          tpu.yield
        }) : () -> ()
        %dma_wait3A = arith.constant 0 : i32
        %dma_wait3A_202 = arith.constant 0 : i32
        %dma_wait3A_203 = arith.constant 0 : i32
        %dma_wait3A_204 = arith.constant 0 : i32
        %dma_wait3A_205 = tpu.memref_slice %arg12[%dma_wait3A, %dma_wait3A_203, %dma_wait3A_204] : memref<2x128x128xf32, #tpu.memory_space<vmem>> -> memref<1x128x128xf32, #tpu.memory_space<vmem>>
        %dma_wait3A_206 = tpu.memref_squeeze %dma_wait3A_205 : memref<1x128x128xf32, #tpu.memory_space<vmem>> -> memref<128x128xf32, #tpu.memory_space<vmem>>
        %dma_wait3A_207 = arith.constant 0 : i32
        %dma_wait3A_208 = tpu.memref_slice %arg10[%dma_wait3A_202, %dma_wait3A_207] : memref<8x128xi32, #tpu.memory_space<vmem>> -> memref<1x128xi32, #tpu.memory_space<vmem>>
        %dma_wait3A_209 = tpu.memref_squeeze %dma_wait3A_208 : memref<1x128xi32, #tpu.memory_space<vmem>> -> memref<128xi32, #tpu.memory_space<vmem>>
        %dma_wait3A_210 = arith.constant 0 : i32
        %dma_wait3A_211 = arith.constant 0 : i32
        %dma_wait3A_212 = tpu.memref_slice %arg8[%dma_wait3A_210, %dma_wait3A_211] : memref<10240x128xf32, #tpu.memory_space<vmem_shared>> -> memref<10240x128xf32, #tpu.memory_space<vmem_shared>>
        tpu.wait_indirect_dma semaphore(%arg16 : memref<!tpu.dma_semaphore, #tpu.memory_space<semaphore_mem>>) src(%dma_wait3A_206 : memref<128x128xf32, #tpu.memory_space<vmem>>) dst(%dma_wait3A_212 : memref<10240x128xf32, #tpu.memory_space<vmem_shared>>)
        %scan3A_213 = arith.constant 0 : i32
        %scan3A_214 = arith.constant 0 : i32
        %scan3A_215 = arith.constant 0 : i32
        %scan3A_216 = arith.constant 128 : i32
        %scan3A_217 = arith.addi %scan3A_215, %scan3A_216 : i32
        %scan3A_218 = arith.constant 1 : i32
        scf.for %scan3A_591 = %scan3A_215 to %scan3A_217 step %scan3A_218  : i32 {
          %jit3A_592 = arith.constant 8 : i32
          %div3A_593 = arith.divsi %scan3A_591, %jit3A_592 : i32
          %sign3A_594 = arith.constant 0 : i32
          %sign3A_595 = arith.cmpi sgt, %scan3A_591, %sign3A_594 : i32
          %sign3A_596 = arith.extui %sign3A_595 : i1 to i32
          %sign3A_597 = arith.constant 0 : i32
          %sign3A_598 = arith.cmpi slt, %scan3A_591, %sign3A_597 : i32
          %sign3A_599 = arith.extui %sign3A_598 : i1 to i32
          %sign3A_600 = arith.subi %sign3A_596, %sign3A_599 : i32
          %sign3A_601 = arith.constant 0 : i32
          %sign3A_602 = arith.cmpi sgt, %jit3A_592, %sign3A_601 : i32
          %sign3A_603 = arith.extui %sign3A_602 : i1 to i32
          %sign3A_604 = arith.constant 0 : i32
          %sign3A_605 = arith.cmpi slt, %jit3A_592, %sign3A_604 : i32
          %sign3A_606 = arith.extui %sign3A_605 : i1 to i32
          %sign3A_607 = arith.subi %sign3A_603, %sign3A_606 : i32
          %ne3A_608 = arith.cmpi ne, %sign3A_600, %sign3A_607 : i32
          %rem3A_609 = arith.remsi %scan3A_591, %jit3A_592 : i32
          %ne3A_610 = arith.constant 0 : i32
          %ne3A_611 = arith.cmpi ne, %rem3A_609, %ne3A_610 : i32
          %and3A_612 = arith.andi %ne3A_608, %ne3A_611 : i1
          %sub3A_613 = arith.constant 1 : i32
          %sub3A_614 = arith.subi %div3A_593, %sub3A_613 : i32
          %select_n3A_615 = arith.select %and3A_612, %sub3A_614, %div3A_593 : i32
          %jit3A_616 = arith.constant 8 : i32
          %eq3A_617 = arith.constant 0 : i32
          %eq3A_618 = arith.cmpi eq, %jit3A_616, %eq3A_617 : i32
          %jit3A_619 = arith.constant 1 : i32
          %select_n3A_620 = arith.select %eq3A_618, %jit3A_619, %jit3A_616 : i32
          %rem3A_621 = arith.remsi %scan3A_591, %select_n3A_620 : i32
          %ne3A_622 = arith.constant 0 : i32
          %ne3A_623 = arith.cmpi ne, %rem3A_621, %ne3A_622 : i32
          %lt3A = arith.constant 0 : i32
          %lt3A_624 = arith.cmpi slt, %rem3A_621, %lt3A : i32
          %lt3A_625 = arith.constant 0 : i32
          %lt3A_626 = arith.cmpi slt, %select_n3A_620, %lt3A_625 : i32
          %ne3A_627 = arith.xori %lt3A_624, %lt3A_626 : i1
          %and3A_628 = arith.andi %ne3A_627, %ne3A_623 : i1
          %add3A_629 = arith.addi %rem3A_621, %select_n3A_620 : i32
          %select_n3A_630 = arith.select %and3A_628, %add3A_629, %rem3A_621 : i32
          %mul3A_631 = arith.constant 16 : i32
          %mul3A_632 = arith.muli %select_n3A_630, %mul3A_631 : i32
          %get3A = arith.index_cast %select_n3A_615 : i32 to index
          %get3A_633 = arith.index_cast %mul3A_632 : i32 to index
          %get3A_634 = tpu.vector_load %arg13[%get3A, %get3A_633] {strides = array<i32>} : memref<16x128xf32, #tpu.memory_space<vmem>>, vector<16xf32>,
          %swap3A = arith.constant 0 : i32
          %swap3A_635 = arith.constant 0 : i32
          %swap3A_636 = tpu.memref_slice %arg12[%scan3A_214, %swap3A, %swap3A_635] : memref<2x128x128xf32, #tpu.memory_space<vmem>> -> memref<1x128x128xf32, #tpu.memory_space<vmem>>
          %swap3A_637 = tpu.memref_squeeze %swap3A_636 : memref<1x128x128xf32, #tpu.memory_space<vmem>> -> memref<128x128xf32, #tpu.memory_space<vmem>>
          %swap3A_638 = arith.index_cast %scan3A_591 : i32 to index
          %swap3A_639 = arith.constant 0 : index
          %swap3A_640 = tpu.vector_load %swap3A_637[%swap3A_638, %swap3A_639] {strides = array<i32>} : memref<128x128xf32, #tpu.memory_space<vmem>>, vector<16xf32>,
          tpu.vector_store %swap3A_637[%swap3A_638, %swap3A_639], %get3A_634 {strides = array<i32>} : memref<128x128xf32, #tpu.memory_space<vmem>>, vector<16xf32>,
        }
        %scan3A_219 = arith.constant 128 : i32
        %dma_start3A_220 = arith.constant 0 : i32
        %dma_start3A_221 = arith.constant 2 : i32
        %dma_start3A_222 = arith.constant 0 : i32
        %dma_start3A_223 = arith.constant 0 : i32
        %dma_start3A_224 = tpu.memref_slice %arg12[%dma_start3A_220, %dma_start3A_222, %dma_start3A_223] : memref<2x128x128xf32, #tpu.memory_space<vmem>> -> memref<1x128x128xf32, #tpu.memory_space<vmem>>
        %dma_start3A_225 = tpu.memref_squeeze %dma_start3A_224 : memref<1x128x128xf32, #tpu.memory_space<vmem>> -> memref<128x128xf32, #tpu.memory_space<vmem>>
        %dma_start3A_226 = arith.constant 0 : i32
        %dma_start3A_227 = tpu.memref_slice %arg10[%dma_start3A_221, %dma_start3A_226] : memref<8x128xi32, #tpu.memory_space<vmem>> -> memref<1x128xi32, #tpu.memory_space<vmem>>
        %dma_start3A_228 = tpu.memref_squeeze %dma_start3A_227 : memref<1x128xi32, #tpu.memory_space<vmem>> -> memref<128xi32, #tpu.memory_space<vmem>>
        %dma_start3A_229 = arith.constant 0 : i32
        %dma_start3A_230 = arith.constant 0 : i32
        %dma_start3A_231 = tpu.memref_slice %arg8[%dma_start3A_229, %dma_start3A_230] : memref<10240x128xf32, #tpu.memory_space<vmem_shared>> -> memref<10240x128xf32, #tpu.memory_space<vmem_shared>>
        tpu.enqueue_indirect_dma source(%dma_start3A_225 : memref<128x128xf32, #tpu.memory_space<vmem>>) target(%dma_start3A_231 : memref<10240x128xf32, #tpu.memory_space<vmem_shared>>) offsets(%dma_start3A_228 : memref<128xi32, #tpu.memory_space<vmem>>) semaphore(%arg16 : memref<!tpu.dma_semaphore, #tpu.memory_space<semaphore_mem>>) {add = true}
        %mul3A_232 = arith.constant 20480 : i32
        %mul3A_233 = arith.muli %arg1, %mul3A_232 : i32
        %mul3A_234 = arith.constant 8 : i32
        %mul3A_235 = arith.muli %scan3A_60, %mul3A_234 : i32
        %add3A_236 = arith.constant 3 : i32
        %add3A_237 = arith.addi %mul3A_235, %add3A_236 : i32
        %mul3A_238 = arith.constant 128 : i32
        %mul3A_239 = arith.muli %add3A_237, %mul3A_238 : i32
        %add3A_240 = arith.addi %mul3A_233, %mul3A_239 : i32
        %jit3A_241 = arith.constant 8 : i32
        %div3A_242 = arith.divsi %add3A_240, %jit3A_241 : i32
        %sign3A_243 = arith.constant 0 : i32
        %sign3A_244 = arith.cmpi sgt, %add3A_240, %sign3A_243 : i32
        %sign3A_245 = arith.extui %sign3A_244 : i1 to i32
        %sign3A_246 = arith.constant 0 : i32
        %sign3A_247 = arith.cmpi slt, %add3A_240, %sign3A_246 : i32
        %sign3A_248 = arith.extui %sign3A_247 : i1 to i32
        %sign3A_249 = arith.subi %sign3A_245, %sign3A_248 : i32
        %sign3A_250 = arith.constant 0 : i32
        %sign3A_251 = arith.cmpi sgt, %jit3A_241, %sign3A_250 : i32
        %sign3A_252 = arith.extui %sign3A_251 : i1 to i32
        %sign3A_253 = arith.constant 0 : i32
        %sign3A_254 = arith.cmpi slt, %jit3A_241, %sign3A_253 : i32
        %sign3A_255 = arith.extui %sign3A_254 : i1 to i32
        %sign3A_256 = arith.subi %sign3A_252, %sign3A_255 : i32
        %ne3A_257 = arith.cmpi ne, %sign3A_249, %sign3A_256 : i32
        %rem3A_258 = arith.remsi %add3A_240, %jit3A_241 : i32
        %ne3A_259 = arith.constant 0 : i32
        %ne3A_260 = arith.cmpi ne, %rem3A_258, %ne3A_259 : i32
        %and3A_261 = arith.andi %ne3A_257, %ne3A_260 : i1
        %sub3A_262 = arith.constant 1 : i32
        %sub3A_263 = arith.subi %div3A_242, %sub3A_262 : i32
        %select_n3A_264 = arith.select %and3A_261, %sub3A_263, %div3A_242 : i32
        %min3A_265 = arith.constant 39984 : i32
        %min3A_266 = arith.minsi %select_n3A_264, %min3A_265 : i32
        %multiple_of3A_267 = tpu.assume_multiple %min3A_266, 16 : i32
        "tpu.region"() ({
          %run_scoped3A_591 = tpu.sem_alloc : memref<!tpu.dma_semaphore, #tpu.memory_space<semaphore_mem>>
          %dma_start3A_592 = arith.constant 0 : i32
          %dma_start3A_593 = tpu.memref_slice %arg5[%multiple_of3A_267, %dma_start3A_592] : memref<40000x128xf32, #tpu.memory_space<hbm>> -> memref<16x128xf32, #tpu.memory_space<hbm>>
          %dma_start3A_594 = arith.constant 0 : i32
          %dma_start3A_595 = tpu.memref_slice %arg5[%multiple_of3A_267, %dma_start3A_594] : memref<40000x128xf32, #tpu.memory_space<hbm>> -> memref<16x128xf32, #tpu.memory_space<hbm>>
          tpu.enqueue_dma source(%dma_start3A_595 : memref<16x128xf32, #tpu.memory_space<hbm>>) target(%arg13 : memref<16x128xf32, #tpu.memory_space<vmem>>) target_semaphore(%run_scoped3A_591 : memref<!tpu.dma_semaphore, #tpu.memory_space<semaphore_mem>>)
          %dma_wait3A_596 = arith.constant 0 : i32
          %dma_wait3A_597 = tpu.memref_slice %arg5[%multiple_of3A_267, %dma_wait3A_596] : memref<40000x128xf32, #tpu.memory_space<hbm>> -> memref<16x128xf32, #tpu.memory_space<hbm>>
          %dma_wait3A_598 = arith.constant 0 : i32
          %dma_wait3A_599 = tpu.memref_slice %arg5[%multiple_of3A_267, %dma_wait3A_598] : memref<40000x128xf32, #tpu.memory_space<hbm>> -> memref<16x128xf32, #tpu.memory_space<hbm>>
          tpu.wait_dma2 semaphore(%run_scoped3A_591 : memref<!tpu.dma_semaphore, #tpu.memory_space<semaphore_mem>>) src(%dma_wait3A_599 : memref<16x128xf32, #tpu.memory_space<hbm>>) dst(%arg13 : memref<16x128xf32, #tpu.memory_space<vmem>>)
          tpu.yield
        }) : () -> ()
        %dma_wait3A_268 = arith.constant 1 : i32
        %dma_wait3A_269 = arith.constant 1 : i32
        %dma_wait3A_270 = arith.constant 0 : i32
        %dma_wait3A_271 = arith.constant 0 : i32
        %dma_wait3A_272 = tpu.memref_slice %arg12[%dma_wait3A_268, %dma_wait3A_270, %dma_wait3A_271] : memref<2x128x128xf32, #tpu.memory_space<vmem>> -> memref<1x128x128xf32, #tpu.memory_space<vmem>>
        %dma_wait3A_273 = tpu.memref_squeeze %dma_wait3A_272 : memref<1x128x128xf32, #tpu.memory_space<vmem>> -> memref<128x128xf32, #tpu.memory_space<vmem>>
        %dma_wait3A_274 = arith.constant 0 : i32
        %dma_wait3A_275 = tpu.memref_slice %arg10[%dma_wait3A_269, %dma_wait3A_274] : memref<8x128xi32, #tpu.memory_space<vmem>> -> memref<1x128xi32, #tpu.memory_space<vmem>>
        %dma_wait3A_276 = tpu.memref_squeeze %dma_wait3A_275 : memref<1x128xi32, #tpu.memory_space<vmem>> -> memref<128xi32, #tpu.memory_space<vmem>>
        %dma_wait3A_277 = arith.constant 0 : i32
        %dma_wait3A_278 = arith.constant 0 : i32
        %dma_wait3A_279 = tpu.memref_slice %arg8[%dma_wait3A_277, %dma_wait3A_278] : memref<10240x128xf32, #tpu.memory_space<vmem_shared>> -> memref<10240x128xf32, #tpu.memory_space<vmem_shared>>
        tpu.wait_indirect_dma semaphore(%arg17 : memref<!tpu.dma_semaphore, #tpu.memory_space<semaphore_mem>>) src(%dma_wait3A_273 : memref<128x128xf32, #tpu.memory_space<vmem>>) dst(%dma_wait3A_279 : memref<10240x128xf32, #tpu.memory_space<vmem_shared>>)
        %scan3A_280 = arith.constant 0 : i32
        %scan3A_281 = arith.constant 1 : i32
        %scan3A_282 = arith.constant 0 : i32
        %scan3A_283 = arith.constant 128 : i32
        %scan3A_284 = arith.addi %scan3A_282, %scan3A_283 : i32
        %scan3A_285 = arith.constant 1 : i32
        scf.for %scan3A_591 = %scan3A_282 to %scan3A_284 step %scan3A_285  : i32 {
          %jit3A_592 = arith.constant 8 : i32
          %div3A_593 = arith.divsi %scan3A_591, %jit3A_592 : i32
          %sign3A_594 = arith.constant 0 : i32
          %sign3A_595 = arith.cmpi sgt, %scan3A_591, %sign3A_594 : i32
          %sign3A_596 = arith.extui %sign3A_595 : i1 to i32
          %sign3A_597 = arith.constant 0 : i32
          %sign3A_598 = arith.cmpi slt, %scan3A_591, %sign3A_597 : i32
          %sign3A_599 = arith.extui %sign3A_598 : i1 to i32
          %sign3A_600 = arith.subi %sign3A_596, %sign3A_599 : i32
          %sign3A_601 = arith.constant 0 : i32
          %sign3A_602 = arith.cmpi sgt, %jit3A_592, %sign3A_601 : i32
          %sign3A_603 = arith.extui %sign3A_602 : i1 to i32
          %sign3A_604 = arith.constant 0 : i32
          %sign3A_605 = arith.cmpi slt, %jit3A_592, %sign3A_604 : i32
          %sign3A_606 = arith.extui %sign3A_605 : i1 to i32
          %sign3A_607 = arith.subi %sign3A_603, %sign3A_606 : i32
          %ne3A_608 = arith.cmpi ne, %sign3A_600, %sign3A_607 : i32
          %rem3A_609 = arith.remsi %scan3A_591, %jit3A_592 : i32
          %ne3A_610 = arith.constant 0 : i32
          %ne3A_611 = arith.cmpi ne, %rem3A_609, %ne3A_610 : i32
          %and3A_612 = arith.andi %ne3A_608, %ne3A_611 : i1
          %sub3A_613 = arith.constant 1 : i32
          %sub3A_614 = arith.subi %div3A_593, %sub3A_613 : i32
          %select_n3A_615 = arith.select %and3A_612, %sub3A_614, %div3A_593 : i32
          %jit3A_616 = arith.constant 8 : i32
          %eq3A_617 = arith.constant 0 : i32
          %eq3A_618 = arith.cmpi eq, %jit3A_616, %eq3A_617 : i32
          %jit3A_619 = arith.constant 1 : i32
          %select_n3A_620 = arith.select %eq3A_618, %jit3A_619, %jit3A_616 : i32
          %rem3A_621 = arith.remsi %scan3A_591, %select_n3A_620 : i32
          %ne3A_622 = arith.constant 0 : i32
          %ne3A_623 = arith.cmpi ne, %rem3A_621, %ne3A_622 : i32
          %lt3A = arith.constant 0 : i32
          %lt3A_624 = arith.cmpi slt, %rem3A_621, %lt3A : i32
          %lt3A_625 = arith.constant 0 : i32
          %lt3A_626 = arith.cmpi slt, %select_n3A_620, %lt3A_625 : i32
          %ne3A_627 = arith.xori %lt3A_624, %lt3A_626 : i1
          %and3A_628 = arith.andi %ne3A_627, %ne3A_623 : i1
          %add3A_629 = arith.addi %rem3A_621, %select_n3A_620 : i32
          %select_n3A_630 = arith.select %and3A_628, %add3A_629, %rem3A_621 : i32
          %mul3A_631 = arith.constant 16 : i32
          %mul3A_632 = arith.muli %select_n3A_630, %mul3A_631 : i32
          %get3A = arith.index_cast %select_n3A_615 : i32 to index
          %get3A_633 = arith.index_cast %mul3A_632 : i32 to index
          %get3A_634 = tpu.vector_load %arg13[%get3A, %get3A_633] {strides = array<i32>} : memref<16x128xf32, #tpu.memory_space<vmem>>, vector<16xf32>,
          %swap3A = arith.constant 0 : i32
          %swap3A_635 = arith.constant 0 : i32
          %swap3A_636 = tpu.memref_slice %arg12[%scan3A_281, %swap3A, %swap3A_635] : memref<2x128x128xf32, #tpu.memory_space<vmem>> -> memref<1x128x128xf32, #tpu.memory_space<vmem>>
          %swap3A_637 = tpu.memref_squeeze %swap3A_636 : memref<1x128x128xf32, #tpu.memory_space<vmem>> -> memref<128x128xf32, #tpu.memory_space<vmem>>
          %swap3A_638 = arith.index_cast %scan3A_591 : i32 to index
          %swap3A_639 = arith.constant 0 : index
          %swap3A_640 = tpu.vector_load %swap3A_637[%swap3A_638, %swap3A_639] {strides = array<i32>} : memref<128x128xf32, #tpu.memory_space<vmem>>, vector<16xf32>,
          tpu.vector_store %swap3A_637[%swap3A_638, %swap3A_639], %get3A_634 {strides = array<i32>} : memref<128x128xf32, #tpu.memory_space<vmem>>, vector<16xf32>,
        }
        %scan3A_286 = arith.constant 128 : i32
        %dma_start3A_287 = arith.constant 1 : i32
        %dma_start3A_288 = arith.constant 3 : i32
        %dma_start3A_289 = arith.constant 0 : i32
        %dma_start3A_290 = arith.constant 0 : i32
        %dma_start3A_291 = tpu.memref_slice %arg12[%dma_start3A_287, %dma_start3A_289, %dma_start3A_290] : memref<2x128x128xf32, #tpu.memory_space<vmem>> -> memref<1x128x128xf32, #tpu.memory_space<vmem>>
        %dma_start3A_292 = tpu.memref_squeeze %dma_start3A_291 : memref<1x128x128xf32, #tpu.memory_space<vmem>> -> memref<128x128xf32, #tpu.memory_space<vmem>>
        %dma_start3A_293 = arith.constant 0 : i32
        %dma_start3A_294 = tpu.memref_slice %arg10[%dma_start3A_288, %dma_start3A_293] : memref<8x128xi32, #tpu.memory_space<vmem>> -> memref<1x128xi32, #tpu.memory_space<vmem>>
        %dma_start3A_295 = tpu.memref_squeeze %dma_start3A_294 : memref<1x128xi32, #tpu.memory_space<vmem>> -> memref<128xi32, #tpu.memory_space<vmem>>
        %dma_start3A_296 = arith.constant 0 : i32
        %dma_start3A_297 = arith.constant 0 : i32
        %dma_start3A_298 = tpu.memref_slice %arg8[%dma_start3A_296, %dma_start3A_297] : memref<10240x128xf32, #tpu.memory_space<vmem_shared>> -> memref<10240x128xf32, #tpu.memory_space<vmem_shared>>
        tpu.enqueue_indirect_dma source(%dma_start3A_292 : memref<128x128xf32, #tpu.memory_space<vmem>>) target(%dma_start3A_298 : memref<10240x128xf32, #tpu.memory_space<vmem_shared>>) offsets(%dma_start3A_295 : memref<128xi32, #tpu.memory_space<vmem>>) semaphore(%arg17 : memref<!tpu.dma_semaphore, #tpu.memory_space<semaphore_mem>>) {add = true}
        %mul3A_299 = arith.constant 20480 : i32
        %mul3A_300 = arith.muli %arg1, %mul3A_299 : i32
        %mul3A_301 = arith.constant 8 : i32
        %mul3A_302 = arith.muli %scan3A_60, %mul3A_301 : i32
        %add3A_303 = arith.constant 4 : i32
        %add3A_304 = arith.addi %mul3A_302, %add3A_303 : i32
        %mul3A_305 = arith.constant 128 : i32
        %mul3A_306 = arith.muli %add3A_304, %mul3A_305 : i32
        %add3A_307 = arith.addi %mul3A_300, %mul3A_306 : i32
        %jit3A_308 = arith.constant 8 : i32
        %div3A_309 = arith.divsi %add3A_307, %jit3A_308 : i32
        %sign3A_310 = arith.constant 0 : i32
        %sign3A_311 = arith.cmpi sgt, %add3A_307, %sign3A_310 : i32
        %sign3A_312 = arith.extui %sign3A_311 : i1 to i32
        %sign3A_313 = arith.constant 0 : i32
        %sign3A_314 = arith.cmpi slt, %add3A_307, %sign3A_313 : i32
        %sign3A_315 = arith.extui %sign3A_314 : i1 to i32
        %sign3A_316 = arith.subi %sign3A_312, %sign3A_315 : i32
        %sign3A_317 = arith.constant 0 : i32
        %sign3A_318 = arith.cmpi sgt, %jit3A_308, %sign3A_317 : i32
        %sign3A_319 = arith.extui %sign3A_318 : i1 to i32
        %sign3A_320 = arith.constant 0 : i32
        %sign3A_321 = arith.cmpi slt, %jit3A_308, %sign3A_320 : i32
        %sign3A_322 = arith.extui %sign3A_321 : i1 to i32
        %sign3A_323 = arith.subi %sign3A_319, %sign3A_322 : i32
        %ne3A_324 = arith.cmpi ne, %sign3A_316, %sign3A_323 : i32
        %rem3A_325 = arith.remsi %add3A_307, %jit3A_308 : i32
        %ne3A_326 = arith.constant 0 : i32
        %ne3A_327 = arith.cmpi ne, %rem3A_325, %ne3A_326 : i32
        %and3A_328 = arith.andi %ne3A_324, %ne3A_327 : i1
        %sub3A_329 = arith.constant 1 : i32
        %sub3A_330 = arith.subi %div3A_309, %sub3A_329 : i32
        %select_n3A_331 = arith.select %and3A_328, %sub3A_330, %div3A_309 : i32
        %min3A_332 = arith.constant 39984 : i32
        %min3A_333 = arith.minsi %select_n3A_331, %min3A_332 : i32
        %multiple_of3A_334 = tpu.assume_multiple %min3A_333, 16 : i32
        "tpu.region"() ({
          %run_scoped3A_591 = tpu.sem_alloc : memref<!tpu.dma_semaphore, #tpu.memory_space<semaphore_mem>>
          %dma_start3A_592 = arith.constant 0 : i32
          %dma_start3A_593 = tpu.memref_slice %arg5[%multiple_of3A_334, %dma_start3A_592] : memref<40000x128xf32, #tpu.memory_space<hbm>> -> memref<16x128xf32, #tpu.memory_space<hbm>>
          %dma_start3A_594 = arith.constant 0 : i32
          %dma_start3A_595 = tpu.memref_slice %arg5[%multiple_of3A_334, %dma_start3A_594] : memref<40000x128xf32, #tpu.memory_space<hbm>> -> memref<16x128xf32, #tpu.memory_space<hbm>>
          tpu.enqueue_dma source(%dma_start3A_595 : memref<16x128xf32, #tpu.memory_space<hbm>>) target(%arg13 : memref<16x128xf32, #tpu.memory_space<vmem>>) target_semaphore(%run_scoped3A_591 : memref<!tpu.dma_semaphore, #tpu.memory_space<semaphore_mem>>)
          %dma_wait3A_596 = arith.constant 0 : i32
          %dma_wait3A_597 = tpu.memref_slice %arg5[%multiple_of3A_334, %dma_wait3A_596] : memref<40000x128xf32, #tpu.memory_space<hbm>> -> memref<16x128xf32, #tpu.memory_space<hbm>>
          %dma_wait3A_598 = arith.constant 0 : i32
          %dma_wait3A_599 = tpu.memref_slice %arg5[%multiple_of3A_334, %dma_wait3A_598] : memref<40000x128xf32, #tpu.memory_space<hbm>> -> memref<16x128xf32, #tpu.memory_space<hbm>>
          tpu.wait_dma2 semaphore(%run_scoped3A_591 : memref<!tpu.dma_semaphore, #tpu.memory_space<semaphore_mem>>) src(%dma_wait3A_599 : memref<16x128xf32, #tpu.memory_space<hbm>>) dst(%arg13 : memref<16x128xf32, #tpu.memory_space<vmem>>)
          tpu.yield
        }) : () -> ()
        %dma_wait3A_335 = arith.constant 0 : i32
        %dma_wait3A_336 = arith.constant 2 : i32
        %dma_wait3A_337 = arith.constant 0 : i32
        %dma_wait3A_338 = arith.constant 0 : i32
        %dma_wait3A_339 = tpu.memref_slice %arg12[%dma_wait3A_335, %dma_wait3A_337, %dma_wait3A_338] : memref<2x128x128xf32, #tpu.memory_space<vmem>> -> memref<1x128x128xf32, #tpu.memory_space<vmem>>
        %dma_wait3A_340 = tpu.memref_squeeze %dma_wait3A_339 : memref<1x128x128xf32, #tpu.memory_space<vmem>> -> memref<128x128xf32, #tpu.memory_space<vmem>>
        %dma_wait3A_341 = arith.constant 0 : i32
        %dma_wait3A_342 = tpu.memref_slice %arg10[%dma_wait3A_336, %dma_wait3A_341] : memref<8x128xi32, #tpu.memory_space<vmem>> -> memref<1x128xi32, #tpu.memory_space<vmem>>
        %dma_wait3A_343 = tpu.memref_squeeze %dma_wait3A_342 : memref<1x128xi32, #tpu.memory_space<vmem>> -> memref<128xi32, #tpu.memory_space<vmem>>
        %dma_wait3A_344 = arith.constant 0 : i32
        %dma_wait3A_345 = arith.constant 0 : i32
        %dma_wait3A_346 = tpu.memref_slice %arg8[%dma_wait3A_344, %dma_wait3A_345] : memref<10240x128xf32, #tpu.memory_space<vmem_shared>> -> memref<10240x128xf32, #tpu.memory_space<vmem_shared>>
        tpu.wait_indirect_dma semaphore(%arg16 : memref<!tpu.dma_semaphore, #tpu.memory_space<semaphore_mem>>) src(%dma_wait3A_340 : memref<128x128xf32, #tpu.memory_space<vmem>>) dst(%dma_wait3A_346 : memref<10240x128xf32, #tpu.memory_space<vmem_shared>>)
        %scan3A_347 = arith.constant 0 : i32
        %scan3A_348 = arith.constant 0 : i32
        %scan3A_349 = arith.constant 0 : i32
        %scan3A_350 = arith.constant 128 : i32
        %scan3A_351 = arith.addi %scan3A_349, %scan3A_350 : i32
        %scan3A_352 = arith.constant 1 : i32
        scf.for %scan3A_591 = %scan3A_349 to %scan3A_351 step %scan3A_352  : i32 {
          %jit3A_592 = arith.constant 8 : i32
          %div3A_593 = arith.divsi %scan3A_591, %jit3A_592 : i32
          %sign3A_594 = arith.constant 0 : i32
          %sign3A_595 = arith.cmpi sgt, %scan3A_591, %sign3A_594 : i32
          %sign3A_596 = arith.extui %sign3A_595 : i1 to i32
          %sign3A_597 = arith.constant 0 : i32
          %sign3A_598 = arith.cmpi slt, %scan3A_591, %sign3A_597 : i32
          %sign3A_599 = arith.extui %sign3A_598 : i1 to i32
          %sign3A_600 = arith.subi %sign3A_596, %sign3A_599 : i32
          %sign3A_601 = arith.constant 0 : i32
          %sign3A_602 = arith.cmpi sgt, %jit3A_592, %sign3A_601 : i32
          %sign3A_603 = arith.extui %sign3A_602 : i1 to i32
          %sign3A_604 = arith.constant 0 : i32
          %sign3A_605 = arith.cmpi slt, %jit3A_592, %sign3A_604 : i32
          %sign3A_606 = arith.extui %sign3A_605 : i1 to i32
          %sign3A_607 = arith.subi %sign3A_603, %sign3A_606 : i32
          %ne3A_608 = arith.cmpi ne, %sign3A_600, %sign3A_607 : i32
          %rem3A_609 = arith.remsi %scan3A_591, %jit3A_592 : i32
          %ne3A_610 = arith.constant 0 : i32
          %ne3A_611 = arith.cmpi ne, %rem3A_609, %ne3A_610 : i32
          %and3A_612 = arith.andi %ne3A_608, %ne3A_611 : i1
          %sub3A_613 = arith.constant 1 : i32
          %sub3A_614 = arith.subi %div3A_593, %sub3A_613 : i32
          %select_n3A_615 = arith.select %and3A_612, %sub3A_614, %div3A_593 : i32
          %jit3A_616 = arith.constant 8 : i32
          %eq3A_617 = arith.constant 0 : i32
          %eq3A_618 = arith.cmpi eq, %jit3A_616, %eq3A_617 : i32
          %jit3A_619 = arith.constant 1 : i32
          %select_n3A_620 = arith.select %eq3A_618, %jit3A_619, %jit3A_616 : i32
          %rem3A_621 = arith.remsi %scan3A_591, %select_n3A_620 : i32
          %ne3A_622 = arith.constant 0 : i32
          %ne3A_623 = arith.cmpi ne, %rem3A_621, %ne3A_622 : i32
          %lt3A = arith.constant 0 : i32
          %lt3A_624 = arith.cmpi slt, %rem3A_621, %lt3A : i32
          %lt3A_625 = arith.constant 0 : i32
          %lt3A_626 = arith.cmpi slt, %select_n3A_620, %lt3A_625 : i32
          %ne3A_627 = arith.xori %lt3A_624, %lt3A_626 : i1
          %and3A_628 = arith.andi %ne3A_627, %ne3A_623 : i1
          %add3A_629 = arith.addi %rem3A_621, %select_n3A_620 : i32
          %select_n3A_630 = arith.select %and3A_628, %add3A_629, %rem3A_621 : i32
          %mul3A_631 = arith.constant 16 : i32
          %mul3A_632 = arith.muli %select_n3A_630, %mul3A_631 : i32
          %get3A = arith.index_cast %select_n3A_615 : i32 to index
          %get3A_633 = arith.index_cast %mul3A_632 : i32 to index
          %get3A_634 = tpu.vector_load %arg13[%get3A, %get3A_633] {strides = array<i32>} : memref<16x128xf32, #tpu.memory_space<vmem>>, vector<16xf32>,
          %swap3A = arith.constant 0 : i32
          %swap3A_635 = arith.constant 0 : i32
          %swap3A_636 = tpu.memref_slice %arg12[%scan3A_348, %swap3A, %swap3A_635] : memref<2x128x128xf32, #tpu.memory_space<vmem>> -> memref<1x128x128xf32, #tpu.memory_space<vmem>>
          %swap3A_637 = tpu.memref_squeeze %swap3A_636 : memref<1x128x128xf32, #tpu.memory_space<vmem>> -> memref<128x128xf32, #tpu.memory_space<vmem>>
          %swap3A_638 = arith.index_cast %scan3A_591 : i32 to index
          %swap3A_639 = arith.constant 0 : index
          %swap3A_640 = tpu.vector_load %swap3A_637[%swap3A_638, %swap3A_639] {strides = array<i32>} : memref<128x128xf32, #tpu.memory_space<vmem>>, vector<16xf32>,
          tpu.vector_store %swap3A_637[%swap3A_638, %swap3A_639], %get3A_634 {strides = array<i32>} : memref<128x128xf32, #tpu.memory_space<vmem>>, vector<16xf32>,
        }
        %scan3A_353 = arith.constant 128 : i32
        %dma_start3A_354 = arith.constant 0 : i32
        %dma_start3A_355 = arith.constant 4 : i32
        %dma_start3A_356 = arith.constant 0 : i32
        %dma_start3A_357 = arith.constant 0 : i32
        %dma_start3A_358 = tpu.memref_slice %arg12[%dma_start3A_354, %dma_start3A_356, %dma_start3A_357] : memref<2x128x128xf32, #tpu.memory_space<vmem>> -> memref<1x128x128xf32, #tpu.memory_space<vmem>>
        %dma_start3A_359 = tpu.memref_squeeze %dma_start3A_358 : memref<1x128x128xf32, #tpu.memory_space<vmem>> -> memref<128x128xf32, #tpu.memory_space<vmem>>
        %dma_start3A_360 = arith.constant 0 : i32
        %dma_start3A_361 = tpu.memref_slice %arg10[%dma_start3A_355, %dma_start3A_360] : memref<8x128xi32, #tpu.memory_space<vmem>> -> memref<1x128xi32, #tpu.memory_space<vmem>>
        %dma_start3A_362 = tpu.memref_squeeze %dma_start3A_361 : memref<1x128xi32, #tpu.memory_space<vmem>> -> memref<128xi32, #tpu.memory_space<vmem>>
        %dma_start3A_363 = arith.constant 0 : i32
        %dma_start3A_364 = arith.constant 0 : i32
        %dma_start3A_365 = tpu.memref_slice %arg8[%dma_start3A_363, %dma_start3A_364] : memref<10240x128xf32, #tpu.memory_space<vmem_shared>> -> memref<10240x128xf32, #tpu.memory_space<vmem_shared>>
        tpu.enqueue_indirect_dma source(%dma_start3A_359 : memref<128x128xf32, #tpu.memory_space<vmem>>) target(%dma_start3A_365 : memref<10240x128xf32, #tpu.memory_space<vmem_shared>>) offsets(%dma_start3A_362 : memref<128xi32, #tpu.memory_space<vmem>>) semaphore(%arg16 : memref<!tpu.dma_semaphore, #tpu.memory_space<semaphore_mem>>) {add = true}
        %mul3A_366 = arith.constant 20480 : i32
        %mul3A_367 = arith.muli %arg1, %mul3A_366 : i32
        %mul3A_368 = arith.constant 8 : i32
        %mul3A_369 = arith.muli %scan3A_60, %mul3A_368 : i32
        %add3A_370 = arith.constant 5 : i32
        %add3A_371 = arith.addi %mul3A_369, %add3A_370 : i32
        %mul3A_372 = arith.constant 128 : i32
        %mul3A_373 = arith.muli %add3A_371, %mul3A_372 : i32
        %add3A_374 = arith.addi %mul3A_367, %mul3A_373 : i32
        %jit3A_375 = arith.constant 8 : i32
        %div3A_376 = arith.divsi %add3A_374, %jit3A_375 : i32
        %sign3A_377 = arith.constant 0 : i32
        %sign3A_378 = arith.cmpi sgt, %add3A_374, %sign3A_377 : i32
        %sign3A_379 = arith.extui %sign3A_378 : i1 to i32
        %sign3A_380 = arith.constant 0 : i32
        %sign3A_381 = arith.cmpi slt, %add3A_374, %sign3A_380 : i32
        %sign3A_382 = arith.extui %sign3A_381 : i1 to i32
        %sign3A_383 = arith.subi %sign3A_379, %sign3A_382 : i32
        %sign3A_384 = arith.constant 0 : i32
        %sign3A_385 = arith.cmpi sgt, %jit3A_375, %sign3A_384 : i32
        %sign3A_386 = arith.extui %sign3A_385 : i1 to i32
        %sign3A_387 = arith.constant 0 : i32
        %sign3A_388 = arith.cmpi slt, %jit3A_375, %sign3A_387 : i32
        %sign3A_389 = arith.extui %sign3A_388 : i1 to i32
        %sign3A_390 = arith.subi %sign3A_386, %sign3A_389 : i32
        %ne3A_391 = arith.cmpi ne, %sign3A_383, %sign3A_390 : i32
        %rem3A_392 = arith.remsi %add3A_374, %jit3A_375 : i32
        %ne3A_393 = arith.constant 0 : i32
        %ne3A_394 = arith.cmpi ne, %rem3A_392, %ne3A_393 : i32
        %and3A_395 = arith.andi %ne3A_391, %ne3A_394 : i1
        %sub3A_396 = arith.constant 1 : i32
        %sub3A_397 = arith.subi %div3A_376, %sub3A_396 : i32
        %select_n3A_398 = arith.select %and3A_395, %sub3A_397, %div3A_376 : i32
        %min3A_399 = arith.constant 39984 : i32
        %min3A_400 = arith.minsi %select_n3A_398, %min3A_399 : i32
        %multiple_of3A_401 = tpu.assume_multiple %min3A_400, 16 : i32
        "tpu.region"() ({
          %run_scoped3A_591 = tpu.sem_alloc : memref<!tpu.dma_semaphore, #tpu.memory_space<semaphore_mem>>
          %dma_start3A_592 = arith.constant 0 : i32
          %dma_start3A_593 = tpu.memref_slice %arg5[%multiple_of3A_401, %dma_start3A_592] : memref<40000x128xf32, #tpu.memory_space<hbm>> -> memref<16x128xf32, #tpu.memory_space<hbm>>
          %dma_start3A_594 = arith.constant 0 : i32
          %dma_start3A_595 = tpu.memref_slice %arg5[%multiple_of3A_401, %dma_start3A_594] : memref<40000x128xf32, #tpu.memory_space<hbm>> -> memref<16x128xf32, #tpu.memory_space<hbm>>
          tpu.enqueue_dma source(%dma_start3A_595 : memref<16x128xf32, #tpu.memory_space<hbm>>) target(%arg13 : memref<16x128xf32, #tpu.memory_space<vmem>>) target_semaphore(%run_scoped3A_591 : memref<!tpu.dma_semaphore, #tpu.memory_space<semaphore_mem>>)
          %dma_wait3A_596 = arith.constant 0 : i32
          %dma_wait3A_597 = tpu.memref_slice %arg5[%multiple_of3A_401, %dma_wait3A_596] : memref<40000x128xf32, #tpu.memory_space<hbm>> -> memref<16x128xf32, #tpu.memory_space<hbm>>
          %dma_wait3A_598 = arith.constant 0 : i32
          %dma_wait3A_599 = tpu.memref_slice %arg5[%multiple_of3A_401, %dma_wait3A_598] : memref<40000x128xf32, #tpu.memory_space<hbm>> -> memref<16x128xf32, #tpu.memory_space<hbm>>
          tpu.wait_dma2 semaphore(%run_scoped3A_591 : memref<!tpu.dma_semaphore, #tpu.memory_space<semaphore_mem>>) src(%dma_wait3A_599 : memref<16x128xf32, #tpu.memory_space<hbm>>) dst(%arg13 : memref<16x128xf32, #tpu.memory_space<vmem>>)
          tpu.yield
        }) : () -> ()
        %dma_wait3A_402 = arith.constant 1 : i32
        %dma_wait3A_403 = arith.constant 3 : i32
        %dma_wait3A_404 = arith.constant 0 : i32
        %dma_wait3A_405 = arith.constant 0 : i32
        %dma_wait3A_406 = tpu.memref_slice %arg12[%dma_wait3A_402, %dma_wait3A_404, %dma_wait3A_405] : memref<2x128x128xf32, #tpu.memory_space<vmem>> -> memref<1x128x128xf32, #tpu.memory_space<vmem>>
        %dma_wait3A_407 = tpu.memref_squeeze %dma_wait3A_406 : memref<1x128x128xf32, #tpu.memory_space<vmem>> -> memref<128x128xf32, #tpu.memory_space<vmem>>
        %dma_wait3A_408 = arith.constant 0 : i32
        %dma_wait3A_409 = tpu.memref_slice %arg10[%dma_wait3A_403, %dma_wait3A_408] : memref<8x128xi32, #tpu.memory_space<vmem>> -> memref<1x128xi32, #tpu.memory_space<vmem>>
        %dma_wait3A_410 = tpu.memref_squeeze %dma_wait3A_409 : memref<1x128xi32, #tpu.memory_space<vmem>> -> memref<128xi32, #tpu.memory_space<vmem>>
        %dma_wait3A_411 = arith.constant 0 : i32
        %dma_wait3A_412 = arith.constant 0 : i32
        %dma_wait3A_413 = tpu.memref_slice %arg8[%dma_wait3A_411, %dma_wait3A_412] : memref<10240x128xf32, #tpu.memory_space<vmem_shared>> -> memref<10240x128xf32, #tpu.memory_space<vmem_shared>>
        tpu.wait_indirect_dma semaphore(%arg17 : memref<!tpu.dma_semaphore, #tpu.memory_space<semaphore_mem>>) src(%dma_wait3A_407 : memref<128x128xf32, #tpu.memory_space<vmem>>) dst(%dma_wait3A_413 : memref<10240x128xf32, #tpu.memory_space<vmem_shared>>)
        %scan3A_414 = arith.constant 0 : i32
        %scan3A_415 = arith.constant 1 : i32
        %scan3A_416 = arith.constant 0 : i32
        %scan3A_417 = arith.constant 128 : i32
        %scan3A_418 = arith.addi %scan3A_416, %scan3A_417 : i32
        %scan3A_419 = arith.constant 1 : i32
        scf.for %scan3A_591 = %scan3A_416 to %scan3A_418 step %scan3A_419  : i32 {
          %jit3A_592 = arith.constant 8 : i32
          %div3A_593 = arith.divsi %scan3A_591, %jit3A_592 : i32
          %sign3A_594 = arith.constant 0 : i32
          %sign3A_595 = arith.cmpi sgt, %scan3A_591, %sign3A_594 : i32
          %sign3A_596 = arith.extui %sign3A_595 : i1 to i32
          %sign3A_597 = arith.constant 0 : i32
          %sign3A_598 = arith.cmpi slt, %scan3A_591, %sign3A_597 : i32
          %sign3A_599 = arith.extui %sign3A_598 : i1 to i32
          %sign3A_600 = arith.subi %sign3A_596, %sign3A_599 : i32
          %sign3A_601 = arith.constant 0 : i32
          %sign3A_602 = arith.cmpi sgt, %jit3A_592, %sign3A_601 : i32
          %sign3A_603 = arith.extui %sign3A_602 : i1 to i32
          %sign3A_604 = arith.constant 0 : i32
          %sign3A_605 = arith.cmpi slt, %jit3A_592, %sign3A_604 : i32
          %sign3A_606 = arith.extui %sign3A_605 : i1 to i32
          %sign3A_607 = arith.subi %sign3A_603, %sign3A_606 : i32
          %ne3A_608 = arith.cmpi ne, %sign3A_600, %sign3A_607 : i32
          %rem3A_609 = arith.remsi %scan3A_591, %jit3A_592 : i32
          %ne3A_610 = arith.constant 0 : i32
          %ne3A_611 = arith.cmpi ne, %rem3A_609, %ne3A_610 : i32
          %and3A_612 = arith.andi %ne3A_608, %ne3A_611 : i1
          %sub3A_613 = arith.constant 1 : i32
          %sub3A_614 = arith.subi %div3A_593, %sub3A_613 : i32
          %select_n3A_615 = arith.select %and3A_612, %sub3A_614, %div3A_593 : i32
          %jit3A_616 = arith.constant 8 : i32
          %eq3A_617 = arith.constant 0 : i32
          %eq3A_618 = arith.cmpi eq, %jit3A_616, %eq3A_617 : i32
          %jit3A_619 = arith.constant 1 : i32
          %select_n3A_620 = arith.select %eq3A_618, %jit3A_619, %jit3A_616 : i32
          %rem3A_621 = arith.remsi %scan3A_591, %select_n3A_620 : i32
          %ne3A_622 = arith.constant 0 : i32
          %ne3A_623 = arith.cmpi ne, %rem3A_621, %ne3A_622 : i32
          %lt3A = arith.constant 0 : i32
          %lt3A_624 = arith.cmpi slt, %rem3A_621, %lt3A : i32
          %lt3A_625 = arith.constant 0 : i32
          %lt3A_626 = arith.cmpi slt, %select_n3A_620, %lt3A_625 : i32
          %ne3A_627 = arith.xori %lt3A_624, %lt3A_626 : i1
          %and3A_628 = arith.andi %ne3A_627, %ne3A_623 : i1
          %add3A_629 = arith.addi %rem3A_621, %select_n3A_620 : i32
          %select_n3A_630 = arith.select %and3A_628, %add3A_629, %rem3A_621 : i32
          %mul3A_631 = arith.constant 16 : i32
          %mul3A_632 = arith.muli %select_n3A_630, %mul3A_631 : i32
          %get3A = arith.index_cast %select_n3A_615 : i32 to index
          %get3A_633 = arith.index_cast %mul3A_632 : i32 to index
          %get3A_634 = tpu.vector_load %arg13[%get3A, %get3A_633] {strides = array<i32>} : memref<16x128xf32, #tpu.memory_space<vmem>>, vector<16xf32>,
          %swap3A = arith.constant 0 : i32
          %swap3A_635 = arith.constant 0 : i32
          %swap3A_636 = tpu.memref_slice %arg12[%scan3A_415, %swap3A, %swap3A_635] : memref<2x128x128xf32, #tpu.memory_space<vmem>> -> memref<1x128x128xf32, #tpu.memory_space<vmem>>
          %swap3A_637 = tpu.memref_squeeze %swap3A_636 : memref<1x128x128xf32, #tpu.memory_space<vmem>> -> memref<128x128xf32, #tpu.memory_space<vmem>>
          %swap3A_638 = arith.index_cast %scan3A_591 : i32 to index
          %swap3A_639 = arith.constant 0 : index
          %swap3A_640 = tpu.vector_load %swap3A_637[%swap3A_638, %swap3A_639] {strides = array<i32>} : memref<128x128xf32, #tpu.memory_space<vmem>>, vector<16xf32>,
          tpu.vector_store %swap3A_637[%swap3A_638, %swap3A_639], %get3A_634 {strides = array<i32>} : memref<128x128xf32, #tpu.memory_space<vmem>>, vector<16xf32>,
        }
        %scan3A_420 = arith.constant 128 : i32
        %dma_start3A_421 = arith.constant 1 : i32
        %dma_start3A_422 = arith.constant 5 : i32
        %dma_start3A_423 = arith.constant 0 : i32
        %dma_start3A_424 = arith.constant 0 : i32
        %dma_start3A_425 = tpu.memref_slice %arg12[%dma_start3A_421, %dma_start3A_423, %dma_start3A_424] : memref<2x128x128xf32, #tpu.memory_space<vmem>> -> memref<1x128x128xf32, #tpu.memory_space<vmem>>
        %dma_start3A_426 = tpu.memref_squeeze %dma_start3A_425 : memref<1x128x128xf32, #tpu.memory_space<vmem>> -> memref<128x128xf32, #tpu.memory_space<vmem>>
        %dma_start3A_427 = arith.constant 0 : i32
        %dma_start3A_428 = tpu.memref_slice %arg10[%dma_start3A_422, %dma_start3A_427] : memref<8x128xi32, #tpu.memory_space<vmem>> -> memref<1x128xi32, #tpu.memory_space<vmem>>
        %dma_start3A_429 = tpu.memref_squeeze %dma_start3A_428 : memref<1x128xi32, #tpu.memory_space<vmem>> -> memref<128xi32, #tpu.memory_space<vmem>>
        %dma_start3A_430 = arith.constant 0 : i32
        %dma_start3A_431 = arith.constant 0 : i32
        %dma_start3A_432 = tpu.memref_slice %arg8[%dma_start3A_430, %dma_start3A_431] : memref<10240x128xf32, #tpu.memory_space<vmem_shared>> -> memref<10240x128xf32, #tpu.memory_space<vmem_shared>>
        tpu.enqueue_indirect_dma source(%dma_start3A_426 : memref<128x128xf32, #tpu.memory_space<vmem>>) target(%dma_start3A_432 : memref<10240x128xf32, #tpu.memory_space<vmem_shared>>) offsets(%dma_start3A_429 : memref<128xi32, #tpu.memory_space<vmem>>) semaphore(%arg17 : memref<!tpu.dma_semaphore, #tpu.memory_space<semaphore_mem>>) {add = true}
        %mul3A_433 = arith.constant 20480 : i32
        %mul3A_434 = arith.muli %arg1, %mul3A_433 : i32
        %mul3A_435 = arith.constant 8 : i32
        %mul3A_436 = arith.muli %scan3A_60, %mul3A_435 : i32
        %add3A_437 = arith.constant 6 : i32
        %add3A_438 = arith.addi %mul3A_436, %add3A_437 : i32
        %mul3A_439 = arith.constant 128 : i32
        %mul3A_440 = arith.muli %add3A_438, %mul3A_439 : i32
        %add3A_441 = arith.addi %mul3A_434, %mul3A_440 : i32
        %jit3A_442 = arith.constant 8 : i32
        %div3A_443 = arith.divsi %add3A_441, %jit3A_442 : i32
        %sign3A_444 = arith.constant 0 : i32
        %sign3A_445 = arith.cmpi sgt, %add3A_441, %sign3A_444 : i32
        %sign3A_446 = arith.extui %sign3A_445 : i1 to i32
        %sign3A_447 = arith.constant 0 : i32
        %sign3A_448 = arith.cmpi slt, %add3A_441, %sign3A_447 : i32
        %sign3A_449 = arith.extui %sign3A_448 : i1 to i32
        %sign3A_450 = arith.subi %sign3A_446, %sign3A_449 : i32
        %sign3A_451 = arith.constant 0 : i32
        %sign3A_452 = arith.cmpi sgt, %jit3A_442, %sign3A_451 : i32
        %sign3A_453 = arith.extui %sign3A_452 : i1 to i32
        %sign3A_454 = arith.constant 0 : i32
        %sign3A_455 = arith.cmpi slt, %jit3A_442, %sign3A_454 : i32
        %sign3A_456 = arith.extui %sign3A_455 : i1 to i32
        %sign3A_457 = arith.subi %sign3A_453, %sign3A_456 : i32
        %ne3A_458 = arith.cmpi ne, %sign3A_450, %sign3A_457 : i32
        %rem3A_459 = arith.remsi %add3A_441, %jit3A_442 : i32
        %ne3A_460 = arith.constant 0 : i32
        %ne3A_461 = arith.cmpi ne, %rem3A_459, %ne3A_460 : i32
        %and3A_462 = arith.andi %ne3A_458, %ne3A_461 : i1
        %sub3A_463 = arith.constant 1 : i32
        %sub3A_464 = arith.subi %div3A_443, %sub3A_463 : i32
        %select_n3A_465 = arith.select %and3A_462, %sub3A_464, %div3A_443 : i32
        %min3A_466 = arith.constant 39984 : i32
        %min3A_467 = arith.minsi %select_n3A_465, %min3A_466 : i32
        %multiple_of3A_468 = tpu.assume_multiple %min3A_467, 16 : i32
        "tpu.region"() ({
          %run_scoped3A_591 = tpu.sem_alloc : memref<!tpu.dma_semaphore, #tpu.memory_space<semaphore_mem>>
          %dma_start3A_592 = arith.constant 0 : i32
          %dma_start3A_593 = tpu.memref_slice %arg5[%multiple_of3A_468, %dma_start3A_592] : memref<40000x128xf32, #tpu.memory_space<hbm>> -> memref<16x128xf32, #tpu.memory_space<hbm>>
          %dma_start3A_594 = arith.constant 0 : i32
          %dma_start3A_595 = tpu.memref_slice %arg5[%multiple_of3A_468, %dma_start3A_594] : memref<40000x128xf32, #tpu.memory_space<hbm>> -> memref<16x128xf32, #tpu.memory_space<hbm>>
          tpu.enqueue_dma source(%dma_start3A_595 : memref<16x128xf32, #tpu.memory_space<hbm>>) target(%arg13 : memref<16x128xf32, #tpu.memory_space<vmem>>) target_semaphore(%run_scoped3A_591 : memref<!tpu.dma_semaphore, #tpu.memory_space<semaphore_mem>>)
          %dma_wait3A_596 = arith.constant 0 : i32
          %dma_wait3A_597 = tpu.memref_slice %arg5[%multiple_of3A_468, %dma_wait3A_596] : memref<40000x128xf32, #tpu.memory_space<hbm>> -> memref<16x128xf32, #tpu.memory_space<hbm>>
          %dma_wait3A_598 = arith.constant 0 : i32
          %dma_wait3A_599 = tpu.memref_slice %arg5[%multiple_of3A_468, %dma_wait3A_598] : memref<40000x128xf32, #tpu.memory_space<hbm>> -> memref<16x128xf32, #tpu.memory_space<hbm>>
          tpu.wait_dma2 semaphore(%run_scoped3A_591 : memref<!tpu.dma_semaphore, #tpu.memory_space<semaphore_mem>>) src(%dma_wait3A_599 : memref<16x128xf32, #tpu.memory_space<hbm>>) dst(%arg13 : memref<16x128xf32, #tpu.memory_space<vmem>>)
          tpu.yield
        }) : () -> ()
        %dma_wait3A_469 = arith.constant 0 : i32
        %dma_wait3A_470 = arith.constant 4 : i32
        %dma_wait3A_471 = arith.constant 0 : i32
        %dma_wait3A_472 = arith.constant 0 : i32
        %dma_wait3A_473 = tpu.memref_slice %arg12[%dma_wait3A_469, %dma_wait3A_471, %dma_wait3A_472] : memref<2x128x128xf32, #tpu.memory_space<vmem>> -> memref<1x128x128xf32, #tpu.memory_space<vmem>>
        %dma_wait3A_474 = tpu.memref_squeeze %dma_wait3A_473 : memref<1x128x128xf32, #tpu.memory_space<vmem>> -> memref<128x128xf32, #tpu.memory_space<vmem>>
        %dma_wait3A_475 = arith.constant 0 : i32
        %dma_wait3A_476 = tpu.memref_slice %arg10[%dma_wait3A_470, %dma_wait3A_475] : memref<8x128xi32, #tpu.memory_space<vmem>> -> memref<1x128xi32, #tpu.memory_space<vmem>>
        %dma_wait3A_477 = tpu.memref_squeeze %dma_wait3A_476 : memref<1x128xi32, #tpu.memory_space<vmem>> -> memref<128xi32, #tpu.memory_space<vmem>>
        %dma_wait3A_478 = arith.constant 0 : i32
        %dma_wait3A_479 = arith.constant 0 : i32
        %dma_wait3A_480 = tpu.memref_slice %arg8[%dma_wait3A_478, %dma_wait3A_479] : memref<10240x128xf32, #tpu.memory_space<vmem_shared>> -> memref<10240x128xf32, #tpu.memory_space<vmem_shared>>
        tpu.wait_indirect_dma semaphore(%arg16 : memref<!tpu.dma_semaphore, #tpu.memory_space<semaphore_mem>>) src(%dma_wait3A_474 : memref<128x128xf32, #tpu.memory_space<vmem>>) dst(%dma_wait3A_480 : memref<10240x128xf32, #tpu.memory_space<vmem_shared>>)
        %scan3A_481 = arith.constant 0 : i32
        %scan3A_482 = arith.constant 0 : i32
        %scan3A_483 = arith.constant 0 : i32
        %scan3A_484 = arith.constant 128 : i32
        %scan3A_485 = arith.addi %scan3A_483, %scan3A_484 : i32
        %scan3A_486 = arith.constant 1 : i32
        scf.for %scan3A_591 = %scan3A_483 to %scan3A_485 step %scan3A_486  : i32 {
          %jit3A_592 = arith.constant 8 : i32
          %div3A_593 = arith.divsi %scan3A_591, %jit3A_592 : i32
          %sign3A_594 = arith.constant 0 : i32
          %sign3A_595 = arith.cmpi sgt, %scan3A_591, %sign3A_594 : i32
          %sign3A_596 = arith.extui %sign3A_595 : i1 to i32
          %sign3A_597 = arith.constant 0 : i32
          %sign3A_598 = arith.cmpi slt, %scan3A_591, %sign3A_597 : i32
          %sign3A_599 = arith.extui %sign3A_598 : i1 to i32
          %sign3A_600 = arith.subi %sign3A_596, %sign3A_599 : i32
          %sign3A_601 = arith.constant 0 : i32
          %sign3A_602 = arith.cmpi sgt, %jit3A_592, %sign3A_601 : i32
          %sign3A_603 = arith.extui %sign3A_602 : i1 to i32
          %sign3A_604 = arith.constant 0 : i32
          %sign3A_605 = arith.cmpi slt, %jit3A_592, %sign3A_604 : i32
          %sign3A_606 = arith.extui %sign3A_605 : i1 to i32
          %sign3A_607 = arith.subi %sign3A_603, %sign3A_606 : i32
          %ne3A_608 = arith.cmpi ne, %sign3A_600, %sign3A_607 : i32
          %rem3A_609 = arith.remsi %scan3A_591, %jit3A_592 : i32
          %ne3A_610 = arith.constant 0 : i32
          %ne3A_611 = arith.cmpi ne, %rem3A_609, %ne3A_610 : i32
          %and3A_612 = arith.andi %ne3A_608, %ne3A_611 : i1
          %sub3A_613 = arith.constant 1 : i32
          %sub3A_614 = arith.subi %div3A_593, %sub3A_613 : i32
          %select_n3A_615 = arith.select %and3A_612, %sub3A_614, %div3A_593 : i32
          %jit3A_616 = arith.constant 8 : i32
          %eq3A_617 = arith.constant 0 : i32
          %eq3A_618 = arith.cmpi eq, %jit3A_616, %eq3A_617 : i32
          %jit3A_619 = arith.constant 1 : i32
          %select_n3A_620 = arith.select %eq3A_618, %jit3A_619, %jit3A_616 : i32
          %rem3A_621 = arith.remsi %scan3A_591, %select_n3A_620 : i32
          %ne3A_622 = arith.constant 0 : i32
          %ne3A_623 = arith.cmpi ne, %rem3A_621, %ne3A_622 : i32
          %lt3A = arith.constant 0 : i32
          %lt3A_624 = arith.cmpi slt, %rem3A_621, %lt3A : i32
          %lt3A_625 = arith.constant 0 : i32
          %lt3A_626 = arith.cmpi slt, %select_n3A_620, %lt3A_625 : i32
          %ne3A_627 = arith.xori %lt3A_624, %lt3A_626 : i1
          %and3A_628 = arith.andi %ne3A_627, %ne3A_623 : i1
          %add3A_629 = arith.addi %rem3A_621, %select_n3A_620 : i32
          %select_n3A_630 = arith.select %and3A_628, %add3A_629, %rem3A_621 : i32
          %mul3A_631 = arith.constant 16 : i32
          %mul3A_632 = arith.muli %select_n3A_630, %mul3A_631 : i32
          %get3A = arith.index_cast %select_n3A_615 : i32 to index
          %get3A_633 = arith.index_cast %mul3A_632 : i32 to index
          %get3A_634 = tpu.vector_load %arg13[%get3A, %get3A_633] {strides = array<i32>} : memref<16x128xf32, #tpu.memory_space<vmem>>, vector<16xf32>,
          %swap3A = arith.constant 0 : i32
          %swap3A_635 = arith.constant 0 : i32
          %swap3A_636 = tpu.memref_slice %arg12[%scan3A_482, %swap3A, %swap3A_635] : memref<2x128x128xf32, #tpu.memory_space<vmem>> -> memref<1x128x128xf32, #tpu.memory_space<vmem>>
          %swap3A_637 = tpu.memref_squeeze %swap3A_636 : memref<1x128x128xf32, #tpu.memory_space<vmem>> -> memref<128x128xf32, #tpu.memory_space<vmem>>
          %swap3A_638 = arith.index_cast %scan3A_591 : i32 to index
          %swap3A_639 = arith.constant 0 : index
          %swap3A_640 = tpu.vector_load %swap3A_637[%swap3A_638, %swap3A_639] {strides = array<i32>} : memref<128x128xf32, #tpu.memory_space<vmem>>, vector<16xf32>,
          tpu.vector_store %swap3A_637[%swap3A_638, %swap3A_639], %get3A_634 {strides = array<i32>} : memref<128x128xf32, #tpu.memory_space<vmem>>, vector<16xf32>,
        }
        %scan3A_487 = arith.constant 128 : i32
        %dma_start3A_488 = arith.constant 0 : i32
        %dma_start3A_489 = arith.constant 6 : i32
        %dma_start3A_490 = arith.constant 0 : i32
        %dma_start3A_491 = arith.constant 0 : i32
        %dma_start3A_492 = tpu.memref_slice %arg12[%dma_start3A_488, %dma_start3A_490, %dma_start3A_491] : memref<2x128x128xf32, #tpu.memory_space<vmem>> -> memref<1x128x128xf32, #tpu.memory_space<vmem>>
        %dma_start3A_493 = tpu.memref_squeeze %dma_start3A_492 : memref<1x128x128xf32, #tpu.memory_space<vmem>> -> memref<128x128xf32, #tpu.memory_space<vmem>>
        %dma_start3A_494 = arith.constant 0 : i32
        %dma_start3A_495 = tpu.memref_slice %arg10[%dma_start3A_489, %dma_start3A_494] : memref<8x128xi32, #tpu.memory_space<vmem>> -> memref<1x128xi32, #tpu.memory_space<vmem>>
        %dma_start3A_496 = tpu.memref_squeeze %dma_start3A_495 : memref<1x128xi32, #tpu.memory_space<vmem>> -> memref<128xi32, #tpu.memory_space<vmem>>
        %dma_start3A_497 = arith.constant 0 : i32
        %dma_start3A_498 = arith.constant 0 : i32
        %dma_start3A_499 = tpu.memref_slice %arg8[%dma_start3A_497, %dma_start3A_498] : memref<10240x128xf32, #tpu.memory_space<vmem_shared>> -> memref<10240x128xf32, #tpu.memory_space<vmem_shared>>
        tpu.enqueue_indirect_dma source(%dma_start3A_493 : memref<128x128xf32, #tpu.memory_space<vmem>>) target(%dma_start3A_499 : memref<10240x128xf32, #tpu.memory_space<vmem_shared>>) offsets(%dma_start3A_496 : memref<128xi32, #tpu.memory_space<vmem>>) semaphore(%arg16 : memref<!tpu.dma_semaphore, #tpu.memory_space<semaphore_mem>>) {add = true}
        %mul3A_500 = arith.constant 20480 : i32
        %mul3A_501 = arith.muli %arg1, %mul3A_500 : i32
        %mul3A_502 = arith.constant 8 : i32
        %mul3A_503 = arith.muli %scan3A_60, %mul3A_502 : i32
        %add3A_504 = arith.constant 7 : i32
        %add3A_505 = arith.addi %mul3A_503, %add3A_504 : i32
        %mul3A_506 = arith.constant 128 : i32
        %mul3A_507 = arith.muli %add3A_505, %mul3A_506 : i32
        %add3A_508 = arith.addi %mul3A_501, %mul3A_507 : i32
        %jit3A_509 = arith.constant 8 : i32
        %div3A_510 = arith.divsi %add3A_508, %jit3A_509 : i32
        %sign3A_511 = arith.constant 0 : i32
        %sign3A_512 = arith.cmpi sgt, %add3A_508, %sign3A_511 : i32
        %sign3A_513 = arith.extui %sign3A_512 : i1 to i32
        %sign3A_514 = arith.constant 0 : i32
        %sign3A_515 = arith.cmpi slt, %add3A_508, %sign3A_514 : i32
        %sign3A_516 = arith.extui %sign3A_515 : i1 to i32
        %sign3A_517 = arith.subi %sign3A_513, %sign3A_516 : i32
        %sign3A_518 = arith.constant 0 : i32
        %sign3A_519 = arith.cmpi sgt, %jit3A_509, %sign3A_518 : i32
        %sign3A_520 = arith.extui %sign3A_519 : i1 to i32
        %sign3A_521 = arith.constant 0 : i32
        %sign3A_522 = arith.cmpi slt, %jit3A_509, %sign3A_521 : i32
        %sign3A_523 = arith.extui %sign3A_522 : i1 to i32
        %sign3A_524 = arith.subi %sign3A_520, %sign3A_523 : i32
        %ne3A_525 = arith.cmpi ne, %sign3A_517, %sign3A_524 : i32
        %rem3A_526 = arith.remsi %add3A_508, %jit3A_509 : i32
        %ne3A_527 = arith.constant 0 : i32
        %ne3A_528 = arith.cmpi ne, %rem3A_526, %ne3A_527 : i32
        %and3A_529 = arith.andi %ne3A_525, %ne3A_528 : i1
        %sub3A_530 = arith.constant 1 : i32
        %sub3A_531 = arith.subi %div3A_510, %sub3A_530 : i32
        %select_n3A_532 = arith.select %and3A_529, %sub3A_531, %div3A_510 : i32
        %min3A_533 = arith.constant 39984 : i32
        %min3A_534 = arith.minsi %select_n3A_532, %min3A_533 : i32
        %multiple_of3A_535 = tpu.assume_multiple %min3A_534, 16 : i32
        "tpu.region"() ({
          %run_scoped3A_591 = tpu.sem_alloc : memref<!tpu.dma_semaphore, #tpu.memory_space<semaphore_mem>>
          %dma_start3A_592 = arith.constant 0 : i32
          %dma_start3A_593 = tpu.memref_slice %arg5[%multiple_of3A_535, %dma_start3A_592] : memref<40000x128xf32, #tpu.memory_space<hbm>> -> memref<16x128xf32, #tpu.memory_space<hbm>>
          %dma_start3A_594 = arith.constant 0 : i32
          %dma_start3A_595 = tpu.memref_slice %arg5[%multiple_of3A_535, %dma_start3A_594] : memref<40000x128xf32, #tpu.memory_space<hbm>> -> memref<16x128xf32, #tpu.memory_space<hbm>>
          tpu.enqueue_dma source(%dma_start3A_595 : memref<16x128xf32, #tpu.memory_space<hbm>>) target(%arg13 : memref<16x128xf32, #tpu.memory_space<vmem>>) target_semaphore(%run_scoped3A_591 : memref<!tpu.dma_semaphore, #tpu.memory_space<semaphore_mem>>)
          %dma_wait3A_596 = arith.constant 0 : i32
          %dma_wait3A_597 = tpu.memref_slice %arg5[%multiple_of3A_535, %dma_wait3A_596] : memref<40000x128xf32, #tpu.memory_space<hbm>> -> memref<16x128xf32, #tpu.memory_space<hbm>>
          %dma_wait3A_598 = arith.constant 0 : i32
          %dma_wait3A_599 = tpu.memref_slice %arg5[%multiple_of3A_535, %dma_wait3A_598] : memref<40000x128xf32, #tpu.memory_space<hbm>> -> memref<16x128xf32, #tpu.memory_space<hbm>>
          tpu.wait_dma2 semaphore(%run_scoped3A_591 : memref<!tpu.dma_semaphore, #tpu.memory_space<semaphore_mem>>) src(%dma_wait3A_599 : memref<16x128xf32, #tpu.memory_space<hbm>>) dst(%arg13 : memref<16x128xf32, #tpu.memory_space<vmem>>)
          tpu.yield
        }) : () -> ()
        %dma_wait3A_536 = arith.constant 1 : i32
        %dma_wait3A_537 = arith.constant 5 : i32
        %dma_wait3A_538 = arith.constant 0 : i32
        %dma_wait3A_539 = arith.constant 0 : i32
        %dma_wait3A_540 = tpu.memref_slice %arg12[%dma_wait3A_536, %dma_wait3A_538, %dma_wait3A_539] : memref<2x128x128xf32, #tpu.memory_space<vmem>> -> memref<1x128x128xf32, #tpu.memory_space<vmem>>
        %dma_wait3A_541 = tpu.memref_squeeze %dma_wait3A_540 : memref<1x128x128xf32, #tpu.memory_space<vmem>> -> memref<128x128xf32, #tpu.memory_space<vmem>>
        %dma_wait3A_542 = arith.constant 0 : i32
        %dma_wait3A_543 = tpu.memref_slice %arg10[%dma_wait3A_537, %dma_wait3A_542] : memref<8x128xi32, #tpu.memory_space<vmem>> -> memref<1x128xi32, #tpu.memory_space<vmem>>
        %dma_wait3A_544 = tpu.memref_squeeze %dma_wait3A_543 : memref<1x128xi32, #tpu.memory_space<vmem>> -> memref<128xi32, #tpu.memory_space<vmem>>
        %dma_wait3A_545 = arith.constant 0 : i32
        %dma_wait3A_546 = arith.constant 0 : i32
        %dma_wait3A_547 = tpu.memref_slice %arg8[%dma_wait3A_545, %dma_wait3A_546] : memref<10240x128xf32, #tpu.memory_space<vmem_shared>> -> memref<10240x128xf32, #tpu.memory_space<vmem_shared>>
        tpu.wait_indirect_dma semaphore(%arg17 : memref<!tpu.dma_semaphore, #tpu.memory_space<semaphore_mem>>) src(%dma_wait3A_541 : memref<128x128xf32, #tpu.memory_space<vmem>>) dst(%dma_wait3A_547 : memref<10240x128xf32, #tpu.memory_space<vmem_shared>>)
        %scan3A_548 = arith.constant 0 : i32
        %scan3A_549 = arith.constant 1 : i32
        %scan3A_550 = arith.constant 0 : i32
        %scan3A_551 = arith.constant 128 : i32
        %scan3A_552 = arith.addi %scan3A_550, %scan3A_551 : i32
        %scan3A_553 = arith.constant 1 : i32
        scf.for %scan3A_591 = %scan3A_550 to %scan3A_552 step %scan3A_553  : i32 {
          %jit3A_592 = arith.constant 8 : i32
          %div3A_593 = arith.divsi %scan3A_591, %jit3A_592 : i32
          %sign3A_594 = arith.constant 0 : i32
          %sign3A_595 = arith.cmpi sgt, %scan3A_591, %sign3A_594 : i32
          %sign3A_596 = arith.extui %sign3A_595 : i1 to i32
          %sign3A_597 = arith.constant 0 : i32
          %sign3A_598 = arith.cmpi slt, %scan3A_591, %sign3A_597 : i32
          %sign3A_599 = arith.extui %sign3A_598 : i1 to i32
          %sign3A_600 = arith.subi %sign3A_596, %sign3A_599 : i32
          %sign3A_601 = arith.constant 0 : i32
          %sign3A_602 = arith.cmpi sgt, %jit3A_592, %sign3A_601 : i32
          %sign3A_603 = arith.extui %sign3A_602 : i1 to i32
          %sign3A_604 = arith.constant 0 : i32
          %sign3A_605 = arith.cmpi slt, %jit3A_592, %sign3A_604 : i32
          %sign3A_606 = arith.extui %sign3A_605 : i1 to i32
          %sign3A_607 = arith.subi %sign3A_603, %sign3A_606 : i32
          %ne3A_608 = arith.cmpi ne, %sign3A_600, %sign3A_607 : i32
          %rem3A_609 = arith.remsi %scan3A_591, %jit3A_592 : i32
          %ne3A_610 = arith.constant 0 : i32
          %ne3A_611 = arith.cmpi ne, %rem3A_609, %ne3A_610 : i32
          %and3A_612 = arith.andi %ne3A_608, %ne3A_611 : i1
          %sub3A_613 = arith.constant 1 : i32
          %sub3A_614 = arith.subi %div3A_593, %sub3A_613 : i32
          %select_n3A_615 = arith.select %and3A_612, %sub3A_614, %div3A_593 : i32
          %jit3A_616 = arith.constant 8 : i32
          %eq3A_617 = arith.constant 0 : i32
          %eq3A_618 = arith.cmpi eq, %jit3A_616, %eq3A_617 : i32
          %jit3A_619 = arith.constant 1 : i32
          %select_n3A_620 = arith.select %eq3A_618, %jit3A_619, %jit3A_616 : i32
          %rem3A_621 = arith.remsi %scan3A_591, %select_n3A_620 : i32
          %ne3A_622 = arith.constant 0 : i32
          %ne3A_623 = arith.cmpi ne, %rem3A_621, %ne3A_622 : i32
          %lt3A = arith.constant 0 : i32
          %lt3A_624 = arith.cmpi slt, %rem3A_621, %lt3A : i32
          %lt3A_625 = arith.constant 0 : i32
          %lt3A_626 = arith.cmpi slt, %select_n3A_620, %lt3A_625 : i32
          %ne3A_627 = arith.xori %lt3A_624, %lt3A_626 : i1
          %and3A_628 = arith.andi %ne3A_627, %ne3A_623 : i1
          %add3A_629 = arith.addi %rem3A_621, %select_n3A_620 : i32
          %select_n3A_630 = arith.select %and3A_628, %add3A_629, %rem3A_621 : i32
          %mul3A_631 = arith.constant 16 : i32
          %mul3A_632 = arith.muli %select_n3A_630, %mul3A_631 : i32
          %get3A = arith.index_cast %select_n3A_615 : i32 to index
          %get3A_633 = arith.index_cast %mul3A_632 : i32 to index
          %get3A_634 = tpu.vector_load %arg13[%get3A, %get3A_633] {strides = array<i32>} : memref<16x128xf32, #tpu.memory_space<vmem>>, vector<16xf32>,
          %swap3A = arith.constant 0 : i32
          %swap3A_635 = arith.constant 0 : i32
          %swap3A_636 = tpu.memref_slice %arg12[%scan3A_549, %swap3A, %swap3A_635] : memref<2x128x128xf32, #tpu.memory_space<vmem>> -> memref<1x128x128xf32, #tpu.memory_space<vmem>>
          %swap3A_637 = tpu.memref_squeeze %swap3A_636 : memref<1x128x128xf32, #tpu.memory_space<vmem>> -> memref<128x128xf32, #tpu.memory_space<vmem>>
          %swap3A_638 = arith.index_cast %scan3A_591 : i32 to index
          %swap3A_639 = arith.constant 0 : index
          %swap3A_640 = tpu.vector_load %swap3A_637[%swap3A_638, %swap3A_639] {strides = array<i32>} : memref<128x128xf32, #tpu.memory_space<vmem>>, vector<16xf32>,
          tpu.vector_store %swap3A_637[%swap3A_638, %swap3A_639], %get3A_634 {strides = array<i32>} : memref<128x128xf32, #tpu.memory_space<vmem>>, vector<16xf32>,
        }
        %scan3A_554 = arith.constant 128 : i32
        %dma_start3A_555 = arith.constant 1 : i32
        %dma_start3A_556 = arith.constant 7 : i32
        %dma_start3A_557 = arith.constant 0 : i32
        %dma_start3A_558 = arith.constant 0 : i32
        %dma_start3A_559 = tpu.memref_slice %arg12[%dma_start3A_555, %dma_start3A_557, %dma_start3A_558] : memref<2x128x128xf32, #tpu.memory_space<vmem>> -> memref<1x128x128xf32, #tpu.memory_space<vmem>>
        %dma_start3A_560 = tpu.memref_squeeze %dma_start3A_559 : memref<1x128x128xf32, #tpu.memory_space<vmem>> -> memref<128x128xf32, #tpu.memory_space<vmem>>
        %dma_start3A_561 = arith.constant 0 : i32
        %dma_start3A_562 = tpu.memref_slice %arg10[%dma_start3A_556, %dma_start3A_561] : memref<8x128xi32, #tpu.memory_space<vmem>> -> memref<1x128xi32, #tpu.memory_space<vmem>>
        %dma_start3A_563 = tpu.memref_squeeze %dma_start3A_562 : memref<1x128xi32, #tpu.memory_space<vmem>> -> memref<128xi32, #tpu.memory_space<vmem>>
        %dma_start3A_564 = arith.constant 0 : i32
        %dma_start3A_565 = arith.constant 0 : i32
        %dma_start3A_566 = tpu.memref_slice %arg8[%dma_start3A_564, %dma_start3A_565] : memref<10240x128xf32, #tpu.memory_space<vmem_shared>> -> memref<10240x128xf32, #tpu.memory_space<vmem_shared>>
        tpu.enqueue_indirect_dma source(%dma_start3A_560 : memref<128x128xf32, #tpu.memory_space<vmem>>) target(%dma_start3A_566 : memref<10240x128xf32, #tpu.memory_space<vmem_shared>>) offsets(%dma_start3A_563 : memref<128xi32, #tpu.memory_space<vmem>>) semaphore(%arg17 : memref<!tpu.dma_semaphore, #tpu.memory_space<semaphore_mem>>) {add = true}
        %dma_wait3A_567 = arith.constant 0 : i32
        %dma_wait3A_568 = arith.constant 6 : i32
        %dma_wait3A_569 = arith.constant 0 : i32
        %dma_wait3A_570 = arith.constant 0 : i32
        %dma_wait3A_571 = tpu.memref_slice %arg12[%dma_wait3A_567, %dma_wait3A_569, %dma_wait3A_570] : memref<2x128x128xf32, #tpu.memory_space<vmem>> -> memref<1x128x128xf32, #tpu.memory_space<vmem>>
        %dma_wait3A_572 = tpu.memref_squeeze %dma_wait3A_571 : memref<1x128x128xf32, #tpu.memory_space<vmem>> -> memref<128x128xf32, #tpu.memory_space<vmem>>
        %dma_wait3A_573 = arith.constant 0 : i32
        %dma_wait3A_574 = tpu.memref_slice %arg10[%dma_wait3A_568, %dma_wait3A_573] : memref<8x128xi32, #tpu.memory_space<vmem>> -> memref<1x128xi32, #tpu.memory_space<vmem>>
        %dma_wait3A_575 = tpu.memref_squeeze %dma_wait3A_574 : memref<1x128xi32, #tpu.memory_space<vmem>> -> memref<128xi32, #tpu.memory_space<vmem>>
        %dma_wait3A_576 = arith.constant 0 : i32
        %dma_wait3A_577 = arith.constant 0 : i32
        %dma_wait3A_578 = tpu.memref_slice %arg8[%dma_wait3A_576, %dma_wait3A_577] : memref<10240x128xf32, #tpu.memory_space<vmem_shared>> -> memref<10240x128xf32, #tpu.memory_space<vmem_shared>>
        tpu.wait_indirect_dma semaphore(%arg16 : memref<!tpu.dma_semaphore, #tpu.memory_space<semaphore_mem>>) src(%dma_wait3A_572 : memref<128x128xf32, #tpu.memory_space<vmem>>) dst(%dma_wait3A_578 : memref<10240x128xf32, #tpu.memory_space<vmem_shared>>)
        %dma_wait3A_579 = arith.constant 1 : i32
        %dma_wait3A_580 = arith.constant 7 : i32
        %dma_wait3A_581 = arith.constant 0 : i32
        %dma_wait3A_582 = arith.constant 0 : i32
        %dma_wait3A_583 = tpu.memref_slice %arg12[%dma_wait3A_579, %dma_wait3A_581, %dma_wait3A_582] : memref<2x128x128xf32, #tpu.memory_space<vmem>> -> memref<1x128x128xf32, #tpu.memory_space<vmem>>
        %dma_wait3A_584 = tpu.memref_squeeze %dma_wait3A_583 : memref<1x128x128xf32, #tpu.memory_space<vmem>> -> memref<128x128xf32, #tpu.memory_space<vmem>>
        %dma_wait3A_585 = arith.constant 0 : i32
        %dma_wait3A_586 = tpu.memref_slice %arg10[%dma_wait3A_580, %dma_wait3A_585] : memref<8x128xi32, #tpu.memory_space<vmem>> -> memref<1x128xi32, #tpu.memory_space<vmem>>
        %dma_wait3A_587 = tpu.memref_squeeze %dma_wait3A_586 : memref<1x128xi32, #tpu.memory_space<vmem>> -> memref<128xi32, #tpu.memory_space<vmem>>
        %dma_wait3A_588 = arith.constant 0 : i32
        %dma_wait3A_589 = arith.constant 0 : i32
        %dma_wait3A_590 = tpu.memref_slice %arg8[%dma_wait3A_588, %dma_wait3A_589] : memref<10240x128xf32, #tpu.memory_space<vmem_shared>> -> memref<10240x128xf32, #tpu.memory_space<vmem_shared>>
        tpu.wait_indirect_dma semaphore(%arg17 : memref<!tpu.dma_semaphore, #tpu.memory_space<semaphore_mem>>) src(%dma_wait3A_584 : memref<128x128xf32, #tpu.memory_space<vmem>>) dst(%dma_wait3A_590 : memref<10240x128xf32, #tpu.memory_space<vmem_shared>>)
      }
      %scan3A_59 = arith.constant 20 : i32
    } else {
    }
    %barrier3A_41 = arith.constant 0 : index
    tpu.barrier barrier_id(%barrier3A_41)
    %mul3A_42 = arith.constant 640 : i32
    %mul3A_43 = arith.muli %arg1, %mul3A_42 : i32
    %eq3A_44 = arith.constant 0 : i32
    %eq3A_45 = arith.cmpi eq, %arg0, %eq3A_44 : i32
    %convert_element_type3A_46 = arith.extui %eq3A_45 : i1 to i32
    %cond3A_47 = arith.constant 0 : i32
    %cond3A_48 = arith.cmpi ne, %convert_element_type3A_46, %cond3A_47 : i32
    scf.if %cond3A_48 {
      "tpu.region"() ({
        %run_scoped3A_54 = tpu.sem_alloc : memref<!tpu.dma_semaphore, #tpu.memory_space<semaphore_mem>>
        %dma_start3A = arith.constant 0 : i32
        %dma_start3A_55 = tpu.memref_slice %arg6[%mul3A_43, %dma_start3A] : memref<10240x128xf32, #tpu.memory_space<hbm>> -> memref<640x128xf32, #tpu.memory_space<hbm>>
        %dma_start3A_56 = arith.constant 0 : i32
        %dma_start3A_57 = tpu.memref_slice %arg8[%mul3A_43, %dma_start3A_56] : memref<10240x128xf32, #tpu.memory_space<vmem_shared>> -> memref<640x128xf32, #tpu.memory_space<vmem_shared>>
        tpu.enqueue_dma source(%dma_start3A_57 : memref<640x128xf32, #tpu.memory_space<vmem_shared>>) target(%dma_start3A_55 : memref<640x128xf32, #tpu.memory_space<hbm>>) target_semaphore(%run_scoped3A_54 : memref<!tpu.dma_semaphore, #tpu.memory_space<semaphore_mem>>)
        %dma_wait3A = arith.constant 0 : i32
        %dma_wait3A_58 = tpu.memref_slice %arg6[%mul3A_43, %dma_wait3A] : memref<10240x128xf32, #tpu.memory_space<hbm>> -> memref<640x128xf32, #tpu.memory_space<hbm>>
        %dma_wait3A_59 = arith.constant 0 : i32
        %dma_wait3A_60 = tpu.memref_slice %arg8[%mul3A_43, %dma_wait3A_59] : memref<10240x128xf32, #tpu.memory_space<vmem_shared>> -> memref<640x128xf32, #tpu.memory_space<vmem_shared>>
        tpu.wait_dma2 semaphore(%run_scoped3A_54 : memref<!tpu.dma_semaphore, #tpu.memory_space<semaphore_mem>>) src(%dma_wait3A_60 : memref<640x128xf32, #tpu.memory_space<vmem_shared>>) dst(%dma_wait3A_58 : memref<640x128xf32, #tpu.memory_space<hbm>>)
        tpu.yield
      }) : () -> ()
    } else {
    }
    %eq3A_49 = arith.constant 1 : i32
    %eq3A_50 = arith.cmpi eq, %arg0, %eq3A_49 : i32
    %convert_element_type3A_51 = arith.extui %eq3A_50 : i1 to i32
    %cond3A_52 = arith.constant 0 : i32
    %cond3A_53 = arith.cmpi ne, %convert_element_type3A_51, %cond3A_52 : i32
    scf.if %cond3A_53 {
      "tpu.region"() ({
        %run_scoped3A_54 = tpu.sem_alloc : memref<!tpu.dma_semaphore, #tpu.memory_space<semaphore_mem>>
        %dma_start3A = arith.constant 0 : i32
        %dma_start3A_55 = tpu.memref_slice %arg7[%mul3A_43, %dma_start3A] : memref<10240x128xf32, #tpu.memory_space<hbm>> -> memref<640x128xf32, #tpu.memory_space<hbm>>
        %dma_start3A_56 = arith.constant 0 : i32
        %dma_start3A_57 = tpu.memref_slice %arg8[%mul3A_43, %dma_start3A_56] : memref<10240x128xf32, #tpu.memory_space<vmem_shared>> -> memref<640x128xf32, #tpu.memory_space<vmem_shared>>
        tpu.enqueue_dma source(%dma_start3A_57 : memref<640x128xf32, #tpu.memory_space<vmem_shared>>) target(%dma_start3A_55 : memref<640x128xf32, #tpu.memory_space<hbm>>) target_semaphore(%run_scoped3A_54 : memref<!tpu.dma_semaphore, #tpu.memory_space<semaphore_mem>>)
        %dma_wait3A = arith.constant 0 : i32
        %dma_wait3A_58 = tpu.memref_slice %arg7[%mul3A_43, %dma_wait3A] : memref<10240x128xf32, #tpu.memory_space<hbm>> -> memref<640x128xf32, #tpu.memory_space<hbm>>
        %dma_wait3A_59 = arith.constant 0 : i32
        %dma_wait3A_60 = tpu.memref_slice %arg8[%mul3A_43, %dma_wait3A_59] : memref<10240x128xf32, #tpu.memory_space<vmem_shared>> -> memref<640x128xf32, #tpu.memory_space<vmem_shared>>
        tpu.wait_dma2 semaphore(%run_scoped3A_54 : memref<!tpu.dma_semaphore, #tpu.memory_space<semaphore_mem>>) src(%dma_wait3A_60 : memref<640x128xf32, #tpu.memory_space<vmem_shared>>) dst(%dma_wait3A_58 : memref<640x128xf32, #tpu.memory_space<hbm>>)
        tpu.yield
      }) : () -> ()
    } else {
    }
    return
  }
}

module attributes {stable_mosaic.version = 14 : i64} {
  func.func @_tc_finish(%arg0: i32, %arg1: memref<1000x128xf32, #tpu.memory_space<vmem>>, %arg2: memref<1000x128xf32, #tpu.memory_space<vmem>>, %arg3: memref<144x128xf32, #tpu.memory_space<vmem>>, %arg4: memref<1x128xf32, #tpu.memory_space<vmem>>, %arg5: memref<1000x128xf32, #tpu.memory_space<vmem>>) attributes {dimension_semantics = [#tpu.dimension_semantics<arbitrary>], iteration_bounds = array<i64: 10>, scalar_prefetch = 0 : i64, scratch_operands = 0 : i64, tpu.core_type = #tpu.core_type<tc>, window_params = [{transform_indices = @transform_0, window_bounds = array<i64: 1000, 128>}, {transform_indices = @transform_1, window_bounds = array<i64: 1000, 128>}, {pipeline_mode = #tpu.pipeline_mode<synchronous>, transform_indices = @transform_2, window_bounds = array<i64: 144, 128>}, {pipeline_mode = #tpu.pipeline_mode<synchronous>, transform_indices = @transform_3, window_bounds = array<i64: 1, 128>}, {transform_indices = @transform_4, window_bounds = array<i64: 1000, 128>}]} {
    %get3A = arith.constant 0 : index
    %get3A_0 = arith.constant 0 : index
    %get3A_1 = vector.load %arg1[%get3A, %get3A_0] : memref<1000x128xf32, #tpu.memory_space<vmem>>, vector<1000x128xf32>
    %get3A_2 = arith.constant 0 : index
    %get3A_3 = arith.constant 0 : index
    %get3A_4 = vector.load %arg2[%get3A_2, %get3A_3] : memref<1000x128xf32, #tpu.memory_space<vmem>>, vector<1000x128xf32>
    %slice3A = vector.extract_strided_slice %get3A_4 {offsets = [0, 16], sizes = [1000, 1], strides = [1, 1]} : vector<1000x128xf32> to vector<1000x1xf32>
    %get3A_5 = arith.constant 0 : index
    %get3A_6 = arith.constant 0 : index
    %get3A_7 = vector.load %arg3[%get3A_5, %get3A_6] : memref<144x128xf32, #tpu.memory_space<vmem>>, vector<128x128xf32>
    %dot_general3A = arith.constant dense<0.000000e+00> : vector<1000x128xf32>
    %dot_general3A_8 = tpu.matmul %get3A_1, %get3A_7, %dot_general3A {dimension_numbers = #tpu.dot_dimension_numbers<[1], [0], [0], [1], [0, 0, 1, 1], [], []>, transpose_lhs_hint = false} : vector<1000x128xf32>, vector<128x128xf32>, vector<1000x128xf32> -> vector<1000x128xf32>
    %slice3A_9 = vector.extract_strided_slice %get3A_4 {offsets = [0, 0], sizes = [1000, 16], strides = [1, 1]} : vector<1000x128xf32> to vector<1000x16xf32>
    %get3A_10 = arith.constant 128 : index
    %get3A_11 = arith.constant 0 : index
    %get3A_12 = vector.load %arg3[%get3A_10, %get3A_11] : memref<144x128xf32, #tpu.memory_space<vmem>>, vector<16x128xf32>
    %dot_general3A_13 = arith.constant dense<0.000000e+00> : vector<1000x128xf32>
    %dot_general3A_14 = tpu.matmul %slice3A_9, %get3A_12, %dot_general3A_13 {dimension_numbers = #tpu.dot_dimension_numbers<[1], [0], [0], [1], [0, 0, 1, 1], [], []>, transpose_lhs_hint = false} : vector<1000x16xf32>, vector<16x128xf32>, vector<1000x128xf32> -> vector<1000x128xf32>
    %add3A = arith.addf %dot_general3A_8, %dot_general3A_14 : vector<1000x128xf32>
    %get3A_15 = arith.constant 0 : index
    %get3A_16 = arith.constant 0 : index
    %get3A_17 = vector.load %arg4[%get3A_15, %get3A_16] : memref<1x128xf32, #tpu.memory_space<vmem>>, vector<1x128xf32>
    %mul3A = vector.broadcast %slice3A : vector<1000x1xf32> to vector<1000x128xf32>
    %mul3A_18 = vector.broadcast %get3A_17 : vector<1x128xf32> to vector<1000x128xf32>
    %mul3A_19 = arith.mulf %mul3A, %mul3A_18 : vector<1000x128xf32>
    %add3A_20 = arith.addf %add3A, %mul3A_19 : vector<1000x128xf32>
    %max3A = arith.constant 1.000000e+00 : f32
    %max3A_21 = vector.broadcast %max3A : f32 to vector<1000x1xf32>
    %max3A_22 = arith.maximumf %slice3A, %max3A_21 : vector<1000x1xf32>
    %div3A = vector.broadcast %max3A_22 : vector<1000x1xf32> to vector<1000x128xf32>
    %div3A_23 = arith.divf %add3A_20, %div3A : vector<1000x128xf32>
    %swap3A = arith.constant 0 : index
    %swap3A_24 = arith.constant 0 : index
    %swap3A_25 = vector.load %arg5[%swap3A, %swap3A_24] : memref<1000x128xf32, #tpu.memory_space<vmem>>, vector<1000x128xf32>
    tpu.vector_store %arg5[%swap3A, %swap3A_24], %div3A_23 {strides = array<i32>} : memref<1000x128xf32, #tpu.memory_space<vmem>>, vector<1000x128xf32>,
    return
  }
  func.func @transform_0(%arg0: i32) -> (i32, i32) {
    %c0_i32 = arith.constant 0 : i32
    %c0_i32_0 = arith.constant 0 : i32
    return %arg0, %c0_i32 : i32, i32
  }
  func.func @transform_1(%arg0: i32) -> (i32, i32) {
    %c0_i32 = arith.constant 0 : i32
    %c0_i32_0 = arith.constant 0 : i32
    return %arg0, %c0_i32 : i32, i32
  }
  func.func @transform_2(%arg0: i32) -> (i32, i32) {
    %c0_i32 = arith.constant 0 : i32
    %c0_i32_0 = arith.constant 0 : i32
    %c0_i32_1 = arith.constant 0 : i32
    return %c0_i32, %c0_i32_0 : i32, i32
  }
  func.func @transform_3(%arg0: i32) -> (i32, i32) {
    %c0_i32 = arith.constant 0 : i32
    %c0_i32_0 = arith.constant 0 : i32
    %c0_i32_1 = arith.constant 0 : i32
    return %c0_i32, %c0_i32_0 : i32, i32
  }
  func.func @transform_4(%arg0: i32) -> (i32, i32) {
    %c0_i32 = arith.constant 0 : i32
    %c0_i32_0 = arith.constant 0 : i32
    return %arg0, %c0_i32 : i32, i32
  }
}

</mosaic_0001>

<sc_bundles>
// kernel: kernel.4.cloned.1.call-start
scs
__scs_entry_jumppad:
0x0: {  	(pc) =	sbr.rel $0x88, $3  }
0x1: {  	(tag) =	ssettag $0x0;
	lr =	simm.s32 $0x1  }
0x2: {  	[smem:$0x3F9C] =	sst lr;
	_ =	strace $0xD0000000  }
0x3: {  	_ = 	snop  }
0x4: {  	_ = 	snop  }
0x5: {  	_ = 	snop  }
0x6: {  	_ = 	snop  }
0x7: {  	_ = 	snop  }
__scs_overlays_trampoline_lowered:
0x8: {  	[smem:$0x3FAB] =	sst s0  }
0x9: {  	[smem:$0x3FAC] =	sst s1  }
0xa: {  	[smem:$0x3FAD] =	sst s2  }
0xb: {  	[smem:$0x3FAE] =	sst s3  }
0xc: {  	[smem:$0x3FAF] =	sst s4  }
0xd: {  	[smem:$0x3FB0] =	sst s5  }
0xe: {  	[smem:$0x3FB1] =	sst s6  }
0xf: {  	[smem:$0x3FB2] =	sst s7  }
0x10: {  	[smem:$0x3FB3] =	sst s8  }
0x11: {  	[smem:$0x3FB4] =	sst s9;
	s0 =	simm.s32 @!p0 $0x0  }
0x12: {  	s1 =	sld [smem:$0x3F9A];
	s0 =	simm.s32 @p0 $0x1  }
0x13: {  	[smem:$0x3FB5] =	sst s0;
	s0 =	simm.s32 @!p1 $0x0  }
0x14: {  	s2 =	sld [smem:$0x3F99];
	s0 =	simm.s32 @p1 $0x1  }
0x15: {  	[smem:$0x3FB6] =	sst s0;
	s0 =	simm.s32 @!p2 $0x0  }
0x16: {  	s3 =	sld [smem:$0x3FDB];
	s0 =	simm.s32 @p2 $0x1  }
0x17: {  	s4 =	simm.s32 $0x1BF5;
	[smem:$0x3FB8] =	sst s0  }
0x18: {  	s0 =	sld [smem:$0x3F9B];
	_ =	swait.ge [sflag:s4], $0x0  }
0x19: {  	s7 =	sld [smem:$0x3F9C]  }
0x1a: {  	s8 =	sadd.s32 $0xFFFFE003, lr  }
0x1b: {  	s9 =	sadd.s32 $0xFFFFFEF7, lr;
	s5 =	simm.s32 $0xFFFFFFFF;
	p2 =	slt.u32 s8, $0xFFFFF086  }
0x1c: {  	p1 =	slt.u32 s9, $0xF7A;
	s5 =	simm.s32 @!p2 $0x0  }
0x1d: {  	s5 =	simm.s32 @p1 $0x1;
	p0 =	seq.s32 s7, s2  }
0x1e: {  	s7 =	smul.u32 @!p0 $0xF7A, s2;
	p2 =	seq.s32 @!p0 s5, $0x0  }
0x1f: {  	s9 =	smul.u32 $0xF7A, s1;
	s8 =	simm.s32 @!p0 $0x1BF5;
	p2 =	por !p2, p0  }
0x20: {  	[sflag:s8] =	ssyncset.s32 @!p0 $0xFFFFF086;
	s6 =	sadd.s32 @!p0 s3, s7;
	s7 =	simm.s32 @!p0 $0x108  }
0x21: {  	s3 =	sadd.s32 s3, s9;
	s6 =	sadd.s32 @!p0 $0x88, s6;
	s7 =	simm.s32 @p2 $0x1082  }
0x22: {  	[simem:s7], [sflag:s8] =	dma.local @!p0 [hbm:s6], $0xF7A  }
0x23: {  	s9 =	sor.u32 $0xD0000000, s2;
	s6 =	simm.s32 $0x108;
	_ =	swait.ge @!p0 [sflag:s8], $0x0  }
0x24: {  	s3 =	sadd.s32 $0x88, s3;
	s6 =	simm.s32 @!p1 $0x1082;
	[sflag:s4] =	ssyncset.s32 $0xFFFFF086  }
0x25: {  	[simem:s6], [sflag:s4] =	dma.local [hbm:s3], $0xF7A  }
0x26: {  	[smem:$0x3F9C] =	sst s1;
	(tag) =	ssettag s2;
	_ =	strace s9  }
0x27: {  	s1 =	sld [smem:$0x3FAC]  }
0x28: {  	s2 =	sld [smem:$0x3FAD]  }
0x29: {  	s4 =	sld [smem:$0x3FAF]  }
0x2a: {  	p0 =	seq.s32 s5, $0x0;
	s5 =	sld [smem:$0x3FB0]  }
0x2b: {  	s6 =	sld [smem:$0x3FB1]  }
0x2c: {  	s7 =	sld [smem:$0x3FB2]  }
0x2d: {  	s3 =	simm.s32 $0x108;
	s8 =	sld [smem:$0x3FB3]  }
0x2e: {  	s3 =	simm.s32 @!p0 $0x1082;
	s9 =	sld [smem:$0x3FB4]  }
0x2f: {  	lr =	sadd.s32 s0, s3;
	s0 =	sld [smem:$0x3FAB]  }
0x30: {  	s3 =	sld [smem:$0x3FAE]  }
0x31: {  	[smem:$0x3FB7] =	sst s10  }
0x32: {  	s10 =	sld [smem:$0x3FB5];
	_ =	sdelay $0x3  }
0x33: {  	p0 =	seq.s32 s10, $0x1;
	s10 =	sld [smem:$0x3FB7];
	_ =	sdelay $0x3  }
0x34: {  	[smem:$0x3FB7] =	sst s10  }
0x35: {  	s10 =	sld [smem:$0x3FB6];
	_ =	sdelay $0x3  }
0x36: {  	p1 =	seq.s32 s10, $0x1;
	s10 =	sld [smem:$0x3FB7];
	_ =	sdelay $0x3  }
0x37: {  	[smem:$0x3FB7] =	sst s10  }
0x38: {  	s10 =	sld [smem:$0x3FB8]  }
0x39: {  	_ = 	snop;
	(pc) =	sbr.ind lr, $3  }
0x3a: {  	_ = 	snop  }
0x3b: {  	_ = 	snop  }
0x3c: {  	p2 =	seq.s32 s10, $0x1;
	s10 =	sld [smem:$0x3FB7]  }
0x3d: {  	_ =	shalt  }
0x3e: {  	_ =	shalt  }
0x3f: {  	_ =	shalt  }
0x40: {  	_ =	shalt  }
0x41: {  	_ =	shalt  }
0x42: {  	_ =	shalt  }
0x43: {  	_ =	shalt  }
0x44: {  	_ =	shalt  }
0x45: {  	_ =	shalt  }
0x46: {  	_ =	shalt  }
0x47: {  	_ =	shalt  }
0x48: {  	_ =	shalt  }
0x49: {  	_ =	shalt  }
0x4a: {  	_ =	shalt  }
0x4b: {  	_ =	shalt  }
0x4c: {  	_ =	shalt  }
0x4d: {  	_ =	shalt  }
0x4e: {  	_ =	shalt  }
0x4f: {  	_ =	shalt  }
0x50: {  	_ =	shalt  }
0x51: {  	_ =	shalt  }
0x52: {  	_ =	shalt  }
0x53: {  	_ =	shalt  }
0x54: {  	_ =	shalt  }
0x55: {  	_ =	shalt  }
0x56: {  	_ =	shalt  }
0x57: {  	_ =	shalt  }
0x58: {  	_ =	shalt  }
0x59: {  	_ =	shalt  }
0x5a: {  	_ =	shalt  }
0x5b: {  	_ =	shalt  }
0x5c: {  	_ =	shalt  }
0x5d: {  	_ =	shalt  }
0x5e: {  	_ =	shalt  }
0x5f: {  	_ =	shalt  }
0x60: {  	_ =	shalt  }
0x61: {  	_ =	shalt  }
0x62: {  	_ =	shalt  }
0x63: {  	_ =	shalt  }
0x64: {  	_ =	shalt  }
0x65: {  	_ =	shalt  }
0x66: {  	_ =	shalt  }
0x67: {  	_ =	shalt  }
0x68: {  	_ =	shalt  }
0x69: {  	_ =	shalt  }
0x6a: {  	_ =	shalt  }
0x6b: {  	_ =	shalt  }
0x6c: {  	_ =	shalt  }
0x6d: {  	_ =	shalt  }
0x6e: {  	_ =	shalt  }
0x6f: {  	_ =	shalt  }
0x70: {  	_ =	shalt  }
0x71: {  	_ =	shalt  }
0x72: {  	_ =	shalt  }
0x73: {  	_ =	shalt  }
0x74: {  	_ =	shalt  }
0x75: {  	_ =	shalt  }
0x76: {  	_ =	shalt  }
0x77: {  	_ =	shalt  }
0x78: {  	_ =	shalt  }
0x79: {  	_ =	shalt  }
0x7a: {  	_ =	shalt  }
0x7b: {  	_ =	shalt  }
0x7c: {  	_ =	shalt  }
0x7d: {  	_ =	shalt  }
0x7e: {  	_ =	shalt  }
0x7f: {  	_ =	shalt  }
0x80: {  	_ =	shalt  }
0x81: {  	_ =	shalt  }
0x82: {  	_ =	shalt  }
0x83: {  	_ =	shalt  }
0x84: {  	_ =	shalt  }
0x85: {  	_ =	shalt  }
0x86: {  	_ =	shalt  }
0x87: {  	_ =	shalt  }
.Lfunc_end0:
.L_simem_size_0:
called_computation_lowered:
.L_overlay_start_0:
0x88: {  	s2 =	sld [smem:$0x3FD9]  }
0x89: {  	s3 =	sld [smem:$0x3FFE];
	_ =	sdelay $0x1  }
0x8a: {  	s1 =	srdreg.scid  }
0x8b: {  	s0 =	sand.u32 $0x1, s1  }
0x8c: {  	s17 =	sshll.u32 s0, $0xA;
	s2 =	sadd.s32 s3, s2  }
0x8d: {  	s2 =	sadd.s32 s2, s17  }
0x8e: {  	[smem:$0x3FC3] =	sst s2  }
0x8f: {  	_ = 	snop  }
0x90: {  	s2 =	sld [smem:$0x3FD0];
	(tm) =	ssettm $0x1  }
0x91: {  	s18 =	sld [smem:$0x3FFB];
	_ =	sdelay $0x3  }
0x92: {  	_ =	strace s18  }
0x93: {  	s3 =	sld [smem:$0x3FFC];
	_ =	sdelay $0x3  }
0x94: {  	_ =	strace s3  }
0x95: {  	s3 =	sld [smem:$0x3FFD];
	_ =	sdelay $0x3  }
0x96: {  	_ =	strace s3  }
0x97: {  	_ =	strace $0x8FFFFFFF  }
0x98: {  	s19 =	sld [smem:$0x3FDB];
	_ =	sdelay $0x1  }
0x99: {  	s4 =	simm.s32 $_scs_section_size  }
0x9a: {  	s5 =	simm.s32 $_size__tile_overlayer_lowered;
	s6 =	simm.s32 $_tile_overlayer_lowered  }
0x9b: {  	s22 =	simm.s32 $0x1BFF;
	s21 =	sshll.u32 s6, $0x1;
	s3 =	sadd.s32 s4, s19  }
0x9c: {  	s7 =	simm.s32 $0x0;
	s20 =	sshll.u32 s5, $0x1;
	s5 =	sadd.s32 s21, s3  }
0x9d: {  	[timem:s7], [sflag:s22] =	dma.local [hbm:s5], s20  }
0x9e: {  	_ =	swait.ge [sflag:s22], s20  }
0x9f: {  	s4 =	ssub.s32 $0x0, s20;
	[sflag:s22] =	ssyncset.done $0x0  }
0xa0: {  	[sflag:s22] =	ssyncadd.s32 s4;
	_ =	sdelay $0x1  }
0xa1: {  	s23 =	simm.s32 $0x1B8B  }
0xa2: {  	_ =	swait.ge [sflag:s23], $0x1  }
0xa3: {  	[sflag:s23] =	ssyncset.done $0x0  }
0xa4: {  	s25 =	simm.s32 $0x1B8E;
	s24 =	sld [smem:$0x3FFE];
	[sflag:s23] =	ssyncadd.s32 $0xFFFFFFFF  }
0xa5: {  	s26 =	simm.s32 $execute0_lowered;
	[smem:$0x3FD2] =	sst s25  }
0xa6: {  	s5 =	sshll.u32 s26, $0x1;
	_ =	strace $0x80000046;
	[dreg:$0x1] =	wrdreg $0xFFFFFFFF  }
0xa7: {  	s28 =	simm.s32 $_size_execute0_lowered;
	s3 =	sadd.s32 s3, s5;
	[dreg:$0x0] =	wrdreg $0x0  }
0xa8: {  	s5 =	sshll.u32 s28, $0x1;
	[dreg:$0x2] =	wrdreg s3  }
0xa9: {  	[dreg:$0x3] =	wrdreg s5  }
0xaa: {  	[dreg:$0x4] =	wrdreg $0xC0  }
0xab: {  	_ =	task [dreg:s7], $0x5FFFF  }
0xac: {  	[dreg:$0x1] =	wrdreg $0xFFFFFFFF  }
0xad: {  	[dreg:$0x0] =	wrdreg $0x60  }
0xae: {  	[dreg:$0x2] =	wrdreg s24  }
0xaf: {  	[dreg:$0x3] =	wrdreg s2  }
0xb0: {  	[dreg:$0x4] =	wrdreg $0x0  }
0xb1: {  	[dreg:$0x5] =	wrdreg $0x9  }
0xb2: {  	_ =	task.clear_ibuf [dreg:s7], $0x6FFFF;
	_ =	strace $0x90000046  }
0xb3: {  	s29 =	simm.s32 $0x9;
	_ =	strace $0x80000048  }
0xb4: {  	_ =	swait.ge [sflag:s29], $0x1  }
0xb5: {  	[sflag:s29] =	ssyncadd.s32 $0xFFFFFFFF  }
0xb6: {  	_ =	strace $0x90000048  }
0xb7: {  	_ =	sfence  }
0xb8: {  	s30 =	sld [smem:$0x0];
	_ =	sdelay $0x2  }
0xb9: {  	s31 =	sshll.u32 s1, $0xD;
	s1 =	sshrl.u32 s1, $0x2  }
0xba: {  	s3 =	sand.u32 $0x4000, s31;
	s1 =	sadd.s32 s1, s30  }
0xbb: {  	s0 =	sor.u32 s3, s0;
	s1 =	sshll.u32 s1, $0x11  }
0xbc: {  	s0 =	sor.u32 s1, s0  }
0xbd: {  	s0 =	sadd.s32 $0x8F2B, s0  }
0xbe: {  	[sflag:s0] =	ssyncadd.remote.s32 $0x1  }
0xbf: {  	_ =	sfence.sel $0xFFFF  }
0xc0: {  	[dreg:$0x0] =	wrdreg $0xFFFFFFFF;
	(pc) =	sbr.abs _section_cstart, $3  }
0xc1: {  	[dreg:$0x1] =	wrdreg $0xFFFFFFFF  }
0xc2: {  	_ =	task.clear_ibuf [dreg:s7], $0x2FFFF;
	_ =	strace $0x9FFFFFFF  }
0xc3: {  	(tm) =	ssettm $0x7FFFFFFF  }
tec
execute0_lowered:
.L_overlay_start_1:
0x0: {  	(tag) =	ssettag $0x1  }
0x1: {  	s0 =	rddreg [dreg:$0x0]  }
0x2: {  	s1 =	rddreg [dreg:$0x1]  }
0x3: {  	s2 =	rddreg [dreg:$0x2]  }
0x4: {  	s29 =	simm.s32 $0x0;
	s3 =	srdreg.scid;
	s8 =	stileid.u32  }
0x5: {  	s28 =	simm.s32 $0x5;
	s30 =	simm.s32 $0x14400;
	s31 =	simm.s32 $0x40  }
0x6: {  	[smem:$0x7FF] =	sst s29;
	s10 =	sadd.s32 $0xAA00, s0;
	s9 =	sadd.s32 $0xA00, s0  }
0x7: {  	s7 =	sadd.s32 $0x4E2A00, s0;
	s4 =	sadd.s32 $0x14A00, s0;
	s5 =	smul.u32 $0x50000, s8  }
0x8: {  	s0 =	sadd.s32 $0x3CA00, s0;
	_ =	strace $0x80000047;
	[dreg:$0x7] =	wrdreg s4  }
0x9: {  	s3 =	sand.u32 $0x1, s3;
	s6 =	smul.u32 $0x14000, s8;
	[dreg:$0x8] =	wrdreg s0  }
0xa: {  	s13 =	smul.u32 $0xA00, s8;
	s26 =	ssub.s32 $0x2, s3;
	[dreg:$0x6] =	wrdreg s9  }
0xb: {  	p0 =	seq.s32 s3, $0x0;
	s3 =	simm.s32 $0x1A800;
	[dreg:$0x5] =	wrdreg s10  }
0xc: {  	s11 =	sshrl.u32 s26, $0x1;
	s12 =	sshrl.u32 s5, $0x2;
	s20 =	sadd.s32 s6, s2  }
0xd: {  	s17 =	sadd.s32 s9, s13;
	s9 =	simm.s32 $0x15800;
	s13 =	simm.s32 $0x2  }
0xe: {  	s5 =	simm.s32 $0x14680;
	s0 =	ssub.s32 s26, s11;
	[dreg:$0xe] =	wrdreg s17  }
0xf: {  	s4 =	sadd.s32 s12, s2;
	s26 =	sshrl.u32 s6, $0x3;
	[dreg:$0x9] =	wrdreg s20  }
0x10: {  	s11 =	smul.u32 $0x5000, s8;
	s14 =	sadd.s32 $0x4000, s4;
	[dreg:$0x16] =	wrdreg s26  }
0x11: {  	s8 =	simm.s32 $0x3;
	s15 =	sadd.s32 $0x8000, s4;
	[dreg:$0xa] =	wrdreg s14  }
0x12: {  	s12 =	simm.s32 $0x14580;
	s16 =	sadd.s32 $0xC000, s4;
	[dreg:$0xb] =	wrdreg s15  }
0x13: {  	s6 =	simm.s32 $0x14700;
	s4 =	sadd.s32 $0x10000, s4;
	[dreg:$0xc] =	wrdreg s16  }
0x14: {  	s17 =	simm.s32 $0x1E800;
	s0 =	smax.u32 s0, $0x1;
	[dreg:$0xd] =	wrdreg s4  }
0x15: {  	s26 =	simm.s32 $0x16800;
	s18 =	sor.u32 $0x80, s11;
	[dreg:$0x17] =	wrdreg s0  }
0x16: {  	s19 =	sor.u32 $0x100, s11;
	s21 =	sor.u32 $0x180, s11;
	[dreg:$0xf] =	wrdreg s18  }
0x17: {  	s22 =	sor.u32 $0x200, s11;
	s23 =	sor.u32 $0x280, s11;
	[dreg:$0x10] =	wrdreg s19  }
.Ltmp0:
0x18: {  	s24 =	sor.u32 $0x300, s11;
	[dreg:$0x11] =	wrdreg s21;
	(pc) =	sbr.rel .LBB2_1-.Ltmp0, $4  }
0x19: {  	s25 =	sor.u32 $0x380, s11;
	s0 =	simm.s32 $0x14800;
	[dreg:$0x12] =	wrdreg s22  }
0x1a: {  	s4 =	simm.s32 $0x1;
	s15 =	simm.s32 $0x80;
	[dreg:$0x13] =	wrdreg s23  }
0x1b: {  	s14 =	simm.s32 $0x14600;
	s16 =	simm.s32 $0x14780;
	[dreg:$0x14] =	wrdreg s24  }
0x1c: {  	v0 =	vimm.f32 $0.0e+00;
	vm0 =	vcmask $0x300;
	[dreg:$0x15] =	wrdreg s25;
	s24 =	simm.s32 $0x14500;
	s25 =	simm.s32 $0x4  }
.LBB2_62:
0x1d: {  	s10 =	rddreg [dreg:$0x16];
	s22 =	stileid.u32;
	[bflag:$0x0] =	sbarrier.arrive $0xFFFF  }
0x1e: {  	s10 =	sadd.s32 s18, s10;
	s18 =	sshll.u32 s22, $0x6;
	s20 =	rddreg [dreg:$0x9]  }
0x1f: {  	s18 =	sor.u32 $0x1C05, s18;
	s19 =	sshrl.u32 s20, $0x3  }
0x20: {  	[hbm:s10], [sflag:s18] =	dma.local [spmem:s19], $0x2800  }
0x21: {  	_ =	swait.ge [sflag:s28], $0x2800  }
0x22: {  	s29 =	sadd.s32 $0x1, s29;
	s23 =	rddreg [dreg:$0x17]  }
0x23: {  	p1 =	sne.s32 s29, s23  }
.Ltmp1:
0x24: {  	_ = 	snop;
	(pc) =	sbr.rel @!p1 .LBB2_63-.Ltmp1, $3  }
0x25: {  	_ =	sdelay $0x1  }
0x26: {  	[sflag:s28] =	ssyncset.done $0x0  }
0x27: {  	s10 =	rddreg [dreg:$0x5];
	[sflag:s28] =	ssyncadd.s32 $0xFFFFD800  }
.LBB2_1:
0x28: {  	s18 =	simm.s32 $0x0;
	s19 =	simm.s32 $0x200  }
.LBB2_2:
0x29: {  	p1 =	sne.s32 s19, $0xFE00;
	[tilespmem:s18+$0x16870] =	vst v0  }
0x2a: {  	[tilespmem:s18+$0x16800] =	vst v0  }
0x2b: {  	[tilespmem:s18+$0x16810] =	vst v0  }
.Ltmp2:
0x2c: {  	[tilespmem:s18+$0x16820] =	vst v0;
	(pc) =	sbr.rel @p1 .LBB2_2-.Ltmp2, $4  }
0x2d: {  	[tilespmem:s18+$0x16830] =	vst v0  }
0x2e: {  	[tilespmem:s18+$0x16840] =	vst v0  }
0x2f: {  	[tilespmem:s18+$0x16850] =	vst v0  }
0x30: {  	[tilespmem:s18+$0x16860] =	vst v0;
	s18 =	sshra.s32 s19, $0x2;
	s19 =	sadd.s32 $0x200, s19  }
0x31: {  	[tilespmem:s18+$0x16870] =	vst v0  }
0x32: {  	[tilespmem:s18+$0x16800] =	vst v0  }
0x33: {  	[tilespmem:s18+$0x16810] =	vst v0  }
0x34: {  	[tilespmem:s18+$0x16820] =	vst v0  }
0x35: {  	[tilespmem:s18+$0x16830] =	vst v0  }
0x36: {  	[tilespmem:s18+$0x16840] =	vst v0  }
0x37: {  	[tilespmem:s18+$0x16850] =	vst v0  }
0x38: {  	[tilespmem:s18+$0x16860] =	vst v0  }
0x39: {  	[spmem:s20] =	stream.linear.scatter [tilespmem:s26], [sflag:$0x5], $0x4000, $0x38;
	[tilespmem:$0x1F000] =	vst v63  }
0x3a: {  	_ =	swait.ge [sflag:s28], $0x4000  }
0x3b: {  	[sflag:s28] =	ssyncset.done $0x0  }
0x3c: {  	s20 =	rddreg [dreg:$0xa];
	[sflag:s28] =	ssyncadd.s32 $0xFFFFC000  }
0x3d: {  	[spmem:s20] =	stream.linear.scatter [tilespmem:s26], [sflag:$0x5], $0x4000, $0x38;
	[tilespmem:$0x1F000] =	vst v63  }
0x3e: {  	_ =	swait.ge [sflag:s28], $0x4000  }
0x3f: {  	[sflag:s28] =	ssyncset.done $0x0  }
0x40: {  	s21 =	rddreg [dreg:$0xb];
	[sflag:s28] =	ssyncadd.s32 $0xFFFFC000  }
0x41: {  	[spmem:s21] =	stream.linear.scatter [tilespmem:s26], [sflag:$0x5], $0x4000, $0x38;
	[tilespmem:$0x1F000] =	vst v63  }
0x42: {  	_ =	swait.ge [sflag:s28], $0x4000  }
0x43: {  	[sflag:s28] =	ssyncset.done $0x0  }
0x44: {  	s22 =	rddreg [dreg:$0xc];
	[sflag:s28] =	ssyncadd.s32 $0xFFFFC000  }
0x45: {  	[spmem:s22] =	stream.linear.scatter [tilespmem:s26], [sflag:$0x5], $0x4000, $0x38;
	[tilespmem:$0x1F000] =	vst v63  }
0x46: {  	_ =	swait.ge [sflag:s28], $0x4000  }
0x47: {  	[sflag:s28] =	ssyncset.done $0x0  }
.Ltmp3:
0x48: {  	s23 =	rddreg [dreg:$0xd];
	[sflag:s28] =	ssyncadd.s32 $0xFFFFC000;
	(pc) =	sbr.rel @!p0 .LBB2_4-.Ltmp3, $4  }
0x49: {  	[spmem:s23] =	stream.linear.scatter [tilespmem:s26], [sflag:$0x5], $0x4000, $0x38;
	[tilespmem:$0x1F000] =	vst v63  }
0x4a: {  	_ =	swait.ge [sflag:s28], $0x4000  }
0x4b: {  	[sflag:s28] =	ssyncset.done $0x0  }
0x4c: {  	s19 =	simm.s32 $0x0;
	[sflag:s28] =	ssyncadd.s32 $0xFFFFC000  }
0x4d: {  	[bflag:$0x0] =	sbarrier.arrive $0xFFFF;
	s18 =	simm.s32 $0x0;
	s19 =	simm.s32 $0x0  }
.LBB2_28:
0x4e: {  	s20 =	sshll.u32 s19, $0xA  }
0x4f: {  	s20 =	sadd.s32 s11, s20  }
0x50: {  	s20 =	sshrl.u32 s20, $0x3  }
0x51: {  	s22 =	simm.s32 $0x14000;
	s21 =	sadd.s32 s10, s20  }
0x52: {  	[tilespmem:s22], [sflag:$0x5] =	stream.linear.gather [hbm4b:s21+s18], $0x400, $0x38;
	[tilespmem:$0x1F000] =	vst v63  }
0x53: {  	_ =	swait.ge [sflag:s28], $0x400  }
0x54: {  	[sflag:s28] =	ssyncset.done $0x0;
	s23 =	rddreg [dreg:$0x6]  }
0x55: {  	[sflag:s28] =	ssyncadd.s32 $0xFFFFFC00;
	s20 =	sadd.s32 s23, s20  }
0x56: {  	[tilespmem:s30], [sflag:$0x5] =	stream.linear.gather [hbm4b:s20+s18], $0x400, $0x38;
	[tilespmem:$0x1F000] =	vst v63  }
0x57: {  	_ =	swait.ge [sflag:s28], $0x400  }
0x58: {  	[sflag:s28] =	ssyncset.done $0x0  }
0x59: {  	[sflag:s28] =	ssyncadd.s32 $0xFFFFFC00  }
0x5a: {  	[tilespmem:s0], [sflag:$0x1] =	stream.indirect.gather [hbm4b:s1+s31], $0x40, s22, s31, $0xb8;
	[tilespmem:$0x1F000] =	vst v63  }
0x5b: {  	s22 =	simm.s32 $0x14040  }
0x5c: {  	[tilespmem:s9], [sflag:$0x2] =	stream.indirect.gather [hbm4b:s1+s31], $0x40, s22, s31, $0xb8;
	[tilespmem:$0x1F000] =	vst v63  }
0x5d: {  	_ =	swait.ge [sflag:s4], $0x1000  }
0x5e: {  	[sflag:s4] =	ssyncset.done $0x0  }
0x5f: {  	s23 =	simm.s32 $0x0;
	[sflag:s4] =	ssyncadd.s32 $0xFFFFF000  }
0x60: {  	v1 =	vld [tilespmem:s23+$0x14800];
	_ =	sdelay $0x4  }
0x61: {  	s20 =	simm.s32 $0x16840;
	v2 =	vunpack.i.l.bf16.f32 v1  }
0x62: {  	v1 =	vunpack.i.u.bf16.f32 v1;
	[tilespmem:s20+$0xFFFFFFC0] =	vst v2  }
0x63: {  	[tilespmem:s20+$0xFFFFFFD0] =	vst v1  }
0x64: {  	v1 =	vld [tilespmem:s23+$0x14810];
	_ =	sdelay $0x4  }
0x65: {  	v2 =	vunpack.i.l.bf16.f32 v1  }
0x66: {  	v1 =	vunpack.i.u.bf16.f32 v1;
	[tilespmem:s20+$0xFFFFFFE0] =	vst v2  }
0x67: {  	[tilespmem:s20+$0xFFFFFFF0] =	vst v1  }
0x68: {  	v1 =	vld [tilespmem:s23+$0x14820];
	_ =	sdelay $0x4  }
0x69: {  	v2 =	vunpack.i.u.bf16.f32 v1  }
0x6a: {  	v1 =	vunpack.i.l.bf16.f32 v1;
	[tilespmem:s20+$0x10] =	vst v2  }
0x6b: {  	[tilespmem:s20+$0x0] =	vst v1  }
0x6c: {  	v1 =	vld [tilespmem:s23+$0x14830];
	_ =	sdelay $0x4  }
0x6d: {  	v2 =	vunpack.i.l.bf16.f32 v1  }
0x6e: {  	v1 =	vunpack.i.u.bf16.f32 v1;
	[tilespmem:s20+$0x20] =	vst v2  }
0x6f: {  	s21 =	simm.s32 $0x40;
	[tilespmem:s20+$0x30] =	vst v1  }
0x70: {  	v1 =	vld [tilespmem:s21+$0x14800]  }
0x71: {  	s22 =	simm.s32 $0x200  }
.LBB2_29:
0x72: {  	p1 =	sne.s32 s22, $0x3F00;
	_ =	sdelay $0x2  }
0x73: {  	s20 =	sadd.s32 $0x80, s20;
	v2 =	vunpack.i.l.bf16.f32 v1  }
0x74: {  	v1 =	vunpack.i.u.bf16.f32 v1;
	[tilespmem:s20+$0xFFFFFFC0] =	vst v2  }
0x75: {  	[tilespmem:s20+$0xFFFFFFD0] =	vst v1  }
0x76: {  	v1 =	vld [tilespmem:s21+$0x14810];
	_ =	sdelay $0x4  }
0x77: {  	v2 =	vunpack.i.l.bf16.f32 v1  }
0x78: {  	v1 =	vunpack.i.u.bf16.f32 v1;
	[tilespmem:s20+$0xFFFFFFE0] =	vst v2  }
0x79: {  	[tilespmem:s20+$0xFFFFFFF0] =	vst v1  }
0x7a: {  	v1 =	vld [tilespmem:s21+$0x14820];
	_ =	sdelay $0x4  }
0x7b: {  	v2 =	vunpack.i.u.bf16.f32 v1;
	v1 =	vunpack.i.l.bf16.f32 v1  }
0x7c: {  	[tilespmem:s20+$0x10] =	vst v2  }
0x7d: {  	[tilespmem:s20+$0x0] =	vst v1  }
0x7e: {  	v1 =	vld [tilespmem:s21+$0x14830];
	_ =	sdelay $0x4  }
.Ltmp4:
0x7f: {  	v2 =	vunpack.i.u.bf16.f32 v1;
	v1 =	vunpack.i.l.bf16.f32 v1;
	(pc) =	sbr.rel @p1 .LBB2_29-.Ltmp4, $4  }
0x80: {  	[tilespmem:s20+$0x20] =	vst v1  }
0x81: {  	s21 =	sshra.s32 s22, $0x2;
	[tilespmem:s20+$0x30] =	vst v2  }
0x82: {  	v1 =	vld [tilespmem:s21+$0x14800]  }
0x83: {  	s22 =	sadd.s32 $0x100, s22  }
0x84: {  	_ =	sdelay $0x2  }
0x85: {  	s20 =	sadd.s32 $0x80, s20;
	v2 =	vunpack.i.l.bf16.f32 v1  }
0x86: {  	v1 =	vunpack.i.u.bf16.f32 v1;
	[tilespmem:s20+$0xFFFFFFC0] =	vst v2  }
0x87: {  	[tilespmem:s20+$0xFFFFFFD0] =	vst v1  }
0x88: {  	v1 =	vld [tilespmem:s21+$0x14810];
	_ =	sdelay $0x4  }
0x89: {  	v2 =	vunpack.i.l.bf16.f32 v1  }
0x8a: {  	v1 =	vunpack.i.u.bf16.f32 v1;
	[tilespmem:s20+$0xFFFFFFE0] =	vst v2  }
0x8b: {  	[tilespmem:s20+$0xFFFFFFF0] =	vst v1  }
0x8c: {  	v1 =	vld [tilespmem:s21+$0x14820];
	_ =	sdelay $0x4  }
0x8d: {  	v2 =	vunpack.i.u.bf16.f32 v1  }
0x8e: {  	v1 =	vunpack.i.l.bf16.f32 v1;
	[tilespmem:s20+$0x10] =	vst v2  }
0x8f: {  	[tilespmem:s20+$0x0] =	vst v1  }
0x90: {  	v1 =	vld [tilespmem:s21+$0x14830];
	_ =	sdelay $0x4  }
0x91: {  	v2 =	vunpack.i.l.bf16.f32 v1  }
0x92: {  	v1 =	vunpack.i.u.bf16.f32 v1;
	[tilespmem:s20+$0x20] =	vst v2  }
0x93: {  	s22 =	simm.s32 $0x14080;
	[tilespmem:s20+$0x30] =	vst v1  }
0x94: {  	[tilespmem:s0], [sflag:$0x1] =	stream.indirect.gather [hbm4b:s1+s31], $0x40, s22, s31, $0xb8;
	[tilespmem:$0x1F000] =	vst v63  }
0x95: {  	_ =	swait.ge [sflag:s13], $0x1000  }
0x96: {  	[sflag:s13] =	ssyncset.done $0x0  }
0x97: {  	s23 =	simm.s32 $0x0;
	[sflag:s13] =	ssyncadd.s32 $0xFFFFF000  }
0x98: {  	v1 =	vld [tilespmem:s23+$0x15800];
	_ =	sdelay $0x4  }
0x99: {  	s20 =	simm.s32 $0x18870;
	v2 =	vunpack.i.l.bf16.f32 v1  }
0x9a: {  	v1 =	vunpack.i.u.bf16.f32 v1;
	[tilespmem:s20+$0xFFFFFF90] =	vst v2  }
0x9b: {  	[tilespmem:s20+$0xFFFFFFA0] =	vst v1  }
0x9c: {  	v1 =	vld [tilespmem:s23+$0x15810];
	_ =	sdelay $0x4  }
0x9d: {  	v2 =	vunpack.i.l.bf16.f32 v1  }
0x9e: {  	v1 =	vunpack.i.u.bf16.f32 v1;
	[tilespmem:s20+$0xFFFFFFB0] =	vst v2  }
0x9f: {  	[tilespmem:s20+$0xFFFFFFC0] =	vst v1  }
0xa0: {  	v1 =	vld [tilespmem:s23+$0x15820];
	_ =	sdelay $0x4  }
0xa1: {  	v2 =	vunpack.i.u.bf16.f32 v1  }
0xa2: {  	v1 =	vunpack.i.l.bf16.f32 v1;
	[tilespmem:s20+$0xFFFFFFE0] =	vst v2  }
0xa3: {  	[tilespmem:s20+$0xFFFFFFD0] =	vst v1  }
0xa4: {  	v1 =	vld [tilespmem:s23+$0x15830];
	_ =	sdelay $0x4  }
0xa5: {  	v2 =	vunpack.i.l.bf16.f32 v1  }
0xa6: {  	v1 =	vunpack.i.u.bf16.f32 v1;
	[tilespmem:s20+$0xFFFFFFF0] =	vst v2  }
0xa7: {  	s21 =	simm.s32 $0x40;
	[tilespmem:s20+$0x0] =	vst v1  }
0xa8: {  	v1 =	vld [tilespmem:s21+$0x15800]  }
0xa9: {  	s22 =	simm.s32 $0x200  }
.LBB2_31:
0xaa: {  	p1 =	sne.s32 s22, $0x3F00;
	_ =	sdelay $0x2  }
0xab: {  	s20 =	sadd.s32 $0x80, s20;
	v2 =	vunpack.i.l.bf16.f32 v1  }
0xac: {  	v1 =	vunpack.i.u.bf16.f32 v1;
	[tilespmem:s20+$0xFFFFFF90] =	vst v2  }
0xad: {  	[tilespmem:s20+$0xFFFFFFA0] =	vst v1  }
0xae: {  	v1 =	vld [tilespmem:s21+$0x15810];
	_ =	sdelay $0x4  }
0xaf: {  	v2 =	vunpack.i.l.bf16.f32 v1  }
0xb0: {  	v1 =	vunpack.i.u.bf16.f32 v1;
	[tilespmem:s20+$0xFFFFFFB0] =	vst v2  }
0xb1: {  	[tilespmem:s20+$0xFFFFFFC0] =	vst v1  }
0xb2: {  	v1 =	vld [tilespmem:s21+$0x15820];
	_ =	sdelay $0x4  }
0xb3: {  	v2 =	vunpack.i.u.bf16.f32 v1;
	v1 =	vunpack.i.l.bf16.f32 v1  }
0xb4: {  	[tilespmem:s20+$0xFFFFFFE0] =	vst v2  }
0xb5: {  	[tilespmem:s20+$0xFFFFFFD0] =	vst v1  }
0xb6: {  	v1 =	vld [tilespmem:s21+$0x15830];
	_ =	sdelay $0x4  }
.Ltmp5:
0xb7: {  	v2 =	vunpack.i.u.bf16.f32 v1;
	v1 =	vunpack.i.l.bf16.f32 v1;
	(pc) =	sbr.rel @p1 .LBB2_31-.Ltmp5, $4  }
0xb8: {  	[tilespmem:s20+$0xFFFFFFF0] =	vst v1  }
0xb9: {  	s21 =	sshra.s32 s22, $0x2;
	[tilespmem:s20+$0x0] =	vst v2  }
0xba: {  	v1 =	vld [tilespmem:s21+$0x15800]  }
0xbb: {  	s22 =	sadd.s32 $0x100, s22  }
0xbc: {  	_ =	sdelay $0x2  }
0xbd: {  	s20 =	sadd.s32 $0x80, s20;
	v2 =	vunpack.i.l.bf16.f32 v1  }
0xbe: {  	v1 =	vunpack.i.u.bf16.f32 v1;
	[tilespmem:s20+$0xFFFFFF90] =	vst v2  }
0xbf: {  	[tilespmem:s20+$0xFFFFFFA0] =	vst v1  }
0xc0: {  	v1 =	vld [tilespmem:s21+$0x15810];
	_ =	sdelay $0x4  }
0xc1: {  	v2 =	vunpack.i.l.bf16.f32 v1  }
0xc2: {  	v1 =	vunpack.i.u.bf16.f32 v1;
	[tilespmem:s20+$0xFFFFFFB0] =	vst v2  }
0xc3: {  	[tilespmem:s20+$0xFFFFFFC0] =	vst v1  }
0xc4: {  	v1 =	vld [tilespmem:s21+$0x15820];
	_ =	sdelay $0x4  }
0xc5: {  	v2 =	vunpack.i.u.bf16.f32 v1  }
0xc6: {  	v1 =	vunpack.i.l.bf16.f32 v1;
	[tilespmem:s20+$0xFFFFFFE0] =	vst v2  }
0xc7: {  	[tilespmem:s20+$0xFFFFFFD0] =	vst v1  }
0xc8: {  	v1 =	vld [tilespmem:s21+$0x15830];
	_ =	sdelay $0x4  }
0xc9: {  	v2 =	vunpack.i.l.bf16.f32 v1  }
0xca: {  	v1 =	vunpack.i.u.bf16.f32 v1;
	[tilespmem:s20+$0xFFFFFFF0] =	vst v2  }
0xcb: {  	s23 =	simm.s32 $0x140C0;
	[tilespmem:s20+$0x0] =	vst v1  }
0xcc: {  	[tilespmem:s9], [sflag:$0x2] =	stream.indirect.gather [hbm4b:s1+s31], $0x40, s23, s31, $0xb8;
	[tilespmem:$0x1F000] =	vst v63  }
0xcd: {  	_ = 	snop  }
0xce: {  	[spmem:s2] =	stream.indirect.scatter.add.f32 [tilespmem:s26], [sflag:$0x3], $0x80, s30, s15, $0xb8;
	[tilespmem:$0x1F000] =	vst v63  }
0xcf: {  	_ =	swait.ge [sflag:s4], $0x1000  }
0xd0: {  	[sflag:s4] =	ssyncset.done $0x0  }
0xd1: {  	s20 =	simm.s32 $0x14820;
	[sflag:s4] =	ssyncadd.s32 $0xFFFFF000  }
0xd2: {  	v1 =	vld [tilespmem:s20+$0xFFFFFFE0];
	_ =	sdelay $0x1  }
0xd3: {  	s22 =	simm.s32 $0x200;
	s21 =	simm.s32 $0x0  }
.LBB2_33:
0xd4: {  	p1 =	sne.s32 s22, $0x7E00;
	_ =	sdelay $0x1  }
0xd5: {  	s23 =	sshra.s32 s21, $0x2;
	s21 =	smov.u32 s22;
	v2 =	vunpack.i.l.bf16.f32 v1  }
0xd6: {  	v1 =	vunpack.i.u.bf16.f32 v1;
	[tilespmem:s23+$0x1A800] =	vst v2  }
0xd7: {  	[tilespmem:s23+$0x1A810] =	vst v1  }
0xd8: {  	v1 =	vld [tilespmem:s20+$0xFFFFFFF0];
	_ =	sdelay $0x4  }
0xd9: {  	v2 =	vunpack.i.l.bf16.f32 v1  }
0xda: {  	v1 =	vunpack.i.u.bf16.f32 v1;
	[tilespmem:s23+$0x1A820] =	vst v2  }
0xdb: {  	[tilespmem:s23+$0x1A830] =	vst v1  }
0xdc: {  	v1 =	vld [tilespmem:s20+$0x0];
	_ =	sdelay $0x4  }
0xdd: {  	v2 =	vunpack.i.u.bf16.f32 v1;
	v1 =	vunpack.i.l.bf16.f32 v1  }
0xde: {  	[tilespmem:s23+$0x1A850] =	vst v2  }
0xdf: {  	[tilespmem:s23+$0x1A840] =	vst v1  }
0xe0: {  	v1 =	vld [tilespmem:s20+$0x10];
	_ =	sdelay $0x4  }
0xe1: {  	v2 =	vunpack.i.u.bf16.f32 v1;
	v1 =	vunpack.i.l.bf16.f32 v1  }
.Ltmp6:
0xe2: {  	[tilespmem:s23+$0x1A860] =	vst v1;
	(pc) =	sbr.rel @p1 .LBB2_33-.Ltmp6, $3  }
0xe3: {  	s20 =	sadd.s32 $0x40, s20;
	[tilespmem:s23+$0x1A870] =	vst v2  }
0xe4: {  	v1 =	vld [tilespmem:s20+$0xFFFFFFE0];
	_ =	sdelay $0x1  }
0xe5: {  	s22 =	sadd.s32 $0x200, s22  }
0xe6: {  	_ =	sdelay $0x1  }
0xe7: {  	s21 =	sshra.s32 s21, $0x2;
	v2 =	vunpack.i.l.bf16.f32 v1  }
0xe8: {  	v1 =	vunpack.i.u.bf16.f32 v1;
	[tilespmem:s21+$0x1A800] =	vst v2  }
0xe9: {  	[tilespmem:s21+$0x1A810] =	vst v1  }
0xea: {  	v1 =	vld [tilespmem:s20+$0xFFFFFFF0];
	_ =	sdelay $0x4  }
0xeb: {  	v2 =	vunpack.i.l.bf16.f32 v1  }
0xec: {  	v1 =	vunpack.i.u.bf16.f32 v1;
	[tilespmem:s21+$0x1A820] =	vst v2  }
0xed: {  	[tilespmem:s21+$0x1A830] =	vst v1  }
0xee: {  	v1 =	vld [tilespmem:s20+$0x0];
	_ =	sdelay $0x4  }
0xef: {  	v2 =	vunpack.i.u.bf16.f32 v1  }
0xf0: {  	v1 =	vunpack.i.l.bf16.f32 v1;
	[tilespmem:s21+$0x1A850] =	vst v2  }
0xf1: {  	[tilespmem:s21+$0x1A840] =	vst v1  }
0xf2: {  	v1 =	vld [tilespmem:s20+$0x10];
	_ =	sdelay $0x4  }
0xf3: {  	v2 =	vunpack.i.l.bf16.f32 v1  }
0xf4: {  	v1 =	vunpack.i.u.bf16.f32 v1;
	[tilespmem:s21+$0x1A860] =	vst v2  }
0xf5: {  	s23 =	simm.s32 $0x14100;
	[tilespmem:s21+$0x1A870] =	vst v1  }
0xf6: {  	[tilespmem:s0], [sflag:$0x1] =	stream.indirect.gather [hbm4b:s1+s31], $0x40, s23, s31, $0xb8;
	[tilespmem:$0x1F000] =	vst v63  }
0xf7: {  	_ =	swait.ge [sflag:s13], $0x1000  }
0xf8: {  	[sflag:s13] =	ssyncset.done $0x0  }
0xf9: {  	s20 =	simm.s32 $0x15830;
	[sflag:s13] =	ssyncadd.s32 $0xFFFFF000  }
0xfa: {  	v1 =	vld [tilespmem:s20+$0xFFFFFFD0];
	_ =	sdelay $0x1  }
0xfb: {  	s22 =	simm.s32 $0x200;
	s21 =	simm.s32 $0x0  }
.LBB2_35:
0xfc: {  	p1 =	sne.s32 s22, $0x7E00;
	_ =	sdelay $0x1  }
0xfd: {  	s23 =	sshra.s32 s21, $0x2;
	s21 =	smov.u32 s22;
	v2 =	vunpack.i.l.bf16.f32 v1  }
0xfe: {  	v1 =	vunpack.i.u.bf16.f32 v1;
	[tilespmem:s23+$0x1C800] =	vst v2  }
0xff: {  	[tilespmem:s23+$0x1C810] =	vst v1  }
0x100: {  	v1 =	vld [tilespmem:s20+$0xFFFFFFE0];
	_ =	sdelay $0x4  }
0x101: {  	v2 =	vunpack.i.l.bf16.f32 v1  }
0x102: {  	v1 =	vunpack.i.u.bf16.f32 v1;
	[tilespmem:s23+$0x1C820] =	vst v2  }
0x103: {  	[tilespmem:s23+$0x1C830] =	vst v1  }
0x104: {  	v1 =	vld [tilespmem:s20+$0xFFFFFFF0];
	_ =	sdelay $0x4  }
0x105: {  	v2 =	vunpack.i.u.bf16.f32 v1;
	v1 =	vunpack.i.l.bf16.f32 v1  }
0x106: {  	[tilespmem:s23+$0x1C850] =	vst v2  }
0x107: {  	[tilespmem:s23+$0x1C840] =	vst v1  }
0x108: {  	v1 =	vld [tilespmem:s20+$0x0];
	_ =	sdelay $0x4  }
0x109: {  	v2 =	vunpack.i.u.bf16.f32 v1;
	v1 =	vunpack.i.l.bf16.f32 v1  }
.Ltmp7:
0x10a: {  	[tilespmem:s23+$0x1C860] =	vst v1;
	(pc) =	sbr.rel @p1 .LBB2_35-.Ltmp7, $3  }
0x10b: {  	s20 =	sadd.s32 $0x40, s20;
	[tilespmem:s23+$0x1C870] =	vst v2  }
0x10c: {  	v1 =	vld [tilespmem:s20+$0xFFFFFFD0];
	_ =	sdelay $0x1  }
0x10d: {  	s22 =	sadd.s32 $0x200, s22  }
0x10e: {  	_ =	sdelay $0x1  }
0x10f: {  	s21 =	sshra.s32 s21, $0x2;
	v2 =	vunpack.i.l.bf16.f32 v1  }
0x110: {  	v1 =	vunpack.i.u.bf16.f32 v1;
	[tilespmem:s21+$0x1C800] =	vst v2  }
0x111: {  	[tilespmem:s21+$0x1C810] =	vst v1  }
0x112: {  	v1 =	vld [tilespmem:s20+$0xFFFFFFE0];
	_ =	sdelay $0x4  }
0x113: {  	v2 =	vunpack.i.l.bf16.f32 v1  }
0x114: {  	v1 =	vunpack.i.u.bf16.f32 v1;
	[tilespmem:s21+$0x1C820] =	vst v2  }
0x115: {  	[tilespmem:s21+$0x1C830] =	vst v1  }
0x116: {  	v1 =	vld [tilespmem:s20+$0xFFFFFFF0];
	_ =	sdelay $0x4  }
0x117: {  	v2 =	vunpack.i.u.bf16.f32 v1  }
0x118: {  	v1 =	vunpack.i.l.bf16.f32 v1;
	[tilespmem:s21+$0x1C850] =	vst v2  }
0x119: {  	[tilespmem:s21+$0x1C840] =	vst v1  }
0x11a: {  	v1 =	vld [tilespmem:s20+$0x0];
	_ =	sdelay $0x4  }
0x11b: {  	v2 =	vunpack.i.l.bf16.f32 v1  }
0x11c: {  	v1 =	vunpack.i.u.bf16.f32 v1;
	[tilespmem:s21+$0x1C860] =	vst v2  }
0x11d: {  	[tilespmem:s21+$0x1C870] =	vst v1;
	s21 =	simm.s32 $0x14140  }
0x11e: {  	[tilespmem:s9], [sflag:$0x2] =	stream.indirect.gather [hbm4b:s1+s31], $0x40, s21, s31, $0xb8;
	[tilespmem:$0x1F000] =	vst v63  }
0x11f: {  	s22 =	simm.s32 $0x14480  }
0x120: {  	[spmem:s2] =	stream.indirect.scatter.add.f32 [tilespmem:s3], [sflag:$0x4], $0x80, s22, s15, $0xb8;
	[tilespmem:$0x1F000] =	vst v63  }
0x121: {  	_ =	swait.ge [sflag:s8], $0x4000  }
0x122: {  	[sflag:s8] =	ssyncset.done $0x0  }
0x123: {  	[sflag:s8] =	ssyncadd.s32 $0xFFFFC000  }
0x124: {  	_ =	swait.ge [sflag:s4], $0x1000  }
0x125: {  	[sflag:s4] =	ssyncset.done $0x0  }
0x126: {  	s23 =	simm.s32 $0x0;
	[sflag:s4] =	ssyncadd.s32 $0xFFFFF000  }
0x127: {  	v1 =	vld [tilespmem:s23+$0x14800];
	_ =	sdelay $0x4  }
0x128: {  	s20 =	simm.s32 $0x16840;
	v2 =	vunpack.i.l.bf16.f32 v1  }
0x129: {  	v1 =	vunpack.i.u.bf16.f32 v1;
	[tilespmem:s20+$0xFFFFFFC0] =	vst v2  }
0x12a: {  	[tilespmem:s20+$0xFFFFFFD0] =	vst v1  }
0x12b: {  	v1 =	vld [tilespmem:s23+$0x14810];
	_ =	sdelay $0x4  }
0x12c: {  	v2 =	vunpack.i.l.bf16.f32 v1  }
0x12d: {  	v1 =	vunpack.i.u.bf16.f32 v1;
	[tilespmem:s20+$0xFFFFFFE0] =	vst v2  }
0x12e: {  	[tilespmem:s20+$0xFFFFFFF0] =	vst v1  }
0x12f: {  	v1 =	vld [tilespmem:s23+$0x14820];
	_ =	sdelay $0x4  }
0x130: {  	v2 =	vunpack.i.u.bf16.f32 v1  }
0x131: {  	v1 =	vunpack.i.l.bf16.f32 v1;
	[tilespmem:s20+$0x10] =	vst v2  }
0x132: {  	[tilespmem:s20+$0x0] =	vst v1  }
0x133: {  	v1 =	vld [tilespmem:s23+$0x14830];
	_ =	sdelay $0x4  }
0x134: {  	v2 =	vunpack.i.l.bf16.f32 v1  }
0x135: {  	v1 =	vunpack.i.u.bf16.f32 v1;
	[tilespmem:s20+$0x20] =	vst v2  }
0x136: {  	s21 =	simm.s32 $0x40;
	[tilespmem:s20+$0x30] =	vst v1  }
0x137: {  	v1 =	vld [tilespmem:s21+$0x14800]  }
0x138: {  	s22 =	simm.s32 $0x200  }
.LBB2_37:
0x139: {  	p1 =	sne.s32 s22, $0x3F00;
	_ =	sdelay $0x2  }
0x13a: {  	s20 =	sadd.s32 $0x80, s20;
	v2 =	vunpack.i.l.bf16.f32 v1  }
0x13b: {  	v1 =	vunpack.i.u.bf16.f32 v1;
	[tilespmem:s20+$0xFFFFFFC0] =	vst v2  }
0x13c: {  	[tilespmem:s20+$0xFFFFFFD0] =	vst v1  }
0x13d: {  	v1 =	vld [tilespmem:s21+$0x14810];
	_ =	sdelay $0x4  }
0x13e: {  	v2 =	vunpack.i.l.bf16.f32 v1  }
0x13f: {  	v1 =	vunpack.i.u.bf16.f32 v1;
	[tilespmem:s20+$0xFFFFFFE0] =	vst v2  }
0x140: {  	[tilespmem:s20+$0xFFFFFFF0] =	vst v1  }
0x141: {  	v1 =	vld [tilespmem:s21+$0x14820];
	_ =	sdelay $0x4  }
0x142: {  	v2 =	vunpack.i.u.bf16.f32 v1;
	v1 =	vunpack.i.l.bf16.f32 v1  }
0x143: {  	[tilespmem:s20+$0x10] =	vst v2  }
0x144: {  	[tilespmem:s20+$0x0] =	vst v1  }
0x145: {  	v1 =	vld [tilespmem:s21+$0x14830];
	_ =	sdelay $0x4  }
.Ltmp8:
0x146: {  	v2 =	vunpack.i.u.bf16.f32 v1;
	v1 =	vunpack.i.l.bf16.f32 v1;
	(pc) =	sbr.rel @p1 .LBB2_37-.Ltmp8, $4  }
0x147: {  	[tilespmem:s20+$0x20] =	vst v1  }
0x148: {  	s21 =	sshra.s32 s22, $0x2;
	[tilespmem:s20+$0x30] =	vst v2  }
0x149: {  	v1 =	vld [tilespmem:s21+$0x14800]  }
0x14a: {  	s22 =	sadd.s32 $0x100, s22  }
0x14b: {  	_ =	sdelay $0x2  }
0x14c: {  	s20 =	sadd.s32 $0x80, s20;
	v2 =	vunpack.i.l.bf16.f32 v1  }
0x14d: {  	v1 =	vunpack.i.u.bf16.f32 v1;
	[tilespmem:s20+$0xFFFFFFC0] =	vst v2  }
0x14e: {  	[tilespmem:s20+$0xFFFFFFD0] =	vst v1  }
0x14f: {  	v1 =	vld [tilespmem:s21+$0x14810];
	_ =	sdelay $0x4  }
0x150: {  	v2 =	vunpack.i.l.bf16.f32 v1  }
0x151: {  	v1 =	vunpack.i.u.bf16.f32 v1;
	[tilespmem:s20+$0xFFFFFFE0] =	vst v2  }
0x152: {  	[tilespmem:s20+$0xFFFFFFF0] =	vst v1  }
0x153: {  	v1 =	vld [tilespmem:s21+$0x14820];
	_ =	sdelay $0x4  }
0x154: {  	v2 =	vunpack.i.u.bf16.f32 v1  }
0x155: {  	v1 =	vunpack.i.l.bf16.f32 v1;
	[tilespmem:s20+$0x10] =	vst v2  }
0x156: {  	[tilespmem:s20+$0x0] =	vst v1  }
0x157: {  	v1 =	vld [tilespmem:s21+$0x14830];
	_ =	sdelay $0x4  }
0x158: {  	v2 =	vunpack.i.l.bf16.f32 v1  }
0x159: {  	v1 =	vunpack.i.u.bf16.f32 v1;
	[tilespmem:s20+$0x20] =	vst v2  }
0x15a: {  	s22 =	simm.s32 $0x14180;
	[tilespmem:s20+$0x30] =	vst v1  }
0x15b: {  	[tilespmem:s0], [sflag:$0x1] =	stream.indirect.gather [hbm4b:s1+s31], $0x40, s22, s31, $0xb8;
	[tilespmem:$0x1F000] =	vst v63  }
0x15c: {  	_ =	swait.ge [sflag:s13], $0x1000  }
0x15d: {  	[sflag:s13] =	ssyncset.done $0x0  }
0x15e: {  	s23 =	simm.s32 $0x0;
	[sflag:s13] =	ssyncadd.s32 $0xFFFFF000  }
0x15f: {  	v1 =	vld [tilespmem:s23+$0x15800];
	_ =	sdelay $0x4  }
0x160: {  	s20 =	simm.s32 $0x18870;
	v2 =	vunpack.i.l.bf16.f32 v1  }
0x161: {  	v1 =	vunpack.i.u.bf16.f32 v1;
	[tilespmem:s20+$0xFFFFFF90] =	vst v2  }
0x162: {  	[tilespmem:s20+$0xFFFFFFA0] =	vst v1  }
0x163: {  	v1 =	vld [tilespmem:s23+$0x15810];
	_ =	sdelay $0x4  }
0x164: {  	v2 =	vunpack.i.l.bf16.f32 v1  }
0x165: {  	v1 =	vunpack.i.u.bf16.f32 v1;
	[tilespmem:s20+$0xFFFFFFB0] =	vst v2  }
0x166: {  	[tilespmem:s20+$0xFFFFFFC0] =	vst v1  }
0x167: {  	v1 =	vld [tilespmem:s23+$0x15820];
	_ =	sdelay $0x4  }
0x168: {  	v2 =	vunpack.i.u.bf16.f32 v1  }
0x169: {  	v1 =	vunpack.i.l.bf16.f32 v1;
	[tilespmem:s20+$0xFFFFFFE0] =	vst v2  }
0x16a: {  	[tilespmem:s20+$0xFFFFFFD0] =	vst v1  }
0x16b: {  	v1 =	vld [tilespmem:s23+$0x15830];
	_ =	sdelay $0x4  }
0x16c: {  	v2 =	vunpack.i.l.bf16.f32 v1  }
0x16d: {  	v1 =	vunpack.i.u.bf16.f32 v1;
	[tilespmem:s20+$0xFFFFFFF0] =	vst v2  }
0x16e: {  	s21 =	simm.s32 $0x40;
	[tilespmem:s20+$0x0] =	vst v1  }
0x16f: {  	v1 =	vld [tilespmem:s21+$0x15800]  }
0x170: {  	s22 =	simm.s32 $0x200  }
.LBB2_39:
0x171: {  	p1 =	sne.s32 s22, $0x3F00;
	_ =	sdelay $0x2  }
0x172: {  	s20 =	sadd.s32 $0x80, s20;
	v2 =	vunpack.i.l.bf16.f32 v1  }
0x173: {  	v1 =	vunpack.i.u.bf16.f32 v1;
	[tilespmem:s20+$0xFFFFFF90] =	vst v2  }
0x174: {  	[tilespmem:s20+$0xFFFFFFA0] =	vst v1  }
0x175: {  	v1 =	vld [tilespmem:s21+$0x15810];
	_ =	sdelay $0x4  }
0x176: {  	v2 =	vunpack.i.l.bf16.f32 v1  }
0x177: {  	v1 =	vunpack.i.u.bf16.f32 v1;
	[tilespmem:s20+$0xFFFFFFB0] =	vst v2  }
0x178: {  	[tilespmem:s20+$0xFFFFFFC0] =	vst v1  }
0x179: {  	v1 =	vld [tilespmem:s21+$0x15820];
	_ =	sdelay $0x4  }
0x17a: {  	v2 =	vunpack.i.u.bf16.f32 v1;
	v1 =	vunpack.i.l.bf16.f32 v1  }
0x17b: {  	[tilespmem:s20+$0xFFFFFFE0] =	vst v2  }
0x17c: {  	[tilespmem:s20+$0xFFFFFFD0] =	vst v1  }
0x17d: {  	v1 =	vld [tilespmem:s21+$0x15830];
	_ =	sdelay $0x4  }
.Ltmp9:
0x17e: {  	v2 =	vunpack.i.u.bf16.f32 v1;
	v1 =	vunpack.i.l.bf16.f32 v1;
	(pc) =	sbr.rel @p1 .LBB2_39-.Ltmp9, $4  }
0x17f: {  	[tilespmem:s20+$0xFFFFFFF0] =	vst v1  }
0x180: {  	s21 =	sshra.s32 s22, $0x2;
	[tilespmem:s20+$0x0] =	vst v2  }
0x181: {  	v1 =	vld [tilespmem:s21+$0x15800]  }
0x182: {  	s22 =	sadd.s32 $0x100, s22  }
0x183: {  	_ =	sdelay $0x2  }
0x184: {  	s20 =	sadd.s32 $0x80, s20;
	v2 =	vunpack.i.l.bf16.f32 v1  }
0x185: {  	v1 =	vunpack.i.u.bf16.f32 v1;
	[tilespmem:s20+$0xFFFFFF90] =	vst v2  }
0x186: {  	[tilespmem:s20+$0xFFFFFFA0] =	vst v1  }
0x187: {  	v1 =	vld [tilespmem:s21+$0x15810];
	_ =	sdelay $0x4  }
0x188: {  	v2 =	vunpack.i.l.bf16.f32 v1  }
0x189: {  	v1 =	vunpack.i.u.bf16.f32 v1;
	[tilespmem:s20+$0xFFFFFFB0] =	vst v2  }
0x18a: {  	[tilespmem:s20+$0xFFFFFFC0] =	vst v1  }
0x18b: {  	v1 =	vld [tilespmem:s21+$0x15820];
	_ =	sdelay $0x4  }
0x18c: {  	v2 =	vunpack.i.u.bf16.f32 v1  }
0x18d: {  	v1 =	vunpack.i.l.bf16.f32 v1;
	[tilespmem:s20+$0xFFFFFFE0] =	vst v2  }
0x18e: {  	[tilespmem:s20+$0xFFFFFFD0] =	vst v1  }
0x18f: {  	v1 =	vld [tilespmem:s21+$0x15830];
	_ =	sdelay $0x4  }
0x190: {  	v2 =	vunpack.i.l.bf16.f32 v1  }
0x191: {  	v1 =	vunpack.i.u.bf16.f32 v1;
	[tilespmem:s20+$0xFFFFFFF0] =	vst v2  }
0x192: {  	s23 =	simm.s32 $0x141C0;
	[tilespmem:s20+$0x0] =	vst v1  }
0x193: {  	[tilespmem:s9], [sflag:$0x2] =	stream.indirect.gather [hbm4b:s1+s31], $0x40, s23, s31, $0xb8;
	[tilespmem:$0x1F000] =	vst v63  }
0x194: {  	_ = 	snop  }
0x195: {  	[spmem:s2] =	stream.indirect.scatter.add.f32 [tilespmem:s26], [sflag:$0x3], $0x80, s24, s15, $0xb8;
	[tilespmem:$0x1F000] =	vst v63  }
0x196: {  	_ =	swait.ge [sflag:s25], $0x4000  }
0x197: {  	[sflag:s25] =	ssyncset.done $0x0  }
0x198: {  	[sflag:s25] =	ssyncadd.s32 $0xFFFFC000  }
0x199: {  	_ =	swait.ge [sflag:s4], $0x1000  }
0x19a: {  	[sflag:s4] =	ssyncset.done $0x0  }
0x19b: {  	s20 =	simm.s32 $0x14820;
	[sflag:s4] =	ssyncadd.s32 $0xFFFFF000  }
0x19c: {  	v1 =	vld [tilespmem:s20+$0xFFFFFFE0];
	_ =	sdelay $0x1  }
0x19d: {  	s22 =	simm.s32 $0x200;
	s21 =	simm.s32 $0x0  }
.LBB2_41:
0x19e: {  	p1 =	sne.s32 s22, $0x7E00;
	_ =	sdelay $0x1  }
0x19f: {  	s23 =	sshra.s32 s21, $0x2;
	s21 =	smov.u32 s22;
	v2 =	vunpack.i.l.bf16.f32 v1  }
0x1a0: {  	v1 =	vunpack.i.u.bf16.f32 v1;
	[tilespmem:s23+$0x1A800] =	vst v2  }
0x1a1: {  	[tilespmem:s23+$0x1A810] =	vst v1  }
0x1a2: {  	v1 =	vld [tilespmem:s20+$0xFFFFFFF0];
	_ =	sdelay $0x4  }
0x1a3: {  	v2 =	vunpack.i.l.bf16.f32 v1  }
0x1a4: {  	v1 =	vunpack.i.u.bf16.f32 v1;
	[tilespmem:s23+$0x1A820] =	vst v2  }
0x1a5: {  	[tilespmem:s23+$0x1A830] =	vst v1  }
0x1a6: {  	v1 =	vld [tilespmem:s20+$0x0];
	_ =	sdelay $0x4  }
0x1a7: {  	v2 =	vunpack.i.u.bf16.f32 v1;
	v1 =	vunpack.i.l.bf16.f32 v1  }
0x1a8: {  	[tilespmem:s23+$0x1A850] =	vst v2  }
0x1a9: {  	[tilespmem:s23+$0x1A840] =	vst v1  }
0x1aa: {  	v1 =	vld [tilespmem:s20+$0x10];
	_ =	sdelay $0x4  }
0x1ab: {  	v2 =	vunpack.i.u.bf16.f32 v1;
	v1 =	vunpack.i.l.bf16.f32 v1  }
.Ltmp10:
0x1ac: {  	[tilespmem:s23+$0x1A860] =	vst v1;
	(pc) =	sbr.rel @p1 .LBB2_41-.Ltmp10, $3  }
0x1ad: {  	s20 =	sadd.s32 $0x40, s20;
	[tilespmem:s23+$0x1A870] =	vst v2  }
0x1ae: {  	v1 =	vld [tilespmem:s20+$0xFFFFFFE0];
	_ =	sdelay $0x1  }
0x1af: {  	s22 =	sadd.s32 $0x200, s22  }
0x1b0: {  	_ =	sdelay $0x1  }
0x1b1: {  	s21 =	sshra.s32 s21, $0x2;
	v2 =	vunpack.i.l.bf16.f32 v1  }
0x1b2: {  	v1 =	vunpack.i.u.bf16.f32 v1;
	[tilespmem:s21+$0x1A800] =	vst v2  }
0x1b3: {  	[tilespmem:s21+$0x1A810] =	vst v1  }
0x1b4: {  	v1 =	vld [tilespmem:s20+$0xFFFFFFF0];
	_ =	sdelay $0x4  }
0x1b5: {  	v2 =	vunpack.i.l.bf16.f32 v1  }
0x1b6: {  	v1 =	vunpack.i.u.bf16.f32 v1;
	[tilespmem:s21+$0x1A820] =	vst v2  }
0x1b7: {  	[tilespmem:s21+$0x1A830] =	vst v1  }
0x1b8: {  	v1 =	vld [tilespmem:s20+$0x0];
	_ =	sdelay $0x4  }
0x1b9: {  	v2 =	vunpack.i.u.bf16.f32 v1  }
0x1ba: {  	v1 =	vunpack.i.l.bf16.f32 v1;
	[tilespmem:s21+$0x1A850] =	vst v2  }
0x1bb: {  	[tilespmem:s21+$0x1A840] =	vst v1  }
0x1bc: {  	v1 =	vld [tilespmem:s20+$0x10];
	_ =	sdelay $0x4  }
0x1bd: {  	v2 =	vunpack.i.l.bf16.f32 v1  }
0x1be: {  	v1 =	vunpack.i.u.bf16.f32 v1;
	[tilespmem:s21+$0x1A860] =	vst v2  }
0x1bf: {  	s23 =	simm.s32 $0x14200;
	[tilespmem:s21+$0x1A870] =	vst v1  }
0x1c0: {  	[tilespmem:s0], [sflag:$0x1] =	stream.indirect.gather [hbm4b:s1+s31], $0x40, s23, s31, $0xb8;
	[tilespmem:$0x1F000] =	vst v63  }
0x1c1: {  	_ =	swait.ge [sflag:s13], $0x1000  }
0x1c2: {  	[sflag:s13] =	ssyncset.done $0x0  }
0x1c3: {  	s20 =	simm.s32 $0x15830;
	[sflag:s13] =	ssyncadd.s32 $0xFFFFF000  }
0x1c4: {  	v1 =	vld [tilespmem:s20+$0xFFFFFFD0];
	_ =	sdelay $0x1  }
0x1c5: {  	s22 =	simm.s32 $0x200;
	s21 =	simm.s32 $0x0  }
.LBB2_43:
0x1c6: {  	p1 =	sne.s32 s22, $0x7E00;
	_ =	sdelay $0x1  }
0x1c7: {  	s23 =	sshra.s32 s21, $0x2;
	s21 =	smov.u32 s22;
	v2 =	vunpack.i.l.bf16.f32 v1  }
0x1c8: {  	v1 =	vunpack.i.u.bf16.f32 v1;
	[tilespmem:s23+$0x1C800] =	vst v2  }
0x1c9: {  	[tilespmem:s23+$0x1C810] =	vst v1  }
0x1ca: {  	v1 =	vld [tilespmem:s20+$0xFFFFFFE0];
	_ =	sdelay $0x4  }
0x1cb: {  	v2 =	vunpack.i.l.bf16.f32 v1  }
0x1cc: {  	v1 =	vunpack.i.u.bf16.f32 v1;
	[tilespmem:s23+$0x1C820] =	vst v2  }
0x1cd: {  	[tilespmem:s23+$0x1C830] =	vst v1  }
0x1ce: {  	v1 =	vld [tilespmem:s20+$0xFFFFFFF0];
	_ =	sdelay $0x4  }
0x1cf: {  	v2 =	vunpack.i.u.bf16.f32 v1;
	v1 =	vunpack.i.l.bf16.f32 v1  }
0x1d0: {  	[tilespmem:s23+$0x1C850] =	vst v2  }
0x1d1: {  	[tilespmem:s23+$0x1C840] =	vst v1  }
0x1d2: {  	v1 =	vld [tilespmem:s20+$0x0];
	_ =	sdelay $0x4  }
0x1d3: {  	v2 =	vunpack.i.u.bf16.f32 v1;
	v1 =	vunpack.i.l.bf16.f32 v1  }
.Ltmp11:
0x1d4: {  	[tilespmem:s23+$0x1C860] =	vst v1;
	(pc) =	sbr.rel @p1 .LBB2_43-.Ltmp11, $3  }
0x1d5: {  	s20 =	sadd.s32 $0x40, s20;
	[tilespmem:s23+$0x1C870] =	vst v2  }
0x1d6: {  	v1 =	vld [tilespmem:s20+$0xFFFFFFD0];
	_ =	sdelay $0x1  }
0x1d7: {  	s22 =	sadd.s32 $0x200, s22  }
0x1d8: {  	_ =	sdelay $0x1  }
0x1d9: {  	s21 =	sshra.s32 s21, $0x2;
	v2 =	vunpack.i.l.bf16.f32 v1  }
0x1da: {  	v1 =	vunpack.i.u.bf16.f32 v1;
	[tilespmem:s21+$0x1C800] =	vst v2  }
0x1db: {  	[tilespmem:s21+$0x1C810] =	vst v1  }
0x1dc: {  	v1 =	vld [tilespmem:s20+$0xFFFFFFE0];
	_ =	sdelay $0x4  }
0x1dd: {  	v2 =	vunpack.i.l.bf16.f32 v1  }
0x1de: {  	v1 =	vunpack.i.u.bf16.f32 v1;
	[tilespmem:s21+$0x1C820] =	vst v2  }
0x1df: {  	[tilespmem:s21+$0x1C830] =	vst v1  }
0x1e0: {  	v1 =	vld [tilespmem:s20+$0xFFFFFFF0];
	_ =	sdelay $0x4  }
0x1e1: {  	v2 =	vunpack.i.u.bf16.f32 v1  }
0x1e2: {  	v1 =	vunpack.i.l.bf16.f32 v1;
	[tilespmem:s21+$0x1C850] =	vst v2  }
0x1e3: {  	[tilespmem:s21+$0x1C840] =	vst v1  }
0x1e4: {  	v1 =	vld [tilespmem:s20+$0x0];
	_ =	sdelay $0x4  }
0x1e5: {  	v2 =	vunpack.i.l.bf16.f32 v1  }
0x1e6: {  	v1 =	vunpack.i.u.bf16.f32 v1;
	[tilespmem:s21+$0x1C860] =	vst v2  }
0x1e7: {  	s22 =	simm.s32 $0x14240;
	[tilespmem:s21+$0x1C870] =	vst v1  }
0x1e8: {  	[tilespmem:s9], [sflag:$0x2] =	stream.indirect.gather [hbm4b:s1+s31], $0x40, s22, s31, $0xb8;
	[tilespmem:$0x1F000] =	vst v63  }
0x1e9: {  	_ = 	snop  }
0x1ea: {  	[spmem:s2] =	stream.indirect.scatter.add.f32 [tilespmem:s3], [sflag:$0x4], $0x80, s12, s15, $0xb8;
	[tilespmem:$0x1F000] =	vst v63  }
0x1eb: {  	_ =	swait.ge [sflag:s8], $0x4000  }
0x1ec: {  	[sflag:s8] =	ssyncset.done $0x0  }
0x1ed: {  	[sflag:s8] =	ssyncadd.s32 $0xFFFFC000  }
0x1ee: {  	_ =	swait.ge [sflag:s4], $0x1000  }
0x1ef: {  	[sflag:s4] =	ssyncset.done $0x0  }
0x1f0: {  	s23 =	simm.s32 $0x0;
	[sflag:s4] =	ssyncadd.s32 $0xFFFFF000  }
0x1f1: {  	v1 =	vld [tilespmem:s23+$0x14800];
	_ =	sdelay $0x4  }
0x1f2: {  	s20 =	simm.s32 $0x16840;
	v2 =	vunpack.i.l.bf16.f32 v1  }
0x1f3: {  	v1 =	vunpack.i.u.bf16.f32 v1;
	[tilespmem:s20+$0xFFFFFFC0] =	vst v2  }
0x1f4: {  	[tilespmem:s20+$0xFFFFFFD0] =	vst v1  }
0x1f5: {  	v1 =	vld [tilespmem:s23+$0x14810];
	_ =	sdelay $0x4  }
0x1f6: {  	v2 =	vunpack.i.l.bf16.f32 v1  }
0x1f7: {  	v1 =	vunpack.i.u.bf16.f32 v1;
	[tilespmem:s20+$0xFFFFFFE0] =	vst v2  }
0x1f8: {  	[tilespmem:s20+$0xFFFFFFF0] =	vst v1  }
0x1f9: {  	v1 =	vld [tilespmem:s23+$0x14820];
	_ =	sdelay $0x4  }
0x1fa: {  	v2 =	vunpack.i.u.bf16.f32 v1  }
0x1fb: {  	v1 =	vunpack.i.l.bf16.f32 v1;
	[tilespmem:s20+$0x10] =	vst v2  }
0x1fc: {  	[tilespmem:s20+$0x0] =	vst v1  }
0x1fd: {  	v1 =	vld [tilespmem:s23+$0x14830];
	_ =	sdelay $0x4  }
0x1fe: {  	v2 =	vunpack.i.l.bf16.f32 v1  }
0x1ff: {  	v1 =	vunpack.i.u.bf16.f32 v1;
	[tilespmem:s20+$0x20] =	vst v2  }
0x200: {  	s21 =	simm.s32 $0x40;
	[tilespmem:s20+$0x30] =	vst v1  }
0x201: {  	v1 =	vld [tilespmem:s21+$0x14800]  }
0x202: {  	s22 =	simm.s32 $0x200  }
.LBB2_45:
0x203: {  	p1 =	sne.s32 s22, $0x3F00;
	_ =	sdelay $0x2  }
0x204: {  	s20 =	sadd.s32 $0x80, s20;
	v2 =	vunpack.i.l.bf16.f32 v1  }
0x205: {  	v1 =	vunpack.i.u.bf16.f32 v1;
	[tilespmem:s20+$0xFFFFFFC0] =	vst v2  }
0x206: {  	[tilespmem:s20+$0xFFFFFFD0] =	vst v1  }
0x207: {  	v1 =	vld [tilespmem:s21+$0x14810];
	_ =	sdelay $0x4  }
0x208: {  	v2 =	vunpack.i.l.bf16.f32 v1  }
0x209: {  	v1 =	vunpack.i.u.bf16.f32 v1;
	[tilespmem:s20+$0xFFFFFFE0] =	vst v2  }
0x20a: {  	[tilespmem:s20+$0xFFFFFFF0] =	vst v1  }
0x20b: {  	v1 =	vld [tilespmem:s21+$0x14820];
	_ =	sdelay $0x4  }
0x20c: {  	v2 =	vunpack.i.u.bf16.f32 v1;
	v1 =	vunpack.i.l.bf16.f32 v1  }
0x20d: {  	[tilespmem:s20+$0x10] =	vst v2  }
0x20e: {  	[tilespmem:s20+$0x0] =	vst v1  }
0x20f: {  	v1 =	vld [tilespmem:s21+$0x14830];
	_ =	sdelay $0x4  }
.Ltmp12:
0x210: {  	v2 =	vunpack.i.u.bf16.f32 v1;
	v1 =	vunpack.i.l.bf16.f32 v1;
	(pc) =	sbr.rel @p1 .LBB2_45-.Ltmp12, $4  }
0x211: {  	[tilespmem:s20+$0x20] =	vst v1  }
0x212: {  	s21 =	sshra.s32 s22, $0x2;
	[tilespmem:s20+$0x30] =	vst v2  }
0x213: {  	v1 =	vld [tilespmem:s21+$0x14800]  }
0x214: {  	s22 =	sadd.s32 $0x100, s22  }
0x215: {  	_ =	sdelay $0x2  }
0x216: {  	s20 =	sadd.s32 $0x80, s20;
	v2 =	vunpack.i.l.bf16.f32 v1  }
0x217: {  	v1 =	vunpack.i.u.bf16.f32 v1;
	[tilespmem:s20+$0xFFFFFFC0] =	vst v2  }
0x218: {  	[tilespmem:s20+$0xFFFFFFD0] =	vst v1  }
0x219: {  	v1 =	vld [tilespmem:s21+$0x14810];
	_ =	sdelay $0x4  }
0x21a: {  	v2 =	vunpack.i.l.bf16.f32 v1  }
0x21b: {  	v1 =	vunpack.i.u.bf16.f32 v1;
	[tilespmem:s20+$0xFFFFFFE0] =	vst v2  }
0x21c: {  	[tilespmem:s20+$0xFFFFFFF0] =	vst v1  }
0x21d: {  	v1 =	vld [tilespmem:s21+$0x14820];
	_ =	sdelay $0x4  }
0x21e: {  	v2 =	vunpack.i.u.bf16.f32 v1  }
0x21f: {  	v1 =	vunpack.i.l.bf16.f32 v1;
	[tilespmem:s20+$0x10] =	vst v2  }
0x220: {  	[tilespmem:s20+$0x0] =	vst v1  }
0x221: {  	v1 =	vld [tilespmem:s21+$0x14830];
	_ =	sdelay $0x4  }
0x222: {  	v2 =	vunpack.i.l.bf16.f32 v1  }
0x223: {  	v1 =	vunpack.i.u.bf16.f32 v1;
	[tilespmem:s20+$0x20] =	vst v2  }
0x224: {  	s22 =	simm.s32 $0x14280;
	[tilespmem:s20+$0x30] =	vst v1  }
0x225: {  	[tilespmem:s0], [sflag:$0x1] =	stream.indirect.gather [hbm4b:s1+s31], $0x40, s22, s31, $0xb8;
	[tilespmem:$0x1F000] =	vst v63  }
0x226: {  	_ =	swait.ge [sflag:s13], $0x1000  }
0x227: {  	[sflag:s13] =	ssyncset.done $0x0  }
0x228: {  	s23 =	simm.s32 $0x0;
	[sflag:s13] =	ssyncadd.s32 $0xFFFFF000  }
0x229: {  	v1 =	vld [tilespmem:s23+$0x15800];
	_ =	sdelay $0x4  }
0x22a: {  	s20 =	simm.s32 $0x18870;
	v2 =	vunpack.i.l.bf16.f32 v1  }
0x22b: {  	v1 =	vunpack.i.u.bf16.f32 v1;
	[tilespmem:s20+$0xFFFFFF90] =	vst v2  }
0x22c: {  	[tilespmem:s20+$0xFFFFFFA0] =	vst v1  }
0x22d: {  	v1 =	vld [tilespmem:s23+$0x15810];
	_ =	sdelay $0x4  }
0x22e: {  	v2 =	vunpack.i.l.bf16.f32 v1  }
0x22f: {  	v1 =	vunpack.i.u.bf16.f32 v1;
	[tilespmem:s20+$0xFFFFFFB0] =	vst v2  }
0x230: {  	[tilespmem:s20+$0xFFFFFFC0] =	vst v1  }
0x231: {  	v1 =	vld [tilespmem:s23+$0x15820];
	_ =	sdelay $0x4  }
0x232: {  	v2 =	vunpack.i.u.bf16.f32 v1  }
0x233: {  	v1 =	vunpack.i.l.bf16.f32 v1;
	[tilespmem:s20+$0xFFFFFFE0] =	vst v2  }
0x234: {  	[tilespmem:s20+$0xFFFFFFD0] =	vst v1  }
0x235: {  	v1 =	vld [tilespmem:s23+$0x15830];
	_ =	sdelay $0x4  }
0x236: {  	v2 =	vunpack.i.l.bf16.f32 v1  }
0x237: {  	v1 =	vunpack.i.u.bf16.f32 v1;
	[tilespmem:s20+$0xFFFFFFF0] =	vst v2  }
0x238: {  	s21 =	simm.s32 $0x40;
	[tilespmem:s20+$0x0] =	vst v1  }
0x239: {  	v1 =	vld [tilespmem:s21+$0x15800]  }
0x23a: {  	s22 =	simm.s32 $0x200  }
.LBB2_47:
0x23b: {  	p1 =	sne.s32 s22, $0x3F00;
	_ =	sdelay $0x2  }
0x23c: {  	s20 =	sadd.s32 $0x80, s20;
	v2 =	vunpack.i.l.bf16.f32 v1  }
0x23d: {  	v1 =	vunpack.i.u.bf16.f32 v1;
	[tilespmem:s20+$0xFFFFFF90] =	vst v2  }
0x23e: {  	[tilespmem:s20+$0xFFFFFFA0] =	vst v1  }
0x23f: {  	v1 =	vld [tilespmem:s21+$0x15810];
	_ =	sdelay $0x4  }
0x240: {  	v2 =	vunpack.i.l.bf16.f32 v1  }
0x241: {  	v1 =	vunpack.i.u.bf16.f32 v1;
	[tilespmem:s20+$0xFFFFFFB0] =	vst v2  }
0x242: {  	[tilespmem:s20+$0xFFFFFFC0] =	vst v1  }
0x243: {  	v1 =	vld [tilespmem:s21+$0x15820];
	_ =	sdelay $0x4  }
0x244: {  	v2 =	vunpack.i.u.bf16.f32 v1;
	v1 =	vunpack.i.l.bf16.f32 v1  }
0x245: {  	[tilespmem:s20+$0xFFFFFFE0] =	vst v2  }
0x246: {  	[tilespmem:s20+$0xFFFFFFD0] =	vst v1  }
0x247: {  	v1 =	vld [tilespmem:s21+$0x15830];
	_ =	sdelay $0x4  }
.Ltmp13:
0x248: {  	v2 =	vunpack.i.u.bf16.f32 v1;
	v1 =	vunpack.i.l.bf16.f32 v1;
	(pc) =	sbr.rel @p1 .LBB2_47-.Ltmp13, $4  }
0x249: {  	[tilespmem:s20+$0xFFFFFFF0] =	vst v1  }
0x24a: {  	s21 =	sshra.s32 s22, $0x2;
	[tilespmem:s20+$0x0] =	vst v2  }
0x24b: {  	v1 =	vld [tilespmem:s21+$0x15800]  }
0x24c: {  	s22 =	sadd.s32 $0x100, s22  }
0x24d: {  	_ =	sdelay $0x2  }
0x24e: {  	s20 =	sadd.s32 $0x80, s20;
	v2 =	vunpack.i.l.bf16.f32 v1  }
0x24f: {  	v1 =	vunpack.i.u.bf16.f32 v1;
	[tilespmem:s20+$0xFFFFFF90] =	vst v2  }
0x250: {  	[tilespmem:s20+$0xFFFFFFA0] =	vst v1  }
0x251: {  	v1 =	vld [tilespmem:s21+$0x15810];
	_ =	sdelay $0x4  }
0x252: {  	v2 =	vunpack.i.l.bf16.f32 v1  }
0x253: {  	v1 =	vunpack.i.u.bf16.f32 v1;
	[tilespmem:s20+$0xFFFFFFB0] =	vst v2  }
0x254: {  	[tilespmem:s20+$0xFFFFFFC0] =	vst v1  }
0x255: {  	v1 =	vld [tilespmem:s21+$0x15820];
	_ =	sdelay $0x4  }
0x256: {  	v2 =	vunpack.i.u.bf16.f32 v1  }
0x257: {  	v1 =	vunpack.i.l.bf16.f32 v1;
	[tilespmem:s20+$0xFFFFFFE0] =	vst v2  }
0x258: {  	[tilespmem:s20+$0xFFFFFFD0] =	vst v1  }
0x259: {  	v1 =	vld [tilespmem:s21+$0x15830];
	_ =	sdelay $0x4  }
0x25a: {  	v2 =	vunpack.i.l.bf16.f32 v1  }
0x25b: {  	v1 =	vunpack.i.u.bf16.f32 v1;
	[tilespmem:s20+$0xFFFFFFF0] =	vst v2  }
0x25c: {  	s23 =	simm.s32 $0x142C0;
	[tilespmem:s20+$0x0] =	vst v1  }
0x25d: {  	[tilespmem:s9], [sflag:$0x2] =	stream.indirect.gather [hbm4b:s1+s31], $0x40, s23, s31, $0xb8;
	[tilespmem:$0x1F000] =	vst v63  }
0x25e: {  	_ = 	snop  }
0x25f: {  	[spmem:s2] =	stream.indirect.scatter.add.f32 [tilespmem:s26], [sflag:$0x3], $0x80, s14, s15, $0xb8;
	[tilespmem:$0x1F000] =	vst v63  }
0x260: {  	_ =	swait.ge [sflag:s25], $0x4000  }
0x261: {  	[sflag:s25] =	ssyncset.done $0x0  }
0x262: {  	[sflag:s25] =	ssyncadd.s32 $0xFFFFC000  }
0x263: {  	_ =	swait.ge [sflag:s4], $0x1000  }
0x264: {  	[sflag:s4] =	ssyncset.done $0x0  }
0x265: {  	s20 =	simm.s32 $0x14820;
	[sflag:s4] =	ssyncadd.s32 $0xFFFFF000  }
0x266: {  	v1 =	vld [tilespmem:s20+$0xFFFFFFE0];
	_ =	sdelay $0x1  }
0x267: {  	s22 =	simm.s32 $0x200;
	s21 =	simm.s32 $0x0  }
.LBB2_49:
0x268: {  	p1 =	sne.s32 s22, $0x7E00;
	_ =	sdelay $0x1  }
0x269: {  	s23 =	sshra.s32 s21, $0x2;
	s21 =	smov.u32 s22;
	v2 =	vunpack.i.l.bf16.f32 v1  }
0x26a: {  	v1 =	vunpack.i.u.bf16.f32 v1;
	[tilespmem:s23+$0x1A800] =	vst v2  }
0x26b: {  	[tilespmem:s23+$0x1A810] =	vst v1  }
0x26c: {  	v1 =	vld [tilespmem:s20+$0xFFFFFFF0];
	_ =	sdelay $0x4  }
0x26d: {  	v2 =	vunpack.i.l.bf16.f32 v1  }
0x26e: {  	v1 =	vunpack.i.u.bf16.f32 v1;
	[tilespmem:s23+$0x1A820] =	vst v2  }
0x26f: {  	[tilespmem:s23+$0x1A830] =	vst v1  }
0x270: {  	v1 =	vld [tilespmem:s20+$0x0];
	_ =	sdelay $0x4  }
0x271: {  	v2 =	vunpack.i.u.bf16.f32 v1;
	v1 =	vunpack.i.l.bf16.f32 v1  }
0x272: {  	[tilespmem:s23+$0x1A850] =	vst v2  }
0x273: {  	[tilespmem:s23+$0x1A840] =	vst v1  }
0x274: {  	v1 =	vld [tilespmem:s20+$0x10];
	_ =	sdelay $0x4  }
0x275: {  	v2 =	vunpack.i.u.bf16.f32 v1;
	v1 =	vunpack.i.l.bf16.f32 v1  }
.Ltmp14:
0x276: {  	[tilespmem:s23+$0x1A860] =	vst v1;
	(pc) =	sbr.rel @p1 .LBB2_49-.Ltmp14, $3  }
0x277: {  	s20 =	sadd.s32 $0x40, s20;
	[tilespmem:s23+$0x1A870] =	vst v2  }
0x278: {  	v1 =	vld [tilespmem:s20+$0xFFFFFFE0];
	_ =	sdelay $0x1  }
0x279: {  	s22 =	sadd.s32 $0x200, s22  }
0x27a: {  	_ =	sdelay $0x1  }
0x27b: {  	s21 =	sshra.s32 s21, $0x2;
	v2 =	vunpack.i.l.bf16.f32 v1  }
0x27c: {  	v1 =	vunpack.i.u.bf16.f32 v1;
	[tilespmem:s21+$0x1A800] =	vst v2  }
0x27d: {  	[tilespmem:s21+$0x1A810] =	vst v1  }
0x27e: {  	v1 =	vld [tilespmem:s20+$0xFFFFFFF0];
	_ =	sdelay $0x4  }
0x27f: {  	v2 =	vunpack.i.l.bf16.f32 v1  }
0x280: {  	v1 =	vunpack.i.u.bf16.f32 v1;
	[tilespmem:s21+$0x1A820] =	vst v2  }
0x281: {  	[tilespmem:s21+$0x1A830] =	vst v1  }
0x282: {  	v1 =	vld [tilespmem:s20+$0x0];
	_ =	sdelay $0x4  }
0x283: {  	v2 =	vunpack.i.u.bf16.f32 v1  }
0x284: {  	v1 =	vunpack.i.l.bf16.f32 v1;
	[tilespmem:s21+$0x1A850] =	vst v2  }
0x285: {  	[tilespmem:s21+$0x1A840] =	vst v1  }
0x286: {  	v1 =	vld [tilespmem:s20+$0x10];
	_ =	sdelay $0x4  }
0x287: {  	v2 =	vunpack.i.l.bf16.f32 v1  }
0x288: {  	v1 =	vunpack.i.u.bf16.f32 v1;
	[tilespmem:s21+$0x1A860] =	vst v2  }
0x289: {  	s23 =	simm.s32 $0x14300;
	[tilespmem:s21+$0x1A870] =	vst v1  }
0x28a: {  	[tilespmem:s0], [sflag:$0x1] =	stream.indirect.gather [hbm4b:s1+s31], $0x40, s23, s31, $0xb8;
	[tilespmem:$0x1F000] =	vst v63  }
0x28b: {  	_ =	swait.ge [sflag:s13], $0x1000  }
0x28c: {  	[sflag:s13] =	ssyncset.done $0x0  }
0x28d: {  	s20 =	simm.s32 $0x15830;
	[sflag:s13] =	ssyncadd.s32 $0xFFFFF000  }
0x28e: {  	v1 =	vld [tilespmem:s20+$0xFFFFFFD0];
	_ =	sdelay $0x1  }
0x28f: {  	s22 =	simm.s32 $0x200;
	s21 =	simm.s32 $0x0  }
.LBB2_51:
0x290: {  	p1 =	sne.s32 s22, $0x7E00;
	_ =	sdelay $0x1  }
0x291: {  	s23 =	sshra.s32 s21, $0x2;
	s21 =	smov.u32 s22;
	v2 =	vunpack.i.l.bf16.f32 v1  }
0x292: {  	v1 =	vunpack.i.u.bf16.f32 v1;
	[tilespmem:s23+$0x1C800] =	vst v2  }
0x293: {  	[tilespmem:s23+$0x1C810] =	vst v1  }
0x294: {  	v1 =	vld [tilespmem:s20+$0xFFFFFFE0];
	_ =	sdelay $0x4  }
0x295: {  	v2 =	vunpack.i.l.bf16.f32 v1  }
0x296: {  	v1 =	vunpack.i.u.bf16.f32 v1;
	[tilespmem:s23+$0x1C820] =	vst v2  }
0x297: {  	[tilespmem:s23+$0x1C830] =	vst v1  }
0x298: {  	v1 =	vld [tilespmem:s20+$0xFFFFFFF0];
	_ =	sdelay $0x4  }
0x299: {  	v2 =	vunpack.i.u.bf16.f32 v1;
	v1 =	vunpack.i.l.bf16.f32 v1  }
0x29a: {  	[tilespmem:s23+$0x1C850] =	vst v2  }
0x29b: {  	[tilespmem:s23+$0x1C840] =	vst v1  }
0x29c: {  	v1 =	vld [tilespmem:s20+$0x0];
	_ =	sdelay $0x4  }
0x29d: {  	v2 =	vunpack.i.u.bf16.f32 v1;
	v1 =	vunpack.i.l.bf16.f32 v1  }
.Ltmp15:
0x29e: {  	[tilespmem:s23+$0x1C860] =	vst v1;
	(pc) =	sbr.rel @p1 .LBB2_51-.Ltmp15, $3  }
0x29f: {  	s20 =	sadd.s32 $0x40, s20;
	[tilespmem:s23+$0x1C870] =	vst v2  }
0x2a0: {  	v1 =	vld [tilespmem:s20+$0xFFFFFFD0];
	_ =	sdelay $0x1  }
0x2a1: {  	s22 =	sadd.s32 $0x200, s22  }
0x2a2: {  	_ =	sdelay $0x1  }
0x2a3: {  	s21 =	sshra.s32 s21, $0x2;
	v2 =	vunpack.i.l.bf16.f32 v1  }
0x2a4: {  	v1 =	vunpack.i.u.bf16.f32 v1;
	[tilespmem:s21+$0x1C800] =	vst v2  }
0x2a5: {  	[tilespmem:s21+$0x1C810] =	vst v1  }
0x2a6: {  	v1 =	vld [tilespmem:s20+$0xFFFFFFE0];
	_ =	sdelay $0x4  }
0x2a7: {  	v2 =	vunpack.i.l.bf16.f32 v1  }
0x2a8: {  	v1 =	vunpack.i.u.bf16.f32 v1;
	[tilespmem:s21+$0x1C820] =	vst v2  }
0x2a9: {  	[tilespmem:s21+$0x1C830] =	vst v1  }
0x2aa: {  	v1 =	vld [tilespmem:s20+$0xFFFFFFF0];
	_ =	sdelay $0x4  }
0x2ab: {  	v2 =	vunpack.i.u.bf16.f32 v1  }
0x2ac: {  	v1 =	vunpack.i.l.bf16.f32 v1;
	[tilespmem:s21+$0x1C850] =	vst v2  }
0x2ad: {  	[tilespmem:s21+$0x1C840] =	vst v1  }
0x2ae: {  	v1 =	vld [tilespmem:s20+$0x0];
	_ =	sdelay $0x4  }
0x2af: {  	v2 =	vunpack.i.l.bf16.f32 v1  }
0x2b0: {  	v1 =	vunpack.i.u.bf16.f32 v1;
	[tilespmem:s21+$0x1C860] =	vst v2  }
0x2b1: {  	s22 =	simm.s32 $0x14340;
	[tilespmem:s21+$0x1C870] =	vst v1  }
0x2b2: {  	[tilespmem:s9], [sflag:$0x2] =	stream.indirect.gather [hbm4b:s1+s31], $0x40, s22, s31, $0xb8;
	[tilespmem:$0x1F000] =	vst v63  }
0x2b3: {  	_ = 	snop  }
0x2b4: {  	[spmem:s2] =	stream.indirect.scatter.add.f32 [tilespmem:s3], [sflag:$0x4], $0x80, s5, s15, $0xb8;
	[tilespmem:$0x1F000] =	vst v63  }
0x2b5: {  	_ =	swait.ge [sflag:s8], $0x4000  }
0x2b6: {  	[sflag:s8] =	ssyncset.done $0x0  }
0x2b7: {  	[sflag:s8] =	ssyncadd.s32 $0xFFFFC000  }
0x2b8: {  	_ =	swait.ge [sflag:s4], $0x1000  }
0x2b9: {  	[sflag:s4] =	ssyncset.done $0x0  }
0x2ba: {  	s23 =	simm.s32 $0x0;
	[sflag:s4] =	ssyncadd.s32 $0xFFFFF000  }
0x2bb: {  	v1 =	vld [tilespmem:s23+$0x14800];
	_ =	sdelay $0x4  }
0x2bc: {  	s20 =	simm.s32 $0x16840;
	v2 =	vunpack.i.l.bf16.f32 v1  }
0x2bd: {  	v1 =	vunpack.i.u.bf16.f32 v1;
	[tilespmem:s20+$0xFFFFFFC0] =	vst v2  }
0x2be: {  	[tilespmem:s20+$0xFFFFFFD0] =	vst v1  }
0x2bf: {  	v1 =	vld [tilespmem:s23+$0x14810];
	_ =	sdelay $0x4  }
0x2c0: {  	v2 =	vunpack.i.l.bf16.f32 v1  }
0x2c1: {  	v1 =	vunpack.i.u.bf16.f32 v1;
	[tilespmem:s20+$0xFFFFFFE0] =	vst v2  }
0x2c2: {  	[tilespmem:s20+$0xFFFFFFF0] =	vst v1  }
0x2c3: {  	v1 =	vld [tilespmem:s23+$0x14820];
	_ =	sdelay $0x4  }
0x2c4: {  	v2 =	vunpack.i.u.bf16.f32 v1  }
0x2c5: {  	v1 =	vunpack.i.l.bf16.f32 v1;
	[tilespmem:s20+$0x10] =	vst v2  }
0x2c6: {  	[tilespmem:s20+$0x0] =	vst v1  }
0x2c7: {  	v1 =	vld [tilespmem:s23+$0x14830];
	_ =	sdelay $0x4  }
0x2c8: {  	v2 =	vunpack.i.l.bf16.f32 v1  }
0x2c9: {  	v1 =	vunpack.i.u.bf16.f32 v1;
	[tilespmem:s20+$0x20] =	vst v2  }
0x2ca: {  	s21 =	simm.s32 $0x40;
	[tilespmem:s20+$0x30] =	vst v1  }
0x2cb: {  	v1 =	vld [tilespmem:s21+$0x14800]  }
0x2cc: {  	s22 =	simm.s32 $0x200  }
.LBB2_53:
0x2cd: {  	p1 =	sne.s32 s22, $0x3F00;
	_ =	sdelay $0x2  }
0x2ce: {  	s20 =	sadd.s32 $0x80, s20;
	v2 =	vunpack.i.l.bf16.f32 v1  }
0x2cf: {  	v1 =	vunpack.i.u.bf16.f32 v1;
	[tilespmem:s20+$0xFFFFFFC0] =	vst v2  }
0x2d0: {  	[tilespmem:s20+$0xFFFFFFD0] =	vst v1  }
0x2d1: {  	v1 =	vld [tilespmem:s21+$0x14810];
	_ =	sdelay $0x4  }
0x2d2: {  	v2 =	vunpack.i.l.bf16.f32 v1  }
0x2d3: {  	v1 =	vunpack.i.u.bf16.f32 v1;
	[tilespmem:s20+$0xFFFFFFE0] =	vst v2  }
0x2d4: {  	[tilespmem:s20+$0xFFFFFFF0] =	vst v1  }
0x2d5: {  	v1 =	vld [tilespmem:s21+$0x14820];
	_ =	sdelay $0x4  }
0x2d6: {  	v2 =	vunpack.i.u.bf16.f32 v1;
	v1 =	vunpack.i.l.bf16.f32 v1  }
0x2d7: {  	[tilespmem:s20+$0x10] =	vst v2  }
0x2d8: {  	[tilespmem:s20+$0x0] =	vst v1  }
0x2d9: {  	v1 =	vld [tilespmem:s21+$0x14830];
	_ =	sdelay $0x4  }
.Ltmp16:
0x2da: {  	v2 =	vunpack.i.u.bf16.f32 v1;
	v1 =	vunpack.i.l.bf16.f32 v1;
	(pc) =	sbr.rel @p1 .LBB2_53-.Ltmp16, $4  }
0x2db: {  	[tilespmem:s20+$0x20] =	vst v1  }
0x2dc: {  	s21 =	sshra.s32 s22, $0x2;
	[tilespmem:s20+$0x30] =	vst v2  }
0x2dd: {  	v1 =	vld [tilespmem:s21+$0x14800]  }
0x2de: {  	s22 =	sadd.s32 $0x100, s22  }
0x2df: {  	_ =	sdelay $0x2  }
0x2e0: {  	s20 =	sadd.s32 $0x80, s20;
	v2 =	vunpack.i.l.bf16.f32 v1  }
0x2e1: {  	v1 =	vunpack.i.u.bf16.f32 v1;
	[tilespmem:s20+$0xFFFFFFC0] =	vst v2  }
0x2e2: {  	[tilespmem:s20+$0xFFFFFFD0] =	vst v1  }
0x2e3: {  	v1 =	vld [tilespmem:s21+$0x14810];
	_ =	sdelay $0x4  }
0x2e4: {  	v2 =	vunpack.i.l.bf16.f32 v1  }
0x2e5: {  	v1 =	vunpack.i.u.bf16.f32 v1;
	[tilespmem:s20+$0xFFFFFFE0] =	vst v2  }
0x2e6: {  	[tilespmem:s20+$0xFFFFFFF0] =	vst v1  }
0x2e7: {  	v1 =	vld [tilespmem:s21+$0x14820];
	_ =	sdelay $0x4  }
0x2e8: {  	v2 =	vunpack.i.u.bf16.f32 v1  }
0x2e9: {  	v1 =	vunpack.i.l.bf16.f32 v1;
	[tilespmem:s20+$0x10] =	vst v2  }
0x2ea: {  	[tilespmem:s20+$0x0] =	vst v1  }
0x2eb: {  	v1 =	vld [tilespmem:s21+$0x14830];
	_ =	sdelay $0x4  }
0x2ec: {  	v2 =	vunpack.i.l.bf16.f32 v1  }
0x2ed: {  	v1 =	vunpack.i.u.bf16.f32 v1;
	[tilespmem:s20+$0x20] =	vst v2  }
0x2ee: {  	s22 =	simm.s32 $0x14380;
	[tilespmem:s20+$0x30] =	vst v1  }
0x2ef: {  	[tilespmem:s0], [sflag:$0x1] =	stream.indirect.gather [hbm4b:s1+s31], $0x40, s22, s31, $0xb8;
	[tilespmem:$0x1F000] =	vst v63  }
0x2f0: {  	_ =	swait.ge [sflag:s13], $0x1000  }
0x2f1: {  	[sflag:s13] =	ssyncset.done $0x0  }
0x2f2: {  	s23 =	simm.s32 $0x0;
	[sflag:s13] =	ssyncadd.s32 $0xFFFFF000  }
0x2f3: {  	v1 =	vld [tilespmem:s23+$0x15800];
	_ =	sdelay $0x4  }
0x2f4: {  	s20 =	simm.s32 $0x18870;
	v2 =	vunpack.i.l.bf16.f32 v1  }
0x2f5: {  	v1 =	vunpack.i.u.bf16.f32 v1;
	[tilespmem:s20+$0xFFFFFF90] =	vst v2  }
0x2f6: {  	[tilespmem:s20+$0xFFFFFFA0] =	vst v1  }
0x2f7: {  	v1 =	vld [tilespmem:s23+$0x15810];
	_ =	sdelay $0x4  }
0x2f8: {  	v2 =	vunpack.i.l.bf16.f32 v1  }
0x2f9: {  	v1 =	vunpack.i.u.bf16.f32 v1;
	[tilespmem:s20+$0xFFFFFFB0] =	vst v2  }
0x2fa: {  	[tilespmem:s20+$0xFFFFFFC0] =	vst v1  }
0x2fb: {  	v1 =	vld [tilespmem:s23+$0x15820];
	_ =	sdelay $0x4  }
0x2fc: {  	v2 =	vunpack.i.u.bf16.f32 v1  }
0x2fd: {  	v1 =	vunpack.i.l.bf16.f32 v1;
	[tilespmem:s20+$0xFFFFFFE0] =	vst v2  }
0x2fe: {  	[tilespmem:s20+$0xFFFFFFD0] =	vst v1  }
0x2ff: {  	v1 =	vld [tilespmem:s23+$0x15830];
	_ =	sdelay $0x4  }
0x300: {  	v2 =	vunpack.i.l.bf16.f32 v1  }
0x301: {  	v1 =	vunpack.i.u.bf16.f32 v1;
	[tilespmem:s20+$0xFFFFFFF0] =	vst v2  }
0x302: {  	s21 =	simm.s32 $0x40;
	[tilespmem:s20+$0x0] =	vst v1  }
0x303: {  	v1 =	vld [tilespmem:s21+$0x15800]  }
0x304: {  	s22 =	simm.s32 $0x200  }
.LBB2_55:
0x305: {  	p1 =	sne.s32 s22, $0x3F00;
	_ =	sdelay $0x2  }
0x306: {  	s20 =	sadd.s32 $0x80, s20;
	v2 =	vunpack.i.l.bf16.f32 v1  }
0x307: {  	v1 =	vunpack.i.u.bf16.f32 v1;
	[tilespmem:s20+$0xFFFFFF90] =	vst v2  }
0x308: {  	[tilespmem:s20+$0xFFFFFFA0] =	vst v1  }
0x309: {  	v1 =	vld [tilespmem:s21+$0x15810];
	_ =	sdelay $0x4  }
0x30a: {  	v2 =	vunpack.i.l.bf16.f32 v1  }
0x30b: {  	v1 =	vunpack.i.u.bf16.f32 v1;
	[tilespmem:s20+$0xFFFFFFB0] =	vst v2  }
0x30c: {  	[tilespmem:s20+$0xFFFFFFC0] =	vst v1  }
0x30d: {  	v1 =	vld [tilespmem:s21+$0x15820];
	_ =	sdelay $0x4  }
0x30e: {  	v2 =	vunpack.i.u.bf16.f32 v1;
	v1 =	vunpack.i.l.bf16.f32 v1  }
0x30f: {  	[tilespmem:s20+$0xFFFFFFE0] =	vst v2  }
0x310: {  	[tilespmem:s20+$0xFFFFFFD0] =	vst v1  }
0x311: {  	v1 =	vld [tilespmem:s21+$0x15830];
	_ =	sdelay $0x4  }
.Ltmp17:
0x312: {  	v2 =	vunpack.i.u.bf16.f32 v1;
	v1 =	vunpack.i.l.bf16.f32 v1;
	(pc) =	sbr.rel @p1 .LBB2_55-.Ltmp17, $4  }
0x313: {  	[tilespmem:s20+$0xFFFFFFF0] =	vst v1  }
0x314: {  	s21 =	sshra.s32 s22, $0x2;
	[tilespmem:s20+$0x0] =	vst v2  }
0x315: {  	v1 =	vld [tilespmem:s21+$0x15800]  }
0x316: {  	s22 =	sadd.s32 $0x100, s22  }
0x317: {  	_ =	sdelay $0x2  }
0x318: {  	s20 =	sadd.s32 $0x80, s20;
	v2 =	vunpack.i.l.bf16.f32 v1  }
0x319: {  	v1 =	vunpack.i.u.bf16.f32 v1;
	[tilespmem:s20+$0xFFFFFF90] =	vst v2  }
0x31a: {  	[tilespmem:s20+$0xFFFFFFA0] =	vst v1  }
0x31b: {  	v1 =	vld [tilespmem:s21+$0x15810];
	_ =	sdelay $0x4  }
0x31c: {  	v2 =	vunpack.i.l.bf16.f32 v1  }
0x31d: {  	v1 =	vunpack.i.u.bf16.f32 v1;
	[tilespmem:s20+$0xFFFFFFB0] =	vst v2  }
0x31e: {  	[tilespmem:s20+$0xFFFFFFC0] =	vst v1  }
0x31f: {  	v1 =	vld [tilespmem:s21+$0x15820];
	_ =	sdelay $0x4  }
0x320: {  	v2 =	vunpack.i.u.bf16.f32 v1  }
0x321: {  	v1 =	vunpack.i.l.bf16.f32 v1;
	[tilespmem:s20+$0xFFFFFFE0] =	vst v2  }
0x322: {  	[tilespmem:s20+$0xFFFFFFD0] =	vst v1  }
0x323: {  	v1 =	vld [tilespmem:s21+$0x15830];
	_ =	sdelay $0x4  }
0x324: {  	v2 =	vunpack.i.l.bf16.f32 v1  }
0x325: {  	v1 =	vunpack.i.u.bf16.f32 v1;
	[tilespmem:s20+$0xFFFFFFF0] =	vst v2  }
0x326: {  	s23 =	simm.s32 $0x143C0;
	[tilespmem:s20+$0x0] =	vst v1  }
0x327: {  	[tilespmem:s9], [sflag:$0x2] =	stream.indirect.gather [hbm4b:s1+s31], $0x40, s23, s31, $0xb8;
	[tilespmem:$0x1F000] =	vst v63  }
0x328: {  	_ = 	snop  }
0x329: {  	[spmem:s2] =	stream.indirect.scatter.add.f32 [tilespmem:s26], [sflag:$0x3], $0x80, s6, s15, $0xb8;
	[tilespmem:$0x1F000] =	vst v63  }
0x32a: {  	_ =	swait.ge [sflag:s25], $0x4000  }
0x32b: {  	[sflag:s25] =	ssyncset.done $0x0  }
0x32c: {  	[sflag:s25] =	ssyncadd.s32 $0xFFFFC000  }
0x32d: {  	_ =	swait.ge [sflag:s4], $0x1000  }
0x32e: {  	[sflag:s4] =	ssyncset.done $0x0  }
0x32f: {  	s20 =	simm.s32 $0x14820;
	[sflag:s4] =	ssyncadd.s32 $0xFFFFF000  }
0x330: {  	v1 =	vld [tilespmem:s20+$0xFFFFFFE0];
	_ =	sdelay $0x1  }
0x331: {  	s22 =	simm.s32 $0x200;
	s21 =	simm.s32 $0x0  }
.LBB2_57:
0x332: {  	p1 =	sne.s32 s22, $0x7E00;
	_ =	sdelay $0x1  }
0x333: {  	s23 =	sshra.s32 s21, $0x2;
	s21 =	smov.u32 s22;
	v2 =	vunpack.i.l.bf16.f32 v1  }
0x334: {  	v1 =	vunpack.i.u.bf16.f32 v1;
	[tilespmem:s23+$0x1A800] =	vst v2  }
0x335: {  	[tilespmem:s23+$0x1A810] =	vst v1  }
0x336: {  	v1 =	vld [tilespmem:s20+$0xFFFFFFF0];
	_ =	sdelay $0x4  }
0x337: {  	v2 =	vunpack.i.l.bf16.f32 v1  }
0x338: {  	v1 =	vunpack.i.u.bf16.f32 v1;
	[tilespmem:s23+$0x1A820] =	vst v2  }
0x339: {  	[tilespmem:s23+$0x1A830] =	vst v1  }
0x33a: {  	v1 =	vld [tilespmem:s20+$0x0];
	_ =	sdelay $0x4  }
0x33b: {  	v2 =	vunpack.i.u.bf16.f32 v1;
	v1 =	vunpack.i.l.bf16.f32 v1  }
0x33c: {  	[tilespmem:s23+$0x1A850] =	vst v2  }
0x33d: {  	[tilespmem:s23+$0x1A840] =	vst v1  }
0x33e: {  	v1 =	vld [tilespmem:s20+$0x10];
	_ =	sdelay $0x4  }
0x33f: {  	v2 =	vunpack.i.u.bf16.f32 v1;
	v1 =	vunpack.i.l.bf16.f32 v1  }
.Ltmp18:
0x340: {  	[tilespmem:s23+$0x1A860] =	vst v1;
	(pc) =	sbr.rel @p1 .LBB2_57-.Ltmp18, $3  }
0x341: {  	s20 =	sadd.s32 $0x40, s20;
	[tilespmem:s23+$0x1A870] =	vst v2  }
0x342: {  	v1 =	vld [tilespmem:s20+$0xFFFFFFE0];
	_ =	sdelay $0x1  }
0x343: {  	s22 =	sadd.s32 $0x200, s22  }
0x344: {  	_ =	sdelay $0x1  }
0x345: {  	s21 =	sshra.s32 s21, $0x2;
	v2 =	vunpack.i.l.bf16.f32 v1  }
0x346: {  	v1 =	vunpack.i.u.bf16.f32 v1;
	[tilespmem:s21+$0x1A800] =	vst v2  }
0x347: {  	[tilespmem:s21+$0x1A810] =	vst v1  }
0x348: {  	v1 =	vld [tilespmem:s20+$0xFFFFFFF0];
	_ =	sdelay $0x4  }
0x349: {  	v2 =	vunpack.i.l.bf16.f32 v1  }
0x34a: {  	v1 =	vunpack.i.u.bf16.f32 v1;
	[tilespmem:s21+$0x1A820] =	vst v2  }
0x34b: {  	[tilespmem:s21+$0x1A830] =	vst v1  }
0x34c: {  	v1 =	vld [tilespmem:s20+$0x0];
	_ =	sdelay $0x4  }
0x34d: {  	v2 =	vunpack.i.u.bf16.f32 v1  }
0x34e: {  	v1 =	vunpack.i.l.bf16.f32 v1;
	[tilespmem:s21+$0x1A850] =	vst v2  }
0x34f: {  	[tilespmem:s21+$0x1A840] =	vst v1  }
0x350: {  	v1 =	vld [tilespmem:s20+$0x10];
	_ =	sdelay $0x4  }
0x351: {  	v2 =	vunpack.i.l.bf16.f32 v1  }
0x352: {  	v1 =	vunpack.i.u.bf16.f32 v1;
	[tilespmem:s21+$0x1A860] =	vst v2  }
0x353: {  	[tilespmem:s21+$0x1A870] =	vst v1  }
0x354: {  	_ =	swait.ge [sflag:s13], $0x1000  }
0x355: {  	[sflag:s13] =	ssyncset.done $0x0  }
0x356: {  	s20 =	simm.s32 $0x15830;
	[sflag:s13] =	ssyncadd.s32 $0xFFFFF000  }
0x357: {  	v1 =	vld [tilespmem:s20+$0xFFFFFFD0];
	_ =	sdelay $0x1  }
0x358: {  	s22 =	simm.s32 $0x200;
	s21 =	simm.s32 $0x0  }
.LBB2_59:
0x359: {  	p1 =	sne.s32 s22, $0x7E00;
	_ =	sdelay $0x1  }
0x35a: {  	s23 =	sshra.s32 s21, $0x2;
	s21 =	smov.u32 s22;
	v2 =	vunpack.i.l.bf16.f32 v1  }
0x35b: {  	v1 =	vunpack.i.u.bf16.f32 v1;
	[tilespmem:s23+$0x1C800] =	vst v2  }
0x35c: {  	[tilespmem:s23+$0x1C810] =	vst v1  }
0x35d: {  	v1 =	vld [tilespmem:s20+$0xFFFFFFE0];
	_ =	sdelay $0x4  }
0x35e: {  	v2 =	vunpack.i.l.bf16.f32 v1  }
0x35f: {  	v1 =	vunpack.i.u.bf16.f32 v1;
	[tilespmem:s23+$0x1C820] =	vst v2  }
0x360: {  	[tilespmem:s23+$0x1C830] =	vst v1  }
0x361: {  	v1 =	vld [tilespmem:s20+$0xFFFFFFF0];
	_ =	sdelay $0x4  }
0x362: {  	v2 =	vunpack.i.u.bf16.f32 v1;
	v1 =	vunpack.i.l.bf16.f32 v1  }
0x363: {  	[tilespmem:s23+$0x1C850] =	vst v2  }
0x364: {  	[tilespmem:s23+$0x1C840] =	vst v1  }
0x365: {  	v1 =	vld [tilespmem:s20+$0x0];
	_ =	sdelay $0x4  }
0x366: {  	v2 =	vunpack.i.u.bf16.f32 v1;
	v1 =	vunpack.i.l.bf16.f32 v1  }
.Ltmp19:
0x367: {  	[tilespmem:s23+$0x1C860] =	vst v1;
	(pc) =	sbr.rel @p1 .LBB2_59-.Ltmp19, $3  }
0x368: {  	s20 =	sadd.s32 $0x40, s20;
	[tilespmem:s23+$0x1C870] =	vst v2  }
0x369: {  	v1 =	vld [tilespmem:s20+$0xFFFFFFD0];
	_ =	sdelay $0x1  }
0x36a: {  	s22 =	sadd.s32 $0x200, s22  }
0x36b: {  	_ =	sdelay $0x1  }
0x36c: {  	s21 =	sshra.s32 s21, $0x2;
	v2 =	vunpack.i.l.bf16.f32 v1  }
0x36d: {  	v1 =	vunpack.i.u.bf16.f32 v1;
	[tilespmem:s21+$0x1C800] =	vst v2  }
0x36e: {  	[tilespmem:s21+$0x1C810] =	vst v1  }
0x36f: {  	v1 =	vld [tilespmem:s20+$0xFFFFFFE0];
	_ =	sdelay $0x4  }
0x370: {  	v2 =	vunpack.i.l.bf16.f32 v1  }
0x371: {  	v1 =	vunpack.i.u.bf16.f32 v1;
	[tilespmem:s21+$0x1C820] =	vst v2  }
0x372: {  	[tilespmem:s21+$0x1C830] =	vst v1  }
0x373: {  	v1 =	vld [tilespmem:s20+$0xFFFFFFF0];
	_ =	sdelay $0x4  }
0x374: {  	v2 =	vunpack.i.u.bf16.f32 v1  }
0x375: {  	v1 =	vunpack.i.l.bf16.f32 v1;
	[tilespmem:s21+$0x1C850] =	vst v2  }
0x376: {  	[tilespmem:s21+$0x1C840] =	vst v1  }
0x377: {  	v1 =	vld [tilespmem:s20+$0x0];
	_ =	sdelay $0x4  }
0x378: {  	v2 =	vunpack.i.l.bf16.f32 v1  }
0x379: {  	v1 =	vunpack.i.u.bf16.f32 v1;
	[tilespmem:s21+$0x1C860] =	vst v2  }
0x37a: {  	s19 =	sadd.s32 $0x1, s19;
	[tilespmem:s21+$0x1C870] =	vst v1  }
0x37b: {  	[spmem:s2] =	stream.indirect.scatter.add.f32 [tilespmem:s3], [sflag:$0x4], $0x80, s16, s15, $0xb8;
	[tilespmem:$0x1F000] =	vst v63  }
0x37c: {  	p1 =	seq.s32 s19, $0x14;
	_ =	swait.ge [sflag:s8], $0x4000  }
.Ltmp20:
0x37d: {  	[sflag:s8] =	ssyncset.done $0x0;
	(pc) =	sbr.rel @!p1 .LBB2_28-.Ltmp20, $4  }
0x37e: {  	[sflag:s8] =	ssyncadd.s32 $0xFFFFC000  }
0x37f: {  	_ =	swait.ge [sflag:s25], $0x4000  }
0x380: {  	[sflag:s25] =	ssyncset.done $0x0  }
0x381: {  	[sflag:s25] =	ssyncadd.s32 $0xFFFFC000  }
.Ltmp21:
0x382: {  	(pc) =	sbr.rel .LBB2_62-.Ltmp21, $2  }
0x383: {  	_ =	sdelay $0x2  }
0x384: {  	s18 =	rddreg [dreg:$0x7]  }
.LBB2_4:
0x385: {  	s18 =	sshra.s32 s19, $0x2;
	s19 =	sadd.s32 $0x200, s19  }
.LBB2_5:
0x386: {  	p1 =	sne.s32 s19, $0xFE00;
	[tilespmem:s18+$0x1A870] =	vst v0  }
0x387: {  	[tilespmem:s18+$0x1A800] =	vst v0  }
0x388: {  	[tilespmem:s18+$0x1A810] =	vst v0  }
.Ltmp22:
0x389: {  	[tilespmem:s18+$0x1A820] =	vst v0;
	(pc) =	sbr.rel @p1 .LBB2_5-.Ltmp22, $4  }
0x38a: {  	[tilespmem:s18+$0x1A830] =	vst v0  }
0x38b: {  	[tilespmem:s18+$0x1A840] =	vst v0  }
0x38c: {  	[tilespmem:s18+$0x1A850] =	vst v0  }
0x38d: {  	[tilespmem:s18+$0x1A860] =	vst v0;
	s18 =	sshra.s32 s19, $0x2;
	s19 =	sadd.s32 $0x200, s19  }
0x38e: {  	[tilespmem:s18+$0x1A870] =	vst v0  }
0x38f: {  	[tilespmem:s18+$0x1A800] =	vst v0  }
0x390: {  	[tilespmem:s18+$0x1A810] =	vst v0  }
0x391: {  	[tilespmem:s18+$0x1A820] =	vst v0  }
0x392: {  	[tilespmem:s18+$0x1A830] =	vst v0  }
0x393: {  	[tilespmem:s18+$0x1A840] =	vst v0  }
0x394: {  	[tilespmem:s18+$0x1A850] =	vst v0  }
0x395: {  	[dreg:$0x4] =	wrdreg s29;
	[tilespmem:s18+$0x1A860] =	vst v0;
	s18 =	simm.s32 $0xFFFF0200;
	s19 =	simm.s32 $0xFFFFC000;
	v1 =	vsel vm0, $0x3F800000, v0  }
.LBB2_7:
0x396: {  	p1 =	sne.s32 s18, $0xFFFFFE00;
	[tilespmem:s19+$0x1A810] =	vst v1;
	s20 =	smov.u32 s18;
	s18 =	sadd.s32 $0x200, s18  }
.Ltmp23:
0x397: {  	[tilespmem:s19+$0x1E810] =	vst v1;
	(pc) =	sbr.rel @p1 .LBB2_7-.Ltmp23, $2  }
0x398: {  	_ =	sdelay $0x2  }
0x399: {  	s19 =	sshra.s32 s20, $0x2  }
0x39a: {  	[tilespmem:s19+$0x1A810] =	vst v1  }
0x39b: {  	[tilespmem:s19+$0x1E810] =	vst v1  }
0x39c: {  	s18 =	simm.s32 $0x0;
	s19 =	simm.s32 $0x0;
	[bflag:$0x0] =	sbarrier.arrive $0xFFFF  }
.LBB2_9:
0x39d: {  	s20 =	sshll.u32 s19, $0x7;
	s10 =	rddreg [dreg:$0xe]  }
0x39e: {  	s20 =	sadd.s32 s20, s10  }
0x39f: {  	[tilespmem:s30], [sflag:$0x5] =	stream.linear.gather [hbm4b:s20+s18], $0x400, $0x38;
	[tilespmem:$0x1F000] =	vst v63  }
0x3a0: {  	s20 =	sshll.u32 s19, $0xA  }
0x3a1: {  	s21 =	sadd.s32 s11, s20  }
0x3a2: {  	s21 =	sshrl.u32 s21, $0x3  }
0x3a3: {  	_ =	swait.ge [sflag:s28], $0x400;
	s21 =	smin.u32 s21, $0x9C30  }
0x3a4: {  	[sflag:s28] =	ssyncset.done $0x0;
	s21 =	sshll.u32 s21, $0x4  }
0x3a5: {  	[sflag:s28] =	ssyncadd.s32 $0xFFFFFC00;
	s21 =	sadd.s32 s7, s21  }
0x3a6: {  	[tilespmem:s17], [sflag:$0x5] =	stream.linear.gather [hbm4b:s21+s18], $0x800, $0x38;
	[tilespmem:$0x1F000] =	vst v63  }
0x3a7: {  	s10 =	sand.u32 $0x1E00, s18;
	_ =	swait.ge [sflag:s28], $0x800  }
0x3a8: {  	s22 =	sand.u32 $0x70, s18;
	s21 =	sshrl.u32 s10, $0x2;
	[sflag:s28] =	ssyncset.done $0x0  }
0x3a9: {  	s21 =	sor.u32 s22, s21;
	[sflag:s28] =	ssyncadd.s32 $0xFFFFF800  }
0x3aa: {  	v1 =	vld [tilespmem:s21+$0x1E800];
	_ =	sdelay $0x1  }
0x3ab: {  	s23 =	simm.s32 $0x40  }
0x3ac: {  	s29 =	simm.s32 $0x10;
	s23 =	sand.u32 $0x1E00, s23  }
0x3ad: {  	s23 =	sshrl.u32 s23, $0x2;
	s22 =	sand.u32 $0x70, s29;
	s21 =	simm.s32 $0x16800  }
0x3ae: {  	s23 =	sor.u32 s22, s23;
	[tilespmem:s21+$0x0] =	vst v1  }
0x3af: {  	v1 =	vld [tilespmem:s23+$0x1E800]  }
0x3b0: {  	s22 =	simm.s32 $0x80;
	s23 =	simm.s32 $0x20  }
.LBB2_10:
0x3b1: {  	s29 =	sand.u32 $0x1E00, s22  }
0x3b2: {  	p1 =	sne.s32 s22, $0x1FC0;
	s22 =	sadd.s32 $0x40, s22;
	s10 =	sand.u32 $0x70, s23  }
.Ltmp24:
0x3b3: {  	s21 =	sadd.s32 $0x80, s21;
	s29 =	sshrl.u32 s29, $0x2;
	(pc) =	sbr.rel @p1 .LBB2_10-.Ltmp24, $3  }
0x3b4: {  	s10 =	sor.u32 s10, s29;
	[tilespmem:s21+$0x0] =	vst v1  }
0x3b5: {  	v1 =	vld [tilespmem:s10+$0x1E800];
	_ =	sdelay $0x1  }
0x3b6: {  	s23 =	sadd.s32 $0x10, s23  }
0x3b7: {  	_ = 	snop  }
0x3b8: {  	s10 =	sadd.s32 $0x80, s21;
	s21 =	rddreg [dreg:$0xf]  }
0x3b9: {  	[tilespmem:s10+$0x0] =	vst v1;
	s10 =	sadd.s32 s20, s21  }
0x3ba: {  	[spmem:s2] =	stream.indirect.scatter.add.f32 [tilespmem:s26], [sflag:$0x3], $0x80, s30, s15, $0xb8;
	[tilespmem:$0x1F000] =	vst v63  }
0x3bb: {  	s10 =	sshrl.u32 s10, $0x3  }
0x3bc: {  	s10 =	smin.u32 s10, $0x9C30  }
0x3bd: {  	s10 =	sshll.u32 s10, $0x4  }
0x3be: {  	s22 =	simm.s32 $0x0;
	s10 =	sadd.s32 s7, s10  }
0x3bf: {  	[tilespmem:s17], [sflag:$0x5] =	stream.linear.gather [hbm4b:s10+s22], $0x800, $0x38;
	[tilespmem:$0x1F000] =	vst v63  }
0x3c0: {  	s23 =	sand.u32 $0x1E00, s22;
	_ =	swait.ge [sflag:s28], $0x800  }
0x3c1: {  	s21 =	sand.u32 $0x70, s22;
	s10 =	sshrl.u32 s23, $0x2;
	[sflag:s28] =	ssyncset.done $0x0  }
0x3c2: {  	s10 =	sor.u32 s21, s10;
	[sflag:s28] =	ssyncadd.s32 $0xFFFFF800  }
0x3c3: {  	v1 =	vld [tilespmem:s10+$0x1E800];
	_ =	sdelay $0x1  }
0x3c4: {  	s29 =	simm.s32 $0x40  }
0x3c5: {  	s22 =	simm.s32 $0x10;
	s10 =	sand.u32 $0x1E00, s29  }
0x3c6: {  	s21 =	simm.s32 $0x1A800;
	s22 =	sand.u32 $0x70, s22;
	s10 =	sshrl.u32 s10, $0x2  }
0x3c7: {  	s10 =	sor.u32 s22, s10;
	[tilespmem:s21+$0x0] =	vst v1  }
0x3c8: {  	v1 =	vld [tilespmem:s10+$0x1E800]  }
0x3c9: {  	s23 =	simm.s32 $0x20;
	s22 =	simm.s32 $0x80  }
.LBB2_12:
0x3ca: {  	s10 =	sand.u32 $0x1E00, s22  }
0x3cb: {  	p1 =	sne.s32 s22, $0x1FC0;
	s22 =	sadd.s32 $0x40, s22;
	s29 =	sand.u32 $0x70, s23  }
.Ltmp25:
0x3cc: {  	s21 =	sadd.s32 $0x80, s21;
	s10 =	sshrl.u32 s10, $0x2;
	(pc) =	sbr.rel @p1 .LBB2_12-.Ltmp25, $3  }
0x3cd: {  	s10 =	sor.u32 s29, s10;
	[tilespmem:s21+$0x0] =	vst v1  }
0x3ce: {  	v1 =	vld [tilespmem:s10+$0x1E800];
	_ =	sdelay $0x1  }
0x3cf: {  	s23 =	sadd.s32 $0x10, s23  }
0x3d0: {  	_ = 	snop  }
0x3d1: {  	s10 =	sadd.s32 $0x80, s21;
	s21 =	rddreg [dreg:$0x10]  }
0x3d2: {  	s29 =	simm.s32 $0x14480;
	[tilespmem:s10+$0x0] =	vst v1;
	s10 =	sadd.s32 s20, s21  }
0x3d3: {  	[spmem:s2] =	stream.indirect.scatter.add.f32 [tilespmem:s3], [sflag:$0x4], $0x80, s29, s15, $0xb8;
	[tilespmem:$0x1F000] =	vst v63  }
0x3d4: {  	s10 =	sshrl.u32 s10, $0x3  }
0x3d5: {  	s10 =	smin.u32 s10, $0x9C30  }
0x3d6: {  	s10 =	sshll.u32 s10, $0x4  }
0x3d7: {  	s22 =	simm.s32 $0x0;
	s10 =	sadd.s32 s7, s10  }
0x3d8: {  	[tilespmem:s17], [sflag:$0x5] =	stream.linear.gather [hbm4b:s10+s22], $0x800, $0x38;
	[tilespmem:$0x1F000] =	vst v63  }
0x3d9: {  	_ =	swait.ge [sflag:s28], $0x800  }
0x3da: {  	[sflag:s28] =	ssyncset.done $0x0  }
0x3db: {  	[sflag:s28] =	ssyncadd.s32 $0xFFFFF800  }
0x3dc: {  	s23 =	sand.u32 $0x1E00, s22;
	_ =	swait.ge [sflag:s8], $0x4000  }
0x3dd: {  	s21 =	sand.u32 $0x70, s22;
	s10 =	sshrl.u32 s23, $0x2;
	[sflag:s8] =	ssyncset.done $0x0  }
0x3de: {  	s10 =	sor.u32 s21, s10;
	[sflag:s8] =	ssyncadd.s32 $0xFFFFC000  }
0x3df: {  	v1 =	vld [tilespmem:s10+$0x1E800];
	_ =	sdelay $0x1  }
0x3e0: {  	s29 =	simm.s32 $0x40  }
0x3e1: {  	s22 =	simm.s32 $0x10;
	s10 =	sand.u32 $0x1E00, s29  }
0x3e2: {  	s21 =	simm.s32 $0x16800;
	s22 =	sand.u32 $0x70, s22;
	s10 =	sshrl.u32 s10, $0x2  }
0x3e3: {  	s10 =	sor.u32 s22, s10;
	[tilespmem:s21+$0x0] =	vst v1  }
0x3e4: {  	v1 =	vld [tilespmem:s10+$0x1E800]  }
0x3e5: {  	s23 =	simm.s32 $0x20;
	s22 =	simm.s32 $0x80  }
.LBB2_14:
0x3e6: {  	s10 =	sand.u32 $0x1E00, s22  }
0x3e7: {  	p1 =	sne.s32 s22, $0x1FC0;
	s22 =	sadd.s32 $0x40, s22;
	s29 =	sand.u32 $0x70, s23  }
.Ltmp26:
0x3e8: {  	s21 =	sadd.s32 $0x80, s21;
	s10 =	sshrl.u32 s10, $0x2;
	(pc) =	sbr.rel @p1 .LBB2_14-.Ltmp26, $3  }
0x3e9: {  	s10 =	sor.u32 s29, s10;
	[tilespmem:s21+$0x0] =	vst v1  }
0x3ea: {  	v1 =	vld [tilespmem:s10+$0x1E800];
	_ =	sdelay $0x1  }
0x3eb: {  	s23 =	sadd.s32 $0x10, s23  }
0x3ec: {  	_ = 	snop  }
0x3ed: {  	s10 =	sadd.s32 $0x80, s21;
	s21 =	rddreg [dreg:$0x11]  }
0x3ee: {  	[tilespmem:s10+$0x0] =	vst v1;
	s10 =	sadd.s32 s20, s21  }
0x3ef: {  	[spmem:s2] =	stream.indirect.scatter.add.f32 [tilespmem:s26], [sflag:$0x3], $0x80, s24, s15, $0xb8;
	[tilespmem:$0x1F000] =	vst v63  }
0x3f0: {  	s10 =	sshrl.u32 s10, $0x3  }
0x3f1: {  	s10 =	smin.u32 s10, $0x9C30  }
0x3f2: {  	s10 =	sshll.u32 s10, $0x4  }
0x3f3: {  	s22 =	simm.s32 $0x0;
	s10 =	sadd.s32 s7, s10  }
0x3f4: {  	[tilespmem:s17], [sflag:$0x5] =	stream.linear.gather [hbm4b:s10+s22], $0x800, $0x38;
	[tilespmem:$0x1F000] =	vst v63  }
0x3f5: {  	_ =	swait.ge [sflag:s28], $0x800  }
0x3f6: {  	[sflag:s28] =	ssyncset.done $0x0  }
0x3f7: {  	[sflag:s28] =	ssyncadd.s32 $0xFFFFF800  }
0x3f8: {  	s23 =	sand.u32 $0x1E00, s22;
	_ =	swait.ge [sflag:s25], $0x4000  }
0x3f9: {  	s21 =	sand.u32 $0x70, s22;
	s10 =	sshrl.u32 s23, $0x2;
	[sflag:s25] =	ssyncset.done $0x0  }
0x3fa: {  	s10 =	sor.u32 s21, s10;
	[sflag:s25] =	ssyncadd.s32 $0xFFFFC000  }
0x3fb: {  	v1 =	vld [tilespmem:s10+$0x1E800];
	_ =	sdelay $0x1  }
0x3fc: {  	s29 =	simm.s32 $0x40  }
0x3fd: {  	s22 =	simm.s32 $0x10;
	s10 =	sand.u32 $0x1E00, s29  }
0x3fe: {  	s21 =	simm.s32 $0x1A800;
	s22 =	sand.u32 $0x70, s22;
	s10 =	sshrl.u32 s10, $0x2  }
0x3ff: {  	s10 =	sor.u32 s22, s10;
	[tilespmem:s21+$0x0] =	vst v1  }
0x400: {  	v1 =	vld [tilespmem:s10+$0x1E800]  }
0x401: {  	s23 =	simm.s32 $0x20;
	s22 =	simm.s32 $0x80  }
.LBB2_16:
0x402: {  	s10 =	sand.u32 $0x1E00, s22  }
0x403: {  	p1 =	sne.s32 s22, $0x1FC0;
	s22 =	sadd.s32 $0x40, s22;
	s29 =	sand.u32 $0x70, s23  }
.Ltmp27:
0x404: {  	s21 =	sadd.s32 $0x80, s21;
	s10 =	sshrl.u32 s10, $0x2;
	(pc) =	sbr.rel @p1 .LBB2_16-.Ltmp27, $3  }
0x405: {  	s10 =	sor.u32 s29, s10;
	[tilespmem:s21+$0x0] =	vst v1  }
0x406: {  	v1 =	vld [tilespmem:s10+$0x1E800];
	_ =	sdelay $0x1  }
0x407: {  	s23 =	sadd.s32 $0x10, s23  }
0x408: {  	_ = 	snop  }
0x409: {  	s10 =	sadd.s32 $0x80, s21;
	s21 =	rddreg [dreg:$0x12]  }
0x40a: {  	[tilespmem:s10+$0x0] =	vst v1;
	s10 =	sadd.s32 s20, s21  }
0x40b: {  	[spmem:s2] =	stream.indirect.scatter.add.f32 [tilespmem:s3], [sflag:$0x4], $0x80, s12, s15, $0xb8;
	[tilespmem:$0x1F000] =	vst v63  }
0x40c: {  	s10 =	sshrl.u32 s10, $0x3  }
0x40d: {  	s10 =	smin.u32 s10, $0x9C30  }
0x40e: {  	s10 =	sshll.u32 s10, $0x4  }
0x40f: {  	s22 =	simm.s32 $0x0;
	s10 =	sadd.s32 s7, s10  }
0x410: {  	[tilespmem:s17], [sflag:$0x5] =	stream.linear.gather [hbm4b:s10+s22], $0x800, $0x38;
	[tilespmem:$0x1F000] =	vst v63  }
0x411: {  	_ =	swait.ge [sflag:s28], $0x800  }
0x412: {  	[sflag:s28] =	ssyncset.done $0x0  }
0x413: {  	[sflag:s28] =	ssyncadd.s32 $0xFFFFF800  }
0x414: {  	s23 =	sand.u32 $0x1E00, s22;
	_ =	swait.ge [sflag:s8], $0x4000  }
0x415: {  	s21 =	sand.u32 $0x70, s22;
	s10 =	sshrl.u32 s23, $0x2;
	[sflag:s8] =	ssyncset.done $0x0  }
0x416: {  	s10 =	sor.u32 s21, s10;
	[sflag:s8] =	ssyncadd.s32 $0xFFFFC000  }
0x417: {  	v1 =	vld [tilespmem:s10+$0x1E800];
	_ =	sdelay $0x1  }
0x418: {  	s29 =	simm.s32 $0x40  }
0x419: {  	s22 =	simm.s32 $0x10;
	s10 =	sand.u32 $0x1E00, s29  }
0x41a: {  	s21 =	simm.s32 $0x16800;
	s22 =	sand.u32 $0x70, s22;
	s10 =	sshrl.u32 s10, $0x2  }
0x41b: {  	s10 =	sor.u32 s22, s10;
	[tilespmem:s21+$0x0] =	vst v1  }
0x41c: {  	v1 =	vld [tilespmem:s10+$0x1E800]  }
0x41d: {  	s23 =	simm.s32 $0x20;
	s22 =	simm.s32 $0x80  }
.LBB2_18:
0x41e: {  	s10 =	sand.u32 $0x1E00, s22  }
0x41f: {  	p1 =	sne.s32 s22, $0x1FC0;
	s22 =	sadd.s32 $0x40, s22;
	s29 =	sand.u32 $0x70, s23  }
.Ltmp28:
0x420: {  	s21 =	sadd.s32 $0x80, s21;
	s10 =	sshrl.u32 s10, $0x2;
	(pc) =	sbr.rel @p1 .LBB2_18-.Ltmp28, $3  }
0x421: {  	s10 =	sor.u32 s29, s10;
	[tilespmem:s21+$0x0] =	vst v1  }
0x422: {  	v1 =	vld [tilespmem:s10+$0x1E800];
	_ =	sdelay $0x1  }
0x423: {  	s23 =	sadd.s32 $0x10, s23  }
0x424: {  	_ = 	snop  }
0x425: {  	s10 =	sadd.s32 $0x80, s21;
	s21 =	rddreg [dreg:$0x13]  }
0x426: {  	[tilespmem:s10+$0x0] =	vst v1;
	s10 =	sadd.s32 s20, s21  }
0x427: {  	[spmem:s2] =	stream.indirect.scatter.add.f32 [tilespmem:s26], [sflag:$0x3], $0x80, s14, s15, $0xb8;
	[tilespmem:$0x1F000] =	vst v63  }
0x428: {  	s10 =	sshrl.u32 s10, $0x3  }
0x429: {  	s10 =	smin.u32 s10, $0x9C30  }
0x42a: {  	s10 =	sshll.u32 s10, $0x4  }
0x42b: {  	s22 =	simm.s32 $0x0;
	s10 =	sadd.s32 s7, s10  }
0x42c: {  	[tilespmem:s17], [sflag:$0x5] =	stream.linear.gather [hbm4b:s10+s22], $0x800, $0x38;
	[tilespmem:$0x1F000] =	vst v63  }
0x42d: {  	_ =	swait.ge [sflag:s28], $0x800  }
0x42e: {  	[sflag:s28] =	ssyncset.done $0x0  }
0x42f: {  	[sflag:s28] =	ssyncadd.s32 $0xFFFFF800  }
0x430: {  	s23 =	sand.u32 $0x1E00, s22;
	_ =	swait.ge [sflag:s25], $0x4000  }
0x431: {  	s21 =	sand.u32 $0x70, s22;
	s10 =	sshrl.u32 s23, $0x2;
	[sflag:s25] =	ssyncset.done $0x0  }
0x432: {  	s10 =	sor.u32 s21, s10;
	[sflag:s25] =	ssyncadd.s32 $0xFFFFC000  }
0x433: {  	v1 =	vld [tilespmem:s10+$0x1E800];
	_ =	sdelay $0x1  }
0x434: {  	s29 =	simm.s32 $0x40  }
0x435: {  	s22 =	simm.s32 $0x10;
	s10 =	sand.u32 $0x1E00, s29  }
0x436: {  	s21 =	simm.s32 $0x1A800;
	s22 =	sand.u32 $0x70, s22;
	s10 =	sshrl.u32 s10, $0x2  }
0x437: {  	s10 =	sor.u32 s22, s10;
	[tilespmem:s21+$0x0] =	vst v1  }
0x438: {  	v1 =	vld [tilespmem:s10+$0x1E800]  }
0x439: {  	s23 =	simm.s32 $0x20;
	s22 =	simm.s32 $0x80  }
.LBB2_20:
0x43a: {  	s10 =	sand.u32 $0x1E00, s22  }
0x43b: {  	p1 =	sne.s32 s22, $0x1FC0;
	s22 =	sadd.s32 $0x40, s22;
	s29 =	sand.u32 $0x70, s23  }
.Ltmp29:
0x43c: {  	s21 =	sadd.s32 $0x80, s21;
	s10 =	sshrl.u32 s10, $0x2;
	(pc) =	sbr.rel @p1 .LBB2_20-.Ltmp29, $3  }
0x43d: {  	s10 =	sor.u32 s29, s10;
	[tilespmem:s21+$0x0] =	vst v1  }
0x43e: {  	v1 =	vld [tilespmem:s10+$0x1E800];
	_ =	sdelay $0x1  }
0x43f: {  	s23 =	sadd.s32 $0x10, s23  }
0x440: {  	_ = 	snop  }
0x441: {  	s10 =	sadd.s32 $0x80, s21;
	s21 =	rddreg [dreg:$0x14]  }
0x442: {  	[tilespmem:s10+$0x0] =	vst v1;
	s10 =	sadd.s32 s20, s21  }
0x443: {  	[spmem:s2] =	stream.indirect.scatter.add.f32 [tilespmem:s3], [sflag:$0x4], $0x80, s5, s15, $0xb8;
	[tilespmem:$0x1F000] =	vst v63  }
0x444: {  	s10 =	sshrl.u32 s10, $0x3  }
0x445: {  	s10 =	smin.u32 s10, $0x9C30  }
0x446: {  	s10 =	sshll.u32 s10, $0x4  }
0x447: {  	s22 =	simm.s32 $0x0;
	s10 =	sadd.s32 s7, s10  }
0x448: {  	[tilespmem:s17], [sflag:$0x5] =	stream.linear.gather [hbm4b:s10+s22], $0x800, $0x38;
	[tilespmem:$0x1F000] =	vst v63  }
0x449: {  	_ =	swait.ge [sflag:s28], $0x800  }
0x44a: {  	[sflag:s28] =	ssyncset.done $0x0  }
0x44b: {  	[sflag:s28] =	ssyncadd.s32 $0xFFFFF800  }
0x44c: {  	s23 =	sand.u32 $0x1E00, s22;
	_ =	swait.ge [sflag:s8], $0x4000  }
0x44d: {  	s21 =	sand.u32 $0x70, s22;
	s10 =	sshrl.u32 s23, $0x2;
	[sflag:s8] =	ssyncset.done $0x0  }
0x44e: {  	s10 =	sor.u32 s21, s10;
	[sflag:s8] =	ssyncadd.s32 $0xFFFFC000  }
0x44f: {  	v1 =	vld [tilespmem:s10+$0x1E800];
	_ =	sdelay $0x1  }
0x450: {  	s29 =	simm.s32 $0x40  }
0x451: {  	s22 =	simm.s32 $0x10;
	s10 =	sand.u32 $0x1E00, s29  }
0x452: {  	s21 =	simm.s32 $0x16800;
	s22 =	sand.u32 $0x70, s22;
	s10 =	sshrl.u32 s10, $0x2  }
0x453: {  	s10 =	sor.u32 s22, s10;
	[tilespmem:s21+$0x0] =	vst v1  }
0x454: {  	v1 =	vld [tilespmem:s10+$0x1E800]  }
0x455: {  	s23 =	simm.s32 $0x20;
	s22 =	simm.s32 $0x80  }
.LBB2_22:
0x456: {  	s10 =	sand.u32 $0x1E00, s22  }
0x457: {  	p1 =	sne.s32 s22, $0x1FC0;
	s22 =	sadd.s32 $0x40, s22;
	s29 =	sand.u32 $0x70, s23  }
.Ltmp30:
0x458: {  	s21 =	sadd.s32 $0x80, s21;
	s10 =	sshrl.u32 s10, $0x2;
	(pc) =	sbr.rel @p1 .LBB2_22-.Ltmp30, $3  }
0x459: {  	s10 =	sor.u32 s29, s10;
	[tilespmem:s21+$0x0] =	vst v1  }
0x45a: {  	v1 =	vld [tilespmem:s10+$0x1E800];
	_ =	sdelay $0x1  }
0x45b: {  	s23 =	sadd.s32 $0x10, s23  }
0x45c: {  	_ = 	snop  }
0x45d: {  	s10 =	sadd.s32 $0x80, s21;
	s29 =	rddreg [dreg:$0x15]  }
0x45e: {  	[tilespmem:s10+$0x0] =	vst v1;
	s10 =	sadd.s32 s20, s29  }
0x45f: {  	[spmem:s2] =	stream.indirect.scatter.add.f32 [tilespmem:s26], [sflag:$0x3], $0x80, s6, s15, $0xb8;
	[tilespmem:$0x1F000] =	vst v63  }
0x460: {  	s10 =	sshrl.u32 s10, $0x3  }
0x461: {  	s10 =	smin.u32 s10, $0x9C30  }
0x462: {  	s10 =	sshll.u32 s10, $0x4  }
0x463: {  	s21 =	simm.s32 $0x0;
	s10 =	sadd.s32 s7, s10  }
0x464: {  	[tilespmem:s17], [sflag:$0x5] =	stream.linear.gather [hbm4b:s10+s21], $0x800, $0x38;
	[tilespmem:$0x1F000] =	vst v63  }
0x465: {  	_ =	swait.ge [sflag:s28], $0x800  }
0x466: {  	[sflag:s28] =	ssyncset.done $0x0  }
0x467: {  	[sflag:s28] =	ssyncadd.s32 $0xFFFFF800  }
0x468: {  	s22 =	sand.u32 $0x1E00, s21;
	_ =	swait.ge [sflag:s25], $0x4000  }
0x469: {  	s20 =	sand.u32 $0x70, s21;
	s10 =	sshrl.u32 s22, $0x2;
	[sflag:s25] =	ssyncset.done $0x0  }
0x46a: {  	s10 =	sor.u32 s20, s10;
	[sflag:s25] =	ssyncadd.s32 $0xFFFFC000  }
0x46b: {  	v1 =	vld [tilespmem:s10+$0x1E800];
	_ =	sdelay $0x1  }
0x46c: {  	s23 =	simm.s32 $0x40  }
0x46d: {  	s29 =	simm.s32 $0x10;
	s10 =	sand.u32 $0x1E00, s23  }
0x46e: {  	s21 =	sand.u32 $0x70, s29;
	s20 =	simm.s32 $0x1A800;
	s10 =	sshrl.u32 s10, $0x2  }
0x46f: {  	s10 =	sor.u32 s21, s10;
	[tilespmem:s20+$0x0] =	vst v1  }
0x470: {  	v1 =	vld [tilespmem:s10+$0x1E800]  }
0x471: {  	s22 =	simm.s32 $0x20;
	s21 =	simm.s32 $0x80  }
.LBB2_24:
0x472: {  	s10 =	sand.u32 $0x1E00, s21  }
0x473: {  	p1 =	sne.s32 s21, $0x1FC0;
	s21 =	sadd.s32 $0x40, s21;
	s23 =	sand.u32 $0x70, s22  }
.Ltmp31:
0x474: {  	s20 =	sadd.s32 $0x80, s20;
	s10 =	sshrl.u32 s10, $0x2;
	(pc) =	sbr.rel @p1 .LBB2_24-.Ltmp31, $3  }
0x475: {  	s10 =	sor.u32 s23, s10;
	[tilespmem:s20+$0x0] =	vst v1  }
0x476: {  	v1 =	vld [tilespmem:s10+$0x1E800];
	_ =	sdelay $0x1  }
0x477: {  	s22 =	sadd.s32 $0x10, s22  }
0x478: {  	_ = 	snop  }
0x479: {  	s10 =	sadd.s32 $0x80, s20  }
0x47a: {  	s19 =	sadd.s32 $0x1, s19;
	[tilespmem:s10+$0x0] =	vst v1  }
0x47b: {  	[spmem:s2] =	stream.indirect.scatter.add.f32 [tilespmem:s3], [sflag:$0x4], $0x80, s16, s15, $0xb8;
	[tilespmem:$0x1F000] =	vst v63  }
0x47c: {  	p1 =	sne.s32 s19, $0x14;
	_ =	swait.ge [sflag:s8], $0x4000  }
.Ltmp32:
0x47d: {  	[sflag:s8] =	ssyncset.done $0x0;
	(pc) =	sbr.rel @p1 .LBB2_9-.Ltmp32, $4  }
0x47e: {  	[sflag:s8] =	ssyncadd.s32 $0xFFFFC000  }
0x47f: {  	_ =	swait.ge [sflag:s25], $0x4000  }
0x480: {  	[sflag:s25] =	ssyncset.done $0x0  }
0x481: {  	[sflag:s25] =	ssyncadd.s32 $0xFFFFC000  }
.Ltmp33:
0x482: {  	(pc) =	sbr.rel .LBB2_62-.Ltmp33, $3  }
0x483: {  	_ =	sdelay $0x1  }
0x484: {  	s18 =	rddreg [dreg:$0x8]  }
0x485: {  	s29 =	rddreg [dreg:$0x4]  }
.LBB2_63:
0x486: {  	_ =	sfence.sel $0x180000  }
0x487: {  	[bflag:$0x0] =	sbarrier.arrive $0xFFFF  }
0x488: {  	_ =	strace $0x90000047  }
0x489: {  	s0 =	stileid.u32;
	[bflag:$0x2] =	sbarrier.arrive $0xFFFF  }
0x48a: {  	p0 =	sne.s32 s0, $0x0;
	s0 =	rddreg [dreg:$0x3]  }
0x48b: {  	s0 =	sadd.s32 @!p0 $0x100000, s0  }
0x48c: {  	[sflag:s0] =	ssyncadd.tile.s32 @!p0 $0x1;
	_ =	shalt  }
.Lfunc_end2:
_tile_overlayer_lowered:
.L_overlay_start_2:
0x48d: {  	(tag) =	ssettag $0x2  }
0x48e: {  	s0 =	rddreg [dreg:$0x0];
	s2 =	stileid.u32  }
0x48f: {  	s1 =	rddreg [dreg:$0x1];
	p0 =	sne.s32 s2, $0x0  }
0x490: {  	s3 =	rddreg [dreg:$0x2];
	[bflag:$0x3] =	sbarrier.arrive $0xFFFF;
	s2 =	simm.s32 @!p0 $0x1C05  }
0x491: {  	[timem:s3], [sflag:s2] =	dma.local @!p0 [hbm:s0], s1  }
0x492: {  	s0 =	simm.s32 @!p0 $0x5  }
0x493: {  	_ =	swait.ge @!p0 [sflag:s0], s1  }
0x494: {  	s1 =	ssub.s32 @!p0 $0x0, s1;
	[sflag:s0] =	ssyncset.done @!p0 $0x0  }
0x495: {  	[sflag:s0] =	ssyncadd.s32 @!p0 s1  }
0x496: {  	[bflag:$0x3] =	sbarrier.arrive $0xFFFF  }
0x497: {  	_ =	shalt  }

</sc_bundles>
